<compile_context>
chip_gen: v7x
topology: tpu7x:2x2x1
jax: 0.10.2.dev20260603
libtpu: 0.0.44.dev20260713+nightly
codegen_flags: <defaults>
</compile_context>

<pallas_src>
import functools

import jax
import jax.numpy as jnp
from jax import lax
from jax.experimental import pallas as pl
from jax.experimental.pallas import tpu as pltpu
from jax.experimental.pallas import tpu_sc as plsc

F = 32
POP = 4
CON = 4
ENV = POP + CON
B = 16384

NC = 2
NS = 16
NW = NC * NS
BPW = B // NW
KCH = 128
NK = BPW // KCH
L = 16
NG = BPW // L


def _sc_body(user_t, item_t, uenv_t, ienv_t, pop_t, con_t, w_hbm, b_hbm,
             uid_hbm, iid_hbm, pid_hbm, cid_hbm,
             mf_out, score_out, env_out,
             uid_v, iid_v, pid_v, cid_v,
             u_rows, it_rows, ue_rows, ie_rows,
             pop_v, con_v, w_v, b_v,
             mf_buf, s_buf, o_buf, sem):
    wid = lax.axis_index("s") * NC + lax.axis_index("c")
    base = wid * BPW

    for k in range(NK):
        pltpu.sync_copy(uid_hbm.at[pl.ds(base + k * KCH, KCH)], uid_v.at[k])
        pltpu.sync_copy(iid_hbm.at[pl.ds(base + k * KCH, KCH)], iid_v.at[k])
    pltpu.sync_copy(pid_hbm.at[pl.ds(base, BPW)], pid_v)
    pltpu.sync_copy(cid_hbm.at[pl.ds(base, BPW)], cid_v)
    pltpu.sync_copy(pop_t, pop_v)
    pltpu.sync_copy(con_t, con_v)
    pltpu.sync_copy(w_hbm, w_v)
    pltpu.sync_copy(b_hbm, b_v)

    copies = []
    for k in range(NK):
        sl = pl.ds(k * KCH, KCH)
        copies.append(pltpu.async_copy(user_t.at[uid_v.at[k]], u_rows.at[sl], sem))
        copies.append(pltpu.async_copy(item_t.at[iid_v.at[k]], it_rows.at[sl], sem))
        copies.append(pltpu.async_copy(uenv_t.at[uid_v.at[k]], ue_rows.at[sl], sem))
        copies.append(pltpu.async_copy(ienv_t.at[iid_v.at[k]], ie_rows.at[sl], sem))
    for cp in copies:
        cp.wait()

    lane = lax.iota(jnp.int32, L)

    def group(g, _):
        row_idx = g * L + lane
        pid = pid_v[pl.ds(g * L, L)]
        cid = cid_v[pl.ds(g * L, L)]
        mf_acc = jnp.zeros((L,), jnp.float32)
        s_acc = jnp.zeros((L,), jnp.float32)
        o_acc = [jnp.zeros((L,), jnp.float32) for _ in range(ENV)]
        for f in range(F):
            fidx = jnp.full((L,), f, jnp.int32)
            pv = plsc.load_gather(pop_v, [pid, fidx])
            cv = plsc.load_gather(con_v, [cid, fidx])
            env = pv * cv
            u = plsc.load_gather(u_rows, [row_idx, fidx])
            it = plsc.load_gather(it_rows, [row_idx, fidx])
            ue = plsc.load_gather(ue_rows, [row_idx, fidx])
            ie = plsc.load_gather(ie_rows, [row_idx, fidx])
            mf_acc = mf_acc + (u * it) * env
            pref = (ue * ie) * env
            s_acc = s_acc + pref
            for j in range(ENV):
                o_acc[j] = o_acc[j] + pref * w_v[j * F + f, :]
        zero = jnp.zeros((L,), jnp.float32)
        plsc.store_scatter(mf_buf, [row_idx], jnp.maximum(mf_acc, zero))
        plsc.store_scatter(s_buf, [row_idx], jnp.maximum(s_acc, zero))
        for j in range(ENV):
            jidx = jnp.full((L,), j, jnp.int32)
            plsc.store_scatter(o_buf, [row_idx, jidx], o_acc[j] + b_v[j, :])
        return _

    lax.fori_loop(0, NG, group, None)

    pltpu.sync_copy(mf_buf, mf_out.at[pl.ds(base, BPW)])
    pltpu.sync_copy(s_buf, score_out.at[pl.ds(base, BPW)])
    pltpu.sync_copy(o_buf, env_out.at[pl.ds(base, BPW)])


@jax.jit
def _run(user_t, item_t, uenv_t, ienv_t, pop_t, con_t, W, b16,
         uid, iid, pid, cid):
    mesh = plsc.VectorSubcoreMesh(core_axis_name="c", subcore_axis_name="s")
    f32 = jnp.float32
    return pl.kernel(
        _sc_body,
        out_type=[
            jax.ShapeDtypeStruct((B,), f32),
            jax.ShapeDtypeStruct((B,), f32),
            jax.ShapeDtypeStruct((B, ENV), f32),
        ],
        mesh=mesh,
        compiler_params=pltpu.CompilerParams(
            needs_layout_passes=False, use_tc_tiling_on_sc=False),
        scratch_types=[
            pltpu.VMEM((NK, KCH), jnp.int32),
            pltpu.VMEM((NK, KCH), jnp.int32),
            pltpu.VMEM((BPW,), jnp.int32),
            pltpu.VMEM((BPW,), jnp.int32),
            pltpu.VMEM((BPW, F), f32),
            pltpu.VMEM((BPW, F), f32),
            pltpu.VMEM((BPW, F), f32),
            pltpu.VMEM((BPW, F), f32),
            pltpu.VMEM((POP, F), f32),
            pltpu.VMEM((CON, F), f32),
            pltpu.VMEM((ENV * F, L), f32),
            pltpu.VMEM((ENV, L), f32),
            pltpu.VMEM((BPW,), f32),
            pltpu.VMEM((BPW,), f32),
            pltpu.VMEM((BPW, ENV), f32),
            pltpu.SemaphoreType.DMA,
        ],
    )(user_t, item_t, uenv_t, ienv_t, pop_t, con_t, W, b16,
      uid, iid, pid, cid)


def kernel(user_table, item_table, user_env_table, item_env_table,
           pop_table, con_table, W, b,
           users_id, items_id, pop_envs_id, con_envs_id):
    uid = users_id.astype(jnp.int32)
    iid = items_id.astype(jnp.int32)
    pid = pop_envs_id.astype(jnp.int32)
    cid = con_envs_id.astype(jnp.int32)
    w_bc = jnp.broadcast_to(W.reshape(ENV * F, 1), (ENV * F, L)) + 0.0
    b_bc = jnp.broadcast_to(b.reshape(ENV, 1), (ENV, L)) + 0.0
    one = W[0, 0] * 0.0 + 1.0
    mf, s, o = _run(user_table, item_table,
                    user_env_table * one, item_env_table * one,
                    pop_table, con_table, w_bc, b_bc, uid, iid, pid, cid)
    return (mf, s, o)

# --- scband reference (transcript-rebuilt; emitter-appended) ---
"""Pipeline reference for scband-bias-fact-mfexplicit-28252294873217 (READ-ONLY COPY).

The authoritative reference and input builder live on the scoring server;
editing this copy changes nothing except your own understanding.
"""

import jax, jax.numpy as jnp
import numpy as np

U = 1000000
I = 1000000
F = 32
POP = 4
CON = 4
ENV = POP + CON
B = 16384


def setup_inputs(seed: int = 0) -> dict:
    key = jax.random.key(seed)
    ks = jax.random.split(key, 12)
    # xavier uniform bound for linear_map weight [ENV, F]
    limit = float(np.sqrt(6.0 / (F + ENV)))
    return {
        "user_table": jax.random.normal(ks[0], (U, F), dtype=jnp.float32) * 0.01,
        "item_table": jax.random.normal(ks[1], (I, F), dtype=jnp.float32) * 0.01,
        "user_env_table": jax.random.normal(ks[2], (U, F), dtype=jnp.float32) * 0.01,
        "item_env_table": jax.random.normal(ks[3], (I, F), dtype=jnp.float32) * 0.01,
        "pop_table": jax.random.normal(ks[4], (POP, F), dtype=jnp.float32) * 0.01,
        "con_table": jax.random.normal(ks[5], (CON, F), dtype=jnp.float32) * 0.01,
        "W": jax.random.uniform(ks[6], (ENV, F), dtype=jnp.float32, minval=-limit, maxval=limit),
        "b": jnp.zeros((ENV,), dtype=jnp.float32),
        "users_id": jax.random.randint(ks[7], (B,), 0, U, dtype=jnp.int32).astype(jnp.int64),
        "items_id": jax.random.randint(ks[8], (B,), 0, I, dtype=jnp.int32).astype(jnp.int64),
        "pop_envs_id": jax.random.randint(ks[9], (B,), 0, POP, dtype=jnp.int32).astype(jnp.int64),
        "con_envs_id": jax.random.randint(ks[10], (B,), 0, CON, dtype=jnp.int32).astype(jnp.int64),
    }


def reference(user_table, item_table, user_env_table, item_env_table,
              pop_table, con_table, W, b,
              users_id, items_id, pop_envs_id, con_envs_id):
    user_emb = jnp.take(user_table, users_id, axis=0)
    item_emb = jnp.take(item_table, items_id, axis=0)
    pop_envs_embed = jnp.take(pop_table, pop_envs_id, axis=0)
    con_envs_embed = jnp.take(con_table, con_envs_id, axis=0)
    envs_embed = pop_envs_embed * con_envs_embed
    mf_score = jax.nn.relu(jnp.sum(user_emb * item_emb * envs_embed, axis=1))
    users_embed_env_aware = jnp.take(user_env_table, users_id, axis=0)
    items_embed_env_aware = jnp.take(item_env_table, items_id, axis=0)
    env_aware_preferences = users_embed_env_aware * items_embed_env_aware * envs_embed
    env_aware_score = jax.nn.relu(jnp.sum(env_aware_preferences, axis=1))
    env_outputs = env_aware_preferences @ W.T + b
    return (mf_score.reshape(-1), env_aware_score.reshape(-1), env_outputs.reshape(-1, ENV))

if __name__ == "__main__":
    import jax
    _d = setup_inputs()
    print(jax.jit(kernel)(*tuple(_d.values())))

</pallas_src>

<mosaic_0001>
#map = affine_map<(d0, d1) -> (0, 0)>
#map1 = affine_map<(d0, d1) -> (0)>
module attributes {stable_mosaic.version = 14 : i64} {
  func.func @_sc_body(%arg0: i32, %arg1: i32, %arg2: memref<1000000x32xf32, #tpu.memory_space<hbm>>, %arg3: memref<1000000x32xf32, #tpu.memory_space<hbm>>, %arg4: memref<1000000x32xf32, #tpu.memory_space<hbm>>, %arg5: memref<1000000x32xf32, #tpu.memory_space<hbm>>, %arg6: memref<4x32xf32, #tpu.memory_space<hbm>>, %arg7: memref<4x32xf32, #tpu.memory_space<hbm>>, %arg8: memref<256x16xf32, #tpu.memory_space<hbm>>, %arg9: memref<8x16xf32, #tpu.memory_space<hbm>>, %arg10: memref<16384xi32, #tpu.memory_space<hbm>>, %arg11: memref<16384xi32, #tpu.memory_space<hbm>>, %arg12: memref<16384xi32, #tpu.memory_space<hbm>>, %arg13: memref<16384xi32, #tpu.memory_space<hbm>>, %arg14: memref<16384xf32, #tpu.memory_space<hbm>>, %arg15: memref<16384xf32, #tpu.memory_space<hbm>>, %arg16: memref<16384x8xf32, #tpu.memory_space<hbm>>, %arg17: memref<4x128xi32, #tpu.memory_space<vmem>>, %arg18: memref<4x128xi32, #tpu.memory_space<vmem>>, %arg19: memref<512xi32, #tpu.memory_space<vmem>>, %arg20: memref<512xi32, #tpu.memory_space<vmem>>, %arg21: memref<512x32xf32, #tpu.memory_space<vmem>>, %arg22: memref<512x32xf32, #tpu.memory_space<vmem>>, %arg23: memref<512x32xf32, #tpu.memory_space<vmem>>, %arg24: memref<512x32xf32, #tpu.memory_space<vmem>>, %arg25: memref<4x32xf32, #tpu.memory_space<vmem>>, %arg26: memref<4x32xf32, #tpu.memory_space<vmem>>, %arg27: memref<256x16xf32, #tpu.memory_space<vmem>>, %arg28: memref<8x16xf32, #tpu.memory_space<vmem>>, %arg29: memref<512xf32, #tpu.memory_space<vmem>>, %arg30: memref<512xf32, #tpu.memory_space<vmem>>, %arg31: memref<512x8xf32, #tpu.memory_space<vmem>>, %arg32: memref<!tpu.dma_semaphore, #tpu.memory_space<semaphore_mem>>) attributes {dimension_semantics = [#tpu.dimension_semantics<core_parallel>, #tpu.dimension_semantics<subcore_parallel>], iteration_bounds = array<i64: 2, 16>, scalar_prefetch = 0 : i64, scratch_operands = 16 : i64, tpu.core_type = #tpu.core_type<sc_vector_subcore>, window_params = [{transform_indices = #map}, {transform_indices = #map}, {transform_indices = #map}, {transform_indices = #map}, {transform_indices = #map}, {transform_indices = #map}, {transform_indices = #map}, {transform_indices = #map}, {transform_indices = #map1}, {transform_indices = #map1}, {transform_indices = #map1}, {transform_indices = #map1}, {transform_indices = #map1}, {transform_indices = #map1}, {transform_indices = #map}]} {
    %mul3A = arith.constant 2 : i32
    %mul3A_0 = arith.muli %arg1, %mul3A : i32
    %add3A = arith.addi %mul3A_0, %arg0 : i32
    %mul3A_1 = arith.constant 512 : i32
    %mul3A_2 = arith.muli %add3A, %mul3A_1 : i32
    %add3A_3 = arith.constant 0 : i32
    %add3A_4 = arith.addi %mul3A_2, %add3A_3 : i32
    %run_scoped3A = arith.constant 0 : i32
    "tpu.region"() ({
      %run_scoped3A_348 = tpu.sem_alloc : memref<!tpu.dma_semaphore, #tpu.memory_space<semaphore_mem>>
      %dma_start3A_349 = arith.constant 0 : i32
      %dma_start3A_350 = tpu.memref_slice %arg17[%run_scoped3A, %dma_start3A_349] : memref<4x128xi32, #tpu.memory_space<vmem>> -> memref<1x128xi32, #tpu.memory_space<vmem>>
      %dma_start3A_351 = tpu.memref_squeeze %dma_start3A_350 : memref<1x128xi32, #tpu.memory_space<vmem>> -> memref<128xi32, #tpu.memory_space<vmem>>
      %dma_start3A_352 = tpu.memref_slice %arg10[%add3A_4] : memref<16384xi32, #tpu.memory_space<hbm>> -> memref<128xi32, #tpu.memory_space<hbm>>
      %dma_start3A_353 = arith.constant 0 : i32
      %dma_start3A_354 = tpu.memref_slice %arg17[%run_scoped3A, %dma_start3A_353] : memref<4x128xi32, #tpu.memory_space<vmem>> -> memref<1x128xi32, #tpu.memory_space<vmem>>
      %dma_start3A_355 = tpu.memref_squeeze %dma_start3A_354 : memref<1x128xi32, #tpu.memory_space<vmem>> -> memref<128xi32, #tpu.memory_space<vmem>>
      %dma_start3A_356 = tpu.memref_slice %arg10[%add3A_4] : memref<16384xi32, #tpu.memory_space<hbm>> -> memref<128xi32, #tpu.memory_space<hbm>>
      tpu.enqueue_dma source(%dma_start3A_356 : memref<128xi32, #tpu.memory_space<hbm>>) target(%dma_start3A_355 : memref<128xi32, #tpu.memory_space<vmem>>) target_semaphore(%run_scoped3A_348 : memref<!tpu.dma_semaphore, #tpu.memory_space<semaphore_mem>>)
      %dma_wait3A_357 = arith.constant 0 : i32
      %dma_wait3A_358 = tpu.memref_slice %arg17[%run_scoped3A, %dma_wait3A_357] : memref<4x128xi32, #tpu.memory_space<vmem>> -> memref<1x128xi32, #tpu.memory_space<vmem>>
      %dma_wait3A_359 = tpu.memref_squeeze %dma_wait3A_358 : memref<1x128xi32, #tpu.memory_space<vmem>> -> memref<128xi32, #tpu.memory_space<vmem>>
      %dma_wait3A_360 = tpu.memref_slice %arg10[%add3A_4] : memref<16384xi32, #tpu.memory_space<hbm>> -> memref<128xi32, #tpu.memory_space<hbm>>
      %dma_wait3A_361 = arith.constant 0 : i32
      %dma_wait3A_362 = tpu.memref_slice %arg17[%run_scoped3A, %dma_wait3A_361] : memref<4x128xi32, #tpu.memory_space<vmem>> -> memref<1x128xi32, #tpu.memory_space<vmem>>
      %dma_wait3A_363 = tpu.memref_squeeze %dma_wait3A_362 : memref<1x128xi32, #tpu.memory_space<vmem>> -> memref<128xi32, #tpu.memory_space<vmem>>
      %dma_wait3A_364 = tpu.memref_slice %arg10[%add3A_4] : memref<16384xi32, #tpu.memory_space<hbm>> -> memref<128xi32, #tpu.memory_space<hbm>>
      tpu.wait_dma2 semaphore(%run_scoped3A_348 : memref<!tpu.dma_semaphore, #tpu.memory_space<semaphore_mem>>) src(%dma_wait3A_364 : memref<128xi32, #tpu.memory_space<hbm>>) dst(%dma_wait3A_363 : memref<128xi32, #tpu.memory_space<vmem>>)
      tpu.yield
    }) : () -> ()
    %add3A_5 = arith.constant 0 : i32
    %add3A_6 = arith.addi %mul3A_2, %add3A_5 : i32
    %run_scoped3A_7 = arith.constant 0 : i32
    "tpu.region"() ({
      %run_scoped3A_348 = tpu.sem_alloc : memref<!tpu.dma_semaphore, #tpu.memory_space<semaphore_mem>>
      %dma_start3A_349 = arith.constant 0 : i32
      %dma_start3A_350 = tpu.memref_slice %arg18[%run_scoped3A_7, %dma_start3A_349] : memref<4x128xi32, #tpu.memory_space<vmem>> -> memref<1x128xi32, #tpu.memory_space<vmem>>
      %dma_start3A_351 = tpu.memref_squeeze %dma_start3A_350 : memref<1x128xi32, #tpu.memory_space<vmem>> -> memref<128xi32, #tpu.memory_space<vmem>>
      %dma_start3A_352 = tpu.memref_slice %arg11[%add3A_6] : memref<16384xi32, #tpu.memory_space<hbm>> -> memref<128xi32, #tpu.memory_space<hbm>>
      %dma_start3A_353 = arith.constant 0 : i32
      %dma_start3A_354 = tpu.memref_slice %arg18[%run_scoped3A_7, %dma_start3A_353] : memref<4x128xi32, #tpu.memory_space<vmem>> -> memref<1x128xi32, #tpu.memory_space<vmem>>
      %dma_start3A_355 = tpu.memref_squeeze %dma_start3A_354 : memref<1x128xi32, #tpu.memory_space<vmem>> -> memref<128xi32, #tpu.memory_space<vmem>>
      %dma_start3A_356 = tpu.memref_slice %arg11[%add3A_6] : memref<16384xi32, #tpu.memory_space<hbm>> -> memref<128xi32, #tpu.memory_space<hbm>>
      tpu.enqueue_dma source(%dma_start3A_356 : memref<128xi32, #tpu.memory_space<hbm>>) target(%dma_start3A_355 : memref<128xi32, #tpu.memory_space<vmem>>) target_semaphore(%run_scoped3A_348 : memref<!tpu.dma_semaphore, #tpu.memory_space<semaphore_mem>>)
      %dma_wait3A_357 = arith.constant 0 : i32
      %dma_wait3A_358 = tpu.memref_slice %arg18[%run_scoped3A_7, %dma_wait3A_357] : memref<4x128xi32, #tpu.memory_space<vmem>> -> memref<1x128xi32, #tpu.memory_space<vmem>>
      %dma_wait3A_359 = tpu.memref_squeeze %dma_wait3A_358 : memref<1x128xi32, #tpu.memory_space<vmem>> -> memref<128xi32, #tpu.memory_space<vmem>>
      %dma_wait3A_360 = tpu.memref_slice %arg11[%add3A_6] : memref<16384xi32, #tpu.memory_space<hbm>> -> memref<128xi32, #tpu.memory_space<hbm>>
      %dma_wait3A_361 = arith.constant 0 : i32
      %dma_wait3A_362 = tpu.memref_slice %arg18[%run_scoped3A_7, %dma_wait3A_361] : memref<4x128xi32, #tpu.memory_space<vmem>> -> memref<1x128xi32, #tpu.memory_space<vmem>>
      %dma_wait3A_363 = tpu.memref_squeeze %dma_wait3A_362 : memref<1x128xi32, #tpu.memory_space<vmem>> -> memref<128xi32, #tpu.memory_space<vmem>>
      %dma_wait3A_364 = tpu.memref_slice %arg11[%add3A_6] : memref<16384xi32, #tpu.memory_space<hbm>> -> memref<128xi32, #tpu.memory_space<hbm>>
      tpu.wait_dma2 semaphore(%run_scoped3A_348 : memref<!tpu.dma_semaphore, #tpu.memory_space<semaphore_mem>>) src(%dma_wait3A_364 : memref<128xi32, #tpu.memory_space<hbm>>) dst(%dma_wait3A_363 : memref<128xi32, #tpu.memory_space<vmem>>)
      tpu.yield
    }) : () -> ()
    %add3A_8 = arith.constant 128 : i32
    %add3A_9 = arith.addi %mul3A_2, %add3A_8 : i32
    %run_scoped3A_10 = arith.constant 1 : i32
    "tpu.region"() ({
      %run_scoped3A_348 = tpu.sem_alloc : memref<!tpu.dma_semaphore, #tpu.memory_space<semaphore_mem>>
      %dma_start3A_349 = arith.constant 0 : i32
      %dma_start3A_350 = tpu.memref_slice %arg17[%run_scoped3A_10, %dma_start3A_349] : memref<4x128xi32, #tpu.memory_space<vmem>> -> memref<1x128xi32, #tpu.memory_space<vmem>>
      %dma_start3A_351 = tpu.memref_squeeze %dma_start3A_350 : memref<1x128xi32, #tpu.memory_space<vmem>> -> memref<128xi32, #tpu.memory_space<vmem>>
      %dma_start3A_352 = tpu.memref_slice %arg10[%add3A_9] : memref<16384xi32, #tpu.memory_space<hbm>> -> memref<128xi32, #tpu.memory_space<hbm>>
      %dma_start3A_353 = arith.constant 0 : i32
      %dma_start3A_354 = tpu.memref_slice %arg17[%run_scoped3A_10, %dma_start3A_353] : memref<4x128xi32, #tpu.memory_space<vmem>> -> memref<1x128xi32, #tpu.memory_space<vmem>>
      %dma_start3A_355 = tpu.memref_squeeze %dma_start3A_354 : memref<1x128xi32, #tpu.memory_space<vmem>> -> memref<128xi32, #tpu.memory_space<vmem>>
      %dma_start3A_356 = tpu.memref_slice %arg10[%add3A_9] : memref<16384xi32, #tpu.memory_space<hbm>> -> memref<128xi32, #tpu.memory_space<hbm>>
      tpu.enqueue_dma source(%dma_start3A_356 : memref<128xi32, #tpu.memory_space<hbm>>) target(%dma_start3A_355 : memref<128xi32, #tpu.memory_space<vmem>>) target_semaphore(%run_scoped3A_348 : memref<!tpu.dma_semaphore, #tpu.memory_space<semaphore_mem>>)
      %dma_wait3A_357 = arith.constant 0 : i32
      %dma_wait3A_358 = tpu.memref_slice %arg17[%run_scoped3A_10, %dma_wait3A_357] : memref<4x128xi32, #tpu.memory_space<vmem>> -> memref<1x128xi32, #tpu.memory_space<vmem>>
      %dma_wait3A_359 = tpu.memref_squeeze %dma_wait3A_358 : memref<1x128xi32, #tpu.memory_space<vmem>> -> memref<128xi32, #tpu.memory_space<vmem>>
      %dma_wait3A_360 = tpu.memref_slice %arg10[%add3A_9] : memref<16384xi32, #tpu.memory_space<hbm>> -> memref<128xi32, #tpu.memory_space<hbm>>
      %dma_wait3A_361 = arith.constant 0 : i32
      %dma_wait3A_362 = tpu.memref_slice %arg17[%run_scoped3A_10, %dma_wait3A_361] : memref<4x128xi32, #tpu.memory_space<vmem>> -> memref<1x128xi32, #tpu.memory_space<vmem>>
      %dma_wait3A_363 = tpu.memref_squeeze %dma_wait3A_362 : memref<1x128xi32, #tpu.memory_space<vmem>> -> memref<128xi32, #tpu.memory_space<vmem>>
      %dma_wait3A_364 = tpu.memref_slice %arg10[%add3A_9] : memref<16384xi32, #tpu.memory_space<hbm>> -> memref<128xi32, #tpu.memory_space<hbm>>
      tpu.wait_dma2 semaphore(%run_scoped3A_348 : memref<!tpu.dma_semaphore, #tpu.memory_space<semaphore_mem>>) src(%dma_wait3A_364 : memref<128xi32, #tpu.memory_space<hbm>>) dst(%dma_wait3A_363 : memref<128xi32, #tpu.memory_space<vmem>>)
      tpu.yield
    }) : () -> ()
    %add3A_11 = arith.constant 128 : i32
    %add3A_12 = arith.addi %mul3A_2, %add3A_11 : i32
    %run_scoped3A_13 = arith.constant 1 : i32
    "tpu.region"() ({
      %run_scoped3A_348 = tpu.sem_alloc : memref<!tpu.dma_semaphore, #tpu.memory_space<semaphore_mem>>
      %dma_start3A_349 = arith.constant 0 : i32
      %dma_start3A_350 = tpu.memref_slice %arg18[%run_scoped3A_13, %dma_start3A_349] : memref<4x128xi32, #tpu.memory_space<vmem>> -> memref<1x128xi32, #tpu.memory_space<vmem>>
      %dma_start3A_351 = tpu.memref_squeeze %dma_start3A_350 : memref<1x128xi32, #tpu.memory_space<vmem>> -> memref<128xi32, #tpu.memory_space<vmem>>
      %dma_start3A_352 = tpu.memref_slice %arg11[%add3A_12] : memref<16384xi32, #tpu.memory_space<hbm>> -> memref<128xi32, #tpu.memory_space<hbm>>
      %dma_start3A_353 = arith.constant 0 : i32
      %dma_start3A_354 = tpu.memref_slice %arg18[%run_scoped3A_13, %dma_start3A_353] : memref<4x128xi32, #tpu.memory_space<vmem>> -> memref<1x128xi32, #tpu.memory_space<vmem>>
      %dma_start3A_355 = tpu.memref_squeeze %dma_start3A_354 : memref<1x128xi32, #tpu.memory_space<vmem>> -> memref<128xi32, #tpu.memory_space<vmem>>
      %dma_start3A_356 = tpu.memref_slice %arg11[%add3A_12] : memref<16384xi32, #tpu.memory_space<hbm>> -> memref<128xi32, #tpu.memory_space<hbm>>
      tpu.enqueue_dma source(%dma_start3A_356 : memref<128xi32, #tpu.memory_space<hbm>>) target(%dma_start3A_355 : memref<128xi32, #tpu.memory_space<vmem>>) target_semaphore(%run_scoped3A_348 : memref<!tpu.dma_semaphore, #tpu.memory_space<semaphore_mem>>)
      %dma_wait3A_357 = arith.constant 0 : i32
      %dma_wait3A_358 = tpu.memref_slice %arg18[%run_scoped3A_13, %dma_wait3A_357] : memref<4x128xi32, #tpu.memory_space<vmem>> -> memref<1x128xi32, #tpu.memory_space<vmem>>
      %dma_wait3A_359 = tpu.memref_squeeze %dma_wait3A_358 : memref<1x128xi32, #tpu.memory_space<vmem>> -> memref<128xi32, #tpu.memory_space<vmem>>
      %dma_wait3A_360 = tpu.memref_slice %arg11[%add3A_12] : memref<16384xi32, #tpu.memory_space<hbm>> -> memref<128xi32, #tpu.memory_space<hbm>>
      %dma_wait3A_361 = arith.constant 0 : i32
      %dma_wait3A_362 = tpu.memref_slice %arg18[%run_scoped3A_13, %dma_wait3A_361] : memref<4x128xi32, #tpu.memory_space<vmem>> -> memref<1x128xi32, #tpu.memory_space<vmem>>
      %dma_wait3A_363 = tpu.memref_squeeze %dma_wait3A_362 : memref<1x128xi32, #tpu.memory_space<vmem>> -> memref<128xi32, #tpu.memory_space<vmem>>
      %dma_wait3A_364 = tpu.memref_slice %arg11[%add3A_12] : memref<16384xi32, #tpu.memory_space<hbm>> -> memref<128xi32, #tpu.memory_space<hbm>>
      tpu.wait_dma2 semaphore(%run_scoped3A_348 : memref<!tpu.dma_semaphore, #tpu.memory_space<semaphore_mem>>) src(%dma_wait3A_364 : memref<128xi32, #tpu.memory_space<hbm>>) dst(%dma_wait3A_363 : memref<128xi32, #tpu.memory_space<vmem>>)
      tpu.yield
    }) : () -> ()
    %add3A_14 = arith.constant 256 : i32
    %add3A_15 = arith.addi %mul3A_2, %add3A_14 : i32
    %run_scoped3A_16 = arith.constant 2 : i32
    "tpu.region"() ({
      %run_scoped3A_348 = tpu.sem_alloc : memref<!tpu.dma_semaphore, #tpu.memory_space<semaphore_mem>>
      %dma_start3A_349 = arith.constant 0 : i32
      %dma_start3A_350 = tpu.memref_slice %arg17[%run_scoped3A_16, %dma_start3A_349] : memref<4x128xi32, #tpu.memory_space<vmem>> -> memref<1x128xi32, #tpu.memory_space<vmem>>
      %dma_start3A_351 = tpu.memref_squeeze %dma_start3A_350 : memref<1x128xi32, #tpu.memory_space<vmem>> -> memref<128xi32, #tpu.memory_space<vmem>>
      %dma_start3A_352 = tpu.memref_slice %arg10[%add3A_15] : memref<16384xi32, #tpu.memory_space<hbm>> -> memref<128xi32, #tpu.memory_space<hbm>>
      %dma_start3A_353 = arith.constant 0 : i32
      %dma_start3A_354 = tpu.memref_slice %arg17[%run_scoped3A_16, %dma_start3A_353] : memref<4x128xi32, #tpu.memory_space<vmem>> -> memref<1x128xi32, #tpu.memory_space<vmem>>
      %dma_start3A_355 = tpu.memref_squeeze %dma_start3A_354 : memref<1x128xi32, #tpu.memory_space<vmem>> -> memref<128xi32, #tpu.memory_space<vmem>>
      %dma_start3A_356 = tpu.memref_slice %arg10[%add3A_15] : memref<16384xi32, #tpu.memory_space<hbm>> -> memref<128xi32, #tpu.memory_space<hbm>>
      tpu.enqueue_dma source(%dma_start3A_356 : memref<128xi32, #tpu.memory_space<hbm>>) target(%dma_start3A_355 : memref<128xi32, #tpu.memory_space<vmem>>) target_semaphore(%run_scoped3A_348 : memref<!tpu.dma_semaphore, #tpu.memory_space<semaphore_mem>>)
      %dma_wait3A_357 = arith.constant 0 : i32
      %dma_wait3A_358 = tpu.memref_slice %arg17[%run_scoped3A_16, %dma_wait3A_357] : memref<4x128xi32, #tpu.memory_space<vmem>> -> memref<1x128xi32, #tpu.memory_space<vmem>>
      %dma_wait3A_359 = tpu.memref_squeeze %dma_wait3A_358 : memref<1x128xi32, #tpu.memory_space<vmem>> -> memref<128xi32, #tpu.memory_space<vmem>>
      %dma_wait3A_360 = tpu.memref_slice %arg10[%add3A_15] : memref<16384xi32, #tpu.memory_space<hbm>> -> memref<128xi32, #tpu.memory_space<hbm>>
      %dma_wait3A_361 = arith.constant 0 : i32
      %dma_wait3A_362 = tpu.memref_slice %arg17[%run_scoped3A_16, %dma_wait3A_361] : memref<4x128xi32, #tpu.memory_space<vmem>> -> memref<1x128xi32, #tpu.memory_space<vmem>>
      %dma_wait3A_363 = tpu.memref_squeeze %dma_wait3A_362 : memref<1x128xi32, #tpu.memory_space<vmem>> -> memref<128xi32, #tpu.memory_space<vmem>>
      %dma_wait3A_364 = tpu.memref_slice %arg10[%add3A_15] : memref<16384xi32, #tpu.memory_space<hbm>> -> memref<128xi32, #tpu.memory_space<hbm>>
      tpu.wait_dma2 semaphore(%run_scoped3A_348 : memref<!tpu.dma_semaphore, #tpu.memory_space<semaphore_mem>>) src(%dma_wait3A_364 : memref<128xi32, #tpu.memory_space<hbm>>) dst(%dma_wait3A_363 : memref<128xi32, #tpu.memory_space<vmem>>)
      tpu.yield
    }) : () -> ()
    %add3A_17 = arith.constant 256 : i32
    %add3A_18 = arith.addi %mul3A_2, %add3A_17 : i32
    %run_scoped3A_19 = arith.constant 2 : i32
    "tpu.region"() ({
      %run_scoped3A_348 = tpu.sem_alloc : memref<!tpu.dma_semaphore, #tpu.memory_space<semaphore_mem>>
      %dma_start3A_349 = arith.constant 0 : i32
      %dma_start3A_350 = tpu.memref_slice %arg18[%run_scoped3A_19, %dma_start3A_349] : memref<4x128xi32, #tpu.memory_space<vmem>> -> memref<1x128xi32, #tpu.memory_space<vmem>>
      %dma_start3A_351 = tpu.memref_squeeze %dma_start3A_350 : memref<1x128xi32, #tpu.memory_space<vmem>> -> memref<128xi32, #tpu.memory_space<vmem>>
      %dma_start3A_352 = tpu.memref_slice %arg11[%add3A_18] : memref<16384xi32, #tpu.memory_space<hbm>> -> memref<128xi32, #tpu.memory_space<hbm>>
      %dma_start3A_353 = arith.constant 0 : i32
      %dma_start3A_354 = tpu.memref_slice %arg18[%run_scoped3A_19, %dma_start3A_353] : memref<4x128xi32, #tpu.memory_space<vmem>> -> memref<1x128xi32, #tpu.memory_space<vmem>>
      %dma_start3A_355 = tpu.memref_squeeze %dma_start3A_354 : memref<1x128xi32, #tpu.memory_space<vmem>> -> memref<128xi32, #tpu.memory_space<vmem>>
      %dma_start3A_356 = tpu.memref_slice %arg11[%add3A_18] : memref<16384xi32, #tpu.memory_space<hbm>> -> memref<128xi32, #tpu.memory_space<hbm>>
      tpu.enqueue_dma source(%dma_start3A_356 : memref<128xi32, #tpu.memory_space<hbm>>) target(%dma_start3A_355 : memref<128xi32, #tpu.memory_space<vmem>>) target_semaphore(%run_scoped3A_348 : memref<!tpu.dma_semaphore, #tpu.memory_space<semaphore_mem>>)
      %dma_wait3A_357 = arith.constant 0 : i32
      %dma_wait3A_358 = tpu.memref_slice %arg18[%run_scoped3A_19, %dma_wait3A_357] : memref<4x128xi32, #tpu.memory_space<vmem>> -> memref<1x128xi32, #tpu.memory_space<vmem>>
      %dma_wait3A_359 = tpu.memref_squeeze %dma_wait3A_358 : memref<1x128xi32, #tpu.memory_space<vmem>> -> memref<128xi32, #tpu.memory_space<vmem>>
      %dma_wait3A_360 = tpu.memref_slice %arg11[%add3A_18] : memref<16384xi32, #tpu.memory_space<hbm>> -> memref<128xi32, #tpu.memory_space<hbm>>
      %dma_wait3A_361 = arith.constant 0 : i32
      %dma_wait3A_362 = tpu.memref_slice %arg18[%run_scoped3A_19, %dma_wait3A_361] : memref<4x128xi32, #tpu.memory_space<vmem>> -> memref<1x128xi32, #tpu.memory_space<vmem>>
      %dma_wait3A_363 = tpu.memref_squeeze %dma_wait3A_362 : memref<1x128xi32, #tpu.memory_space<vmem>> -> memref<128xi32, #tpu.memory_space<vmem>>
      %dma_wait3A_364 = tpu.memref_slice %arg11[%add3A_18] : memref<16384xi32, #tpu.memory_space<hbm>> -> memref<128xi32, #tpu.memory_space<hbm>>
      tpu.wait_dma2 semaphore(%run_scoped3A_348 : memref<!tpu.dma_semaphore, #tpu.memory_space<semaphore_mem>>) src(%dma_wait3A_364 : memref<128xi32, #tpu.memory_space<hbm>>) dst(%dma_wait3A_363 : memref<128xi32, #tpu.memory_space<vmem>>)
      tpu.yield
    }) : () -> ()
    %add3A_20 = arith.constant 384 : i32
    %add3A_21 = arith.addi %mul3A_2, %add3A_20 : i32
    %run_scoped3A_22 = arith.constant 3 : i32
    "tpu.region"() ({
      %run_scoped3A_348 = tpu.sem_alloc : memref<!tpu.dma_semaphore, #tpu.memory_space<semaphore_mem>>
      %dma_start3A_349 = arith.constant 0 : i32
      %dma_start3A_350 = tpu.memref_slice %arg17[%run_scoped3A_22, %dma_start3A_349] : memref<4x128xi32, #tpu.memory_space<vmem>> -> memref<1x128xi32, #tpu.memory_space<vmem>>
      %dma_start3A_351 = tpu.memref_squeeze %dma_start3A_350 : memref<1x128xi32, #tpu.memory_space<vmem>> -> memref<128xi32, #tpu.memory_space<vmem>>
      %dma_start3A_352 = tpu.memref_slice %arg10[%add3A_21] : memref<16384xi32, #tpu.memory_space<hbm>> -> memref<128xi32, #tpu.memory_space<hbm>>
      %dma_start3A_353 = arith.constant 0 : i32
      %dma_start3A_354 = tpu.memref_slice %arg17[%run_scoped3A_22, %dma_start3A_353] : memref<4x128xi32, #tpu.memory_space<vmem>> -> memref<1x128xi32, #tpu.memory_space<vmem>>
      %dma_start3A_355 = tpu.memref_squeeze %dma_start3A_354 : memref<1x128xi32, #tpu.memory_space<vmem>> -> memref<128xi32, #tpu.memory_space<vmem>>
      %dma_start3A_356 = tpu.memref_slice %arg10[%add3A_21] : memref<16384xi32, #tpu.memory_space<hbm>> -> memref<128xi32, #tpu.memory_space<hbm>>
      tpu.enqueue_dma source(%dma_start3A_356 : memref<128xi32, #tpu.memory_space<hbm>>) target(%dma_start3A_355 : memref<128xi32, #tpu.memory_space<vmem>>) target_semaphore(%run_scoped3A_348 : memref<!tpu.dma_semaphore, #tpu.memory_space<semaphore_mem>>)
      %dma_wait3A_357 = arith.constant 0 : i32
      %dma_wait3A_358 = tpu.memref_slice %arg17[%run_scoped3A_22, %dma_wait3A_357] : memref<4x128xi32, #tpu.memory_space<vmem>> -> memref<1x128xi32, #tpu.memory_space<vmem>>
      %dma_wait3A_359 = tpu.memref_squeeze %dma_wait3A_358 : memref<1x128xi32, #tpu.memory_space<vmem>> -> memref<128xi32, #tpu.memory_space<vmem>>
      %dma_wait3A_360 = tpu.memref_slice %arg10[%add3A_21] : memref<16384xi32, #tpu.memory_space<hbm>> -> memref<128xi32, #tpu.memory_space<hbm>>
      %dma_wait3A_361 = arith.constant 0 : i32
      %dma_wait3A_362 = tpu.memref_slice %arg17[%run_scoped3A_22, %dma_wait3A_361] : memref<4x128xi32, #tpu.memory_space<vmem>> -> memref<1x128xi32, #tpu.memory_space<vmem>>
      %dma_wait3A_363 = tpu.memref_squeeze %dma_wait3A_362 : memref<1x128xi32, #tpu.memory_space<vmem>> -> memref<128xi32, #tpu.memory_space<vmem>>
      %dma_wait3A_364 = tpu.memref_slice %arg10[%add3A_21] : memref<16384xi32, #tpu.memory_space<hbm>> -> memref<128xi32, #tpu.memory_space<hbm>>
      tpu.wait_dma2 semaphore(%run_scoped3A_348 : memref<!tpu.dma_semaphore, #tpu.memory_space<semaphore_mem>>) src(%dma_wait3A_364 : memref<128xi32, #tpu.memory_space<hbm>>) dst(%dma_wait3A_363 : memref<128xi32, #tpu.memory_space<vmem>>)
      tpu.yield
    }) : () -> ()
    %add3A_23 = arith.constant 384 : i32
    %add3A_24 = arith.addi %mul3A_2, %add3A_23 : i32
    %run_scoped3A_25 = arith.constant 3 : i32
    "tpu.region"() ({
      %run_scoped3A_348 = tpu.sem_alloc : memref<!tpu.dma_semaphore, #tpu.memory_space<semaphore_mem>>
      %dma_start3A_349 = arith.constant 0 : i32
      %dma_start3A_350 = tpu.memref_slice %arg18[%run_scoped3A_25, %dma_start3A_349] : memref<4x128xi32, #tpu.memory_space<vmem>> -> memref<1x128xi32, #tpu.memory_space<vmem>>
      %dma_start3A_351 = tpu.memref_squeeze %dma_start3A_350 : memref<1x128xi32, #tpu.memory_space<vmem>> -> memref<128xi32, #tpu.memory_space<vmem>>
      %dma_start3A_352 = tpu.memref_slice %arg11[%add3A_24] : memref<16384xi32, #tpu.memory_space<hbm>> -> memref<128xi32, #tpu.memory_space<hbm>>
      %dma_start3A_353 = arith.constant 0 : i32
      %dma_start3A_354 = tpu.memref_slice %arg18[%run_scoped3A_25, %dma_start3A_353] : memref<4x128xi32, #tpu.memory_space<vmem>> -> memref<1x128xi32, #tpu.memory_space<vmem>>
      %dma_start3A_355 = tpu.memref_squeeze %dma_start3A_354 : memref<1x128xi32, #tpu.memory_space<vmem>> -> memref<128xi32, #tpu.memory_space<vmem>>
      %dma_start3A_356 = tpu.memref_slice %arg11[%add3A_24] : memref<16384xi32, #tpu.memory_space<hbm>> -> memref<128xi32, #tpu.memory_space<hbm>>
      tpu.enqueue_dma source(%dma_start3A_356 : memref<128xi32, #tpu.memory_space<hbm>>) target(%dma_start3A_355 : memref<128xi32, #tpu.memory_space<vmem>>) target_semaphore(%run_scoped3A_348 : memref<!tpu.dma_semaphore, #tpu.memory_space<semaphore_mem>>)
      %dma_wait3A_357 = arith.constant 0 : i32
      %dma_wait3A_358 = tpu.memref_slice %arg18[%run_scoped3A_25, %dma_wait3A_357] : memref<4x128xi32, #tpu.memory_space<vmem>> -> memref<1x128xi32, #tpu.memory_space<vmem>>
      %dma_wait3A_359 = tpu.memref_squeeze %dma_wait3A_358 : memref<1x128xi32, #tpu.memory_space<vmem>> -> memref<128xi32, #tpu.memory_space<vmem>>
      %dma_wait3A_360 = tpu.memref_slice %arg11[%add3A_24] : memref<16384xi32, #tpu.memory_space<hbm>> -> memref<128xi32, #tpu.memory_space<hbm>>
      %dma_wait3A_361 = arith.constant 0 : i32
      %dma_wait3A_362 = tpu.memref_slice %arg18[%run_scoped3A_25, %dma_wait3A_361] : memref<4x128xi32, #tpu.memory_space<vmem>> -> memref<1x128xi32, #tpu.memory_space<vmem>>
      %dma_wait3A_363 = tpu.memref_squeeze %dma_wait3A_362 : memref<1x128xi32, #tpu.memory_space<vmem>> -> memref<128xi32, #tpu.memory_space<vmem>>
      %dma_wait3A_364 = tpu.memref_slice %arg11[%add3A_24] : memref<16384xi32, #tpu.memory_space<hbm>> -> memref<128xi32, #tpu.memory_space<hbm>>
      tpu.wait_dma2 semaphore(%run_scoped3A_348 : memref<!tpu.dma_semaphore, #tpu.memory_space<semaphore_mem>>) src(%dma_wait3A_364 : memref<128xi32, #tpu.memory_space<hbm>>) dst(%dma_wait3A_363 : memref<128xi32, #tpu.memory_space<vmem>>)
      tpu.yield
    }) : () -> ()
    "tpu.region"() ({
      %run_scoped3A_348 = tpu.sem_alloc : memref<!tpu.dma_semaphore, #tpu.memory_space<semaphore_mem>>
      %dma_start3A_349 = tpu.memref_slice %arg12[%mul3A_2] : memref<16384xi32, #tpu.memory_space<hbm>> -> memref<512xi32, #tpu.memory_space<hbm>>
      %dma_start3A_350 = tpu.memref_slice %arg12[%mul3A_2] : memref<16384xi32, #tpu.memory_space<hbm>> -> memref<512xi32, #tpu.memory_space<hbm>>
      tpu.enqueue_dma source(%dma_start3A_350 : memref<512xi32, #tpu.memory_space<hbm>>) target(%arg19 : memref<512xi32, #tpu.memory_space<vmem>>) target_semaphore(%run_scoped3A_348 : memref<!tpu.dma_semaphore, #tpu.memory_space<semaphore_mem>>)
      %dma_wait3A_351 = tpu.memref_slice %arg12[%mul3A_2] : memref<16384xi32, #tpu.memory_space<hbm>> -> memref<512xi32, #tpu.memory_space<hbm>>
      %dma_wait3A_352 = tpu.memref_slice %arg12[%mul3A_2] : memref<16384xi32, #tpu.memory_space<hbm>> -> memref<512xi32, #tpu.memory_space<hbm>>
      tpu.wait_dma2 semaphore(%run_scoped3A_348 : memref<!tpu.dma_semaphore, #tpu.memory_space<semaphore_mem>>) src(%dma_wait3A_352 : memref<512xi32, #tpu.memory_space<hbm>>) dst(%arg19 : memref<512xi32, #tpu.memory_space<vmem>>)
      tpu.yield
    }) : () -> ()
    "tpu.region"() ({
      %run_scoped3A_348 = tpu.sem_alloc : memref<!tpu.dma_semaphore, #tpu.memory_space<semaphore_mem>>
      %dma_start3A_349 = tpu.memref_slice %arg13[%mul3A_2] : memref<16384xi32, #tpu.memory_space<hbm>> -> memref<512xi32, #tpu.memory_space<hbm>>
      %dma_start3A_350 = tpu.memref_slice %arg13[%mul3A_2] : memref<16384xi32, #tpu.memory_space<hbm>> -> memref<512xi32, #tpu.memory_space<hbm>>
      tpu.enqueue_dma source(%dma_start3A_350 : memref<512xi32, #tpu.memory_space<hbm>>) target(%arg20 : memref<512xi32, #tpu.memory_space<vmem>>) target_semaphore(%run_scoped3A_348 : memref<!tpu.dma_semaphore, #tpu.memory_space<semaphore_mem>>)
      %dma_wait3A_351 = tpu.memref_slice %arg13[%mul3A_2] : memref<16384xi32, #tpu.memory_space<hbm>> -> memref<512xi32, #tpu.memory_space<hbm>>
      %dma_wait3A_352 = tpu.memref_slice %arg13[%mul3A_2] : memref<16384xi32, #tpu.memory_space<hbm>> -> memref<512xi32, #tpu.memory_space<hbm>>
      tpu.wait_dma2 semaphore(%run_scoped3A_348 : memref<!tpu.dma_semaphore, #tpu.memory_space<semaphore_mem>>) src(%dma_wait3A_352 : memref<512xi32, #tpu.memory_space<hbm>>) dst(%arg20 : memref<512xi32, #tpu.memory_space<vmem>>)
      tpu.yield
    }) : () -> ()
    "tpu.region"() ({
      %run_scoped3A_348 = tpu.sem_alloc : memref<!tpu.dma_semaphore, #tpu.memory_space<semaphore_mem>>
      tpu.enqueue_dma source(%arg6 : memref<4x32xf32, #tpu.memory_space<hbm>>) target(%arg25 : memref<4x32xf32, #tpu.memory_space<vmem>>) target_semaphore(%run_scoped3A_348 : memref<!tpu.dma_semaphore, #tpu.memory_space<semaphore_mem>>)
      tpu.wait_dma2 semaphore(%run_scoped3A_348 : memref<!tpu.dma_semaphore, #tpu.memory_space<semaphore_mem>>) src(%arg6 : memref<4x32xf32, #tpu.memory_space<hbm>>) dst(%arg25 : memref<4x32xf32, #tpu.memory_space<vmem>>)
      tpu.yield
    }) : () -> ()
    "tpu.region"() ({
      %run_scoped3A_348 = tpu.sem_alloc : memref<!tpu.dma_semaphore, #tpu.memory_space<semaphore_mem>>
      tpu.enqueue_dma source(%arg7 : memref<4x32xf32, #tpu.memory_space<hbm>>) target(%arg26 : memref<4x32xf32, #tpu.memory_space<vmem>>) target_semaphore(%run_scoped3A_348 : memref<!tpu.dma_semaphore, #tpu.memory_space<semaphore_mem>>)
      tpu.wait_dma2 semaphore(%run_scoped3A_348 : memref<!tpu.dma_semaphore, #tpu.memory_space<semaphore_mem>>) src(%arg7 : memref<4x32xf32, #tpu.memory_space<hbm>>) dst(%arg26 : memref<4x32xf32, #tpu.memory_space<vmem>>)
      tpu.yield
    }) : () -> ()
    "tpu.region"() ({
      %run_scoped3A_348 = tpu.sem_alloc : memref<!tpu.dma_semaphore, #tpu.memory_space<semaphore_mem>>
      tpu.enqueue_dma source(%arg8 : memref<256x16xf32, #tpu.memory_space<hbm>>) target(%arg27 : memref<256x16xf32, #tpu.memory_space<vmem>>) target_semaphore(%run_scoped3A_348 : memref<!tpu.dma_semaphore, #tpu.memory_space<semaphore_mem>>)
      tpu.wait_dma2 semaphore(%run_scoped3A_348 : memref<!tpu.dma_semaphore, #tpu.memory_space<semaphore_mem>>) src(%arg8 : memref<256x16xf32, #tpu.memory_space<hbm>>) dst(%arg27 : memref<256x16xf32, #tpu.memory_space<vmem>>)
      tpu.yield
    }) : () -> ()
    "tpu.region"() ({
      %run_scoped3A_348 = tpu.sem_alloc : memref<!tpu.dma_semaphore, #tpu.memory_space<semaphore_mem>>
      tpu.enqueue_dma source(%arg9 : memref<8x16xf32, #tpu.memory_space<hbm>>) target(%arg28 : memref<8x16xf32, #tpu.memory_space<vmem>>) target_semaphore(%run_scoped3A_348 : memref<!tpu.dma_semaphore, #tpu.memory_space<semaphore_mem>>)
      tpu.wait_dma2 semaphore(%run_scoped3A_348 : memref<!tpu.dma_semaphore, #tpu.memory_space<semaphore_mem>>) src(%arg9 : memref<8x16xf32, #tpu.memory_space<hbm>>) dst(%arg28 : memref<8x16xf32, #tpu.memory_space<vmem>>)
      tpu.yield
    }) : () -> ()
    %dma_start3A = arith.constant 0 : i32
    %dma_start3A_26 = arith.constant 0 : i32
    %dma_start3A_27 = arith.constant 0 : i32
    %dma_start3A_28 = tpu.memref_slice %arg21[%dma_start3A_26, %dma_start3A_27] : memref<512x32xf32, #tpu.memory_space<vmem>> -> memref<128x32xf32, #tpu.memory_space<vmem>>
    %dma_start3A_29 = arith.constant 0 : i32
    %dma_start3A_30 = tpu.memref_slice %arg17[%dma_start3A, %dma_start3A_29] : memref<4x128xi32, #tpu.memory_space<vmem>> -> memref<1x128xi32, #tpu.memory_space<vmem>>
    %dma_start3A_31 = tpu.memref_squeeze %dma_start3A_30 : memref<1x128xi32, #tpu.memory_space<vmem>> -> memref<128xi32, #tpu.memory_space<vmem>>
    %dma_start3A_32 = arith.constant 0 : i32
    %dma_start3A_33 = arith.constant 0 : i32
    %dma_start3A_34 = tpu.memref_slice %arg2[%dma_start3A_32, %dma_start3A_33] : memref<1000000x32xf32, #tpu.memory_space<hbm>> -> memref<1000000x32xf32, #tpu.memory_space<hbm>>
    tpu.enqueue_indirect_dma source(%dma_start3A_34 : memref<1000000x32xf32, #tpu.memory_space<hbm>>) target(%dma_start3A_28 : memref<128x32xf32, #tpu.memory_space<vmem>>) offsets(%dma_start3A_31 : memref<128xi32, #tpu.memory_space<vmem>>) semaphore(%arg32 : memref<!tpu.dma_semaphore, #tpu.memory_space<semaphore_mem>>)
    %dma_start3A_35 = arith.constant 0 : i32
    %dma_start3A_36 = arith.constant 0 : i32
    %dma_start3A_37 = arith.constant 0 : i32
    %dma_start3A_38 = tpu.memref_slice %arg22[%dma_start3A_36, %dma_start3A_37] : memref<512x32xf32, #tpu.memory_space<vmem>> -> memref<128x32xf32, #tpu.memory_space<vmem>>
    %dma_start3A_39 = arith.constant 0 : i32
    %dma_start3A_40 = tpu.memref_slice %arg18[%dma_start3A_35, %dma_start3A_39] : memref<4x128xi32, #tpu.memory_space<vmem>> -> memref<1x128xi32, #tpu.memory_space<vmem>>
    %dma_start3A_41 = tpu.memref_squeeze %dma_start3A_40 : memref<1x128xi32, #tpu.memory_space<vmem>> -> memref<128xi32, #tpu.memory_space<vmem>>
    %dma_start3A_42 = arith.constant 0 : i32
    %dma_start3A_43 = arith.constant 0 : i32
    %dma_start3A_44 = tpu.memref_slice %arg3[%dma_start3A_42, %dma_start3A_43] : memref<1000000x32xf32, #tpu.memory_space<hbm>> -> memref<1000000x32xf32, #tpu.memory_space<hbm>>
    tpu.enqueue_indirect_dma source(%dma_start3A_44 : memref<1000000x32xf32, #tpu.memory_space<hbm>>) target(%dma_start3A_38 : memref<128x32xf32, #tpu.memory_space<vmem>>) offsets(%dma_start3A_41 : memref<128xi32, #tpu.memory_space<vmem>>) semaphore(%arg32 : memref<!tpu.dma_semaphore, #tpu.memory_space<semaphore_mem>>)
    %dma_start3A_45 = arith.constant 0 : i32
    %dma_start3A_46 = arith.constant 0 : i32
    %dma_start3A_47 = arith.constant 0 : i32
    %dma_start3A_48 = tpu.memref_slice %arg23[%dma_start3A_46, %dma_start3A_47] : memref<512x32xf32, #tpu.memory_space<vmem>> -> memref<128x32xf32, #tpu.memory_space<vmem>>
    %dma_start3A_49 = arith.constant 0 : i32
    %dma_start3A_50 = tpu.memref_slice %arg17[%dma_start3A_45, %dma_start3A_49] : memref<4x128xi32, #tpu.memory_space<vmem>> -> memref<1x128xi32, #tpu.memory_space<vmem>>
    %dma_start3A_51 = tpu.memref_squeeze %dma_start3A_50 : memref<1x128xi32, #tpu.memory_space<vmem>> -> memref<128xi32, #tpu.memory_space<vmem>>
    %dma_start3A_52 = arith.constant 0 : i32
    %dma_start3A_53 = arith.constant 0 : i32
    %dma_start3A_54 = tpu.memref_slice %arg4[%dma_start3A_52, %dma_start3A_53] : memref<1000000x32xf32, #tpu.memory_space<hbm>> -> memref<1000000x32xf32, #tpu.memory_space<hbm>>
    tpu.enqueue_indirect_dma source(%dma_start3A_54 : memref<1000000x32xf32, #tpu.memory_space<hbm>>) target(%dma_start3A_48 : memref<128x32xf32, #tpu.memory_space<vmem>>) offsets(%dma_start3A_51 : memref<128xi32, #tpu.memory_space<vmem>>) semaphore(%arg32 : memref<!tpu.dma_semaphore, #tpu.memory_space<semaphore_mem>>)
    %dma_start3A_55 = arith.constant 0 : i32
    %dma_start3A_56 = arith.constant 0 : i32
    %dma_start3A_57 = arith.constant 0 : i32
    %dma_start3A_58 = tpu.memref_slice %arg24[%dma_start3A_56, %dma_start3A_57] : memref<512x32xf32, #tpu.memory_space<vmem>> -> memref<128x32xf32, #tpu.memory_space<vmem>>
    %dma_start3A_59 = arith.constant 0 : i32
    %dma_start3A_60 = tpu.memref_slice %arg18[%dma_start3A_55, %dma_start3A_59] : memref<4x128xi32, #tpu.memory_space<vmem>> -> memref<1x128xi32, #tpu.memory_space<vmem>>
    %dma_start3A_61 = tpu.memref_squeeze %dma_start3A_60 : memref<1x128xi32, #tpu.memory_space<vmem>> -> memref<128xi32, #tpu.memory_space<vmem>>
    %dma_start3A_62 = arith.constant 0 : i32
    %dma_start3A_63 = arith.constant 0 : i32
    %dma_start3A_64 = tpu.memref_slice %arg5[%dma_start3A_62, %dma_start3A_63] : memref<1000000x32xf32, #tpu.memory_space<hbm>> -> memref<1000000x32xf32, #tpu.memory_space<hbm>>
    tpu.enqueue_indirect_dma source(%dma_start3A_64 : memref<1000000x32xf32, #tpu.memory_space<hbm>>) target(%dma_start3A_58 : memref<128x32xf32, #tpu.memory_space<vmem>>) offsets(%dma_start3A_61 : memref<128xi32, #tpu.memory_space<vmem>>) semaphore(%arg32 : memref<!tpu.dma_semaphore, #tpu.memory_space<semaphore_mem>>)
    %dma_start3A_65 = arith.constant 1 : i32
    %dma_start3A_66 = arith.constant 128 : i32
    %dma_start3A_67 = arith.constant 0 : i32
    %dma_start3A_68 = tpu.memref_slice %arg21[%dma_start3A_66, %dma_start3A_67] : memref<512x32xf32, #tpu.memory_space<vmem>> -> memref<128x32xf32, #tpu.memory_space<vmem>>
    %dma_start3A_69 = arith.constant 0 : i32
    %dma_start3A_70 = tpu.memref_slice %arg17[%dma_start3A_65, %dma_start3A_69] : memref<4x128xi32, #tpu.memory_space<vmem>> -> memref<1x128xi32, #tpu.memory_space<vmem>>
    %dma_start3A_71 = tpu.memref_squeeze %dma_start3A_70 : memref<1x128xi32, #tpu.memory_space<vmem>> -> memref<128xi32, #tpu.memory_space<vmem>>
    %dma_start3A_72 = arith.constant 0 : i32
    %dma_start3A_73 = arith.constant 0 : i32
    %dma_start3A_74 = tpu.memref_slice %arg2[%dma_start3A_72, %dma_start3A_73] : memref<1000000x32xf32, #tpu.memory_space<hbm>> -> memref<1000000x32xf32, #tpu.memory_space<hbm>>
    tpu.enqueue_indirect_dma source(%dma_start3A_74 : memref<1000000x32xf32, #tpu.memory_space<hbm>>) target(%dma_start3A_68 : memref<128x32xf32, #tpu.memory_space<vmem>>) offsets(%dma_start3A_71 : memref<128xi32, #tpu.memory_space<vmem>>) semaphore(%arg32 : memref<!tpu.dma_semaphore, #tpu.memory_space<semaphore_mem>>)
    %dma_start3A_75 = arith.constant 1 : i32
    %dma_start3A_76 = arith.constant 128 : i32
    %dma_start3A_77 = arith.constant 0 : i32
    %dma_start3A_78 = tpu.memref_slice %arg22[%dma_start3A_76, %dma_start3A_77] : memref<512x32xf32, #tpu.memory_space<vmem>> -> memref<128x32xf32, #tpu.memory_space<vmem>>
    %dma_start3A_79 = arith.constant 0 : i32
    %dma_start3A_80 = tpu.memref_slice %arg18[%dma_start3A_75, %dma_start3A_79] : memref<4x128xi32, #tpu.memory_space<vmem>> -> memref<1x128xi32, #tpu.memory_space<vmem>>
    %dma_start3A_81 = tpu.memref_squeeze %dma_start3A_80 : memref<1x128xi32, #tpu.memory_space<vmem>> -> memref<128xi32, #tpu.memory_space<vmem>>
    %dma_start3A_82 = arith.constant 0 : i32
    %dma_start3A_83 = arith.constant 0 : i32
    %dma_start3A_84 = tpu.memref_slice %arg3[%dma_start3A_82, %dma_start3A_83] : memref<1000000x32xf32, #tpu.memory_space<hbm>> -> memref<1000000x32xf32, #tpu.memory_space<hbm>>
    tpu.enqueue_indirect_dma source(%dma_start3A_84 : memref<1000000x32xf32, #tpu.memory_space<hbm>>) target(%dma_start3A_78 : memref<128x32xf32, #tpu.memory_space<vmem>>) offsets(%dma_start3A_81 : memref<128xi32, #tpu.memory_space<vmem>>) semaphore(%arg32 : memref<!tpu.dma_semaphore, #tpu.memory_space<semaphore_mem>>)
    %dma_start3A_85 = arith.constant 1 : i32
    %dma_start3A_86 = arith.constant 128 : i32
    %dma_start3A_87 = arith.constant 0 : i32
    %dma_start3A_88 = tpu.memref_slice %arg23[%dma_start3A_86, %dma_start3A_87] : memref<512x32xf32, #tpu.memory_space<vmem>> -> memref<128x32xf32, #tpu.memory_space<vmem>>
    %dma_start3A_89 = arith.constant 0 : i32
    %dma_start3A_90 = tpu.memref_slice %arg17[%dma_start3A_85, %dma_start3A_89] : memref<4x128xi32, #tpu.memory_space<vmem>> -> memref<1x128xi32, #tpu.memory_space<vmem>>
    %dma_start3A_91 = tpu.memref_squeeze %dma_start3A_90 : memref<1x128xi32, #tpu.memory_space<vmem>> -> memref<128xi32, #tpu.memory_space<vmem>>
    %dma_start3A_92 = arith.constant 0 : i32
    %dma_start3A_93 = arith.constant 0 : i32
    %dma_start3A_94 = tpu.memref_slice %arg4[%dma_start3A_92, %dma_start3A_93] : memref<1000000x32xf32, #tpu.memory_space<hbm>> -> memref<1000000x32xf32, #tpu.memory_space<hbm>>
    tpu.enqueue_indirect_dma source(%dma_start3A_94 : memref<1000000x32xf32, #tpu.memory_space<hbm>>) target(%dma_start3A_88 : memref<128x32xf32, #tpu.memory_space<vmem>>) offsets(%dma_start3A_91 : memref<128xi32, #tpu.memory_space<vmem>>) semaphore(%arg32 : memref<!tpu.dma_semaphore, #tpu.memory_space<semaphore_mem>>)
    %dma_start3A_95 = arith.constant 1 : i32
    %dma_start3A_96 = arith.constant 128 : i32
    %dma_start3A_97 = arith.constant 0 : i32
    %dma_start3A_98 = tpu.memref_slice %arg24[%dma_start3A_96, %dma_start3A_97] : memref<512x32xf32, #tpu.memory_space<vmem>> -> memref<128x32xf32, #tpu.memory_space<vmem>>
    %dma_start3A_99 = arith.constant 0 : i32
    %dma_start3A_100 = tpu.memref_slice %arg18[%dma_start3A_95, %dma_start3A_99] : memref<4x128xi32, #tpu.memory_space<vmem>> -> memref<1x128xi32, #tpu.memory_space<vmem>>
    %dma_start3A_101 = tpu.memref_squeeze %dma_start3A_100 : memref<1x128xi32, #tpu.memory_space<vmem>> -> memref<128xi32, #tpu.memory_space<vmem>>
    %dma_start3A_102 = arith.constant 0 : i32
    %dma_start3A_103 = arith.constant 0 : i32
    %dma_start3A_104 = tpu.memref_slice %arg5[%dma_start3A_102, %dma_start3A_103] : memref<1000000x32xf32, #tpu.memory_space<hbm>> -> memref<1000000x32xf32, #tpu.memory_space<hbm>>
    tpu.enqueue_indirect_dma source(%dma_start3A_104 : memref<1000000x32xf32, #tpu.memory_space<hbm>>) target(%dma_start3A_98 : memref<128x32xf32, #tpu.memory_space<vmem>>) offsets(%dma_start3A_101 : memref<128xi32, #tpu.memory_space<vmem>>) semaphore(%arg32 : memref<!tpu.dma_semaphore, #tpu.memory_space<semaphore_mem>>)
    %dma_start3A_105 = arith.constant 2 : i32
    %dma_start3A_106 = arith.constant 256 : i32
    %dma_start3A_107 = arith.constant 0 : i32
    %dma_start3A_108 = tpu.memref_slice %arg21[%dma_start3A_106, %dma_start3A_107] : memref<512x32xf32, #tpu.memory_space<vmem>> -> memref<128x32xf32, #tpu.memory_space<vmem>>
    %dma_start3A_109 = arith.constant 0 : i32
    %dma_start3A_110 = tpu.memref_slice %arg17[%dma_start3A_105, %dma_start3A_109] : memref<4x128xi32, #tpu.memory_space<vmem>> -> memref<1x128xi32, #tpu.memory_space<vmem>>
    %dma_start3A_111 = tpu.memref_squeeze %dma_start3A_110 : memref<1x128xi32, #tpu.memory_space<vmem>> -> memref<128xi32, #tpu.memory_space<vmem>>
    %dma_start3A_112 = arith.constant 0 : i32
    %dma_start3A_113 = arith.constant 0 : i32
    %dma_start3A_114 = tpu.memref_slice %arg2[%dma_start3A_112, %dma_start3A_113] : memref<1000000x32xf32, #tpu.memory_space<hbm>> -> memref<1000000x32xf32, #tpu.memory_space<hbm>>
    tpu.enqueue_indirect_dma source(%dma_start3A_114 : memref<1000000x32xf32, #tpu.memory_space<hbm>>) target(%dma_start3A_108 : memref<128x32xf32, #tpu.memory_space<vmem>>) offsets(%dma_start3A_111 : memref<128xi32, #tpu.memory_space<vmem>>) semaphore(%arg32 : memref<!tpu.dma_semaphore, #tpu.memory_space<semaphore_mem>>)
    %dma_start3A_115 = arith.constant 2 : i32
    %dma_start3A_116 = arith.constant 256 : i32
    %dma_start3A_117 = arith.constant 0 : i32
    %dma_start3A_118 = tpu.memref_slice %arg22[%dma_start3A_116, %dma_start3A_117] : memref<512x32xf32, #tpu.memory_space<vmem>> -> memref<128x32xf32, #tpu.memory_space<vmem>>
    %dma_start3A_119 = arith.constant 0 : i32
    %dma_start3A_120 = tpu.memref_slice %arg18[%dma_start3A_115, %dma_start3A_119] : memref<4x128xi32, #tpu.memory_space<vmem>> -> memref<1x128xi32, #tpu.memory_space<vmem>>
    %dma_start3A_121 = tpu.memref_squeeze %dma_start3A_120 : memref<1x128xi32, #tpu.memory_space<vmem>> -> memref<128xi32, #tpu.memory_space<vmem>>
    %dma_start3A_122 = arith.constant 0 : i32
    %dma_start3A_123 = arith.constant 0 : i32
    %dma_start3A_124 = tpu.memref_slice %arg3[%dma_start3A_122, %dma_start3A_123] : memref<1000000x32xf32, #tpu.memory_space<hbm>> -> memref<1000000x32xf32, #tpu.memory_space<hbm>>
    tpu.enqueue_indirect_dma source(%dma_start3A_124 : memref<1000000x32xf32, #tpu.memory_space<hbm>>) target(%dma_start3A_118 : memref<128x32xf32, #tpu.memory_space<vmem>>) offsets(%dma_start3A_121 : memref<128xi32, #tpu.memory_space<vmem>>) semaphore(%arg32 : memref<!tpu.dma_semaphore, #tpu.memory_space<semaphore_mem>>)
    %dma_start3A_125 = arith.constant 2 : i32
    %dma_start3A_126 = arith.constant 256 : i32
    %dma_start3A_127 = arith.constant 0 : i32
    %dma_start3A_128 = tpu.memref_slice %arg23[%dma_start3A_126, %dma_start3A_127] : memref<512x32xf32, #tpu.memory_space<vmem>> -> memref<128x32xf32, #tpu.memory_space<vmem>>
    %dma_start3A_129 = arith.constant 0 : i32
    %dma_start3A_130 = tpu.memref_slice %arg17[%dma_start3A_125, %dma_start3A_129] : memref<4x128xi32, #tpu.memory_space<vmem>> -> memref<1x128xi32, #tpu.memory_space<vmem>>
    %dma_start3A_131 = tpu.memref_squeeze %dma_start3A_130 : memref<1x128xi32, #tpu.memory_space<vmem>> -> memref<128xi32, #tpu.memory_space<vmem>>
    %dma_start3A_132 = arith.constant 0 : i32
    %dma_start3A_133 = arith.constant 0 : i32
    %dma_start3A_134 = tpu.memref_slice %arg4[%dma_start3A_132, %dma_start3A_133] : memref<1000000x32xf32, #tpu.memory_space<hbm>> -> memref<1000000x32xf32, #tpu.memory_space<hbm>>
    tpu.enqueue_indirect_dma source(%dma_start3A_134 : memref<1000000x32xf32, #tpu.memory_space<hbm>>) target(%dma_start3A_128 : memref<128x32xf32, #tpu.memory_space<vmem>>) offsets(%dma_start3A_131 : memref<128xi32, #tpu.memory_space<vmem>>) semaphore(%arg32 : memref<!tpu.dma_semaphore, #tpu.memory_space<semaphore_mem>>)
    %dma_start3A_135 = arith.constant 2 : i32
    %dma_start3A_136 = arith.constant 256 : i32
    %dma_start3A_137 = arith.constant 0 : i32
    %dma_start3A_138 = tpu.memref_slice %arg24[%dma_start3A_136, %dma_start3A_137] : memref<512x32xf32, #tpu.memory_space<vmem>> -> memref<128x32xf32, #tpu.memory_space<vmem>>
    %dma_start3A_139 = arith.constant 0 : i32
    %dma_start3A_140 = tpu.memref_slice %arg18[%dma_start3A_135, %dma_start3A_139] : memref<4x128xi32, #tpu.memory_space<vmem>> -> memref<1x128xi32, #tpu.memory_space<vmem>>
    %dma_start3A_141 = tpu.memref_squeeze %dma_start3A_140 : memref<1x128xi32, #tpu.memory_space<vmem>> -> memref<128xi32, #tpu.memory_space<vmem>>
    %dma_start3A_142 = arith.constant 0 : i32
    %dma_start3A_143 = arith.constant 0 : i32
    %dma_start3A_144 = tpu.memref_slice %arg5[%dma_start3A_142, %dma_start3A_143] : memref<1000000x32xf32, #tpu.memory_space<hbm>> -> memref<1000000x32xf32, #tpu.memory_space<hbm>>
    tpu.enqueue_indirect_dma source(%dma_start3A_144 : memref<1000000x32xf32, #tpu.memory_space<hbm>>) target(%dma_start3A_138 : memref<128x32xf32, #tpu.memory_space<vmem>>) offsets(%dma_start3A_141 : memref<128xi32, #tpu.memory_space<vmem>>) semaphore(%arg32 : memref<!tpu.dma_semaphore, #tpu.memory_space<semaphore_mem>>)
    %dma_start3A_145 = arith.constant 3 : i32
    %dma_start3A_146 = arith.constant 384 : i32
    %dma_start3A_147 = arith.constant 0 : i32
    %dma_start3A_148 = tpu.memref_slice %arg21[%dma_start3A_146, %dma_start3A_147] : memref<512x32xf32, #tpu.memory_space<vmem>> -> memref<128x32xf32, #tpu.memory_space<vmem>>
    %dma_start3A_149 = arith.constant 0 : i32
    %dma_start3A_150 = tpu.memref_slice %arg17[%dma_start3A_145, %dma_start3A_149] : memref<4x128xi32, #tpu.memory_space<vmem>> -> memref<1x128xi32, #tpu.memory_space<vmem>>
    %dma_start3A_151 = tpu.memref_squeeze %dma_start3A_150 : memref<1x128xi32, #tpu.memory_space<vmem>> -> memref<128xi32, #tpu.memory_space<vmem>>
    %dma_start3A_152 = arith.constant 0 : i32
    %dma_start3A_153 = arith.constant 0 : i32
    %dma_start3A_154 = tpu.memref_slice %arg2[%dma_start3A_152, %dma_start3A_153] : memref<1000000x32xf32, #tpu.memory_space<hbm>> -> memref<1000000x32xf32, #tpu.memory_space<hbm>>
    tpu.enqueue_indirect_dma source(%dma_start3A_154 : memref<1000000x32xf32, #tpu.memory_space<hbm>>) target(%dma_start3A_148 : memref<128x32xf32, #tpu.memory_space<vmem>>) offsets(%dma_start3A_151 : memref<128xi32, #tpu.memory_space<vmem>>) semaphore(%arg32 : memref<!tpu.dma_semaphore, #tpu.memory_space<semaphore_mem>>)
    %dma_start3A_155 = arith.constant 3 : i32
    %dma_start3A_156 = arith.constant 384 : i32
    %dma_start3A_157 = arith.constant 0 : i32
    %dma_start3A_158 = tpu.memref_slice %arg22[%dma_start3A_156, %dma_start3A_157] : memref<512x32xf32, #tpu.memory_space<vmem>> -> memref<128x32xf32, #tpu.memory_space<vmem>>
    %dma_start3A_159 = arith.constant 0 : i32
    %dma_start3A_160 = tpu.memref_slice %arg18[%dma_start3A_155, %dma_start3A_159] : memref<4x128xi32, #tpu.memory_space<vmem>> -> memref<1x128xi32, #tpu.memory_space<vmem>>
    %dma_start3A_161 = tpu.memref_squeeze %dma_start3A_160 : memref<1x128xi32, #tpu.memory_space<vmem>> -> memref<128xi32, #tpu.memory_space<vmem>>
    %dma_start3A_162 = arith.constant 0 : i32
    %dma_start3A_163 = arith.constant 0 : i32
    %dma_start3A_164 = tpu.memref_slice %arg3[%dma_start3A_162, %dma_start3A_163] : memref<1000000x32xf32, #tpu.memory_space<hbm>> -> memref<1000000x32xf32, #tpu.memory_space<hbm>>
    tpu.enqueue_indirect_dma source(%dma_start3A_164 : memref<1000000x32xf32, #tpu.memory_space<hbm>>) target(%dma_start3A_158 : memref<128x32xf32, #tpu.memory_space<vmem>>) offsets(%dma_start3A_161 : memref<128xi32, #tpu.memory_space<vmem>>) semaphore(%arg32 : memref<!tpu.dma_semaphore, #tpu.memory_space<semaphore_mem>>)
    %dma_start3A_165 = arith.constant 3 : i32
    %dma_start3A_166 = arith.constant 384 : i32
    %dma_start3A_167 = arith.constant 0 : i32
    %dma_start3A_168 = tpu.memref_slice %arg23[%dma_start3A_166, %dma_start3A_167] : memref<512x32xf32, #tpu.memory_space<vmem>> -> memref<128x32xf32, #tpu.memory_space<vmem>>
    %dma_start3A_169 = arith.constant 0 : i32
    %dma_start3A_170 = tpu.memref_slice %arg17[%dma_start3A_165, %dma_start3A_169] : memref<4x128xi32, #tpu.memory_space<vmem>> -> memref<1x128xi32, #tpu.memory_space<vmem>>
    %dma_start3A_171 = tpu.memref_squeeze %dma_start3A_170 : memref<1x128xi32, #tpu.memory_space<vmem>> -> memref<128xi32, #tpu.memory_space<vmem>>
    %dma_start3A_172 = arith.constant 0 : i32
    %dma_start3A_173 = arith.constant 0 : i32
    %dma_start3A_174 = tpu.memref_slice %arg4[%dma_start3A_172, %dma_start3A_173] : memref<1000000x32xf32, #tpu.memory_space<hbm>> -> memref<1000000x32xf32, #tpu.memory_space<hbm>>
    tpu.enqueue_indirect_dma source(%dma_start3A_174 : memref<1000000x32xf32, #tpu.memory_space<hbm>>) target(%dma_start3A_168 : memref<128x32xf32, #tpu.memory_space<vmem>>) offsets(%dma_start3A_171 : memref<128xi32, #tpu.memory_space<vmem>>) semaphore(%arg32 : memref<!tpu.dma_semaphore, #tpu.memory_space<semaphore_mem>>)
    %dma_start3A_175 = arith.constant 3 : i32
    %dma_start3A_176 = arith.constant 384 : i32
    %dma_start3A_177 = arith.constant 0 : i32
    %dma_start3A_178 = tpu.memref_slice %arg24[%dma_start3A_176, %dma_start3A_177] : memref<512x32xf32, #tpu.memory_space<vmem>> -> memref<128x32xf32, #tpu.memory_space<vmem>>
    %dma_start3A_179 = arith.constant 0 : i32
    %dma_start3A_180 = tpu.memref_slice %arg18[%dma_start3A_175, %dma_start3A_179] : memref<4x128xi32, #tpu.memory_space<vmem>> -> memref<1x128xi32, #tpu.memory_space<vmem>>
    %dma_start3A_181 = tpu.memref_squeeze %dma_start3A_180 : memref<1x128xi32, #tpu.memory_space<vmem>> -> memref<128xi32, #tpu.memory_space<vmem>>
    %dma_start3A_182 = arith.constant 0 : i32
    %dma_start3A_183 = arith.constant 0 : i32
    %dma_start3A_184 = tpu.memref_slice %arg5[%dma_start3A_182, %dma_start3A_183] : memref<1000000x32xf32, #tpu.memory_space<hbm>> -> memref<1000000x32xf32, #tpu.memory_space<hbm>>
    tpu.enqueue_indirect_dma source(%dma_start3A_184 : memref<1000000x32xf32, #tpu.memory_space<hbm>>) target(%dma_start3A_178 : memref<128x32xf32, #tpu.memory_space<vmem>>) offsets(%dma_start3A_181 : memref<128xi32, #tpu.memory_space<vmem>>) semaphore(%arg32 : memref<!tpu.dma_semaphore, #tpu.memory_space<semaphore_mem>>)
    %dma_wait3A = arith.constant 0 : i32
    %dma_wait3A_185 = arith.constant 0 : i32
    %dma_wait3A_186 = arith.constant 0 : i32
    %dma_wait3A_187 = tpu.memref_slice %arg21[%dma_wait3A_185, %dma_wait3A_186] : memref<512x32xf32, #tpu.memory_space<vmem>> -> memref<128x32xf32, #tpu.memory_space<vmem>>
    %dma_wait3A_188 = arith.constant 0 : i32
    %dma_wait3A_189 = tpu.memref_slice %arg17[%dma_wait3A, %dma_wait3A_188] : memref<4x128xi32, #tpu.memory_space<vmem>> -> memref<1x128xi32, #tpu.memory_space<vmem>>
    %dma_wait3A_190 = tpu.memref_squeeze %dma_wait3A_189 : memref<1x128xi32, #tpu.memory_space<vmem>> -> memref<128xi32, #tpu.memory_space<vmem>>
    %dma_wait3A_191 = arith.constant 0 : i32
    %dma_wait3A_192 = arith.constant 0 : i32
    %dma_wait3A_193 = tpu.memref_slice %arg2[%dma_wait3A_191, %dma_wait3A_192] : memref<1000000x32xf32, #tpu.memory_space<hbm>> -> memref<1000000x32xf32, #tpu.memory_space<hbm>>
    tpu.wait_indirect_dma semaphore(%arg32 : memref<!tpu.dma_semaphore, #tpu.memory_space<semaphore_mem>>) src(%dma_wait3A_193 : memref<1000000x32xf32, #tpu.memory_space<hbm>>) dst(%dma_wait3A_187 : memref<128x32xf32, #tpu.memory_space<vmem>>)
    %dma_wait3A_194 = arith.constant 0 : i32
    %dma_wait3A_195 = arith.constant 0 : i32
    %dma_wait3A_196 = arith.constant 0 : i32
    %dma_wait3A_197 = tpu.memref_slice %arg22[%dma_wait3A_195, %dma_wait3A_196] : memref<512x32xf32, #tpu.memory_space<vmem>> -> memref<128x32xf32, #tpu.memory_space<vmem>>
    %dma_wait3A_198 = arith.constant 0 : i32
    %dma_wait3A_199 = tpu.memref_slice %arg18[%dma_wait3A_194, %dma_wait3A_198] : memref<4x128xi32, #tpu.memory_space<vmem>> -> memref<1x128xi32, #tpu.memory_space<vmem>>
    %dma_wait3A_200 = tpu.memref_squeeze %dma_wait3A_199 : memref<1x128xi32, #tpu.memory_space<vmem>> -> memref<128xi32, #tpu.memory_space<vmem>>
    %dma_wait3A_201 = arith.constant 0 : i32
    %dma_wait3A_202 = arith.constant 0 : i32
    %dma_wait3A_203 = tpu.memref_slice %arg3[%dma_wait3A_201, %dma_wait3A_202] : memref<1000000x32xf32, #tpu.memory_space<hbm>> -> memref<1000000x32xf32, #tpu.memory_space<hbm>>
    tpu.wait_indirect_dma semaphore(%arg32 : memref<!tpu.dma_semaphore, #tpu.memory_space<semaphore_mem>>) src(%dma_wait3A_203 : memref<1000000x32xf32, #tpu.memory_space<hbm>>) dst(%dma_wait3A_197 : memref<128x32xf32, #tpu.memory_space<vmem>>)
    %dma_wait3A_204 = arith.constant 0 : i32
    %dma_wait3A_205 = arith.constant 0 : i32
    %dma_wait3A_206 = arith.constant 0 : i32
    %dma_wait3A_207 = tpu.memref_slice %arg23[%dma_wait3A_205, %dma_wait3A_206] : memref<512x32xf32, #tpu.memory_space<vmem>> -> memref<128x32xf32, #tpu.memory_space<vmem>>
    %dma_wait3A_208 = arith.constant 0 : i32
    %dma_wait3A_209 = tpu.memref_slice %arg17[%dma_wait3A_204, %dma_wait3A_208] : memref<4x128xi32, #tpu.memory_space<vmem>> -> memref<1x128xi32, #tpu.memory_space<vmem>>
    %dma_wait3A_210 = tpu.memref_squeeze %dma_wait3A_209 : memref<1x128xi32, #tpu.memory_space<vmem>> -> memref<128xi32, #tpu.memory_space<vmem>>
    %dma_wait3A_211 = arith.constant 0 : i32
    %dma_wait3A_212 = arith.constant 0 : i32
    %dma_wait3A_213 = tpu.memref_slice %arg4[%dma_wait3A_211, %dma_wait3A_212] : memref<1000000x32xf32, #tpu.memory_space<hbm>> -> memref<1000000x32xf32, #tpu.memory_space<hbm>>
    tpu.wait_indirect_dma semaphore(%arg32 : memref<!tpu.dma_semaphore, #tpu.memory_space<semaphore_mem>>) src(%dma_wait3A_213 : memref<1000000x32xf32, #tpu.memory_space<hbm>>) dst(%dma_wait3A_207 : memref<128x32xf32, #tpu.memory_space<vmem>>)
    %dma_wait3A_214 = arith.constant 0 : i32
    %dma_wait3A_215 = arith.constant 0 : i32
    %dma_wait3A_216 = arith.constant 0 : i32
    %dma_wait3A_217 = tpu.memref_slice %arg24[%dma_wait3A_215, %dma_wait3A_216] : memref<512x32xf32, #tpu.memory_space<vmem>> -> memref<128x32xf32, #tpu.memory_space<vmem>>
    %dma_wait3A_218 = arith.constant 0 : i32
    %dma_wait3A_219 = tpu.memref_slice %arg18[%dma_wait3A_214, %dma_wait3A_218] : memref<4x128xi32, #tpu.memory_space<vmem>> -> memref<1x128xi32, #tpu.memory_space<vmem>>
    %dma_wait3A_220 = tpu.memref_squeeze %dma_wait3A_219 : memref<1x128xi32, #tpu.memory_space<vmem>> -> memref<128xi32, #tpu.memory_space<vmem>>
    %dma_wait3A_221 = arith.constant 0 : i32
    %dma_wait3A_222 = arith.constant 0 : i32
    %dma_wait3A_223 = tpu.memref_slice %arg5[%dma_wait3A_221, %dma_wait3A_222] : memref<1000000x32xf32, #tpu.memory_space<hbm>> -> memref<1000000x32xf32, #tpu.memory_space<hbm>>
    tpu.wait_indirect_dma semaphore(%arg32 : memref<!tpu.dma_semaphore, #tpu.memory_space<semaphore_mem>>) src(%dma_wait3A_223 : memref<1000000x32xf32, #tpu.memory_space<hbm>>) dst(%dma_wait3A_217 : memref<128x32xf32, #tpu.memory_space<vmem>>)
    %dma_wait3A_224 = arith.constant 1 : i32
    %dma_wait3A_225 = arith.constant 128 : i32
    %dma_wait3A_226 = arith.constant 0 : i32
    %dma_wait3A_227 = tpu.memref_slice %arg21[%dma_wait3A_225, %dma_wait3A_226] : memref<512x32xf32, #tpu.memory_space<vmem>> -> memref<128x32xf32, #tpu.memory_space<vmem>>
    %dma_wait3A_228 = arith.constant 0 : i32
    %dma_wait3A_229 = tpu.memref_slice %arg17[%dma_wait3A_224, %dma_wait3A_228] : memref<4x128xi32, #tpu.memory_space<vmem>> -> memref<1x128xi32, #tpu.memory_space<vmem>>
    %dma_wait3A_230 = tpu.memref_squeeze %dma_wait3A_229 : memref<1x128xi32, #tpu.memory_space<vmem>> -> memref<128xi32, #tpu.memory_space<vmem>>
    %dma_wait3A_231 = arith.constant 0 : i32
    %dma_wait3A_232 = arith.constant 0 : i32
    %dma_wait3A_233 = tpu.memref_slice %arg2[%dma_wait3A_231, %dma_wait3A_232] : memref<1000000x32xf32, #tpu.memory_space<hbm>> -> memref<1000000x32xf32, #tpu.memory_space<hbm>>
    tpu.wait_indirect_dma semaphore(%arg32 : memref<!tpu.dma_semaphore, #tpu.memory_space<semaphore_mem>>) src(%dma_wait3A_233 : memref<1000000x32xf32, #tpu.memory_space<hbm>>) dst(%dma_wait3A_227 : memref<128x32xf32, #tpu.memory_space<vmem>>)
    %dma_wait3A_234 = arith.constant 1 : i32
    %dma_wait3A_235 = arith.constant 128 : i32
    %dma_wait3A_236 = arith.constant 0 : i32
    %dma_wait3A_237 = tpu.memref_slice %arg22[%dma_wait3A_235, %dma_wait3A_236] : memref<512x32xf32, #tpu.memory_space<vmem>> -> memref<128x32xf32, #tpu.memory_space<vmem>>
    %dma_wait3A_238 = arith.constant 0 : i32
    %dma_wait3A_239 = tpu.memref_slice %arg18[%dma_wait3A_234, %dma_wait3A_238] : memref<4x128xi32, #tpu.memory_space<vmem>> -> memref<1x128xi32, #tpu.memory_space<vmem>>
    %dma_wait3A_240 = tpu.memref_squeeze %dma_wait3A_239 : memref<1x128xi32, #tpu.memory_space<vmem>> -> memref<128xi32, #tpu.memory_space<vmem>>
    %dma_wait3A_241 = arith.constant 0 : i32
    %dma_wait3A_242 = arith.constant 0 : i32
    %dma_wait3A_243 = tpu.memref_slice %arg3[%dma_wait3A_241, %dma_wait3A_242] : memref<1000000x32xf32, #tpu.memory_space<hbm>> -> memref<1000000x32xf32, #tpu.memory_space<hbm>>
    tpu.wait_indirect_dma semaphore(%arg32 : memref<!tpu.dma_semaphore, #tpu.memory_space<semaphore_mem>>) src(%dma_wait3A_243 : memref<1000000x32xf32, #tpu.memory_space<hbm>>) dst(%dma_wait3A_237 : memref<128x32xf32, #tpu.memory_space<vmem>>)
    %dma_wait3A_244 = arith.constant 1 : i32
    %dma_wait3A_245 = arith.constant 128 : i32
    %dma_wait3A_246 = arith.constant 0 : i32
    %dma_wait3A_247 = tpu.memref_slice %arg23[%dma_wait3A_245, %dma_wait3A_246] : memref<512x32xf32, #tpu.memory_space<vmem>> -> memref<128x32xf32, #tpu.memory_space<vmem>>
    %dma_wait3A_248 = arith.constant 0 : i32
    %dma_wait3A_249 = tpu.memref_slice %arg17[%dma_wait3A_244, %dma_wait3A_248] : memref<4x128xi32, #tpu.memory_space<vmem>> -> memref<1x128xi32, #tpu.memory_space<vmem>>
    %dma_wait3A_250 = tpu.memref_squeeze %dma_wait3A_249 : memref<1x128xi32, #tpu.memory_space<vmem>> -> memref<128xi32, #tpu.memory_space<vmem>>
    %dma_wait3A_251 = arith.constant 0 : i32
    %dma_wait3A_252 = arith.constant 0 : i32
    %dma_wait3A_253 = tpu.memref_slice %arg4[%dma_wait3A_251, %dma_wait3A_252] : memref<1000000x32xf32, #tpu.memory_space<hbm>> -> memref<1000000x32xf32, #tpu.memory_space<hbm>>
    tpu.wait_indirect_dma semaphore(%arg32 : memref<!tpu.dma_semaphore, #tpu.memory_space<semaphore_mem>>) src(%dma_wait3A_253 : memref<1000000x32xf32, #tpu.memory_space<hbm>>) dst(%dma_wait3A_247 : memref<128x32xf32, #tpu.memory_space<vmem>>)
    %dma_wait3A_254 = arith.constant 1 : i32
    %dma_wait3A_255 = arith.constant 128 : i32
    %dma_wait3A_256 = arith.constant 0 : i32
    %dma_wait3A_257 = tpu.memref_slice %arg24[%dma_wait3A_255, %dma_wait3A_256] : memref<512x32xf32, #tpu.memory_space<vmem>> -> memref<128x32xf32, #tpu.memory_space<vmem>>
    %dma_wait3A_258 = arith.constant 0 : i32
    %dma_wait3A_259 = tpu.memref_slice %arg18[%dma_wait3A_254, %dma_wait3A_258] : memref<4x128xi32, #tpu.memory_space<vmem>> -> memref<1x128xi32, #tpu.memory_space<vmem>>
    %dma_wait3A_260 = tpu.memref_squeeze %dma_wait3A_259 : memref<1x128xi32, #tpu.memory_space<vmem>> -> memref<128xi32, #tpu.memory_space<vmem>>
    %dma_wait3A_261 = arith.constant 0 : i32
    %dma_wait3A_262 = arith.constant 0 : i32
    %dma_wait3A_263 = tpu.memref_slice %arg5[%dma_wait3A_261, %dma_wait3A_262] : memref<1000000x32xf32, #tpu.memory_space<hbm>> -> memref<1000000x32xf32, #tpu.memory_space<hbm>>
    tpu.wait_indirect_dma semaphore(%arg32 : memref<!tpu.dma_semaphore, #tpu.memory_space<semaphore_mem>>) src(%dma_wait3A_263 : memref<1000000x32xf32, #tpu.memory_space<hbm>>) dst(%dma_wait3A_257 : memref<128x32xf32, #tpu.memory_space<vmem>>)
    %dma_wait3A_264 = arith.constant 2 : i32
    %dma_wait3A_265 = arith.constant 256 : i32
    %dma_wait3A_266 = arith.constant 0 : i32
    %dma_wait3A_267 = tpu.memref_slice %arg21[%dma_wait3A_265, %dma_wait3A_266] : memref<512x32xf32, #tpu.memory_space<vmem>> -> memref<128x32xf32, #tpu.memory_space<vmem>>
    %dma_wait3A_268 = arith.constant 0 : i32
    %dma_wait3A_269 = tpu.memref_slice %arg17[%dma_wait3A_264, %dma_wait3A_268] : memref<4x128xi32, #tpu.memory_space<vmem>> -> memref<1x128xi32, #tpu.memory_space<vmem>>
    %dma_wait3A_270 = tpu.memref_squeeze %dma_wait3A_269 : memref<1x128xi32, #tpu.memory_space<vmem>> -> memref<128xi32, #tpu.memory_space<vmem>>
    %dma_wait3A_271 = arith.constant 0 : i32
    %dma_wait3A_272 = arith.constant 0 : i32
    %dma_wait3A_273 = tpu.memref_slice %arg2[%dma_wait3A_271, %dma_wait3A_272] : memref<1000000x32xf32, #tpu.memory_space<hbm>> -> memref<1000000x32xf32, #tpu.memory_space<hbm>>
    tpu.wait_indirect_dma semaphore(%arg32 : memref<!tpu.dma_semaphore, #tpu.memory_space<semaphore_mem>>) src(%dma_wait3A_273 : memref<1000000x32xf32, #tpu.memory_space<hbm>>) dst(%dma_wait3A_267 : memref<128x32xf32, #tpu.memory_space<vmem>>)
    %dma_wait3A_274 = arith.constant 2 : i32
    %dma_wait3A_275 = arith.constant 256 : i32
    %dma_wait3A_276 = arith.constant 0 : i32
    %dma_wait3A_277 = tpu.memref_slice %arg22[%dma_wait3A_275, %dma_wait3A_276] : memref<512x32xf32, #tpu.memory_space<vmem>> -> memref<128x32xf32, #tpu.memory_space<vmem>>
    %dma_wait3A_278 = arith.constant 0 : i32
    %dma_wait3A_279 = tpu.memref_slice %arg18[%dma_wait3A_274, %dma_wait3A_278] : memref<4x128xi32, #tpu.memory_space<vmem>> -> memref<1x128xi32, #tpu.memory_space<vmem>>
    %dma_wait3A_280 = tpu.memref_squeeze %dma_wait3A_279 : memref<1x128xi32, #tpu.memory_space<vmem>> -> memref<128xi32, #tpu.memory_space<vmem>>
    %dma_wait3A_281 = arith.constant 0 : i32
    %dma_wait3A_282 = arith.constant 0 : i32
    %dma_wait3A_283 = tpu.memref_slice %arg3[%dma_wait3A_281, %dma_wait3A_282] : memref<1000000x32xf32, #tpu.memory_space<hbm>> -> memref<1000000x32xf32, #tpu.memory_space<hbm>>
    tpu.wait_indirect_dma semaphore(%arg32 : memref<!tpu.dma_semaphore, #tpu.memory_space<semaphore_mem>>) src(%dma_wait3A_283 : memref<1000000x32xf32, #tpu.memory_space<hbm>>) dst(%dma_wait3A_277 : memref<128x32xf32, #tpu.memory_space<vmem>>)
    %dma_wait3A_284 = arith.constant 2 : i32
    %dma_wait3A_285 = arith.constant 256 : i32
    %dma_wait3A_286 = arith.constant 0 : i32
    %dma_wait3A_287 = tpu.memref_slice %arg23[%dma_wait3A_285, %dma_wait3A_286] : memref<512x32xf32, #tpu.memory_space<vmem>> -> memref<128x32xf32, #tpu.memory_space<vmem>>
    %dma_wait3A_288 = arith.constant 0 : i32
    %dma_wait3A_289 = tpu.memref_slice %arg17[%dma_wait3A_284, %dma_wait3A_288] : memref<4x128xi32, #tpu.memory_space<vmem>> -> memref<1x128xi32, #tpu.memory_space<vmem>>
    %dma_wait3A_290 = tpu.memref_squeeze %dma_wait3A_289 : memref<1x128xi32, #tpu.memory_space<vmem>> -> memref<128xi32, #tpu.memory_space<vmem>>
    %dma_wait3A_291 = arith.constant 0 : i32
    %dma_wait3A_292 = arith.constant 0 : i32
    %dma_wait3A_293 = tpu.memref_slice %arg4[%dma_wait3A_291, %dma_wait3A_292] : memref<1000000x32xf32, #tpu.memory_space<hbm>> -> memref<1000000x32xf32, #tpu.memory_space<hbm>>
    tpu.wait_indirect_dma semaphore(%arg32 : memref<!tpu.dma_semaphore, #tpu.memory_space<semaphore_mem>>) src(%dma_wait3A_293 : memref<1000000x32xf32, #tpu.memory_space<hbm>>) dst(%dma_wait3A_287 : memref<128x32xf32, #tpu.memory_space<vmem>>)
    %dma_wait3A_294 = arith.constant 2 : i32
    %dma_wait3A_295 = arith.constant 256 : i32
    %dma_wait3A_296 = arith.constant 0 : i32
    %dma_wait3A_297 = tpu.memref_slice %arg24[%dma_wait3A_295, %dma_wait3A_296] : memref<512x32xf32, #tpu.memory_space<vmem>> -> memref<128x32xf32, #tpu.memory_space<vmem>>
    %dma_wait3A_298 = arith.constant 0 : i32
    %dma_wait3A_299 = tpu.memref_slice %arg18[%dma_wait3A_294, %dma_wait3A_298] : memref<4x128xi32, #tpu.memory_space<vmem>> -> memref<1x128xi32, #tpu.memory_space<vmem>>
    %dma_wait3A_300 = tpu.memref_squeeze %dma_wait3A_299 : memref<1x128xi32, #tpu.memory_space<vmem>> -> memref<128xi32, #tpu.memory_space<vmem>>
    %dma_wait3A_301 = arith.constant 0 : i32
    %dma_wait3A_302 = arith.constant 0 : i32
    %dma_wait3A_303 = tpu.memref_slice %arg5[%dma_wait3A_301, %dma_wait3A_302] : memref<1000000x32xf32, #tpu.memory_space<hbm>> -> memref<1000000x32xf32, #tpu.memory_space<hbm>>
    tpu.wait_indirect_dma semaphore(%arg32 : memref<!tpu.dma_semaphore, #tpu.memory_space<semaphore_mem>>) src(%dma_wait3A_303 : memref<1000000x32xf32, #tpu.memory_space<hbm>>) dst(%dma_wait3A_297 : memref<128x32xf32, #tpu.memory_space<vmem>>)
    %dma_wait3A_304 = arith.constant 3 : i32
    %dma_wait3A_305 = arith.constant 384 : i32
    %dma_wait3A_306 = arith.constant 0 : i32
    %dma_wait3A_307 = tpu.memref_slice %arg21[%dma_wait3A_305, %dma_wait3A_306] : memref<512x32xf32, #tpu.memory_space<vmem>> -> memref<128x32xf32, #tpu.memory_space<vmem>>
    %dma_wait3A_308 = arith.constant 0 : i32
    %dma_wait3A_309 = tpu.memref_slice %arg17[%dma_wait3A_304, %dma_wait3A_308] : memref<4x128xi32, #tpu.memory_space<vmem>> -> memref<1x128xi32, #tpu.memory_space<vmem>>
    %dma_wait3A_310 = tpu.memref_squeeze %dma_wait3A_309 : memref<1x128xi32, #tpu.memory_space<vmem>> -> memref<128xi32, #tpu.memory_space<vmem>>
    %dma_wait3A_311 = arith.constant 0 : i32
    %dma_wait3A_312 = arith.constant 0 : i32
    %dma_wait3A_313 = tpu.memref_slice %arg2[%dma_wait3A_311, %dma_wait3A_312] : memref<1000000x32xf32, #tpu.memory_space<hbm>> -> memref<1000000x32xf32, #tpu.memory_space<hbm>>
    tpu.wait_indirect_dma semaphore(%arg32 : memref<!tpu.dma_semaphore, #tpu.memory_space<semaphore_mem>>) src(%dma_wait3A_313 : memref<1000000x32xf32, #tpu.memory_space<hbm>>) dst(%dma_wait3A_307 : memref<128x32xf32, #tpu.memory_space<vmem>>)
    %dma_wait3A_314 = arith.constant 3 : i32
    %dma_wait3A_315 = arith.constant 384 : i32
    %dma_wait3A_316 = arith.constant 0 : i32
    %dma_wait3A_317 = tpu.memref_slice %arg22[%dma_wait3A_315, %dma_wait3A_316] : memref<512x32xf32, #tpu.memory_space<vmem>> -> memref<128x32xf32, #tpu.memory_space<vmem>>
    %dma_wait3A_318 = arith.constant 0 : i32
    %dma_wait3A_319 = tpu.memref_slice %arg18[%dma_wait3A_314, %dma_wait3A_318] : memref<4x128xi32, #tpu.memory_space<vmem>> -> memref<1x128xi32, #tpu.memory_space<vmem>>
    %dma_wait3A_320 = tpu.memref_squeeze %dma_wait3A_319 : memref<1x128xi32, #tpu.memory_space<vmem>> -> memref<128xi32, #tpu.memory_space<vmem>>
    %dma_wait3A_321 = arith.constant 0 : i32
    %dma_wait3A_322 = arith.constant 0 : i32
    %dma_wait3A_323 = tpu.memref_slice %arg3[%dma_wait3A_321, %dma_wait3A_322] : memref<1000000x32xf32, #tpu.memory_space<hbm>> -> memref<1000000x32xf32, #tpu.memory_space<hbm>>
    tpu.wait_indirect_dma semaphore(%arg32 : memref<!tpu.dma_semaphore, #tpu.memory_space<semaphore_mem>>) src(%dma_wait3A_323 : memref<1000000x32xf32, #tpu.memory_space<hbm>>) dst(%dma_wait3A_317 : memref<128x32xf32, #tpu.memory_space<vmem>>)
    %dma_wait3A_324 = arith.constant 3 : i32
    %dma_wait3A_325 = arith.constant 384 : i32
    %dma_wait3A_326 = arith.constant 0 : i32
    %dma_wait3A_327 = tpu.memref_slice %arg23[%dma_wait3A_325, %dma_wait3A_326] : memref<512x32xf32, #tpu.memory_space<vmem>> -> memref<128x32xf32, #tpu.memory_space<vmem>>
    %dma_wait3A_328 = arith.constant 0 : i32
    %dma_wait3A_329 = tpu.memref_slice %arg17[%dma_wait3A_324, %dma_wait3A_328] : memref<4x128xi32, #tpu.memory_space<vmem>> -> memref<1x128xi32, #tpu.memory_space<vmem>>
    %dma_wait3A_330 = tpu.memref_squeeze %dma_wait3A_329 : memref<1x128xi32, #tpu.memory_space<vmem>> -> memref<128xi32, #tpu.memory_space<vmem>>
    %dma_wait3A_331 = arith.constant 0 : i32
    %dma_wait3A_332 = arith.constant 0 : i32
    %dma_wait3A_333 = tpu.memref_slice %arg4[%dma_wait3A_331, %dma_wait3A_332] : memref<1000000x32xf32, #tpu.memory_space<hbm>> -> memref<1000000x32xf32, #tpu.memory_space<hbm>>
    tpu.wait_indirect_dma semaphore(%arg32 : memref<!tpu.dma_semaphore, #tpu.memory_space<semaphore_mem>>) src(%dma_wait3A_333 : memref<1000000x32xf32, #tpu.memory_space<hbm>>) dst(%dma_wait3A_327 : memref<128x32xf32, #tpu.memory_space<vmem>>)
    %dma_wait3A_334 = arith.constant 3 : i32
    %dma_wait3A_335 = arith.constant 384 : i32
    %dma_wait3A_336 = arith.constant 0 : i32
    %dma_wait3A_337 = tpu.memref_slice %arg24[%dma_wait3A_335, %dma_wait3A_336] : memref<512x32xf32, #tpu.memory_space<vmem>> -> memref<128x32xf32, #tpu.memory_space<vmem>>
    %dma_wait3A_338 = arith.constant 0 : i32
    %dma_wait3A_339 = tpu.memref_slice %arg18[%dma_wait3A_334, %dma_wait3A_338] : memref<4x128xi32, #tpu.memory_space<vmem>> -> memref<1x128xi32, #tpu.memory_space<vmem>>
    %dma_wait3A_340 = tpu.memref_squeeze %dma_wait3A_339 : memref<1x128xi32, #tpu.memory_space<vmem>> -> memref<128xi32, #tpu.memory_space<vmem>>
    %dma_wait3A_341 = arith.constant 0 : i32
    %dma_wait3A_342 = arith.constant 0 : i32
    %dma_wait3A_343 = tpu.memref_slice %arg5[%dma_wait3A_341, %dma_wait3A_342] : memref<1000000x32xf32, #tpu.memory_space<hbm>> -> memref<1000000x32xf32, #tpu.memory_space<hbm>>
    tpu.wait_indirect_dma semaphore(%arg32 : memref<!tpu.dma_semaphore, #tpu.memory_space<semaphore_mem>>) src(%dma_wait3A_343 : memref<1000000x32xf32, #tpu.memory_space<hbm>>) dst(%dma_wait3A_337 : memref<128x32xf32, #tpu.memory_space<vmem>>)
    %iota3A = tpu.iota {dimensions = array<i32: 0>} : vector<16xi32>
    %scan3A = arith.constant 0 : i32
    %scan3A_344 = arith.constant 32 : i32
    %scan3A_345 = arith.addi %scan3A, %scan3A_344 : i32
    %scan3A_346 = arith.constant 1 : i32
    scf.for %scan3A_348 = %scan3A to %scan3A_345 step %scan3A_346  : i32 {
      %mul3A_349 = arith.constant 16 : i32
      %mul3A_350 = arith.muli %scan3A_348, %mul3A_349 : i32
      %add3A_351 = vector.broadcast %mul3A_350 : i32 to vector<16xi32>
      %add3A_352 = arith.addi %add3A_351, %iota3A : vector<16xi32>
      %mul3A_353 = arith.constant 16 : i32
      %mul3A_354 = arith.muli %scan3A_348, %mul3A_353 : i32
      %get3A = arith.index_cast %mul3A_354 : i32 to index
      %get3A_355 = tpu.vector_load %arg19[%get3A] {strides = array<i32>} : memref<512xi32, #tpu.memory_space<vmem>>, vector<16xi32>,
      %mul3A_356 = arith.constant 16 : i32
      %mul3A_357 = arith.muli %scan3A_348, %mul3A_356 : i32
      %get3A_358 = arith.index_cast %mul3A_357 : i32 to index
      %get3A_359 = tpu.vector_load %arg20[%get3A_358] {strides = array<i32>} : memref<512xi32, #tpu.memory_space<vmem>>, vector<16xi32>,
      %broadcast_in_dim3A = arith.constant 0.000000e+00 : f32
      %broadcast_in_dim3A_360 = vector.broadcast %broadcast_in_dim3A : f32 to vector<16xf32>
      %broadcast_in_dim3A_361 = arith.constant 0.000000e+00 : f32
      %broadcast_in_dim3A_362 = vector.broadcast %broadcast_in_dim3A_361 : f32 to vector<16xf32>
      %broadcast_in_dim3A_363 = arith.constant 0.000000e+00 : f32
      %broadcast_in_dim3A_364 = vector.broadcast %broadcast_in_dim3A_363 : f32 to vector<16xf32>
      %broadcast_in_dim3A_365 = arith.constant 0.000000e+00 : f32
      %broadcast_in_dim3A_366 = vector.broadcast %broadcast_in_dim3A_365 : f32 to vector<16xf32>
      %broadcast_in_dim3A_367 = arith.constant 0.000000e+00 : f32
      %broadcast_in_dim3A_368 = vector.broadcast %broadcast_in_dim3A_367 : f32 to vector<16xf32>
      %broadcast_in_dim3A_369 = arith.constant 0.000000e+00 : f32
      %broadcast_in_dim3A_370 = vector.broadcast %broadcast_in_dim3A_369 : f32 to vector<16xf32>
      %broadcast_in_dim3A_371 = arith.constant 0.000000e+00 : f32
      %broadcast_in_dim3A_372 = vector.broadcast %broadcast_in_dim3A_371 : f32 to vector<16xf32>
      %broadcast_in_dim3A_373 = arith.constant 0.000000e+00 : f32
      %broadcast_in_dim3A_374 = vector.broadcast %broadcast_in_dim3A_373 : f32 to vector<16xf32>
      %broadcast_in_dim3A_375 = arith.constant 0.000000e+00 : f32
      %broadcast_in_dim3A_376 = vector.broadcast %broadcast_in_dim3A_375 : f32 to vector<16xf32>
      %broadcast_in_dim3A_377 = arith.constant 0.000000e+00 : f32
      %broadcast_in_dim3A_378 = vector.broadcast %broadcast_in_dim3A_377 : f32 to vector<16xf32>
      %broadcast_in_dim3A_379 = arith.constant 0 : i32
      %broadcast_in_dim3A_380 = vector.broadcast %broadcast_in_dim3A_379 : i32 to vector<16xi32>
      %gather3A = tpu.vector_load_idx %arg25[%get3A_355, %broadcast_in_dim3A_380] : memref<4x32xf32, #tpu.memory_space<vmem>>[vector<16xi32>, vector<16xi32>], vector<16xf32>,
      %gather3A_381 = tpu.vector_load_idx %arg26[%get3A_359, %broadcast_in_dim3A_380] : memref<4x32xf32, #tpu.memory_space<vmem>>[vector<16xi32>, vector<16xi32>], vector<16xf32>,
      %mul3A_382 = arith.mulf %gather3A, %gather3A_381 : vector<16xf32>
      %gather3A_383 = tpu.vector_load_idx %arg21[%add3A_352, %broadcast_in_dim3A_380] : memref<512x32xf32, #tpu.memory_space<vmem>>[vector<16xi32>, vector<16xi32>], vector<16xf32>,
      %gather3A_384 = tpu.vector_load_idx %arg22[%add3A_352, %broadcast_in_dim3A_380] : memref<512x32xf32, #tpu.memory_space<vmem>>[vector<16xi32>, vector<16xi32>], vector<16xf32>,
      %gather3A_385 = tpu.vector_load_idx %arg23[%add3A_352, %broadcast_in_dim3A_380] : memref<512x32xf32, #tpu.memory_space<vmem>>[vector<16xi32>, vector<16xi32>], vector<16xf32>,
      %gather3A_386 = tpu.vector_load_idx %arg24[%add3A_352, %broadcast_in_dim3A_380] : memref<512x32xf32, #tpu.memory_space<vmem>>[vector<16xi32>, vector<16xi32>], vector<16xf32>,
      %mul3A_387 = arith.mulf %gather3A_383, %gather3A_384 : vector<16xf32>
      %mul3A_388 = arith.mulf %mul3A_387, %mul3A_382 : vector<16xf32>
      %add3A_389 = arith.addf %broadcast_in_dim3A_360, %mul3A_388 : vector<16xf32>
      %mul3A_390 = arith.mulf %gather3A_385, %gather3A_386 : vector<16xf32>
      %mul3A_391 = arith.mulf %mul3A_390, %mul3A_382 : vector<16xf32>
      %add3A_392 = arith.addf %broadcast_in_dim3A_362, %mul3A_391 : vector<16xf32>
      %get3A_393 = arith.constant 0 : i32
      %get3A_394 = arith.index_cast %get3A_393 : i32 to index
      %get3A_395 = arith.constant 0 : index
      %get3A_396 = tpu.vector_load %arg27[%get3A_394, %get3A_395] {strides = array<i32>} : memref<256x16xf32, #tpu.memory_space<vmem>>, vector<16xf32>,
      %mul3A_397 = arith.mulf %mul3A_391, %get3A_396 : vector<16xf32>
      %add3A_398 = arith.addf %broadcast_in_dim3A_364, %mul3A_397 : vector<16xf32>
      %get3A_399 = arith.constant 32 : i32
      %get3A_400 = arith.index_cast %get3A_399 : i32 to index
      %get3A_401 = arith.constant 0 : index
      %get3A_402 = tpu.vector_load %arg27[%get3A_400, %get3A_401] {strides = array<i32>} : memref<256x16xf32, #tpu.memory_space<vmem>>, vector<16xf32>,
      %mul3A_403 = arith.mulf %mul3A_391, %get3A_402 : vector<16xf32>
      %add3A_404 = arith.addf %broadcast_in_dim3A_366, %mul3A_403 : vector<16xf32>
      %get3A_405 = arith.constant 64 : i32
      %get3A_406 = arith.index_cast %get3A_405 : i32 to index
      %get3A_407 = arith.constant 0 : index
      %get3A_408 = tpu.vector_load %arg27[%get3A_406, %get3A_407] {strides = array<i32>} : memref<256x16xf32, #tpu.memory_space<vmem>>, vector<16xf32>,
      %mul3A_409 = arith.mulf %mul3A_391, %get3A_408 : vector<16xf32>
      %add3A_410 = arith.addf %broadcast_in_dim3A_368, %mul3A_409 : vector<16xf32>
      %get3A_411 = arith.constant 96 : i32
      %get3A_412 = arith.index_cast %get3A_411 : i32 to index
      %get3A_413 = arith.constant 0 : index
      %get3A_414 = tpu.vector_load %arg27[%get3A_412, %get3A_413] {strides = array<i32>} : memref<256x16xf32, #tpu.memory_space<vmem>>, vector<16xf32>,
      %mul3A_415 = arith.mulf %mul3A_391, %get3A_414 : vector<16xf32>
      %add3A_416 = arith.addf %broadcast_in_dim3A_370, %mul3A_415 : vector<16xf32>
      %get3A_417 = arith.constant 128 : i32
      %get3A_418 = arith.index_cast %get3A_417 : i32 to index
      %get3A_419 = arith.constant 0 : index
      %get3A_420 = tpu.vector_load %arg27[%get3A_418, %get3A_419] {strides = array<i32>} : memref<256x16xf32, #tpu.memory_space<vmem>>, vector<16xf32>,
      %mul3A_421 = arith.mulf %mul3A_391, %get3A_420 : vector<16xf32>
      %add3A_422 = arith.addf %broadcast_in_dim3A_372, %mul3A_421 : vector<16xf32>
      %get3A_423 = arith.constant 160 : i32
      %get3A_424 = arith.index_cast %get3A_423 : i32 to index
      %get3A_425 = arith.constant 0 : index
      %get3A_426 = tpu.vector_load %arg27[%get3A_424, %get3A_425] {strides = array<i32>} : memref<256x16xf32, #tpu.memory_space<vmem>>, vector<16xf32>,
      %mul3A_427 = arith.mulf %mul3A_391, %get3A_426 : vector<16xf32>
      %add3A_428 = arith.addf %broadcast_in_dim3A_374, %mul3A_427 : vector<16xf32>
      %get3A_429 = arith.constant 192 : i32
      %get3A_430 = arith.index_cast %get3A_429 : i32 to index
      %get3A_431 = arith.constant 0 : index
      %get3A_432 = tpu.vector_load %arg27[%get3A_430, %get3A_431] {strides = array<i32>} : memref<256x16xf32, #tpu.memory_space<vmem>>, vector<16xf32>,
      %mul3A_433 = arith.mulf %mul3A_391, %get3A_432 : vector<16xf32>
      %add3A_434 = arith.addf %broadcast_in_dim3A_376, %mul3A_433 : vector<16xf32>
      %get3A_435 = arith.constant 224 : i32
      %get3A_436 = arith.index_cast %get3A_435 : i32 to index
      %get3A_437 = arith.constant 0 : index
      %get3A_438 = tpu.vector_load %arg27[%get3A_436, %get3A_437] {strides = array<i32>} : memref<256x16xf32, #tpu.memory_space<vmem>>, vector<16xf32>,
      %mul3A_439 = arith.mulf %mul3A_391, %get3A_438 : vector<16xf32>
      %add3A_440 = arith.addf %broadcast_in_dim3A_378, %mul3A_439 : vector<16xf32>
      %broadcast_in_dim3A_441 = arith.constant 1 : i32
      %broadcast_in_dim3A_442 = vector.broadcast %broadcast_in_dim3A_441 : i32 to vector<16xi32>
      %gather3A_443 = tpu.vector_load_idx %arg25[%get3A_355, %broadcast_in_dim3A_442] : memref<4x32xf32, #tpu.memory_space<vmem>>[vector<16xi32>, vector<16xi32>], vector<16xf32>,
      %gather3A_444 = tpu.vector_load_idx %arg26[%get3A_359, %broadcast_in_dim3A_442] : memref<4x32xf32, #tpu.memory_space<vmem>>[vector<16xi32>, vector<16xi32>], vector<16xf32>,
      %mul3A_445 = arith.mulf %gather3A_443, %gather3A_444 : vector<16xf32>
      %gather3A_446 = tpu.vector_load_idx %arg21[%add3A_352, %broadcast_in_dim3A_442] : memref<512x32xf32, #tpu.memory_space<vmem>>[vector<16xi32>, vector<16xi32>], vector<16xf32>,
      %gather3A_447 = tpu.vector_load_idx %arg22[%add3A_352, %broadcast_in_dim3A_442] : memref<512x32xf32, #tpu.memory_space<vmem>>[vector<16xi32>, vector<16xi32>], vector<16xf32>,
      %gather3A_448 = tpu.vector_load_idx %arg23[%add3A_352, %broadcast_in_dim3A_442] : memref<512x32xf32, #tpu.memory_space<vmem>>[vector<16xi32>, vector<16xi32>], vector<16xf32>,
      %gather3A_449 = tpu.vector_load_idx %arg24[%add3A_352, %broadcast_in_dim3A_442] : memref<512x32xf32, #tpu.memory_space<vmem>>[vector<16xi32>, vector<16xi32>], vector<16xf32>,
      %mul3A_450 = arith.mulf %gather3A_446, %gather3A_447 : vector<16xf32>
      %mul3A_451 = arith.mulf %mul3A_450, %mul3A_445 : vector<16xf32>
      %add3A_452 = arith.addf %add3A_389, %mul3A_451 : vector<16xf32>
      %mul3A_453 = arith.mulf %gather3A_448, %gather3A_449 : vector<16xf32>
      %mul3A_454 = arith.mulf %mul3A_453, %mul3A_445 : vector<16xf32>
      %add3A_455 = arith.addf %add3A_392, %mul3A_454 : vector<16xf32>
      %get3A_456 = arith.constant 1 : i32
      %get3A_457 = arith.index_cast %get3A_456 : i32 to index
      %get3A_458 = arith.constant 0 : index
      %get3A_459 = tpu.vector_load %arg27[%get3A_457, %get3A_458] {strides = array<i32>} : memref<256x16xf32, #tpu.memory_space<vmem>>, vector<16xf32>,
      %mul3A_460 = arith.mulf %mul3A_454, %get3A_459 : vector<16xf32>
      %add3A_461 = arith.addf %add3A_398, %mul3A_460 : vector<16xf32>
      %get3A_462 = arith.constant 33 : i32
      %get3A_463 = arith.index_cast %get3A_462 : i32 to index
      %get3A_464 = arith.constant 0 : index
      %get3A_465 = tpu.vector_load %arg27[%get3A_463, %get3A_464] {strides = array<i32>} : memref<256x16xf32, #tpu.memory_space<vmem>>, vector<16xf32>,
      %mul3A_466 = arith.mulf %mul3A_454, %get3A_465 : vector<16xf32>
      %add3A_467 = arith.addf %add3A_404, %mul3A_466 : vector<16xf32>
      %get3A_468 = arith.constant 65 : i32
      %get3A_469 = arith.index_cast %get3A_468 : i32 to index
      %get3A_470 = arith.constant 0 : index
      %get3A_471 = tpu.vector_load %arg27[%get3A_469, %get3A_470] {strides = array<i32>} : memref<256x16xf32, #tpu.memory_space<vmem>>, vector<16xf32>,
      %mul3A_472 = arith.mulf %mul3A_454, %get3A_471 : vector<16xf32>
      %add3A_473 = arith.addf %add3A_410, %mul3A_472 : vector<16xf32>
      %get3A_474 = arith.constant 97 : i32
      %get3A_475 = arith.index_cast %get3A_474 : i32 to index
      %get3A_476 = arith.constant 0 : index
      %get3A_477 = tpu.vector_load %arg27[%get3A_475, %get3A_476] {strides = array<i32>} : memref<256x16xf32, #tpu.memory_space<vmem>>, vector<16xf32>,
      %mul3A_478 = arith.mulf %mul3A_454, %get3A_477 : vector<16xf32>
      %add3A_479 = arith.addf %add3A_416, %mul3A_478 : vector<16xf32>
      %get3A_480 = arith.constant 129 : i32
      %get3A_481 = arith.index_cast %get3A_480 : i32 to index
      %get3A_482 = arith.constant 0 : index
      %get3A_483 = tpu.vector_load %arg27[%get3A_481, %get3A_482] {strides = array<i32>} : memref<256x16xf32, #tpu.memory_space<vmem>>, vector<16xf32>,
      %mul3A_484 = arith.mulf %mul3A_454, %get3A_483 : vector<16xf32>
      %add3A_485 = arith.addf %add3A_422, %mul3A_484 : vector<16xf32>
      %get3A_486 = arith.constant 161 : i32
      %get3A_487 = arith.index_cast %get3A_486 : i32 to index
      %get3A_488 = arith.constant 0 : index
      %get3A_489 = tpu.vector_load %arg27[%get3A_487, %get3A_488] {strides = array<i32>} : memref<256x16xf32, #tpu.memory_space<vmem>>, vector<16xf32>,
      %mul3A_490 = arith.mulf %mul3A_454, %get3A_489 : vector<16xf32>
      %add3A_491 = arith.addf %add3A_428, %mul3A_490 : vector<16xf32>
      %get3A_492 = arith.constant 193 : i32
      %get3A_493 = arith.index_cast %get3A_492 : i32 to index
      %get3A_494 = arith.constant 0 : index
      %get3A_495 = tpu.vector_load %arg27[%get3A_493, %get3A_494] {strides = array<i32>} : memref<256x16xf32, #tpu.memory_space<vmem>>, vector<16xf32>,
      %mul3A_496 = arith.mulf %mul3A_454, %get3A_495 : vector<16xf32>
      %add3A_497 = arith.addf %add3A_434, %mul3A_496 : vector<16xf32>
      %get3A_498 = arith.constant 225 : i32
      %get3A_499 = arith.index_cast %get3A_498 : i32 to index
      %get3A_500 = arith.constant 0 : index
      %get3A_501 = tpu.vector_load %arg27[%get3A_499, %get3A_500] {strides = array<i32>} : memref<256x16xf32, #tpu.memory_space<vmem>>, vector<16xf32>,
      %mul3A_502 = arith.mulf %mul3A_454, %get3A_501 : vector<16xf32>
      %add3A_503 = arith.addf %add3A_440, %mul3A_502 : vector<16xf32>
      %broadcast_in_dim3A_504 = arith.constant 2 : i32
      %broadcast_in_dim3A_505 = vector.broadcast %broadcast_in_dim3A_504 : i32 to vector<16xi32>
      %gather3A_506 = tpu.vector_load_idx %arg25[%get3A_355, %broadcast_in_dim3A_505] : memref<4x32xf32, #tpu.memory_space<vmem>>[vector<16xi32>, vector<16xi32>], vector<16xf32>,
      %gather3A_507 = tpu.vector_load_idx %arg26[%get3A_359, %broadcast_in_dim3A_505] : memref<4x32xf32, #tpu.memory_space<vmem>>[vector<16xi32>, vector<16xi32>], vector<16xf32>,
      %mul3A_508 = arith.mulf %gather3A_506, %gather3A_507 : vector<16xf32>
      %gather3A_509 = tpu.vector_load_idx %arg21[%add3A_352, %broadcast_in_dim3A_505] : memref<512x32xf32, #tpu.memory_space<vmem>>[vector<16xi32>, vector<16xi32>], vector<16xf32>,
      %gather3A_510 = tpu.vector_load_idx %arg22[%add3A_352, %broadcast_in_dim3A_505] : memref<512x32xf32, #tpu.memory_space<vmem>>[vector<16xi32>, vector<16xi32>], vector<16xf32>,
      %gather3A_511 = tpu.vector_load_idx %arg23[%add3A_352, %broadcast_in_dim3A_505] : memref<512x32xf32, #tpu.memory_space<vmem>>[vector<16xi32>, vector<16xi32>], vector<16xf32>,
      %gather3A_512 = tpu.vector_load_idx %arg24[%add3A_352, %broadcast_in_dim3A_505] : memref<512x32xf32, #tpu.memory_space<vmem>>[vector<16xi32>, vector<16xi32>], vector<16xf32>,
      %mul3A_513 = arith.mulf %gather3A_509, %gather3A_510 : vector<16xf32>
      %mul3A_514 = arith.mulf %mul3A_513, %mul3A_508 : vector<16xf32>
      %add3A_515 = arith.addf %add3A_452, %mul3A_514 : vector<16xf32>
      %mul3A_516 = arith.mulf %gather3A_511, %gather3A_512 : vector<16xf32>
      %mul3A_517 = arith.mulf %mul3A_516, %mul3A_508 : vector<16xf32>
      %add3A_518 = arith.addf %add3A_455, %mul3A_517 : vector<16xf32>
      %get3A_519 = arith.constant 2 : i32
      %get3A_520 = arith.index_cast %get3A_519 : i32 to index
      %get3A_521 = arith.constant 0 : index
      %get3A_522 = tpu.vector_load %arg27[%get3A_520, %get3A_521] {strides = array<i32>} : memref<256x16xf32, #tpu.memory_space<vmem>>, vector<16xf32>,
      %mul3A_523 = arith.mulf %mul3A_517, %get3A_522 : vector<16xf32>
      %add3A_524 = arith.addf %add3A_461, %mul3A_523 : vector<16xf32>
      %get3A_525 = arith.constant 34 : i32
      %get3A_526 = arith.index_cast %get3A_525 : i32 to index
      %get3A_527 = arith.constant 0 : index
      %get3A_528 = tpu.vector_load %arg27[%get3A_526, %get3A_527] {strides = array<i32>} : memref<256x16xf32, #tpu.memory_space<vmem>>, vector<16xf32>,
      %mul3A_529 = arith.mulf %mul3A_517, %get3A_528 : vector<16xf32>
      %add3A_530 = arith.addf %add3A_467, %mul3A_529 : vector<16xf32>
      %get3A_531 = arith.constant 66 : i32
      %get3A_532 = arith.index_cast %get3A_531 : i32 to index
      %get3A_533 = arith.constant 0 : index
      %get3A_534 = tpu.vector_load %arg27[%get3A_532, %get3A_533] {strides = array<i32>} : memref<256x16xf32, #tpu.memory_space<vmem>>, vector<16xf32>,
      %mul3A_535 = arith.mulf %mul3A_517, %get3A_534 : vector<16xf32>
      %add3A_536 = arith.addf %add3A_473, %mul3A_535 : vector<16xf32>
      %get3A_537 = arith.constant 98 : i32
      %get3A_538 = arith.index_cast %get3A_537 : i32 to index
      %get3A_539 = arith.constant 0 : index
      %get3A_540 = tpu.vector_load %arg27[%get3A_538, %get3A_539] {strides = array<i32>} : memref<256x16xf32, #tpu.memory_space<vmem>>, vector<16xf32>,
      %mul3A_541 = arith.mulf %mul3A_517, %get3A_540 : vector<16xf32>
      %add3A_542 = arith.addf %add3A_479, %mul3A_541 : vector<16xf32>
      %get3A_543 = arith.constant 130 : i32
      %get3A_544 = arith.index_cast %get3A_543 : i32 to index
      %get3A_545 = arith.constant 0 : index
      %get3A_546 = tpu.vector_load %arg27[%get3A_544, %get3A_545] {strides = array<i32>} : memref<256x16xf32, #tpu.memory_space<vmem>>, vector<16xf32>,
      %mul3A_547 = arith.mulf %mul3A_517, %get3A_546 : vector<16xf32>
      %add3A_548 = arith.addf %add3A_485, %mul3A_547 : vector<16xf32>
      %get3A_549 = arith.constant 162 : i32
      %get3A_550 = arith.index_cast %get3A_549 : i32 to index
      %get3A_551 = arith.constant 0 : index
      %get3A_552 = tpu.vector_load %arg27[%get3A_550, %get3A_551] {strides = array<i32>} : memref<256x16xf32, #tpu.memory_space<vmem>>, vector<16xf32>,
      %mul3A_553 = arith.mulf %mul3A_517, %get3A_552 : vector<16xf32>
      %add3A_554 = arith.addf %add3A_491, %mul3A_553 : vector<16xf32>
      %get3A_555 = arith.constant 194 : i32
      %get3A_556 = arith.index_cast %get3A_555 : i32 to index
      %get3A_557 = arith.constant 0 : index
      %get3A_558 = tpu.vector_load %arg27[%get3A_556, %get3A_557] {strides = array<i32>} : memref<256x16xf32, #tpu.memory_space<vmem>>, vector<16xf32>,
      %mul3A_559 = arith.mulf %mul3A_517, %get3A_558 : vector<16xf32>
      %add3A_560 = arith.addf %add3A_497, %mul3A_559 : vector<16xf32>
      %get3A_561 = arith.constant 226 : i32
      %get3A_562 = arith.index_cast %get3A_561 : i32 to index
      %get3A_563 = arith.constant 0 : index
      %get3A_564 = tpu.vector_load %arg27[%get3A_562, %get3A_563] {strides = array<i32>} : memref<256x16xf32, #tpu.memory_space<vmem>>, vector<16xf32>,
      %mul3A_565 = arith.mulf %mul3A_517, %get3A_564 : vector<16xf32>
      %add3A_566 = arith.addf %add3A_503, %mul3A_565 : vector<16xf32>
      %broadcast_in_dim3A_567 = arith.constant 3 : i32
      %broadcast_in_dim3A_568 = vector.broadcast %broadcast_in_dim3A_567 : i32 to vector<16xi32>
      %gather3A_569 = tpu.vector_load_idx %arg25[%get3A_355, %broadcast_in_dim3A_568] : memref<4x32xf32, #tpu.memory_space<vmem>>[vector<16xi32>, vector<16xi32>], vector<16xf32>,
      %gather3A_570 = tpu.vector_load_idx %arg26[%get3A_359, %broadcast_in_dim3A_568] : memref<4x32xf32, #tpu.memory_space<vmem>>[vector<16xi32>, vector<16xi32>], vector<16xf32>,
      %mul3A_571 = arith.mulf %gather3A_569, %gather3A_570 : vector<16xf32>
      %gather3A_572 = tpu.vector_load_idx %arg21[%add3A_352, %broadcast_in_dim3A_568] : memref<512x32xf32, #tpu.memory_space<vmem>>[vector<16xi32>, vector<16xi32>], vector<16xf32>,
      %gather3A_573 = tpu.vector_load_idx %arg22[%add3A_352, %broadcast_in_dim3A_568] : memref<512x32xf32, #tpu.memory_space<vmem>>[vector<16xi32>, vector<16xi32>], vector<16xf32>,
      %gather3A_574 = tpu.vector_load_idx %arg23[%add3A_352, %broadcast_in_dim3A_568] : memref<512x32xf32, #tpu.memory_space<vmem>>[vector<16xi32>, vector<16xi32>], vector<16xf32>,
      %gather3A_575 = tpu.vector_load_idx %arg24[%add3A_352, %broadcast_in_dim3A_568] : memref<512x32xf32, #tpu.memory_space<vmem>>[vector<16xi32>, vector<16xi32>], vector<16xf32>,
      %mul3A_576 = arith.mulf %gather3A_572, %gather3A_573 : vector<16xf32>
      %mul3A_577 = arith.mulf %mul3A_576, %mul3A_571 : vector<16xf32>
      %add3A_578 = arith.addf %add3A_515, %mul3A_577 : vector<16xf32>
      %mul3A_579 = arith.mulf %gather3A_574, %gather3A_575 : vector<16xf32>
      %mul3A_580 = arith.mulf %mul3A_579, %mul3A_571 : vector<16xf32>
      %add3A_581 = arith.addf %add3A_518, %mul3A_580 : vector<16xf32>
      %get3A_582 = arith.constant 3 : i32
      %get3A_583 = arith.index_cast %get3A_582 : i32 to index
      %get3A_584 = arith.constant 0 : index
      %get3A_585 = tpu.vector_load %arg27[%get3A_583, %get3A_584] {strides = array<i32>} : memref<256x16xf32, #tpu.memory_space<vmem>>, vector<16xf32>,
      %mul3A_586 = arith.mulf %mul3A_580, %get3A_585 : vector<16xf32>
      %add3A_587 = arith.addf %add3A_524, %mul3A_586 : vector<16xf32>
      %get3A_588 = arith.constant 35 : i32
      %get3A_589 = arith.index_cast %get3A_588 : i32 to index
      %get3A_590 = arith.constant 0 : index
      %get3A_591 = tpu.vector_load %arg27[%get3A_589, %get3A_590] {strides = array<i32>} : memref<256x16xf32, #tpu.memory_space<vmem>>, vector<16xf32>,
      %mul3A_592 = arith.mulf %mul3A_580, %get3A_591 : vector<16xf32>
      %add3A_593 = arith.addf %add3A_530, %mul3A_592 : vector<16xf32>
      %get3A_594 = arith.constant 67 : i32
      %get3A_595 = arith.index_cast %get3A_594 : i32 to index
      %get3A_596 = arith.constant 0 : index
      %get3A_597 = tpu.vector_load %arg27[%get3A_595, %get3A_596] {strides = array<i32>} : memref<256x16xf32, #tpu.memory_space<vmem>>, vector<16xf32>,
      %mul3A_598 = arith.mulf %mul3A_580, %get3A_597 : vector<16xf32>
      %add3A_599 = arith.addf %add3A_536, %mul3A_598 : vector<16xf32>
      %get3A_600 = arith.constant 99 : i32
      %get3A_601 = arith.index_cast %get3A_600 : i32 to index
      %get3A_602 = arith.constant 0 : index
      %get3A_603 = tpu.vector_load %arg27[%get3A_601, %get3A_602] {strides = array<i32>} : memref<256x16xf32, #tpu.memory_space<vmem>>, vector<16xf32>,
      %mul3A_604 = arith.mulf %mul3A_580, %get3A_603 : vector<16xf32>
      %add3A_605 = arith.addf %add3A_542, %mul3A_604 : vector<16xf32>
      %get3A_606 = arith.constant 131 : i32
      %get3A_607 = arith.index_cast %get3A_606 : i32 to index
      %get3A_608 = arith.constant 0 : index
      %get3A_609 = tpu.vector_load %arg27[%get3A_607, %get3A_608] {strides = array<i32>} : memref<256x16xf32, #tpu.memory_space<vmem>>, vector<16xf32>,
      %mul3A_610 = arith.mulf %mul3A_580, %get3A_609 : vector<16xf32>
      %add3A_611 = arith.addf %add3A_548, %mul3A_610 : vector<16xf32>
      %get3A_612 = arith.constant 163 : i32
      %get3A_613 = arith.index_cast %get3A_612 : i32 to index
      %get3A_614 = arith.constant 0 : index
      %get3A_615 = tpu.vector_load %arg27[%get3A_613, %get3A_614] {strides = array<i32>} : memref<256x16xf32, #tpu.memory_space<vmem>>, vector<16xf32>,
      %mul3A_616 = arith.mulf %mul3A_580, %get3A_615 : vector<16xf32>
      %add3A_617 = arith.addf %add3A_554, %mul3A_616 : vector<16xf32>
      %get3A_618 = arith.constant 195 : i32
      %get3A_619 = arith.index_cast %get3A_618 : i32 to index
      %get3A_620 = arith.constant 0 : index
      %get3A_621 = tpu.vector_load %arg27[%get3A_619, %get3A_620] {strides = array<i32>} : memref<256x16xf32, #tpu.memory_space<vmem>>, vector<16xf32>,
      %mul3A_622 = arith.mulf %mul3A_580, %get3A_621 : vector<16xf32>
      %add3A_623 = arith.addf %add3A_560, %mul3A_622 : vector<16xf32>
      %get3A_624 = arith.constant 227 : i32
      %get3A_625 = arith.index_cast %get3A_624 : i32 to index
      %get3A_626 = arith.constant 0 : index
      %get3A_627 = tpu.vector_load %arg27[%get3A_625, %get3A_626] {strides = array<i32>} : memref<256x16xf32, #tpu.memory_space<vmem>>, vector<16xf32>,
      %mul3A_628 = arith.mulf %mul3A_580, %get3A_627 : vector<16xf32>
      %add3A_629 = arith.addf %add3A_566, %mul3A_628 : vector<16xf32>
      %broadcast_in_dim3A_630 = arith.constant 4 : i32
      %broadcast_in_dim3A_631 = vector.broadcast %broadcast_in_dim3A_630 : i32 to vector<16xi32>
      %gather3A_632 = tpu.vector_load_idx %arg25[%get3A_355, %broadcast_in_dim3A_631] : memref<4x32xf32, #tpu.memory_space<vmem>>[vector<16xi32>, vector<16xi32>], vector<16xf32>,
      %gather3A_633 = tpu.vector_load_idx %arg26[%get3A_359, %broadcast_in_dim3A_631] : memref<4x32xf32, #tpu.memory_space<vmem>>[vector<16xi32>, vector<16xi32>], vector<16xf32>,
      %mul3A_634 = arith.mulf %gather3A_632, %gather3A_633 : vector<16xf32>
      %gather3A_635 = tpu.vector_load_idx %arg21[%add3A_352, %broadcast_in_dim3A_631] : memref<512x32xf32, #tpu.memory_space<vmem>>[vector<16xi32>, vector<16xi32>], vector<16xf32>,
      %gather3A_636 = tpu.vector_load_idx %arg22[%add3A_352, %broadcast_in_dim3A_631] : memref<512x32xf32, #tpu.memory_space<vmem>>[vector<16xi32>, vector<16xi32>], vector<16xf32>,
      %gather3A_637 = tpu.vector_load_idx %arg23[%add3A_352, %broadcast_in_dim3A_631] : memref<512x32xf32, #tpu.memory_space<vmem>>[vector<16xi32>, vector<16xi32>], vector<16xf32>,
      %gather3A_638 = tpu.vector_load_idx %arg24[%add3A_352, %broadcast_in_dim3A_631] : memref<512x32xf32, #tpu.memory_space<vmem>>[vector<16xi32>, vector<16xi32>], vector<16xf32>,
      %mul3A_639 = arith.mulf %gather3A_635, %gather3A_636 : vector<16xf32>
      %mul3A_640 = arith.mulf %mul3A_639, %mul3A_634 : vector<16xf32>
      %add3A_641 = arith.addf %add3A_578, %mul3A_640 : vector<16xf32>
      %mul3A_642 = arith.mulf %gather3A_637, %gather3A_638 : vector<16xf32>
      %mul3A_643 = arith.mulf %mul3A_642, %mul3A_634 : vector<16xf32>
      %add3A_644 = arith.addf %add3A_581, %mul3A_643 : vector<16xf32>
      %get3A_645 = arith.constant 4 : i32
      %get3A_646 = arith.index_cast %get3A_645 : i32 to index
      %get3A_647 = arith.constant 0 : index
      %get3A_648 = tpu.vector_load %arg27[%get3A_646, %get3A_647] {strides = array<i32>} : memref<256x16xf32, #tpu.memory_space<vmem>>, vector<16xf32>,
      %mul3A_649 = arith.mulf %mul3A_643, %get3A_648 : vector<16xf32>
      %add3A_650 = arith.addf %add3A_587, %mul3A_649 : vector<16xf32>
      %get3A_651 = arith.constant 36 : i32
      %get3A_652 = arith.index_cast %get3A_651 : i32 to index
      %get3A_653 = arith.constant 0 : index
      %get3A_654 = tpu.vector_load %arg27[%get3A_652, %get3A_653] {strides = array<i32>} : memref<256x16xf32, #tpu.memory_space<vmem>>, vector<16xf32>,
      %mul3A_655 = arith.mulf %mul3A_643, %get3A_654 : vector<16xf32>
      %add3A_656 = arith.addf %add3A_593, %mul3A_655 : vector<16xf32>
      %get3A_657 = arith.constant 68 : i32
      %get3A_658 = arith.index_cast %get3A_657 : i32 to index
      %get3A_659 = arith.constant 0 : index
      %get3A_660 = tpu.vector_load %arg27[%get3A_658, %get3A_659] {strides = array<i32>} : memref<256x16xf32, #tpu.memory_space<vmem>>, vector<16xf32>,
      %mul3A_661 = arith.mulf %mul3A_643, %get3A_660 : vector<16xf32>
      %add3A_662 = arith.addf %add3A_599, %mul3A_661 : vector<16xf32>
      %get3A_663 = arith.constant 100 : i32
      %get3A_664 = arith.index_cast %get3A_663 : i32 to index
      %get3A_665 = arith.constant 0 : index
      %get3A_666 = tpu.vector_load %arg27[%get3A_664, %get3A_665] {strides = array<i32>} : memref<256x16xf32, #tpu.memory_space<vmem>>, vector<16xf32>,
      %mul3A_667 = arith.mulf %mul3A_643, %get3A_666 : vector<16xf32>
      %add3A_668 = arith.addf %add3A_605, %mul3A_667 : vector<16xf32>
      %get3A_669 = arith.constant 132 : i32
      %get3A_670 = arith.index_cast %get3A_669 : i32 to index
      %get3A_671 = arith.constant 0 : index
      %get3A_672 = tpu.vector_load %arg27[%get3A_670, %get3A_671] {strides = array<i32>} : memref<256x16xf32, #tpu.memory_space<vmem>>, vector<16xf32>,
      %mul3A_673 = arith.mulf %mul3A_643, %get3A_672 : vector<16xf32>
      %add3A_674 = arith.addf %add3A_611, %mul3A_673 : vector<16xf32>
      %get3A_675 = arith.constant 164 : i32
      %get3A_676 = arith.index_cast %get3A_675 : i32 to index
      %get3A_677 = arith.constant 0 : index
      %get3A_678 = tpu.vector_load %arg27[%get3A_676, %get3A_677] {strides = array<i32>} : memref<256x16xf32, #tpu.memory_space<vmem>>, vector<16xf32>,
      %mul3A_679 = arith.mulf %mul3A_643, %get3A_678 : vector<16xf32>
      %add3A_680 = arith.addf %add3A_617, %mul3A_679 : vector<16xf32>
      %get3A_681 = arith.constant 196 : i32
      %get3A_682 = arith.index_cast %get3A_681 : i32 to index
      %get3A_683 = arith.constant 0 : index
      %get3A_684 = tpu.vector_load %arg27[%get3A_682, %get3A_683] {strides = array<i32>} : memref<256x16xf32, #tpu.memory_space<vmem>>, vector<16xf32>,
      %mul3A_685 = arith.mulf %mul3A_643, %get3A_684 : vector<16xf32>
      %add3A_686 = arith.addf %add3A_623, %mul3A_685 : vector<16xf32>
      %get3A_687 = arith.constant 228 : i32
      %get3A_688 = arith.index_cast %get3A_687 : i32 to index
      %get3A_689 = arith.constant 0 : index
      %get3A_690 = tpu.vector_load %arg27[%get3A_688, %get3A_689] {strides = array<i32>} : memref<256x16xf32, #tpu.memory_space<vmem>>, vector<16xf32>,
      %mul3A_691 = arith.mulf %mul3A_643, %get3A_690 : vector<16xf32>
      %add3A_692 = arith.addf %add3A_629, %mul3A_691 : vector<16xf32>
      %broadcast_in_dim3A_693 = arith.constant 5 : i32
      %broadcast_in_dim3A_694 = vector.broadcast %broadcast_in_dim3A_693 : i32 to vector<16xi32>
      %gather3A_695 = tpu.vector_load_idx %arg25[%get3A_355, %broadcast_in_dim3A_694] : memref<4x32xf32, #tpu.memory_space<vmem>>[vector<16xi32>, vector<16xi32>], vector<16xf32>,
      %gather3A_696 = tpu.vector_load_idx %arg26[%get3A_359, %broadcast_in_dim3A_694] : memref<4x32xf32, #tpu.memory_space<vmem>>[vector<16xi32>, vector<16xi32>], vector<16xf32>,
      %mul3A_697 = arith.mulf %gather3A_695, %gather3A_696 : vector<16xf32>
      %gather3A_698 = tpu.vector_load_idx %arg21[%add3A_352, %broadcast_in_dim3A_694] : memref<512x32xf32, #tpu.memory_space<vmem>>[vector<16xi32>, vector<16xi32>], vector<16xf32>,
      %gather3A_699 = tpu.vector_load_idx %arg22[%add3A_352, %broadcast_in_dim3A_694] : memref<512x32xf32, #tpu.memory_space<vmem>>[vector<16xi32>, vector<16xi32>], vector<16xf32>,
      %gather3A_700 = tpu.vector_load_idx %arg23[%add3A_352, %broadcast_in_dim3A_694] : memref<512x32xf32, #tpu.memory_space<vmem>>[vector<16xi32>, vector<16xi32>], vector<16xf32>,
      %gather3A_701 = tpu.vector_load_idx %arg24[%add3A_352, %broadcast_in_dim3A_694] : memref<512x32xf32, #tpu.memory_space<vmem>>[vector<16xi32>, vector<16xi32>], vector<16xf32>,
      %mul3A_702 = arith.mulf %gather3A_698, %gather3A_699 : vector<16xf32>
      %mul3A_703 = arith.mulf %mul3A_702, %mul3A_697 : vector<16xf32>
      %add3A_704 = arith.addf %add3A_641, %mul3A_703 : vector<16xf32>
      %mul3A_705 = arith.mulf %gather3A_700, %gather3A_701 : vector<16xf32>
      %mul3A_706 = arith.mulf %mul3A_705, %mul3A_697 : vector<16xf32>
      %add3A_707 = arith.addf %add3A_644, %mul3A_706 : vector<16xf32>
      %get3A_708 = arith.constant 5 : i32
      %get3A_709 = arith.index_cast %get3A_708 : i32 to index
      %get3A_710 = arith.constant 0 : index
      %get3A_711 = tpu.vector_load %arg27[%get3A_709, %get3A_710] {strides = array<i32>} : memref<256x16xf32, #tpu.memory_space<vmem>>, vector<16xf32>,
      %mul3A_712 = arith.mulf %mul3A_706, %get3A_711 : vector<16xf32>
      %add3A_713 = arith.addf %add3A_650, %mul3A_712 : vector<16xf32>
      %get3A_714 = arith.constant 37 : i32
      %get3A_715 = arith.index_cast %get3A_714 : i32 to index
      %get3A_716 = arith.constant 0 : index
      %get3A_717 = tpu.vector_load %arg27[%get3A_715, %get3A_716] {strides = array<i32>} : memref<256x16xf32, #tpu.memory_space<vmem>>, vector<16xf32>,
      %mul3A_718 = arith.mulf %mul3A_706, %get3A_717 : vector<16xf32>
      %add3A_719 = arith.addf %add3A_656, %mul3A_718 : vector<16xf32>
      %get3A_720 = arith.constant 69 : i32
      %get3A_721 = arith.index_cast %get3A_720 : i32 to index
      %get3A_722 = arith.constant 0 : index
      %get3A_723 = tpu.vector_load %arg27[%get3A_721, %get3A_722] {strides = array<i32>} : memref<256x16xf32, #tpu.memory_space<vmem>>, vector<16xf32>,
      %mul3A_724 = arith.mulf %mul3A_706, %get3A_723 : vector<16xf32>
      %add3A_725 = arith.addf %add3A_662, %mul3A_724 : vector<16xf32>
      %get3A_726 = arith.constant 101 : i32
      %get3A_727 = arith.index_cast %get3A_726 : i32 to index
      %get3A_728 = arith.constant 0 : index
      %get3A_729 = tpu.vector_load %arg27[%get3A_727, %get3A_728] {strides = array<i32>} : memref<256x16xf32, #tpu.memory_space<vmem>>, vector<16xf32>,
      %mul3A_730 = arith.mulf %mul3A_706, %get3A_729 : vector<16xf32>
      %add3A_731 = arith.addf %add3A_668, %mul3A_730 : vector<16xf32>
      %get3A_732 = arith.constant 133 : i32
      %get3A_733 = arith.index_cast %get3A_732 : i32 to index
      %get3A_734 = arith.constant 0 : index
      %get3A_735 = tpu.vector_load %arg27[%get3A_733, %get3A_734] {strides = array<i32>} : memref<256x16xf32, #tpu.memory_space<vmem>>, vector<16xf32>,
      %mul3A_736 = arith.mulf %mul3A_706, %get3A_735 : vector<16xf32>
      %add3A_737 = arith.addf %add3A_674, %mul3A_736 : vector<16xf32>
      %get3A_738 = arith.constant 165 : i32
      %get3A_739 = arith.index_cast %get3A_738 : i32 to index
      %get3A_740 = arith.constant 0 : index
      %get3A_741 = tpu.vector_load %arg27[%get3A_739, %get3A_740] {strides = array<i32>} : memref<256x16xf32, #tpu.memory_space<vmem>>, vector<16xf32>,
      %mul3A_742 = arith.mulf %mul3A_706, %get3A_741 : vector<16xf32>
      %add3A_743 = arith.addf %add3A_680, %mul3A_742 : vector<16xf32>
      %get3A_744 = arith.constant 197 : i32
      %get3A_745 = arith.index_cast %get3A_744 : i32 to index
      %get3A_746 = arith.constant 0 : index
      %get3A_747 = tpu.vector_load %arg27[%get3A_745, %get3A_746] {strides = array<i32>} : memref<256x16xf32, #tpu.memory_space<vmem>>, vector<16xf32>,
      %mul3A_748 = arith.mulf %mul3A_706, %get3A_747 : vector<16xf32>
      %add3A_749 = arith.addf %add3A_686, %mul3A_748 : vector<16xf32>
      %get3A_750 = arith.constant 229 : i32
      %get3A_751 = arith.index_cast %get3A_750 : i32 to index
      %get3A_752 = arith.constant 0 : index
      %get3A_753 = tpu.vector_load %arg27[%get3A_751, %get3A_752] {strides = array<i32>} : memref<256x16xf32, #tpu.memory_space<vmem>>, vector<16xf32>,
      %mul3A_754 = arith.mulf %mul3A_706, %get3A_753 : vector<16xf32>
      %add3A_755 = arith.addf %add3A_692, %mul3A_754 : vector<16xf32>
      %broadcast_in_dim3A_756 = arith.constant 6 : i32
      %broadcast_in_dim3A_757 = vector.broadcast %broadcast_in_dim3A_756 : i32 to vector<16xi32>
      %gather3A_758 = tpu.vector_load_idx %arg25[%get3A_355, %broadcast_in_dim3A_757] : memref<4x32xf32, #tpu.memory_space<vmem>>[vector<16xi32>, vector<16xi32>], vector<16xf32>,
      %gather3A_759 = tpu.vector_load_idx %arg26[%get3A_359, %broadcast_in_dim3A_757] : memref<4x32xf32, #tpu.memory_space<vmem>>[vector<16xi32>, vector<16xi32>], vector<16xf32>,
      %mul3A_760 = arith.mulf %gather3A_758, %gather3A_759 : vector<16xf32>
      %gather3A_761 = tpu.vector_load_idx %arg21[%add3A_352, %broadcast_in_dim3A_757] : memref<512x32xf32, #tpu.memory_space<vmem>>[vector<16xi32>, vector<16xi32>], vector<16xf32>,
      %gather3A_762 = tpu.vector_load_idx %arg22[%add3A_352, %broadcast_in_dim3A_757] : memref<512x32xf32, #tpu.memory_space<vmem>>[vector<16xi32>, vector<16xi32>], vector<16xf32>,
      %gather3A_763 = tpu.vector_load_idx %arg23[%add3A_352, %broadcast_in_dim3A_757] : memref<512x32xf32, #tpu.memory_space<vmem>>[vector<16xi32>, vector<16xi32>], vector<16xf32>,
      %gather3A_764 = tpu.vector_load_idx %arg24[%add3A_352, %broadcast_in_dim3A_757] : memref<512x32xf32, #tpu.memory_space<vmem>>[vector<16xi32>, vector<16xi32>], vector<16xf32>,
      %mul3A_765 = arith.mulf %gather3A_761, %gather3A_762 : vector<16xf32>
      %mul3A_766 = arith.mulf %mul3A_765, %mul3A_760 : vector<16xf32>
      %add3A_767 = arith.addf %add3A_704, %mul3A_766 : vector<16xf32>
      %mul3A_768 = arith.mulf %gather3A_763, %gather3A_764 : vector<16xf32>
      %mul3A_769 = arith.mulf %mul3A_768, %mul3A_760 : vector<16xf32>
      %add3A_770 = arith.addf %add3A_707, %mul3A_769 : vector<16xf32>
      %get3A_771 = arith.constant 6 : i32
      %get3A_772 = arith.index_cast %get3A_771 : i32 to index
      %get3A_773 = arith.constant 0 : index
      %get3A_774 = tpu.vector_load %arg27[%get3A_772, %get3A_773] {strides = array<i32>} : memref<256x16xf32, #tpu.memory_space<vmem>>, vector<16xf32>,
      %mul3A_775 = arith.mulf %mul3A_769, %get3A_774 : vector<16xf32>
      %add3A_776 = arith.addf %add3A_713, %mul3A_775 : vector<16xf32>
      %get3A_777 = arith.constant 38 : i32
      %get3A_778 = arith.index_cast %get3A_777 : i32 to index
      %get3A_779 = arith.constant 0 : index
      %get3A_780 = tpu.vector_load %arg27[%get3A_778, %get3A_779] {strides = array<i32>} : memref<256x16xf32, #tpu.memory_space<vmem>>, vector<16xf32>,
      %mul3A_781 = arith.mulf %mul3A_769, %get3A_780 : vector<16xf32>
      %add3A_782 = arith.addf %add3A_719, %mul3A_781 : vector<16xf32>
      %get3A_783 = arith.constant 70 : i32
      %get3A_784 = arith.index_cast %get3A_783 : i32 to index
      %get3A_785 = arith.constant 0 : index
      %get3A_786 = tpu.vector_load %arg27[%get3A_784, %get3A_785] {strides = array<i32>} : memref<256x16xf32, #tpu.memory_space<vmem>>, vector<16xf32>,
      %mul3A_787 = arith.mulf %mul3A_769, %get3A_786 : vector<16xf32>
      %add3A_788 = arith.addf %add3A_725, %mul3A_787 : vector<16xf32>
      %get3A_789 = arith.constant 102 : i32
      %get3A_790 = arith.index_cast %get3A_789 : i32 to index
      %get3A_791 = arith.constant 0 : index
      %get3A_792 = tpu.vector_load %arg27[%get3A_790, %get3A_791] {strides = array<i32>} : memref<256x16xf32, #tpu.memory_space<vmem>>, vector<16xf32>,
      %mul3A_793 = arith.mulf %mul3A_769, %get3A_792 : vector<16xf32>
      %add3A_794 = arith.addf %add3A_731, %mul3A_793 : vector<16xf32>
      %get3A_795 = arith.constant 134 : i32
      %get3A_796 = arith.index_cast %get3A_795 : i32 to index
      %get3A_797 = arith.constant 0 : index
      %get3A_798 = tpu.vector_load %arg27[%get3A_796, %get3A_797] {strides = array<i32>} : memref<256x16xf32, #tpu.memory_space<vmem>>, vector<16xf32>,
      %mul3A_799 = arith.mulf %mul3A_769, %get3A_798 : vector<16xf32>
      %add3A_800 = arith.addf %add3A_737, %mul3A_799 : vector<16xf32>
      %get3A_801 = arith.constant 166 : i32
      %get3A_802 = arith.index_cast %get3A_801 : i32 to index
      %get3A_803 = arith.constant 0 : index
      %get3A_804 = tpu.vector_load %arg27[%get3A_802, %get3A_803] {strides = array<i32>} : memref<256x16xf32, #tpu.memory_space<vmem>>, vector<16xf32>,
      %mul3A_805 = arith.mulf %mul3A_769, %get3A_804 : vector<16xf32>
      %add3A_806 = arith.addf %add3A_743, %mul3A_805 : vector<16xf32>
      %get3A_807 = arith.constant 198 : i32
      %get3A_808 = arith.index_cast %get3A_807 : i32 to index
      %get3A_809 = arith.constant 0 : index
      %get3A_810 = tpu.vector_load %arg27[%get3A_808, %get3A_809] {strides = array<i32>} : memref<256x16xf32, #tpu.memory_space<vmem>>, vector<16xf32>,
      %mul3A_811 = arith.mulf %mul3A_769, %get3A_810 : vector<16xf32>
      %add3A_812 = arith.addf %add3A_749, %mul3A_811 : vector<16xf32>
      %get3A_813 = arith.constant 230 : i32
      %get3A_814 = arith.index_cast %get3A_813 : i32 to index
      %get3A_815 = arith.constant 0 : index
      %get3A_816 = tpu.vector_load %arg27[%get3A_814, %get3A_815] {strides = array<i32>} : memref<256x16xf32, #tpu.memory_space<vmem>>, vector<16xf32>,
      %mul3A_817 = arith.mulf %mul3A_769, %get3A_816 : vector<16xf32>
      %add3A_818 = arith.addf %add3A_755, %mul3A_817 : vector<16xf32>
      %broadcast_in_dim3A_819 = arith.constant 7 : i32
      %broadcast_in_dim3A_820 = vector.broadcast %broadcast_in_dim3A_819 : i32 to vector<16xi32>
      %gather3A_821 = tpu.vector_load_idx %arg25[%get3A_355, %broadcast_in_dim3A_820] : memref<4x32xf32, #tpu.memory_space<vmem>>[vector<16xi32>, vector<16xi32>], vector<16xf32>,
      %gather3A_822 = tpu.vector_load_idx %arg26[%get3A_359, %broadcast_in_dim3A_820] : memref<4x32xf32, #tpu.memory_space<vmem>>[vector<16xi32>, vector<16xi32>], vector<16xf32>,
      %mul3A_823 = arith.mulf %gather3A_821, %gather3A_822 : vector<16xf32>
      %gather3A_824 = tpu.vector_load_idx %arg21[%add3A_352, %broadcast_in_dim3A_820] : memref<512x32xf32, #tpu.memory_space<vmem>>[vector<16xi32>, vector<16xi32>], vector<16xf32>,
      %gather3A_825 = tpu.vector_load_idx %arg22[%add3A_352, %broadcast_in_dim3A_820] : memref<512x32xf32, #tpu.memory_space<vmem>>[vector<16xi32>, vector<16xi32>], vector<16xf32>,
      %gather3A_826 = tpu.vector_load_idx %arg23[%add3A_352, %broadcast_in_dim3A_820] : memref<512x32xf32, #tpu.memory_space<vmem>>[vector<16xi32>, vector<16xi32>], vector<16xf32>,
      %gather3A_827 = tpu.vector_load_idx %arg24[%add3A_352, %broadcast_in_dim3A_820] : memref<512x32xf32, #tpu.memory_space<vmem>>[vector<16xi32>, vector<16xi32>], vector<16xf32>,
      %mul3A_828 = arith.mulf %gather3A_824, %gather3A_825 : vector<16xf32>
      %mul3A_829 = arith.mulf %mul3A_828, %mul3A_823 : vector<16xf32>
      %add3A_830 = arith.addf %add3A_767, %mul3A_829 : vector<16xf32>
      %mul3A_831 = arith.mulf %gather3A_826, %gather3A_827 : vector<16xf32>
      %mul3A_832 = arith.mulf %mul3A_831, %mul3A_823 : vector<16xf32>
      %add3A_833 = arith.addf %add3A_770, %mul3A_832 : vector<16xf32>
      %get3A_834 = arith.constant 7 : i32
      %get3A_835 = arith.index_cast %get3A_834 : i32 to index
      %get3A_836 = arith.constant 0 : index
      %get3A_837 = tpu.vector_load %arg27[%get3A_835, %get3A_836] {strides = array<i32>} : memref<256x16xf32, #tpu.memory_space<vmem>>, vector<16xf32>,
      %mul3A_838 = arith.mulf %mul3A_832, %get3A_837 : vector<16xf32>
      %add3A_839 = arith.addf %add3A_776, %mul3A_838 : vector<16xf32>
      %get3A_840 = arith.constant 39 : i32
      %get3A_841 = arith.index_cast %get3A_840 : i32 to index
      %get3A_842 = arith.constant 0 : index
      %get3A_843 = tpu.vector_load %arg27[%get3A_841, %get3A_842] {strides = array<i32>} : memref<256x16xf32, #tpu.memory_space<vmem>>, vector<16xf32>,
      %mul3A_844 = arith.mulf %mul3A_832, %get3A_843 : vector<16xf32>
      %add3A_845 = arith.addf %add3A_782, %mul3A_844 : vector<16xf32>
      %get3A_846 = arith.constant 71 : i32
      %get3A_847 = arith.index_cast %get3A_846 : i32 to index
      %get3A_848 = arith.constant 0 : index
      %get3A_849 = tpu.vector_load %arg27[%get3A_847, %get3A_848] {strides = array<i32>} : memref<256x16xf32, #tpu.memory_space<vmem>>, vector<16xf32>,
      %mul3A_850 = arith.mulf %mul3A_832, %get3A_849 : vector<16xf32>
      %add3A_851 = arith.addf %add3A_788, %mul3A_850 : vector<16xf32>
      %get3A_852 = arith.constant 103 : i32
      %get3A_853 = arith.index_cast %get3A_852 : i32 to index
      %get3A_854 = arith.constant 0 : index
      %get3A_855 = tpu.vector_load %arg27[%get3A_853, %get3A_854] {strides = array<i32>} : memref<256x16xf32, #tpu.memory_space<vmem>>, vector<16xf32>,
      %mul3A_856 = arith.mulf %mul3A_832, %get3A_855 : vector<16xf32>
      %add3A_857 = arith.addf %add3A_794, %mul3A_856 : vector<16xf32>
      %get3A_858 = arith.constant 135 : i32
      %get3A_859 = arith.index_cast %get3A_858 : i32 to index
      %get3A_860 = arith.constant 0 : index
      %get3A_861 = tpu.vector_load %arg27[%get3A_859, %get3A_860] {strides = array<i32>} : memref<256x16xf32, #tpu.memory_space<vmem>>, vector<16xf32>,
      %mul3A_862 = arith.mulf %mul3A_832, %get3A_861 : vector<16xf32>
      %add3A_863 = arith.addf %add3A_800, %mul3A_862 : vector<16xf32>
      %get3A_864 = arith.constant 167 : i32
      %get3A_865 = arith.index_cast %get3A_864 : i32 to index
      %get3A_866 = arith.constant 0 : index
      %get3A_867 = tpu.vector_load %arg27[%get3A_865, %get3A_866] {strides = array<i32>} : memref<256x16xf32, #tpu.memory_space<vmem>>, vector<16xf32>,
      %mul3A_868 = arith.mulf %mul3A_832, %get3A_867 : vector<16xf32>
      %add3A_869 = arith.addf %add3A_806, %mul3A_868 : vector<16xf32>
      %get3A_870 = arith.constant 199 : i32
      %get3A_871 = arith.index_cast %get3A_870 : i32 to index
      %get3A_872 = arith.constant 0 : index
      %get3A_873 = tpu.vector_load %arg27[%get3A_871, %get3A_872] {strides = array<i32>} : memref<256x16xf32, #tpu.memory_space<vmem>>, vector<16xf32>,
      %mul3A_874 = arith.mulf %mul3A_832, %get3A_873 : vector<16xf32>
      %add3A_875 = arith.addf %add3A_812, %mul3A_874 : vector<16xf32>
      %get3A_876 = arith.constant 231 : i32
      %get3A_877 = arith.index_cast %get3A_876 : i32 to index
      %get3A_878 = arith.constant 0 : index
      %get3A_879 = tpu.vector_load %arg27[%get3A_877, %get3A_878] {strides = array<i32>} : memref<256x16xf32, #tpu.memory_space<vmem>>, vector<16xf32>,
      %mul3A_880 = arith.mulf %mul3A_832, %get3A_879 : vector<16xf32>
      %add3A_881 = arith.addf %add3A_818, %mul3A_880 : vector<16xf32>
      %broadcast_in_dim3A_882 = arith.constant 8 : i32
      %broadcast_in_dim3A_883 = vector.broadcast %broadcast_in_dim3A_882 : i32 to vector<16xi32>
      %gather3A_884 = tpu.vector_load_idx %arg25[%get3A_355, %broadcast_in_dim3A_883] : memref<4x32xf32, #tpu.memory_space<vmem>>[vector<16xi32>, vector<16xi32>], vector<16xf32>,
      %gather3A_885 = tpu.vector_load_idx %arg26[%get3A_359, %broadcast_in_dim3A_883] : memref<4x32xf32, #tpu.memory_space<vmem>>[vector<16xi32>, vector<16xi32>], vector<16xf32>,
      %mul3A_886 = arith.mulf %gather3A_884, %gather3A_885 : vector<16xf32>
      %gather3A_887 = tpu.vector_load_idx %arg21[%add3A_352, %broadcast_in_dim3A_883] : memref<512x32xf32, #tpu.memory_space<vmem>>[vector<16xi32>, vector<16xi32>], vector<16xf32>,
      %gather3A_888 = tpu.vector_load_idx %arg22[%add3A_352, %broadcast_in_dim3A_883] : memref<512x32xf32, #tpu.memory_space<vmem>>[vector<16xi32>, vector<16xi32>], vector<16xf32>,
      %gather3A_889 = tpu.vector_load_idx %arg23[%add3A_352, %broadcast_in_dim3A_883] : memref<512x32xf32, #tpu.memory_space<vmem>>[vector<16xi32>, vector<16xi32>], vector<16xf32>,
      %gather3A_890 = tpu.vector_load_idx %arg24[%add3A_352, %broadcast_in_dim3A_883] : memref<512x32xf32, #tpu.memory_space<vmem>>[vector<16xi32>, vector<16xi32>], vector<16xf32>,
      %mul3A_891 = arith.mulf %gather3A_887, %gather3A_888 : vector<16xf32>
      %mul3A_892 = arith.mulf %mul3A_891, %mul3A_886 : vector<16xf32>
      %add3A_893 = arith.addf %add3A_830, %mul3A_892 : vector<16xf32>
      %mul3A_894 = arith.mulf %gather3A_889, %gather3A_890 : vector<16xf32>
      %mul3A_895 = arith.mulf %mul3A_894, %mul3A_886 : vector<16xf32>
      %add3A_896 = arith.addf %add3A_833, %mul3A_895 : vector<16xf32>
      %get3A_897 = arith.constant 8 : i32
      %get3A_898 = arith.index_cast %get3A_897 : i32 to index
      %get3A_899 = arith.constant 0 : index
      %get3A_900 = tpu.vector_load %arg27[%get3A_898, %get3A_899] {strides = array<i32>} : memref<256x16xf32, #tpu.memory_space<vmem>>, vector<16xf32>,
      %mul3A_901 = arith.mulf %mul3A_895, %get3A_900 : vector<16xf32>
      %add3A_902 = arith.addf %add3A_839, %mul3A_901 : vector<16xf32>
      %get3A_903 = arith.constant 40 : i32
      %get3A_904 = arith.index_cast %get3A_903 : i32 to index
      %get3A_905 = arith.constant 0 : index
      %get3A_906 = tpu.vector_load %arg27[%get3A_904, %get3A_905] {strides = array<i32>} : memref<256x16xf32, #tpu.memory_space<vmem>>, vector<16xf32>,
      %mul3A_907 = arith.mulf %mul3A_895, %get3A_906 : vector<16xf32>
      %add3A_908 = arith.addf %add3A_845, %mul3A_907 : vector<16xf32>
      %get3A_909 = arith.constant 72 : i32
      %get3A_910 = arith.index_cast %get3A_909 : i32 to index
      %get3A_911 = arith.constant 0 : index
      %get3A_912 = tpu.vector_load %arg27[%get3A_910, %get3A_911] {strides = array<i32>} : memref<256x16xf32, #tpu.memory_space<vmem>>, vector<16xf32>,
      %mul3A_913 = arith.mulf %mul3A_895, %get3A_912 : vector<16xf32>
      %add3A_914 = arith.addf %add3A_851, %mul3A_913 : vector<16xf32>
      %get3A_915 = arith.constant 104 : i32
      %get3A_916 = arith.index_cast %get3A_915 : i32 to index
      %get3A_917 = arith.constant 0 : index
      %get3A_918 = tpu.vector_load %arg27[%get3A_916, %get3A_917] {strides = array<i32>} : memref<256x16xf32, #tpu.memory_space<vmem>>, vector<16xf32>,
      %mul3A_919 = arith.mulf %mul3A_895, %get3A_918 : vector<16xf32>
      %add3A_920 = arith.addf %add3A_857, %mul3A_919 : vector<16xf32>
      %get3A_921 = arith.constant 136 : i32
      %get3A_922 = arith.index_cast %get3A_921 : i32 to index
      %get3A_923 = arith.constant 0 : index
      %get3A_924 = tpu.vector_load %arg27[%get3A_922, %get3A_923] {strides = array<i32>} : memref<256x16xf32, #tpu.memory_space<vmem>>, vector<16xf32>,
      %mul3A_925 = arith.mulf %mul3A_895, %get3A_924 : vector<16xf32>
      %add3A_926 = arith.addf %add3A_863, %mul3A_925 : vector<16xf32>
      %get3A_927 = arith.constant 168 : i32
      %get3A_928 = arith.index_cast %get3A_927 : i32 to index
      %get3A_929 = arith.constant 0 : index
      %get3A_930 = tpu.vector_load %arg27[%get3A_928, %get3A_929] {strides = array<i32>} : memref<256x16xf32, #tpu.memory_space<vmem>>, vector<16xf32>,
      %mul3A_931 = arith.mulf %mul3A_895, %get3A_930 : vector<16xf32>
      %add3A_932 = arith.addf %add3A_869, %mul3A_931 : vector<16xf32>
      %get3A_933 = arith.constant 200 : i32
      %get3A_934 = arith.index_cast %get3A_933 : i32 to index
      %get3A_935 = arith.constant 0 : index
      %get3A_936 = tpu.vector_load %arg27[%get3A_934, %get3A_935] {strides = array<i32>} : memref<256x16xf32, #tpu.memory_space<vmem>>, vector<16xf32>,
      %mul3A_937 = arith.mulf %mul3A_895, %get3A_936 : vector<16xf32>
      %add3A_938 = arith.addf %add3A_875, %mul3A_937 : vector<16xf32>
      %get3A_939 = arith.constant 232 : i32
      %get3A_940 = arith.index_cast %get3A_939 : i32 to index
      %get3A_941 = arith.constant 0 : index
      %get3A_942 = tpu.vector_load %arg27[%get3A_940, %get3A_941] {strides = array<i32>} : memref<256x16xf32, #tpu.memory_space<vmem>>, vector<16xf32>,
      %mul3A_943 = arith.mulf %mul3A_895, %get3A_942 : vector<16xf32>
      %add3A_944 = arith.addf %add3A_881, %mul3A_943 : vector<16xf32>
      %broadcast_in_dim3A_945 = arith.constant 9 : i32
      %broadcast_in_dim3A_946 = vector.broadcast %broadcast_in_dim3A_945 : i32 to vector<16xi32>
      %gather3A_947 = tpu.vector_load_idx %arg25[%get3A_355, %broadcast_in_dim3A_946] : memref<4x32xf32, #tpu.memory_space<vmem>>[vector<16xi32>, vector<16xi32>], vector<16xf32>,
      %gather3A_948 = tpu.vector_load_idx %arg26[%get3A_359, %broadcast_in_dim3A_946] : memref<4x32xf32, #tpu.memory_space<vmem>>[vector<16xi32>, vector<16xi32>], vector<16xf32>,
      %mul3A_949 = arith.mulf %gather3A_947, %gather3A_948 : vector<16xf32>
      %gather3A_950 = tpu.vector_load_idx %arg21[%add3A_352, %broadcast_in_dim3A_946] : memref<512x32xf32, #tpu.memory_space<vmem>>[vector<16xi32>, vector<16xi32>], vector<16xf32>,
      %gather3A_951 = tpu.vector_load_idx %arg22[%add3A_352, %broadcast_in_dim3A_946] : memref<512x32xf32, #tpu.memory_space<vmem>>[vector<16xi32>, vector<16xi32>], vector<16xf32>,
      %gather3A_952 = tpu.vector_load_idx %arg23[%add3A_352, %broadcast_in_dim3A_946] : memref<512x32xf32, #tpu.memory_space<vmem>>[vector<16xi32>, vector<16xi32>], vector<16xf32>,
      %gather3A_953 = tpu.vector_load_idx %arg24[%add3A_352, %broadcast_in_dim3A_946] : memref<512x32xf32, #tpu.memory_space<vmem>>[vector<16xi32>, vector<16xi32>], vector<16xf32>,
      %mul3A_954 = arith.mulf %gather3A_950, %gather3A_951 : vector<16xf32>
      %mul3A_955 = arith.mulf %mul3A_954, %mul3A_949 : vector<16xf32>
      %add3A_956 = arith.addf %add3A_893, %mul3A_955 : vector<16xf32>
      %mul3A_957 = arith.mulf %gather3A_952, %gather3A_953 : vector<16xf32>
      %mul3A_958 = arith.mulf %mul3A_957, %mul3A_949 : vector<16xf32>
      %add3A_959 = arith.addf %add3A_896, %mul3A_958 : vector<16xf32>
      %get3A_960 = arith.constant 9 : i32
      %get3A_961 = arith.index_cast %get3A_960 : i32 to index
      %get3A_962 = arith.constant 0 : index
      %get3A_963 = tpu.vector_load %arg27[%get3A_961, %get3A_962] {strides = array<i32>} : memref<256x16xf32, #tpu.memory_space<vmem>>, vector<16xf32>,
      %mul3A_964 = arith.mulf %mul3A_958, %get3A_963 : vector<16xf32>
      %add3A_965 = arith.addf %add3A_902, %mul3A_964 : vector<16xf32>
      %get3A_966 = arith.constant 41 : i32
      %get3A_967 = arith.index_cast %get3A_966 : i32 to index
      %get3A_968 = arith.constant 0 : index
      %get3A_969 = tpu.vector_load %arg27[%get3A_967, %get3A_968] {strides = array<i32>} : memref<256x16xf32, #tpu.memory_space<vmem>>, vector<16xf32>,
      %mul3A_970 = arith.mulf %mul3A_958, %get3A_969 : vector<16xf32>
      %add3A_971 = arith.addf %add3A_908, %mul3A_970 : vector<16xf32>
      %get3A_972 = arith.constant 73 : i32
      %get3A_973 = arith.index_cast %get3A_972 : i32 to index
      %get3A_974 = arith.constant 0 : index
      %get3A_975 = tpu.vector_load %arg27[%get3A_973, %get3A_974] {strides = array<i32>} : memref<256x16xf32, #tpu.memory_space<vmem>>, vector<16xf32>,
      %mul3A_976 = arith.mulf %mul3A_958, %get3A_975 : vector<16xf32>
      %add3A_977 = arith.addf %add3A_914, %mul3A_976 : vector<16xf32>
      %get3A_978 = arith.constant 105 : i32
      %get3A_979 = arith.index_cast %get3A_978 : i32 to index
      %get3A_980 = arith.constant 0 : index
      %get3A_981 = tpu.vector_load %arg27[%get3A_979, %get3A_980] {strides = array<i32>} : memref<256x16xf32, #tpu.memory_space<vmem>>, vector<16xf32>,
      %mul3A_982 = arith.mulf %mul3A_958, %get3A_981 : vector<16xf32>
      %add3A_983 = arith.addf %add3A_920, %mul3A_982 : vector<16xf32>
      %get3A_984 = arith.constant 137 : i32
      %get3A_985 = arith.index_cast %get3A_984 : i32 to index
      %get3A_986 = arith.constant 0 : index
      %get3A_987 = tpu.vector_load %arg27[%get3A_985, %get3A_986] {strides = array<i32>} : memref<256x16xf32, #tpu.memory_space<vmem>>, vector<16xf32>,
      %mul3A_988 = arith.mulf %mul3A_958, %get3A_987 : vector<16xf32>
      %add3A_989 = arith.addf %add3A_926, %mul3A_988 : vector<16xf32>
      %get3A_990 = arith.constant 169 : i32
      %get3A_991 = arith.index_cast %get3A_990 : i32 to index
      %get3A_992 = arith.constant 0 : index
      %get3A_993 = tpu.vector_load %arg27[%get3A_991, %get3A_992] {strides = array<i32>} : memref<256x16xf32, #tpu.memory_space<vmem>>, vector<16xf32>,
      %mul3A_994 = arith.mulf %mul3A_958, %get3A_993 : vector<16xf32>
      %add3A_995 = arith.addf %add3A_932, %mul3A_994 : vector<16xf32>
      %get3A_996 = arith.constant 201 : i32
      %get3A_997 = arith.index_cast %get3A_996 : i32 to index
      %get3A_998 = arith.constant 0 : index
      %get3A_999 = tpu.vector_load %arg27[%get3A_997, %get3A_998] {strides = array<i32>} : memref<256x16xf32, #tpu.memory_space<vmem>>, vector<16xf32>,
      %mul3A_1000 = arith.mulf %mul3A_958, %get3A_999 : vector<16xf32>
      %add3A_1001 = arith.addf %add3A_938, %mul3A_1000 : vector<16xf32>
      %get3A_1002 = arith.constant 233 : i32
      %get3A_1003 = arith.index_cast %get3A_1002 : i32 to index
      %get3A_1004 = arith.constant 0 : index
      %get3A_1005 = tpu.vector_load %arg27[%get3A_1003, %get3A_1004] {strides = array<i32>} : memref<256x16xf32, #tpu.memory_space<vmem>>, vector<16xf32>,
      %mul3A_1006 = arith.mulf %mul3A_958, %get3A_1005 : vector<16xf32>
      %add3A_1007 = arith.addf %add3A_944, %mul3A_1006 : vector<16xf32>
      %broadcast_in_dim3A_1008 = arith.constant 10 : i32
      %broadcast_in_dim3A_1009 = vector.broadcast %broadcast_in_dim3A_1008 : i32 to vector<16xi32>
      %gather3A_1010 = tpu.vector_load_idx %arg25[%get3A_355, %broadcast_in_dim3A_1009] : memref<4x32xf32, #tpu.memory_space<vmem>>[vector<16xi32>, vector<16xi32>], vector<16xf32>,
      %gather3A_1011 = tpu.vector_load_idx %arg26[%get3A_359, %broadcast_in_dim3A_1009] : memref<4x32xf32, #tpu.memory_space<vmem>>[vector<16xi32>, vector<16xi32>], vector<16xf32>,
      %mul3A_1012 = arith.mulf %gather3A_1010, %gather3A_1011 : vector<16xf32>
      %gather3A_1013 = tpu.vector_load_idx %arg21[%add3A_352, %broadcast_in_dim3A_1009] : memref<512x32xf32, #tpu.memory_space<vmem>>[vector<16xi32>, vector<16xi32>], vector<16xf32>,
      %gather3A_1014 = tpu.vector_load_idx %arg22[%add3A_352, %broadcast_in_dim3A_1009] : memref<512x32xf32, #tpu.memory_space<vmem>>[vector<16xi32>, vector<16xi32>], vector<16xf32>,
      %gather3A_1015 = tpu.vector_load_idx %arg23[%add3A_352, %broadcast_in_dim3A_1009] : memref<512x32xf32, #tpu.memory_space<vmem>>[vector<16xi32>, vector<16xi32>], vector<16xf32>,
      %gather3A_1016 = tpu.vector_load_idx %arg24[%add3A_352, %broadcast_in_dim3A_1009] : memref<512x32xf32, #tpu.memory_space<vmem>>[vector<16xi32>, vector<16xi32>], vector<16xf32>,
      %mul3A_1017 = arith.mulf %gather3A_1013, %gather3A_1014 : vector<16xf32>
      %mul3A_1018 = arith.mulf %mul3A_1017, %mul3A_1012 : vector<16xf32>
      %add3A_1019 = arith.addf %add3A_956, %mul3A_1018 : vector<16xf32>
      %mul3A_1020 = arith.mulf %gather3A_1015, %gather3A_1016 : vector<16xf32>
      %mul3A_1021 = arith.mulf %mul3A_1020, %mul3A_1012 : vector<16xf32>
      %add3A_1022 = arith.addf %add3A_959, %mul3A_1021 : vector<16xf32>
      %get3A_1023 = arith.constant 10 : i32
      %get3A_1024 = arith.index_cast %get3A_1023 : i32 to index
      %get3A_1025 = arith.constant 0 : index
      %get3A_1026 = tpu.vector_load %arg27[%get3A_1024, %get3A_1025] {strides = array<i32>} : memref<256x16xf32, #tpu.memory_space<vmem>>, vector<16xf32>,
      %mul3A_1027 = arith.mulf %mul3A_1021, %get3A_1026 : vector<16xf32>
      %add3A_1028 = arith.addf %add3A_965, %mul3A_1027 : vector<16xf32>
      %get3A_1029 = arith.constant 42 : i32
      %get3A_1030 = arith.index_cast %get3A_1029 : i32 to index
      %get3A_1031 = arith.constant 0 : index
      %get3A_1032 = tpu.vector_load %arg27[%get3A_1030, %get3A_1031] {strides = array<i32>} : memref<256x16xf32, #tpu.memory_space<vmem>>, vector<16xf32>,
      %mul3A_1033 = arith.mulf %mul3A_1021, %get3A_1032 : vector<16xf32>
      %add3A_1034 = arith.addf %add3A_971, %mul3A_1033 : vector<16xf32>
      %get3A_1035 = arith.constant 74 : i32
      %get3A_1036 = arith.index_cast %get3A_1035 : i32 to index
      %get3A_1037 = arith.constant 0 : index
      %get3A_1038 = tpu.vector_load %arg27[%get3A_1036, %get3A_1037] {strides = array<i32>} : memref<256x16xf32, #tpu.memory_space<vmem>>, vector<16xf32>,
      %mul3A_1039 = arith.mulf %mul3A_1021, %get3A_1038 : vector<16xf32>
      %add3A_1040 = arith.addf %add3A_977, %mul3A_1039 : vector<16xf32>
      %get3A_1041 = arith.constant 106 : i32
      %get3A_1042 = arith.index_cast %get3A_1041 : i32 to index
      %get3A_1043 = arith.constant 0 : index
      %get3A_1044 = tpu.vector_load %arg27[%get3A_1042, %get3A_1043] {strides = array<i32>} : memref<256x16xf32, #tpu.memory_space<vmem>>, vector<16xf32>,
      %mul3A_1045 = arith.mulf %mul3A_1021, %get3A_1044 : vector<16xf32>
      %add3A_1046 = arith.addf %add3A_983, %mul3A_1045 : vector<16xf32>
      %get3A_1047 = arith.constant 138 : i32
      %get3A_1048 = arith.index_cast %get3A_1047 : i32 to index
      %get3A_1049 = arith.constant 0 : index
      %get3A_1050 = tpu.vector_load %arg27[%get3A_1048, %get3A_1049] {strides = array<i32>} : memref<256x16xf32, #tpu.memory_space<vmem>>, vector<16xf32>,
      %mul3A_1051 = arith.mulf %mul3A_1021, %get3A_1050 : vector<16xf32>
      %add3A_1052 = arith.addf %add3A_989, %mul3A_1051 : vector<16xf32>
      %get3A_1053 = arith.constant 170 : i32
      %get3A_1054 = arith.index_cast %get3A_1053 : i32 to index
      %get3A_1055 = arith.constant 0 : index
      %get3A_1056 = tpu.vector_load %arg27[%get3A_1054, %get3A_1055] {strides = array<i32>} : memref<256x16xf32, #tpu.memory_space<vmem>>, vector<16xf32>,
      %mul3A_1057 = arith.mulf %mul3A_1021, %get3A_1056 : vector<16xf32>
      %add3A_1058 = arith.addf %add3A_995, %mul3A_1057 : vector<16xf32>
      %get3A_1059 = arith.constant 202 : i32
      %get3A_1060 = arith.index_cast %get3A_1059 : i32 to index
      %get3A_1061 = arith.constant 0 : index
      %get3A_1062 = tpu.vector_load %arg27[%get3A_1060, %get3A_1061] {strides = array<i32>} : memref<256x16xf32, #tpu.memory_space<vmem>>, vector<16xf32>,
      %mul3A_1063 = arith.mulf %mul3A_1021, %get3A_1062 : vector<16xf32>
      %add3A_1064 = arith.addf %add3A_1001, %mul3A_1063 : vector<16xf32>
      %get3A_1065 = arith.constant 234 : i32
      %get3A_1066 = arith.index_cast %get3A_1065 : i32 to index
      %get3A_1067 = arith.constant 0 : index
      %get3A_1068 = tpu.vector_load %arg27[%get3A_1066, %get3A_1067] {strides = array<i32>} : memref<256x16xf32, #tpu.memory_space<vmem>>, vector<16xf32>,
      %mul3A_1069 = arith.mulf %mul3A_1021, %get3A_1068 : vector<16xf32>
      %add3A_1070 = arith.addf %add3A_1007, %mul3A_1069 : vector<16xf32>
      %broadcast_in_dim3A_1071 = arith.constant 11 : i32
      %broadcast_in_dim3A_1072 = vector.broadcast %broadcast_in_dim3A_1071 : i32 to vector<16xi32>
      %gather3A_1073 = tpu.vector_load_idx %arg25[%get3A_355, %broadcast_in_dim3A_1072] : memref<4x32xf32, #tpu.memory_space<vmem>>[vector<16xi32>, vector<16xi32>], vector<16xf32>,
      %gather3A_1074 = tpu.vector_load_idx %arg26[%get3A_359, %broadcast_in_dim3A_1072] : memref<4x32xf32, #tpu.memory_space<vmem>>[vector<16xi32>, vector<16xi32>], vector<16xf32>,
      %mul3A_1075 = arith.mulf %gather3A_1073, %gather3A_1074 : vector<16xf32>
      %gather3A_1076 = tpu.vector_load_idx %arg21[%add3A_352, %broadcast_in_dim3A_1072] : memref<512x32xf32, #tpu.memory_space<vmem>>[vector<16xi32>, vector<16xi32>], vector<16xf32>,
      %gather3A_1077 = tpu.vector_load_idx %arg22[%add3A_352, %broadcast_in_dim3A_1072] : memref<512x32xf32, #tpu.memory_space<vmem>>[vector<16xi32>, vector<16xi32>], vector<16xf32>,
      %gather3A_1078 = tpu.vector_load_idx %arg23[%add3A_352, %broadcast_in_dim3A_1072] : memref<512x32xf32, #tpu.memory_space<vmem>>[vector<16xi32>, vector<16xi32>], vector<16xf32>,
      %gather3A_1079 = tpu.vector_load_idx %arg24[%add3A_352, %broadcast_in_dim3A_1072] : memref<512x32xf32, #tpu.memory_space<vmem>>[vector<16xi32>, vector<16xi32>], vector<16xf32>,
      %mul3A_1080 = arith.mulf %gather3A_1076, %gather3A_1077 : vector<16xf32>
      %mul3A_1081 = arith.mulf %mul3A_1080, %mul3A_1075 : vector<16xf32>
      %add3A_1082 = arith.addf %add3A_1019, %mul3A_1081 : vector<16xf32>
      %mul3A_1083 = arith.mulf %gather3A_1078, %gather3A_1079 : vector<16xf32>
      %mul3A_1084 = arith.mulf %mul3A_1083, %mul3A_1075 : vector<16xf32>
      %add3A_1085 = arith.addf %add3A_1022, %mul3A_1084 : vector<16xf32>
      %get3A_1086 = arith.constant 11 : i32
      %get3A_1087 = arith.index_cast %get3A_1086 : i32 to index
      %get3A_1088 = arith.constant 0 : index
      %get3A_1089 = tpu.vector_load %arg27[%get3A_1087, %get3A_1088] {strides = array<i32>} : memref<256x16xf32, #tpu.memory_space<vmem>>, vector<16xf32>,
      %mul3A_1090 = arith.mulf %mul3A_1084, %get3A_1089 : vector<16xf32>
      %add3A_1091 = arith.addf %add3A_1028, %mul3A_1090 : vector<16xf32>
      %get3A_1092 = arith.constant 43 : i32
      %get3A_1093 = arith.index_cast %get3A_1092 : i32 to index
      %get3A_1094 = arith.constant 0 : index
      %get3A_1095 = tpu.vector_load %arg27[%get3A_1093, %get3A_1094] {strides = array<i32>} : memref<256x16xf32, #tpu.memory_space<vmem>>, vector<16xf32>,
      %mul3A_1096 = arith.mulf %mul3A_1084, %get3A_1095 : vector<16xf32>
      %add3A_1097 = arith.addf %add3A_1034, %mul3A_1096 : vector<16xf32>
      %get3A_1098 = arith.constant 75 : i32
      %get3A_1099 = arith.index_cast %get3A_1098 : i32 to index
      %get3A_1100 = arith.constant 0 : index
      %get3A_1101 = tpu.vector_load %arg27[%get3A_1099, %get3A_1100] {strides = array<i32>} : memref<256x16xf32, #tpu.memory_space<vmem>>, vector<16xf32>,
      %mul3A_1102 = arith.mulf %mul3A_1084, %get3A_1101 : vector<16xf32>
      %add3A_1103 = arith.addf %add3A_1040, %mul3A_1102 : vector<16xf32>
      %get3A_1104 = arith.constant 107 : i32
      %get3A_1105 = arith.index_cast %get3A_1104 : i32 to index
      %get3A_1106 = arith.constant 0 : index
      %get3A_1107 = tpu.vector_load %arg27[%get3A_1105, %get3A_1106] {strides = array<i32>} : memref<256x16xf32, #tpu.memory_space<vmem>>, vector<16xf32>,
      %mul3A_1108 = arith.mulf %mul3A_1084, %get3A_1107 : vector<16xf32>
      %add3A_1109 = arith.addf %add3A_1046, %mul3A_1108 : vector<16xf32>
      %get3A_1110 = arith.constant 139 : i32
      %get3A_1111 = arith.index_cast %get3A_1110 : i32 to index
      %get3A_1112 = arith.constant 0 : index
      %get3A_1113 = tpu.vector_load %arg27[%get3A_1111, %get3A_1112] {strides = array<i32>} : memref<256x16xf32, #tpu.memory_space<vmem>>, vector<16xf32>,
      %mul3A_1114 = arith.mulf %mul3A_1084, %get3A_1113 : vector<16xf32>
      %add3A_1115 = arith.addf %add3A_1052, %mul3A_1114 : vector<16xf32>
      %get3A_1116 = arith.constant 171 : i32
      %get3A_1117 = arith.index_cast %get3A_1116 : i32 to index
      %get3A_1118 = arith.constant 0 : index
      %get3A_1119 = tpu.vector_load %arg27[%get3A_1117, %get3A_1118] {strides = array<i32>} : memref<256x16xf32, #tpu.memory_space<vmem>>, vector<16xf32>,
      %mul3A_1120 = arith.mulf %mul3A_1084, %get3A_1119 : vector<16xf32>
      %add3A_1121 = arith.addf %add3A_1058, %mul3A_1120 : vector<16xf32>
      %get3A_1122 = arith.constant 203 : i32
      %get3A_1123 = arith.index_cast %get3A_1122 : i32 to index
      %get3A_1124 = arith.constant 0 : index
      %get3A_1125 = tpu.vector_load %arg27[%get3A_1123, %get3A_1124] {strides = array<i32>} : memref<256x16xf32, #tpu.memory_space<vmem>>, vector<16xf32>,
      %mul3A_1126 = arith.mulf %mul3A_1084, %get3A_1125 : vector<16xf32>
      %add3A_1127 = arith.addf %add3A_1064, %mul3A_1126 : vector<16xf32>
      %get3A_1128 = arith.constant 235 : i32
      %get3A_1129 = arith.index_cast %get3A_1128 : i32 to index
      %get3A_1130 = arith.constant 0 : index
      %get3A_1131 = tpu.vector_load %arg27[%get3A_1129, %get3A_1130] {strides = array<i32>} : memref<256x16xf32, #tpu.memory_space<vmem>>, vector<16xf32>,
      %mul3A_1132 = arith.mulf %mul3A_1084, %get3A_1131 : vector<16xf32>
      %add3A_1133 = arith.addf %add3A_1070, %mul3A_1132 : vector<16xf32>
      %broadcast_in_dim3A_1134 = arith.constant 12 : i32
      %broadcast_in_dim3A_1135 = vector.broadcast %broadcast_in_dim3A_1134 : i32 to vector<16xi32>
      %gather3A_1136 = tpu.vector_load_idx %arg25[%get3A_355, %broadcast_in_dim3A_1135] : memref<4x32xf32, #tpu.memory_space<vmem>>[vector<16xi32>, vector<16xi32>], vector<16xf32>,
      %gather3A_1137 = tpu.vector_load_idx %arg26[%get3A_359, %broadcast_in_dim3A_1135] : memref<4x32xf32, #tpu.memory_space<vmem>>[vector<16xi32>, vector<16xi32>], vector<16xf32>,
      %mul3A_1138 = arith.mulf %gather3A_1136, %gather3A_1137 : vector<16xf32>
      %gather3A_1139 = tpu.vector_load_idx %arg21[%add3A_352, %broadcast_in_dim3A_1135] : memref<512x32xf32, #tpu.memory_space<vmem>>[vector<16xi32>, vector<16xi32>], vector<16xf32>,
      %gather3A_1140 = tpu.vector_load_idx %arg22[%add3A_352, %broadcast_in_dim3A_1135] : memref<512x32xf32, #tpu.memory_space<vmem>>[vector<16xi32>, vector<16xi32>], vector<16xf32>,
      %gather3A_1141 = tpu.vector_load_idx %arg23[%add3A_352, %broadcast_in_dim3A_1135] : memref<512x32xf32, #tpu.memory_space<vmem>>[vector<16xi32>, vector<16xi32>], vector<16xf32>,
      %gather3A_1142 = tpu.vector_load_idx %arg24[%add3A_352, %broadcast_in_dim3A_1135] : memref<512x32xf32, #tpu.memory_space<vmem>>[vector<16xi32>, vector<16xi32>], vector<16xf32>,
      %mul3A_1143 = arith.mulf %gather3A_1139, %gather3A_1140 : vector<16xf32>
      %mul3A_1144 = arith.mulf %mul3A_1143, %mul3A_1138 : vector<16xf32>
      %add3A_1145 = arith.addf %add3A_1082, %mul3A_1144 : vector<16xf32>
      %mul3A_1146 = arith.mulf %gather3A_1141, %gather3A_1142 : vector<16xf32>
      %mul3A_1147 = arith.mulf %mul3A_1146, %mul3A_1138 : vector<16xf32>
      %add3A_1148 = arith.addf %add3A_1085, %mul3A_1147 : vector<16xf32>
      %get3A_1149 = arith.constant 12 : i32
      %get3A_1150 = arith.index_cast %get3A_1149 : i32 to index
      %get3A_1151 = arith.constant 0 : index
      %get3A_1152 = tpu.vector_load %arg27[%get3A_1150, %get3A_1151] {strides = array<i32>} : memref<256x16xf32, #tpu.memory_space<vmem>>, vector<16xf32>,
      %mul3A_1153 = arith.mulf %mul3A_1147, %get3A_1152 : vector<16xf32>
      %add3A_1154 = arith.addf %add3A_1091, %mul3A_1153 : vector<16xf32>
      %get3A_1155 = arith.constant 44 : i32
      %get3A_1156 = arith.index_cast %get3A_1155 : i32 to index
      %get3A_1157 = arith.constant 0 : index
      %get3A_1158 = tpu.vector_load %arg27[%get3A_1156, %get3A_1157] {strides = array<i32>} : memref<256x16xf32, #tpu.memory_space<vmem>>, vector<16xf32>,
      %mul3A_1159 = arith.mulf %mul3A_1147, %get3A_1158 : vector<16xf32>
      %add3A_1160 = arith.addf %add3A_1097, %mul3A_1159 : vector<16xf32>
      %get3A_1161 = arith.constant 76 : i32
      %get3A_1162 = arith.index_cast %get3A_1161 : i32 to index
      %get3A_1163 = arith.constant 0 : index
      %get3A_1164 = tpu.vector_load %arg27[%get3A_1162, %get3A_1163] {strides = array<i32>} : memref<256x16xf32, #tpu.memory_space<vmem>>, vector<16xf32>,
      %mul3A_1165 = arith.mulf %mul3A_1147, %get3A_1164 : vector<16xf32>
      %add3A_1166 = arith.addf %add3A_1103, %mul3A_1165 : vector<16xf32>
      %get3A_1167 = arith.constant 108 : i32
      %get3A_1168 = arith.index_cast %get3A_1167 : i32 to index
      %get3A_1169 = arith.constant 0 : index
      %get3A_1170 = tpu.vector_load %arg27[%get3A_1168, %get3A_1169] {strides = array<i32>} : memref<256x16xf32, #tpu.memory_space<vmem>>, vector<16xf32>,
      %mul3A_1171 = arith.mulf %mul3A_1147, %get3A_1170 : vector<16xf32>
      %add3A_1172 = arith.addf %add3A_1109, %mul3A_1171 : vector<16xf32>
      %get3A_1173 = arith.constant 140 : i32
      %get3A_1174 = arith.index_cast %get3A_1173 : i32 to index
      %get3A_1175 = arith.constant 0 : index
      %get3A_1176 = tpu.vector_load %arg27[%get3A_1174, %get3A_1175] {strides = array<i32>} : memref<256x16xf32, #tpu.memory_space<vmem>>, vector<16xf32>,
      %mul3A_1177 = arith.mulf %mul3A_1147, %get3A_1176 : vector<16xf32>
      %add3A_1178 = arith.addf %add3A_1115, %mul3A_1177 : vector<16xf32>
      %get3A_1179 = arith.constant 172 : i32
      %get3A_1180 = arith.index_cast %get3A_1179 : i32 to index
      %get3A_1181 = arith.constant 0 : index
      %get3A_1182 = tpu.vector_load %arg27[%get3A_1180, %get3A_1181] {strides = array<i32>} : memref<256x16xf32, #tpu.memory_space<vmem>>, vector<16xf32>,
      %mul3A_1183 = arith.mulf %mul3A_1147, %get3A_1182 : vector<16xf32>
      %add3A_1184 = arith.addf %add3A_1121, %mul3A_1183 : vector<16xf32>
      %get3A_1185 = arith.constant 204 : i32
      %get3A_1186 = arith.index_cast %get3A_1185 : i32 to index
      %get3A_1187 = arith.constant 0 : index
      %get3A_1188 = tpu.vector_load %arg27[%get3A_1186, %get3A_1187] {strides = array<i32>} : memref<256x16xf32, #tpu.memory_space<vmem>>, vector<16xf32>,
      %mul3A_1189 = arith.mulf %mul3A_1147, %get3A_1188 : vector<16xf32>
      %add3A_1190 = arith.addf %add3A_1127, %mul3A_1189 : vector<16xf32>
      %get3A_1191 = arith.constant 236 : i32
      %get3A_1192 = arith.index_cast %get3A_1191 : i32 to index
      %get3A_1193 = arith.constant 0 : index
      %get3A_1194 = tpu.vector_load %arg27[%get3A_1192, %get3A_1193] {strides = array<i32>} : memref<256x16xf32, #tpu.memory_space<vmem>>, vector<16xf32>,
      %mul3A_1195 = arith.mulf %mul3A_1147, %get3A_1194 : vector<16xf32>
      %add3A_1196 = arith.addf %add3A_1133, %mul3A_1195 : vector<16xf32>
      %broadcast_in_dim3A_1197 = arith.constant 13 : i32
      %broadcast_in_dim3A_1198 = vector.broadcast %broadcast_in_dim3A_1197 : i32 to vector<16xi32>
      %gather3A_1199 = tpu.vector_load_idx %arg25[%get3A_355, %broadcast_in_dim3A_1198] : memref<4x32xf32, #tpu.memory_space<vmem>>[vector<16xi32>, vector<16xi32>], vector<16xf32>,
      %gather3A_1200 = tpu.vector_load_idx %arg26[%get3A_359, %broadcast_in_dim3A_1198] : memref<4x32xf32, #tpu.memory_space<vmem>>[vector<16xi32>, vector<16xi32>], vector<16xf32>,
      %mul3A_1201 = arith.mulf %gather3A_1199, %gather3A_1200 : vector<16xf32>
      %gather3A_1202 = tpu.vector_load_idx %arg21[%add3A_352, %broadcast_in_dim3A_1198] : memref<512x32xf32, #tpu.memory_space<vmem>>[vector<16xi32>, vector<16xi32>], vector<16xf32>,
      %gather3A_1203 = tpu.vector_load_idx %arg22[%add3A_352, %broadcast_in_dim3A_1198] : memref<512x32xf32, #tpu.memory_space<vmem>>[vector<16xi32>, vector<16xi32>], vector<16xf32>,
      %gather3A_1204 = tpu.vector_load_idx %arg23[%add3A_352, %broadcast_in_dim3A_1198] : memref<512x32xf32, #tpu.memory_space<vmem>>[vector<16xi32>, vector<16xi32>], vector<16xf32>,
      %gather3A_1205 = tpu.vector_load_idx %arg24[%add3A_352, %broadcast_in_dim3A_1198] : memref<512x32xf32, #tpu.memory_space<vmem>>[vector<16xi32>, vector<16xi32>], vector<16xf32>,
      %mul3A_1206 = arith.mulf %gather3A_1202, %gather3A_1203 : vector<16xf32>
      %mul3A_1207 = arith.mulf %mul3A_1206, %mul3A_1201 : vector<16xf32>
      %add3A_1208 = arith.addf %add3A_1145, %mul3A_1207 : vector<16xf32>
      %mul3A_1209 = arith.mulf %gather3A_1204, %gather3A_1205 : vector<16xf32>
      %mul3A_1210 = arith.mulf %mul3A_1209, %mul3A_1201 : vector<16xf32>
      %add3A_1211 = arith.addf %add3A_1148, %mul3A_1210 : vector<16xf32>
      %get3A_1212 = arith.constant 13 : i32
      %get3A_1213 = arith.index_cast %get3A_1212 : i32 to index
      %get3A_1214 = arith.constant 0 : index
      %get3A_1215 = tpu.vector_load %arg27[%get3A_1213, %get3A_1214] {strides = array<i32>} : memref<256x16xf32, #tpu.memory_space<vmem>>, vector<16xf32>,
      %mul3A_1216 = arith.mulf %mul3A_1210, %get3A_1215 : vector<16xf32>
      %add3A_1217 = arith.addf %add3A_1154, %mul3A_1216 : vector<16xf32>
      %get3A_1218 = arith.constant 45 : i32
      %get3A_1219 = arith.index_cast %get3A_1218 : i32 to index
      %get3A_1220 = arith.constant 0 : index
      %get3A_1221 = tpu.vector_load %arg27[%get3A_1219, %get3A_1220] {strides = array<i32>} : memref<256x16xf32, #tpu.memory_space<vmem>>, vector<16xf32>,
      %mul3A_1222 = arith.mulf %mul3A_1210, %get3A_1221 : vector<16xf32>
      %add3A_1223 = arith.addf %add3A_1160, %mul3A_1222 : vector<16xf32>
      %get3A_1224 = arith.constant 77 : i32
      %get3A_1225 = arith.index_cast %get3A_1224 : i32 to index
      %get3A_1226 = arith.constant 0 : index
      %get3A_1227 = tpu.vector_load %arg27[%get3A_1225, %get3A_1226] {strides = array<i32>} : memref<256x16xf32, #tpu.memory_space<vmem>>, vector<16xf32>,
      %mul3A_1228 = arith.mulf %mul3A_1210, %get3A_1227 : vector<16xf32>
      %add3A_1229 = arith.addf %add3A_1166, %mul3A_1228 : vector<16xf32>
      %get3A_1230 = arith.constant 109 : i32
      %get3A_1231 = arith.index_cast %get3A_1230 : i32 to index
      %get3A_1232 = arith.constant 0 : index
      %get3A_1233 = tpu.vector_load %arg27[%get3A_1231, %get3A_1232] {strides = array<i32>} : memref<256x16xf32, #tpu.memory_space<vmem>>, vector<16xf32>,
      %mul3A_1234 = arith.mulf %mul3A_1210, %get3A_1233 : vector<16xf32>
      %add3A_1235 = arith.addf %add3A_1172, %mul3A_1234 : vector<16xf32>
      %get3A_1236 = arith.constant 141 : i32
      %get3A_1237 = arith.index_cast %get3A_1236 : i32 to index
      %get3A_1238 = arith.constant 0 : index
      %get3A_1239 = tpu.vector_load %arg27[%get3A_1237, %get3A_1238] {strides = array<i32>} : memref<256x16xf32, #tpu.memory_space<vmem>>, vector<16xf32>,
      %mul3A_1240 = arith.mulf %mul3A_1210, %get3A_1239 : vector<16xf32>
      %add3A_1241 = arith.addf %add3A_1178, %mul3A_1240 : vector<16xf32>
      %get3A_1242 = arith.constant 173 : i32
      %get3A_1243 = arith.index_cast %get3A_1242 : i32 to index
      %get3A_1244 = arith.constant 0 : index
      %get3A_1245 = tpu.vector_load %arg27[%get3A_1243, %get3A_1244] {strides = array<i32>} : memref<256x16xf32, #tpu.memory_space<vmem>>, vector<16xf32>,
      %mul3A_1246 = arith.mulf %mul3A_1210, %get3A_1245 : vector<16xf32>
      %add3A_1247 = arith.addf %add3A_1184, %mul3A_1246 : vector<16xf32>
      %get3A_1248 = arith.constant 205 : i32
      %get3A_1249 = arith.index_cast %get3A_1248 : i32 to index
      %get3A_1250 = arith.constant 0 : index
      %get3A_1251 = tpu.vector_load %arg27[%get3A_1249, %get3A_1250] {strides = array<i32>} : memref<256x16xf32, #tpu.memory_space<vmem>>, vector<16xf32>,
      %mul3A_1252 = arith.mulf %mul3A_1210, %get3A_1251 : vector<16xf32>
      %add3A_1253 = arith.addf %add3A_1190, %mul3A_1252 : vector<16xf32>
      %get3A_1254 = arith.constant 237 : i32
      %get3A_1255 = arith.index_cast %get3A_1254 : i32 to index
      %get3A_1256 = arith.constant 0 : index
      %get3A_1257 = tpu.vector_load %arg27[%get3A_1255, %get3A_1256] {strides = array<i32>} : memref<256x16xf32, #tpu.memory_space<vmem>>, vector<16xf32>,
      %mul3A_1258 = arith.mulf %mul3A_1210, %get3A_1257 : vector<16xf32>
      %add3A_1259 = arith.addf %add3A_1196, %mul3A_1258 : vector<16xf32>
      %broadcast_in_dim3A_1260 = arith.constant 14 : i32
      %broadcast_in_dim3A_1261 = vector.broadcast %broadcast_in_dim3A_1260 : i32 to vector<16xi32>
      %gather3A_1262 = tpu.vector_load_idx %arg25[%get3A_355, %broadcast_in_dim3A_1261] : memref<4x32xf32, #tpu.memory_space<vmem>>[vector<16xi32>, vector<16xi32>], vector<16xf32>,
      %gather3A_1263 = tpu.vector_load_idx %arg26[%get3A_359, %broadcast_in_dim3A_1261] : memref<4x32xf32, #tpu.memory_space<vmem>>[vector<16xi32>, vector<16xi32>], vector<16xf32>,
      %mul3A_1264 = arith.mulf %gather3A_1262, %gather3A_1263 : vector<16xf32>
      %gather3A_1265 = tpu.vector_load_idx %arg21[%add3A_352, %broadcast_in_dim3A_1261] : memref<512x32xf32, #tpu.memory_space<vmem>>[vector<16xi32>, vector<16xi32>], vector<16xf32>,
      %gather3A_1266 = tpu.vector_load_idx %arg22[%add3A_352, %broadcast_in_dim3A_1261] : memref<512x32xf32, #tpu.memory_space<vmem>>[vector<16xi32>, vector<16xi32>], vector<16xf32>,
      %gather3A_1267 = tpu.vector_load_idx %arg23[%add3A_352, %broadcast_in_dim3A_1261] : memref<512x32xf32, #tpu.memory_space<vmem>>[vector<16xi32>, vector<16xi32>], vector<16xf32>,
      %gather3A_1268 = tpu.vector_load_idx %arg24[%add3A_352, %broadcast_in_dim3A_1261] : memref<512x32xf32, #tpu.memory_space<vmem>>[vector<16xi32>, vector<16xi32>], vector<16xf32>,
      %mul3A_1269 = arith.mulf %gather3A_1265, %gather3A_1266 : vector<16xf32>
      %mul3A_1270 = arith.mulf %mul3A_1269, %mul3A_1264 : vector<16xf32>
      %add3A_1271 = arith.addf %add3A_1208, %mul3A_1270 : vector<16xf32>
      %mul3A_1272 = arith.mulf %gather3A_1267, %gather3A_1268 : vector<16xf32>
      %mul3A_1273 = arith.mulf %mul3A_1272, %mul3A_1264 : vector<16xf32>
      %add3A_1274 = arith.addf %add3A_1211, %mul3A_1273 : vector<16xf32>
      %get3A_1275 = arith.constant 14 : i32
      %get3A_1276 = arith.index_cast %get3A_1275 : i32 to index
      %get3A_1277 = arith.constant 0 : index
      %get3A_1278 = tpu.vector_load %arg27[%get3A_1276, %get3A_1277] {strides = array<i32>} : memref<256x16xf32, #tpu.memory_space<vmem>>, vector<16xf32>,
      %mul3A_1279 = arith.mulf %mul3A_1273, %get3A_1278 : vector<16xf32>
      %add3A_1280 = arith.addf %add3A_1217, %mul3A_1279 : vector<16xf32>
      %get3A_1281 = arith.constant 46 : i32
      %get3A_1282 = arith.index_cast %get3A_1281 : i32 to index
      %get3A_1283 = arith.constant 0 : index
      %get3A_1284 = tpu.vector_load %arg27[%get3A_1282, %get3A_1283] {strides = array<i32>} : memref<256x16xf32, #tpu.memory_space<vmem>>, vector<16xf32>,
      %mul3A_1285 = arith.mulf %mul3A_1273, %get3A_1284 : vector<16xf32>
      %add3A_1286 = arith.addf %add3A_1223, %mul3A_1285 : vector<16xf32>
      %get3A_1287 = arith.constant 78 : i32
      %get3A_1288 = arith.index_cast %get3A_1287 : i32 to index
      %get3A_1289 = arith.constant 0 : index
      %get3A_1290 = tpu.vector_load %arg27[%get3A_1288, %get3A_1289] {strides = array<i32>} : memref<256x16xf32, #tpu.memory_space<vmem>>, vector<16xf32>,
      %mul3A_1291 = arith.mulf %mul3A_1273, %get3A_1290 : vector<16xf32>
      %add3A_1292 = arith.addf %add3A_1229, %mul3A_1291 : vector<16xf32>
      %get3A_1293 = arith.constant 110 : i32
      %get3A_1294 = arith.index_cast %get3A_1293 : i32 to index
      %get3A_1295 = arith.constant 0 : index
      %get3A_1296 = tpu.vector_load %arg27[%get3A_1294, %get3A_1295] {strides = array<i32>} : memref<256x16xf32, #tpu.memory_space<vmem>>, vector<16xf32>,
      %mul3A_1297 = arith.mulf %mul3A_1273, %get3A_1296 : vector<16xf32>
      %add3A_1298 = arith.addf %add3A_1235, %mul3A_1297 : vector<16xf32>
      %get3A_1299 = arith.constant 142 : i32
      %get3A_1300 = arith.index_cast %get3A_1299 : i32 to index
      %get3A_1301 = arith.constant 0 : index
      %get3A_1302 = tpu.vector_load %arg27[%get3A_1300, %get3A_1301] {strides = array<i32>} : memref<256x16xf32, #tpu.memory_space<vmem>>, vector<16xf32>,
      %mul3A_1303 = arith.mulf %mul3A_1273, %get3A_1302 : vector<16xf32>
      %add3A_1304 = arith.addf %add3A_1241, %mul3A_1303 : vector<16xf32>
      %get3A_1305 = arith.constant 174 : i32
      %get3A_1306 = arith.index_cast %get3A_1305 : i32 to index
      %get3A_1307 = arith.constant 0 : index
      %get3A_1308 = tpu.vector_load %arg27[%get3A_1306, %get3A_1307] {strides = array<i32>} : memref<256x16xf32, #tpu.memory_space<vmem>>, vector<16xf32>,
      %mul3A_1309 = arith.mulf %mul3A_1273, %get3A_1308 : vector<16xf32>
      %add3A_1310 = arith.addf %add3A_1247, %mul3A_1309 : vector<16xf32>
      %get3A_1311 = arith.constant 206 : i32
      %get3A_1312 = arith.index_cast %get3A_1311 : i32 to index
      %get3A_1313 = arith.constant 0 : index
      %get3A_1314 = tpu.vector_load %arg27[%get3A_1312, %get3A_1313] {strides = array<i32>} : memref<256x16xf32, #tpu.memory_space<vmem>>, vector<16xf32>,
      %mul3A_1315 = arith.mulf %mul3A_1273, %get3A_1314 : vector<16xf32>
      %add3A_1316 = arith.addf %add3A_1253, %mul3A_1315 : vector<16xf32>
      %get3A_1317 = arith.constant 238 : i32
      %get3A_1318 = arith.index_cast %get3A_1317 : i32 to index
      %get3A_1319 = arith.constant 0 : index
      %get3A_1320 = tpu.vector_load %arg27[%get3A_1318, %get3A_1319] {strides = array<i32>} : memref<256x16xf32, #tpu.memory_space<vmem>>, vector<16xf32>,
      %mul3A_1321 = arith.mulf %mul3A_1273, %get3A_1320 : vector<16xf32>
      %add3A_1322 = arith.addf %add3A_1259, %mul3A_1321 : vector<16xf32>
      %broadcast_in_dim3A_1323 = arith.constant 15 : i32
      %broadcast_in_dim3A_1324 = vector.broadcast %broadcast_in_dim3A_1323 : i32 to vector<16xi32>
      %gather3A_1325 = tpu.vector_load_idx %arg25[%get3A_355, %broadcast_in_dim3A_1324] : memref<4x32xf32, #tpu.memory_space<vmem>>[vector<16xi32>, vector<16xi32>], vector<16xf32>,
      %gather3A_1326 = tpu.vector_load_idx %arg26[%get3A_359, %broadcast_in_dim3A_1324] : memref<4x32xf32, #tpu.memory_space<vmem>>[vector<16xi32>, vector<16xi32>], vector<16xf32>,
      %mul3A_1327 = arith.mulf %gather3A_1325, %gather3A_1326 : vector<16xf32>
      %gather3A_1328 = tpu.vector_load_idx %arg21[%add3A_352, %broadcast_in_dim3A_1324] : memref<512x32xf32, #tpu.memory_space<vmem>>[vector<16xi32>, vector<16xi32>], vector<16xf32>,
      %gather3A_1329 = tpu.vector_load_idx %arg22[%add3A_352, %broadcast_in_dim3A_1324] : memref<512x32xf32, #tpu.memory_space<vmem>>[vector<16xi32>, vector<16xi32>], vector<16xf32>,
      %gather3A_1330 = tpu.vector_load_idx %arg23[%add3A_352, %broadcast_in_dim3A_1324] : memref<512x32xf32, #tpu.memory_space<vmem>>[vector<16xi32>, vector<16xi32>], vector<16xf32>,
      %gather3A_1331 = tpu.vector_load_idx %arg24[%add3A_352, %broadcast_in_dim3A_1324] : memref<512x32xf32, #tpu.memory_space<vmem>>[vector<16xi32>, vector<16xi32>], vector<16xf32>,
      %mul3A_1332 = arith.mulf %gather3A_1328, %gather3A_1329 : vector<16xf32>
      %mul3A_1333 = arith.mulf %mul3A_1332, %mul3A_1327 : vector<16xf32>
      %add3A_1334 = arith.addf %add3A_1271, %mul3A_1333 : vector<16xf32>
      %mul3A_1335 = arith.mulf %gather3A_1330, %gather3A_1331 : vector<16xf32>
      %mul3A_1336 = arith.mulf %mul3A_1335, %mul3A_1327 : vector<16xf32>
      %add3A_1337 = arith.addf %add3A_1274, %mul3A_1336 : vector<16xf32>
      %get3A_1338 = arith.constant 15 : i32
      %get3A_1339 = arith.index_cast %get3A_1338 : i32 to index
      %get3A_1340 = arith.constant 0 : index
      %get3A_1341 = tpu.vector_load %arg27[%get3A_1339, %get3A_1340] {strides = array<i32>} : memref<256x16xf32, #tpu.memory_space<vmem>>, vector<16xf32>,
      %mul3A_1342 = arith.mulf %mul3A_1336, %get3A_1341 : vector<16xf32>
      %add3A_1343 = arith.addf %add3A_1280, %mul3A_1342 : vector<16xf32>
      %get3A_1344 = arith.constant 47 : i32
      %get3A_1345 = arith.index_cast %get3A_1344 : i32 to index
      %get3A_1346 = arith.constant 0 : index
      %get3A_1347 = tpu.vector_load %arg27[%get3A_1345, %get3A_1346] {strides = array<i32>} : memref<256x16xf32, #tpu.memory_space<vmem>>, vector<16xf32>,
      %mul3A_1348 = arith.mulf %mul3A_1336, %get3A_1347 : vector<16xf32>
      %add3A_1349 = arith.addf %add3A_1286, %mul3A_1348 : vector<16xf32>
      %get3A_1350 = arith.constant 79 : i32
      %get3A_1351 = arith.index_cast %get3A_1350 : i32 to index
      %get3A_1352 = arith.constant 0 : index
      %get3A_1353 = tpu.vector_load %arg27[%get3A_1351, %get3A_1352] {strides = array<i32>} : memref<256x16xf32, #tpu.memory_space<vmem>>, vector<16xf32>,
      %mul3A_1354 = arith.mulf %mul3A_1336, %get3A_1353 : vector<16xf32>
      %add3A_1355 = arith.addf %add3A_1292, %mul3A_1354 : vector<16xf32>
      %get3A_1356 = arith.constant 111 : i32
      %get3A_1357 = arith.index_cast %get3A_1356 : i32 to index
      %get3A_1358 = arith.constant 0 : index
      %get3A_1359 = tpu.vector_load %arg27[%get3A_1357, %get3A_1358] {strides = array<i32>} : memref<256x16xf32, #tpu.memory_space<vmem>>, vector<16xf32>,
      %mul3A_1360 = arith.mulf %mul3A_1336, %get3A_1359 : vector<16xf32>
      %add3A_1361 = arith.addf %add3A_1298, %mul3A_1360 : vector<16xf32>
      %get3A_1362 = arith.constant 143 : i32
      %get3A_1363 = arith.index_cast %get3A_1362 : i32 to index
      %get3A_1364 = arith.constant 0 : index
      %get3A_1365 = tpu.vector_load %arg27[%get3A_1363, %get3A_1364] {strides = array<i32>} : memref<256x16xf32, #tpu.memory_space<vmem>>, vector<16xf32>,
      %mul3A_1366 = arith.mulf %mul3A_1336, %get3A_1365 : vector<16xf32>
      %add3A_1367 = arith.addf %add3A_1304, %mul3A_1366 : vector<16xf32>
      %get3A_1368 = arith.constant 175 : i32
      %get3A_1369 = arith.index_cast %get3A_1368 : i32 to index
      %get3A_1370 = arith.constant 0 : index
      %get3A_1371 = tpu.vector_load %arg27[%get3A_1369, %get3A_1370] {strides = array<i32>} : memref<256x16xf32, #tpu.memory_space<vmem>>, vector<16xf32>,
      %mul3A_1372 = arith.mulf %mul3A_1336, %get3A_1371 : vector<16xf32>
      %add3A_1373 = arith.addf %add3A_1310, %mul3A_1372 : vector<16xf32>
      %get3A_1374 = arith.constant 207 : i32
      %get3A_1375 = arith.index_cast %get3A_1374 : i32 to index
      %get3A_1376 = arith.constant 0 : index
      %get3A_1377 = tpu.vector_load %arg27[%get3A_1375, %get3A_1376] {strides = array<i32>} : memref<256x16xf32, #tpu.memory_space<vmem>>, vector<16xf32>,
      %mul3A_1378 = arith.mulf %mul3A_1336, %get3A_1377 : vector<16xf32>
      %add3A_1379 = arith.addf %add3A_1316, %mul3A_1378 : vector<16xf32>
      %get3A_1380 = arith.constant 239 : i32
      %get3A_1381 = arith.index_cast %get3A_1380 : i32 to index
      %get3A_1382 = arith.constant 0 : index
      %get3A_1383 = tpu.vector_load %arg27[%get3A_1381, %get3A_1382] {strides = array<i32>} : memref<256x16xf32, #tpu.memory_space<vmem>>, vector<16xf32>,
      %mul3A_1384 = arith.mulf %mul3A_1336, %get3A_1383 : vector<16xf32>
      %add3A_1385 = arith.addf %add3A_1322, %mul3A_1384 : vector<16xf32>
      %broadcast_in_dim3A_1386 = arith.constant 16 : i32
      %broadcast_in_dim3A_1387 = vector.broadcast %broadcast_in_dim3A_1386 : i32 to vector<16xi32>
      %gather3A_1388 = tpu.vector_load_idx %arg25[%get3A_355, %broadcast_in_dim3A_1387] : memref<4x32xf32, #tpu.memory_space<vmem>>[vector<16xi32>, vector<16xi32>], vector<16xf32>,
      %gather3A_1389 = tpu.vector_load_idx %arg26[%get3A_359, %broadcast_in_dim3A_1387] : memref<4x32xf32, #tpu.memory_space<vmem>>[vector<16xi32>, vector<16xi32>], vector<16xf32>,
      %mul3A_1390 = arith.mulf %gather3A_1388, %gather3A_1389 : vector<16xf32>
      %gather3A_1391 = tpu.vector_load_idx %arg21[%add3A_352, %broadcast_in_dim3A_1387] : memref<512x32xf32, #tpu.memory_space<vmem>>[vector<16xi32>, vector<16xi32>], vector<16xf32>,
      %gather3A_1392 = tpu.vector_load_idx %arg22[%add3A_352, %broadcast_in_dim3A_1387] : memref<512x32xf32, #tpu.memory_space<vmem>>[vector<16xi32>, vector<16xi32>], vector<16xf32>,
      %gather3A_1393 = tpu.vector_load_idx %arg23[%add3A_352, %broadcast_in_dim3A_1387] : memref<512x32xf32, #tpu.memory_space<vmem>>[vector<16xi32>, vector<16xi32>], vector<16xf32>,
      %gather3A_1394 = tpu.vector_load_idx %arg24[%add3A_352, %broadcast_in_dim3A_1387] : memref<512x32xf32, #tpu.memory_space<vmem>>[vector<16xi32>, vector<16xi32>], vector<16xf32>,
      %mul3A_1395 = arith.mulf %gather3A_1391, %gather3A_1392 : vector<16xf32>
      %mul3A_1396 = arith.mulf %mul3A_1395, %mul3A_1390 : vector<16xf32>
      %add3A_1397 = arith.addf %add3A_1334, %mul3A_1396 : vector<16xf32>
      %mul3A_1398 = arith.mulf %gather3A_1393, %gather3A_1394 : vector<16xf32>
      %mul3A_1399 = arith.mulf %mul3A_1398, %mul3A_1390 : vector<16xf32>
      %add3A_1400 = arith.addf %add3A_1337, %mul3A_1399 : vector<16xf32>
      %get3A_1401 = arith.constant 16 : i32
      %get3A_1402 = arith.index_cast %get3A_1401 : i32 to index
      %get3A_1403 = arith.constant 0 : index
      %get3A_1404 = tpu.vector_load %arg27[%get3A_1402, %get3A_1403] {strides = array<i32>} : memref<256x16xf32, #tpu.memory_space<vmem>>, vector<16xf32>,
      %mul3A_1405 = arith.mulf %mul3A_1399, %get3A_1404 : vector<16xf32>
      %add3A_1406 = arith.addf %add3A_1343, %mul3A_1405 : vector<16xf32>
      %get3A_1407 = arith.constant 48 : i32
      %get3A_1408 = arith.index_cast %get3A_1407 : i32 to index
      %get3A_1409 = arith.constant 0 : index
      %get3A_1410 = tpu.vector_load %arg27[%get3A_1408, %get3A_1409] {strides = array<i32>} : memref<256x16xf32, #tpu.memory_space<vmem>>, vector<16xf32>,
      %mul3A_1411 = arith.mulf %mul3A_1399, %get3A_1410 : vector<16xf32>
      %add3A_1412 = arith.addf %add3A_1349, %mul3A_1411 : vector<16xf32>
      %get3A_1413 = arith.constant 80 : i32
      %get3A_1414 = arith.index_cast %get3A_1413 : i32 to index
      %get3A_1415 = arith.constant 0 : index
      %get3A_1416 = tpu.vector_load %arg27[%get3A_1414, %get3A_1415] {strides = array<i32>} : memref<256x16xf32, #tpu.memory_space<vmem>>, vector<16xf32>,
      %mul3A_1417 = arith.mulf %mul3A_1399, %get3A_1416 : vector<16xf32>
      %add3A_1418 = arith.addf %add3A_1355, %mul3A_1417 : vector<16xf32>
      %get3A_1419 = arith.constant 112 : i32
      %get3A_1420 = arith.index_cast %get3A_1419 : i32 to index
      %get3A_1421 = arith.constant 0 : index
      %get3A_1422 = tpu.vector_load %arg27[%get3A_1420, %get3A_1421] {strides = array<i32>} : memref<256x16xf32, #tpu.memory_space<vmem>>, vector<16xf32>,
      %mul3A_1423 = arith.mulf %mul3A_1399, %get3A_1422 : vector<16xf32>
      %add3A_1424 = arith.addf %add3A_1361, %mul3A_1423 : vector<16xf32>
      %get3A_1425 = arith.constant 144 : i32
      %get3A_1426 = arith.index_cast %get3A_1425 : i32 to index
      %get3A_1427 = arith.constant 0 : index
      %get3A_1428 = tpu.vector_load %arg27[%get3A_1426, %get3A_1427] {strides = array<i32>} : memref<256x16xf32, #tpu.memory_space<vmem>>, vector<16xf32>,
      %mul3A_1429 = arith.mulf %mul3A_1399, %get3A_1428 : vector<16xf32>
      %add3A_1430 = arith.addf %add3A_1367, %mul3A_1429 : vector<16xf32>
      %get3A_1431 = arith.constant 176 : i32
      %get3A_1432 = arith.index_cast %get3A_1431 : i32 to index
      %get3A_1433 = arith.constant 0 : index
      %get3A_1434 = tpu.vector_load %arg27[%get3A_1432, %get3A_1433] {strides = array<i32>} : memref<256x16xf32, #tpu.memory_space<vmem>>, vector<16xf32>,
      %mul3A_1435 = arith.mulf %mul3A_1399, %get3A_1434 : vector<16xf32>
      %add3A_1436 = arith.addf %add3A_1373, %mul3A_1435 : vector<16xf32>
      %get3A_1437 = arith.constant 208 : i32
      %get3A_1438 = arith.index_cast %get3A_1437 : i32 to index
      %get3A_1439 = arith.constant 0 : index
      %get3A_1440 = tpu.vector_load %arg27[%get3A_1438, %get3A_1439] {strides = array<i32>} : memref<256x16xf32, #tpu.memory_space<vmem>>, vector<16xf32>,
      %mul3A_1441 = arith.mulf %mul3A_1399, %get3A_1440 : vector<16xf32>
      %add3A_1442 = arith.addf %add3A_1379, %mul3A_1441 : vector<16xf32>
      %get3A_1443 = arith.constant 240 : i32
      %get3A_1444 = arith.index_cast %get3A_1443 : i32 to index
      %get3A_1445 = arith.constant 0 : index
      %get3A_1446 = tpu.vector_load %arg27[%get3A_1444, %get3A_1445] {strides = array<i32>} : memref<256x16xf32, #tpu.memory_space<vmem>>, vector<16xf32>,
      %mul3A_1447 = arith.mulf %mul3A_1399, %get3A_1446 : vector<16xf32>
      %add3A_1448 = arith.addf %add3A_1385, %mul3A_1447 : vector<16xf32>
      %broadcast_in_dim3A_1449 = arith.constant 17 : i32
      %broadcast_in_dim3A_1450 = vector.broadcast %broadcast_in_dim3A_1449 : i32 to vector<16xi32>
      %gather3A_1451 = tpu.vector_load_idx %arg25[%get3A_355, %broadcast_in_dim3A_1450] : memref<4x32xf32, #tpu.memory_space<vmem>>[vector<16xi32>, vector<16xi32>], vector<16xf32>,
      %gather3A_1452 = tpu.vector_load_idx %arg26[%get3A_359, %broadcast_in_dim3A_1450] : memref<4x32xf32, #tpu.memory_space<vmem>>[vector<16xi32>, vector<16xi32>], vector<16xf32>,
      %mul3A_1453 = arith.mulf %gather3A_1451, %gather3A_1452 : vector<16xf32>
      %gather3A_1454 = tpu.vector_load_idx %arg21[%add3A_352, %broadcast_in_dim3A_1450] : memref<512x32xf32, #tpu.memory_space<vmem>>[vector<16xi32>, vector<16xi32>], vector<16xf32>,
      %gather3A_1455 = tpu.vector_load_idx %arg22[%add3A_352, %broadcast_in_dim3A_1450] : memref<512x32xf32, #tpu.memory_space<vmem>>[vector<16xi32>, vector<16xi32>], vector<16xf32>,
      %gather3A_1456 = tpu.vector_load_idx %arg23[%add3A_352, %broadcast_in_dim3A_1450] : memref<512x32xf32, #tpu.memory_space<vmem>>[vector<16xi32>, vector<16xi32>], vector<16xf32>,
      %gather3A_1457 = tpu.vector_load_idx %arg24[%add3A_352, %broadcast_in_dim3A_1450] : memref<512x32xf32, #tpu.memory_space<vmem>>[vector<16xi32>, vector<16xi32>], vector<16xf32>,
      %mul3A_1458 = arith.mulf %gather3A_1454, %gather3A_1455 : vector<16xf32>
      %mul3A_1459 = arith.mulf %mul3A_1458, %mul3A_1453 : vector<16xf32>
      %add3A_1460 = arith.addf %add3A_1397, %mul3A_1459 : vector<16xf32>
      %mul3A_1461 = arith.mulf %gather3A_1456, %gather3A_1457 : vector<16xf32>
      %mul3A_1462 = arith.mulf %mul3A_1461, %mul3A_1453 : vector<16xf32>
      %add3A_1463 = arith.addf %add3A_1400, %mul3A_1462 : vector<16xf32>
      %get3A_1464 = arith.constant 17 : i32
      %get3A_1465 = arith.index_cast %get3A_1464 : i32 to index
      %get3A_1466 = arith.constant 0 : index
      %get3A_1467 = tpu.vector_load %arg27[%get3A_1465, %get3A_1466] {strides = array<i32>} : memref<256x16xf32, #tpu.memory_space<vmem>>, vector<16xf32>,
      %mul3A_1468 = arith.mulf %mul3A_1462, %get3A_1467 : vector<16xf32>
      %add3A_1469 = arith.addf %add3A_1406, %mul3A_1468 : vector<16xf32>
      %get3A_1470 = arith.constant 49 : i32
      %get3A_1471 = arith.index_cast %get3A_1470 : i32 to index
      %get3A_1472 = arith.constant 0 : index
      %get3A_1473 = tpu.vector_load %arg27[%get3A_1471, %get3A_1472] {strides = array<i32>} : memref<256x16xf32, #tpu.memory_space<vmem>>, vector<16xf32>,
      %mul3A_1474 = arith.mulf %mul3A_1462, %get3A_1473 : vector<16xf32>
      %add3A_1475 = arith.addf %add3A_1412, %mul3A_1474 : vector<16xf32>
      %get3A_1476 = arith.constant 81 : i32
      %get3A_1477 = arith.index_cast %get3A_1476 : i32 to index
      %get3A_1478 = arith.constant 0 : index
      %get3A_1479 = tpu.vector_load %arg27[%get3A_1477, %get3A_1478] {strides = array<i32>} : memref<256x16xf32, #tpu.memory_space<vmem>>, vector<16xf32>,
      %mul3A_1480 = arith.mulf %mul3A_1462, %get3A_1479 : vector<16xf32>
      %add3A_1481 = arith.addf %add3A_1418, %mul3A_1480 : vector<16xf32>
      %get3A_1482 = arith.constant 113 : i32
      %get3A_1483 = arith.index_cast %get3A_1482 : i32 to index
      %get3A_1484 = arith.constant 0 : index
      %get3A_1485 = tpu.vector_load %arg27[%get3A_1483, %get3A_1484] {strides = array<i32>} : memref<256x16xf32, #tpu.memory_space<vmem>>, vector<16xf32>,
      %mul3A_1486 = arith.mulf %mul3A_1462, %get3A_1485 : vector<16xf32>
      %add3A_1487 = arith.addf %add3A_1424, %mul3A_1486 : vector<16xf32>
      %get3A_1488 = arith.constant 145 : i32
      %get3A_1489 = arith.index_cast %get3A_1488 : i32 to index
      %get3A_1490 = arith.constant 0 : index
      %get3A_1491 = tpu.vector_load %arg27[%get3A_1489, %get3A_1490] {strides = array<i32>} : memref<256x16xf32, #tpu.memory_space<vmem>>, vector<16xf32>,
      %mul3A_1492 = arith.mulf %mul3A_1462, %get3A_1491 : vector<16xf32>
      %add3A_1493 = arith.addf %add3A_1430, %mul3A_1492 : vector<16xf32>
      %get3A_1494 = arith.constant 177 : i32
      %get3A_1495 = arith.index_cast %get3A_1494 : i32 to index
      %get3A_1496 = arith.constant 0 : index
      %get3A_1497 = tpu.vector_load %arg27[%get3A_1495, %get3A_1496] {strides = array<i32>} : memref<256x16xf32, #tpu.memory_space<vmem>>, vector<16xf32>,
      %mul3A_1498 = arith.mulf %mul3A_1462, %get3A_1497 : vector<16xf32>
      %add3A_1499 = arith.addf %add3A_1436, %mul3A_1498 : vector<16xf32>
      %get3A_1500 = arith.constant 209 : i32
      %get3A_1501 = arith.index_cast %get3A_1500 : i32 to index
      %get3A_1502 = arith.constant 0 : index
      %get3A_1503 = tpu.vector_load %arg27[%get3A_1501, %get3A_1502] {strides = array<i32>} : memref<256x16xf32, #tpu.memory_space<vmem>>, vector<16xf32>,
      %mul3A_1504 = arith.mulf %mul3A_1462, %get3A_1503 : vector<16xf32>
      %add3A_1505 = arith.addf %add3A_1442, %mul3A_1504 : vector<16xf32>
      %get3A_1506 = arith.constant 241 : i32
      %get3A_1507 = arith.index_cast %get3A_1506 : i32 to index
      %get3A_1508 = arith.constant 0 : index
      %get3A_1509 = tpu.vector_load %arg27[%get3A_1507, %get3A_1508] {strides = array<i32>} : memref<256x16xf32, #tpu.memory_space<vmem>>, vector<16xf32>,
      %mul3A_1510 = arith.mulf %mul3A_1462, %get3A_1509 : vector<16xf32>
      %add3A_1511 = arith.addf %add3A_1448, %mul3A_1510 : vector<16xf32>
      %broadcast_in_dim3A_1512 = arith.constant 18 : i32
      %broadcast_in_dim3A_1513 = vector.broadcast %broadcast_in_dim3A_1512 : i32 to vector<16xi32>
      %gather3A_1514 = tpu.vector_load_idx %arg25[%get3A_355, %broadcast_in_dim3A_1513] : memref<4x32xf32, #tpu.memory_space<vmem>>[vector<16xi32>, vector<16xi32>], vector<16xf32>,
      %gather3A_1515 = tpu.vector_load_idx %arg26[%get3A_359, %broadcast_in_dim3A_1513] : memref<4x32xf32, #tpu.memory_space<vmem>>[vector<16xi32>, vector<16xi32>], vector<16xf32>,
      %mul3A_1516 = arith.mulf %gather3A_1514, %gather3A_1515 : vector<16xf32>
      %gather3A_1517 = tpu.vector_load_idx %arg21[%add3A_352, %broadcast_in_dim3A_1513] : memref<512x32xf32, #tpu.memory_space<vmem>>[vector<16xi32>, vector<16xi32>], vector<16xf32>,
      %gather3A_1518 = tpu.vector_load_idx %arg22[%add3A_352, %broadcast_in_dim3A_1513] : memref<512x32xf32, #tpu.memory_space<vmem>>[vector<16xi32>, vector<16xi32>], vector<16xf32>,
      %gather3A_1519 = tpu.vector_load_idx %arg23[%add3A_352, %broadcast_in_dim3A_1513] : memref<512x32xf32, #tpu.memory_space<vmem>>[vector<16xi32>, vector<16xi32>], vector<16xf32>,
      %gather3A_1520 = tpu.vector_load_idx %arg24[%add3A_352, %broadcast_in_dim3A_1513] : memref<512x32xf32, #tpu.memory_space<vmem>>[vector<16xi32>, vector<16xi32>], vector<16xf32>,
      %mul3A_1521 = arith.mulf %gather3A_1517, %gather3A_1518 : vector<16xf32>
      %mul3A_1522 = arith.mulf %mul3A_1521, %mul3A_1516 : vector<16xf32>
      %add3A_1523 = arith.addf %add3A_1460, %mul3A_1522 : vector<16xf32>
      %mul3A_1524 = arith.mulf %gather3A_1519, %gather3A_1520 : vector<16xf32>
      %mul3A_1525 = arith.mulf %mul3A_1524, %mul3A_1516 : vector<16xf32>
      %add3A_1526 = arith.addf %add3A_1463, %mul3A_1525 : vector<16xf32>
      %get3A_1527 = arith.constant 18 : i32
      %get3A_1528 = arith.index_cast %get3A_1527 : i32 to index
      %get3A_1529 = arith.constant 0 : index
      %get3A_1530 = tpu.vector_load %arg27[%get3A_1528, %get3A_1529] {strides = array<i32>} : memref<256x16xf32, #tpu.memory_space<vmem>>, vector<16xf32>,
      %mul3A_1531 = arith.mulf %mul3A_1525, %get3A_1530 : vector<16xf32>
      %add3A_1532 = arith.addf %add3A_1469, %mul3A_1531 : vector<16xf32>
      %get3A_1533 = arith.constant 50 : i32
      %get3A_1534 = arith.index_cast %get3A_1533 : i32 to index
      %get3A_1535 = arith.constant 0 : index
      %get3A_1536 = tpu.vector_load %arg27[%get3A_1534, %get3A_1535] {strides = array<i32>} : memref<256x16xf32, #tpu.memory_space<vmem>>, vector<16xf32>,
      %mul3A_1537 = arith.mulf %mul3A_1525, %get3A_1536 : vector<16xf32>
      %add3A_1538 = arith.addf %add3A_1475, %mul3A_1537 : vector<16xf32>
      %get3A_1539 = arith.constant 82 : i32
      %get3A_1540 = arith.index_cast %get3A_1539 : i32 to index
      %get3A_1541 = arith.constant 0 : index
      %get3A_1542 = tpu.vector_load %arg27[%get3A_1540, %get3A_1541] {strides = array<i32>} : memref<256x16xf32, #tpu.memory_space<vmem>>, vector<16xf32>,
      %mul3A_1543 = arith.mulf %mul3A_1525, %get3A_1542 : vector<16xf32>
      %add3A_1544 = arith.addf %add3A_1481, %mul3A_1543 : vector<16xf32>
      %get3A_1545 = arith.constant 114 : i32
      %get3A_1546 = arith.index_cast %get3A_1545 : i32 to index
      %get3A_1547 = arith.constant 0 : index
      %get3A_1548 = tpu.vector_load %arg27[%get3A_1546, %get3A_1547] {strides = array<i32>} : memref<256x16xf32, #tpu.memory_space<vmem>>, vector<16xf32>,
      %mul3A_1549 = arith.mulf %mul3A_1525, %get3A_1548 : vector<16xf32>
      %add3A_1550 = arith.addf %add3A_1487, %mul3A_1549 : vector<16xf32>
      %get3A_1551 = arith.constant 146 : i32
      %get3A_1552 = arith.index_cast %get3A_1551 : i32 to index
      %get3A_1553 = arith.constant 0 : index
      %get3A_1554 = tpu.vector_load %arg27[%get3A_1552, %get3A_1553] {strides = array<i32>} : memref<256x16xf32, #tpu.memory_space<vmem>>, vector<16xf32>,
      %mul3A_1555 = arith.mulf %mul3A_1525, %get3A_1554 : vector<16xf32>
      %add3A_1556 = arith.addf %add3A_1493, %mul3A_1555 : vector<16xf32>
      %get3A_1557 = arith.constant 178 : i32
      %get3A_1558 = arith.index_cast %get3A_1557 : i32 to index
      %get3A_1559 = arith.constant 0 : index
      %get3A_1560 = tpu.vector_load %arg27[%get3A_1558, %get3A_1559] {strides = array<i32>} : memref<256x16xf32, #tpu.memory_space<vmem>>, vector<16xf32>,
      %mul3A_1561 = arith.mulf %mul3A_1525, %get3A_1560 : vector<16xf32>
      %add3A_1562 = arith.addf %add3A_1499, %mul3A_1561 : vector<16xf32>
      %get3A_1563 = arith.constant 210 : i32
      %get3A_1564 = arith.index_cast %get3A_1563 : i32 to index
      %get3A_1565 = arith.constant 0 : index
      %get3A_1566 = tpu.vector_load %arg27[%get3A_1564, %get3A_1565] {strides = array<i32>} : memref<256x16xf32, #tpu.memory_space<vmem>>, vector<16xf32>,
      %mul3A_1567 = arith.mulf %mul3A_1525, %get3A_1566 : vector<16xf32>
      %add3A_1568 = arith.addf %add3A_1505, %mul3A_1567 : vector<16xf32>
      %get3A_1569 = arith.constant 242 : i32
      %get3A_1570 = arith.index_cast %get3A_1569 : i32 to index
      %get3A_1571 = arith.constant 0 : index
      %get3A_1572 = tpu.vector_load %arg27[%get3A_1570, %get3A_1571] {strides = array<i32>} : memref<256x16xf32, #tpu.memory_space<vmem>>, vector<16xf32>,
      %mul3A_1573 = arith.mulf %mul3A_1525, %get3A_1572 : vector<16xf32>
      %add3A_1574 = arith.addf %add3A_1511, %mul3A_1573 : vector<16xf32>
      %broadcast_in_dim3A_1575 = arith.constant 19 : i32
      %broadcast_in_dim3A_1576 = vector.broadcast %broadcast_in_dim3A_1575 : i32 to vector<16xi32>
      %gather3A_1577 = tpu.vector_load_idx %arg25[%get3A_355, %broadcast_in_dim3A_1576] : memref<4x32xf32, #tpu.memory_space<vmem>>[vector<16xi32>, vector<16xi32>], vector<16xf32>,
      %gather3A_1578 = tpu.vector_load_idx %arg26[%get3A_359, %broadcast_in_dim3A_1576] : memref<4x32xf32, #tpu.memory_space<vmem>>[vector<16xi32>, vector<16xi32>], vector<16xf32>,
      %mul3A_1579 = arith.mulf %gather3A_1577, %gather3A_1578 : vector<16xf32>
      %gather3A_1580 = tpu.vector_load_idx %arg21[%add3A_352, %broadcast_in_dim3A_1576] : memref<512x32xf32, #tpu.memory_space<vmem>>[vector<16xi32>, vector<16xi32>], vector<16xf32>,
      %gather3A_1581 = tpu.vector_load_idx %arg22[%add3A_352, %broadcast_in_dim3A_1576] : memref<512x32xf32, #tpu.memory_space<vmem>>[vector<16xi32>, vector<16xi32>], vector<16xf32>,
      %gather3A_1582 = tpu.vector_load_idx %arg23[%add3A_352, %broadcast_in_dim3A_1576] : memref<512x32xf32, #tpu.memory_space<vmem>>[vector<16xi32>, vector<16xi32>], vector<16xf32>,
      %gather3A_1583 = tpu.vector_load_idx %arg24[%add3A_352, %broadcast_in_dim3A_1576] : memref<512x32xf32, #tpu.memory_space<vmem>>[vector<16xi32>, vector<16xi32>], vector<16xf32>,
      %mul3A_1584 = arith.mulf %gather3A_1580, %gather3A_1581 : vector<16xf32>
      %mul3A_1585 = arith.mulf %mul3A_1584, %mul3A_1579 : vector<16xf32>
      %add3A_1586 = arith.addf %add3A_1523, %mul3A_1585 : vector<16xf32>
      %mul3A_1587 = arith.mulf %gather3A_1582, %gather3A_1583 : vector<16xf32>
      %mul3A_1588 = arith.mulf %mul3A_1587, %mul3A_1579 : vector<16xf32>
      %add3A_1589 = arith.addf %add3A_1526, %mul3A_1588 : vector<16xf32>
      %get3A_1590 = arith.constant 19 : i32
      %get3A_1591 = arith.index_cast %get3A_1590 : i32 to index
      %get3A_1592 = arith.constant 0 : index
      %get3A_1593 = tpu.vector_load %arg27[%get3A_1591, %get3A_1592] {strides = array<i32>} : memref<256x16xf32, #tpu.memory_space<vmem>>, vector<16xf32>,
      %mul3A_1594 = arith.mulf %mul3A_1588, %get3A_1593 : vector<16xf32>
      %add3A_1595 = arith.addf %add3A_1532, %mul3A_1594 : vector<16xf32>
      %get3A_1596 = arith.constant 51 : i32
      %get3A_1597 = arith.index_cast %get3A_1596 : i32 to index
      %get3A_1598 = arith.constant 0 : index
      %get3A_1599 = tpu.vector_load %arg27[%get3A_1597, %get3A_1598] {strides = array<i32>} : memref<256x16xf32, #tpu.memory_space<vmem>>, vector<16xf32>,
      %mul3A_1600 = arith.mulf %mul3A_1588, %get3A_1599 : vector<16xf32>
      %add3A_1601 = arith.addf %add3A_1538, %mul3A_1600 : vector<16xf32>
      %get3A_1602 = arith.constant 83 : i32
      %get3A_1603 = arith.index_cast %get3A_1602 : i32 to index
      %get3A_1604 = arith.constant 0 : index
      %get3A_1605 = tpu.vector_load %arg27[%get3A_1603, %get3A_1604] {strides = array<i32>} : memref<256x16xf32, #tpu.memory_space<vmem>>, vector<16xf32>,
      %mul3A_1606 = arith.mulf %mul3A_1588, %get3A_1605 : vector<16xf32>
      %add3A_1607 = arith.addf %add3A_1544, %mul3A_1606 : vector<16xf32>
      %get3A_1608 = arith.constant 115 : i32
      %get3A_1609 = arith.index_cast %get3A_1608 : i32 to index
      %get3A_1610 = arith.constant 0 : index
      %get3A_1611 = tpu.vector_load %arg27[%get3A_1609, %get3A_1610] {strides = array<i32>} : memref<256x16xf32, #tpu.memory_space<vmem>>, vector<16xf32>,
      %mul3A_1612 = arith.mulf %mul3A_1588, %get3A_1611 : vector<16xf32>
      %add3A_1613 = arith.addf %add3A_1550, %mul3A_1612 : vector<16xf32>
      %get3A_1614 = arith.constant 147 : i32
      %get3A_1615 = arith.index_cast %get3A_1614 : i32 to index
      %get3A_1616 = arith.constant 0 : index
      %get3A_1617 = tpu.vector_load %arg27[%get3A_1615, %get3A_1616] {strides = array<i32>} : memref<256x16xf32, #tpu.memory_space<vmem>>, vector<16xf32>,
      %mul3A_1618 = arith.mulf %mul3A_1588, %get3A_1617 : vector<16xf32>
      %add3A_1619 = arith.addf %add3A_1556, %mul3A_1618 : vector<16xf32>
      %get3A_1620 = arith.constant 179 : i32
      %get3A_1621 = arith.index_cast %get3A_1620 : i32 to index
      %get3A_1622 = arith.constant 0 : index
      %get3A_1623 = tpu.vector_load %arg27[%get3A_1621, %get3A_1622] {strides = array<i32>} : memref<256x16xf32, #tpu.memory_space<vmem>>, vector<16xf32>,
      %mul3A_1624 = arith.mulf %mul3A_1588, %get3A_1623 : vector<16xf32>
      %add3A_1625 = arith.addf %add3A_1562, %mul3A_1624 : vector<16xf32>
      %get3A_1626 = arith.constant 211 : i32
      %get3A_1627 = arith.index_cast %get3A_1626 : i32 to index
      %get3A_1628 = arith.constant 0 : index
      %get3A_1629 = tpu.vector_load %arg27[%get3A_1627, %get3A_1628] {strides = array<i32>} : memref<256x16xf32, #tpu.memory_space<vmem>>, vector<16xf32>,
      %mul3A_1630 = arith.mulf %mul3A_1588, %get3A_1629 : vector<16xf32>
      %add3A_1631 = arith.addf %add3A_1568, %mul3A_1630 : vector<16xf32>
      %get3A_1632 = arith.constant 243 : i32
      %get3A_1633 = arith.index_cast %get3A_1632 : i32 to index
      %get3A_1634 = arith.constant 0 : index
      %get3A_1635 = tpu.vector_load %arg27[%get3A_1633, %get3A_1634] {strides = array<i32>} : memref<256x16xf32, #tpu.memory_space<vmem>>, vector<16xf32>,
      %mul3A_1636 = arith.mulf %mul3A_1588, %get3A_1635 : vector<16xf32>
      %add3A_1637 = arith.addf %add3A_1574, %mul3A_1636 : vector<16xf32>
      %broadcast_in_dim3A_1638 = arith.constant 20 : i32
      %broadcast_in_dim3A_1639 = vector.broadcast %broadcast_in_dim3A_1638 : i32 to vector<16xi32>
      %gather3A_1640 = tpu.vector_load_idx %arg25[%get3A_355, %broadcast_in_dim3A_1639] : memref<4x32xf32, #tpu.memory_space<vmem>>[vector<16xi32>, vector<16xi32>], vector<16xf32>,
      %gather3A_1641 = tpu.vector_load_idx %arg26[%get3A_359, %broadcast_in_dim3A_1639] : memref<4x32xf32, #tpu.memory_space<vmem>>[vector<16xi32>, vector<16xi32>], vector<16xf32>,
      %mul3A_1642 = arith.mulf %gather3A_1640, %gather3A_1641 : vector<16xf32>
      %gather3A_1643 = tpu.vector_load_idx %arg21[%add3A_352, %broadcast_in_dim3A_1639] : memref<512x32xf32, #tpu.memory_space<vmem>>[vector<16xi32>, vector<16xi32>], vector<16xf32>,
      %gather3A_1644 = tpu.vector_load_idx %arg22[%add3A_352, %broadcast_in_dim3A_1639] : memref<512x32xf32, #tpu.memory_space<vmem>>[vector<16xi32>, vector<16xi32>], vector<16xf32>,
      %gather3A_1645 = tpu.vector_load_idx %arg23[%add3A_352, %broadcast_in_dim3A_1639] : memref<512x32xf32, #tpu.memory_space<vmem>>[vector<16xi32>, vector<16xi32>], vector<16xf32>,
      %gather3A_1646 = tpu.vector_load_idx %arg24[%add3A_352, %broadcast_in_dim3A_1639] : memref<512x32xf32, #tpu.memory_space<vmem>>[vector<16xi32>, vector<16xi32>], vector<16xf32>,
      %mul3A_1647 = arith.mulf %gather3A_1643, %gather3A_1644 : vector<16xf32>
      %mul3A_1648 = arith.mulf %mul3A_1647, %mul3A_1642 : vector<16xf32>
      %add3A_1649 = arith.addf %add3A_1586, %mul3A_1648 : vector<16xf32>
      %mul3A_1650 = arith.mulf %gather3A_1645, %gather3A_1646 : vector<16xf32>
      %mul3A_1651 = arith.mulf %mul3A_1650, %mul3A_1642 : vector<16xf32>
      %add3A_1652 = arith.addf %add3A_1589, %mul3A_1651 : vector<16xf32>
      %get3A_1653 = arith.constant 20 : i32
      %get3A_1654 = arith.index_cast %get3A_1653 : i32 to index
      %get3A_1655 = arith.constant 0 : index
      %get3A_1656 = tpu.vector_load %arg27[%get3A_1654, %get3A_1655] {strides = array<i32>} : memref<256x16xf32, #tpu.memory_space<vmem>>, vector<16xf32>,
      %mul3A_1657 = arith.mulf %mul3A_1651, %get3A_1656 : vector<16xf32>
      %add3A_1658 = arith.addf %add3A_1595, %mul3A_1657 : vector<16xf32>
      %get3A_1659 = arith.constant 52 : i32
      %get3A_1660 = arith.index_cast %get3A_1659 : i32 to index
      %get3A_1661 = arith.constant 0 : index
      %get3A_1662 = tpu.vector_load %arg27[%get3A_1660, %get3A_1661] {strides = array<i32>} : memref<256x16xf32, #tpu.memory_space<vmem>>, vector<16xf32>,
      %mul3A_1663 = arith.mulf %mul3A_1651, %get3A_1662 : vector<16xf32>
      %add3A_1664 = arith.addf %add3A_1601, %mul3A_1663 : vector<16xf32>
      %get3A_1665 = arith.constant 84 : i32
      %get3A_1666 = arith.index_cast %get3A_1665 : i32 to index
      %get3A_1667 = arith.constant 0 : index
      %get3A_1668 = tpu.vector_load %arg27[%get3A_1666, %get3A_1667] {strides = array<i32>} : memref<256x16xf32, #tpu.memory_space<vmem>>, vector<16xf32>,
      %mul3A_1669 = arith.mulf %mul3A_1651, %get3A_1668 : vector<16xf32>
      %add3A_1670 = arith.addf %add3A_1607, %mul3A_1669 : vector<16xf32>
      %get3A_1671 = arith.constant 116 : i32
      %get3A_1672 = arith.index_cast %get3A_1671 : i32 to index
      %get3A_1673 = arith.constant 0 : index
      %get3A_1674 = tpu.vector_load %arg27[%get3A_1672, %get3A_1673] {strides = array<i32>} : memref<256x16xf32, #tpu.memory_space<vmem>>, vector<16xf32>,
      %mul3A_1675 = arith.mulf %mul3A_1651, %get3A_1674 : vector<16xf32>
      %add3A_1676 = arith.addf %add3A_1613, %mul3A_1675 : vector<16xf32>
      %get3A_1677 = arith.constant 148 : i32
      %get3A_1678 = arith.index_cast %get3A_1677 : i32 to index
      %get3A_1679 = arith.constant 0 : index
      %get3A_1680 = tpu.vector_load %arg27[%get3A_1678, %get3A_1679] {strides = array<i32>} : memref<256x16xf32, #tpu.memory_space<vmem>>, vector<16xf32>,
      %mul3A_1681 = arith.mulf %mul3A_1651, %get3A_1680 : vector<16xf32>
      %add3A_1682 = arith.addf %add3A_1619, %mul3A_1681 : vector<16xf32>
      %get3A_1683 = arith.constant 180 : i32
      %get3A_1684 = arith.index_cast %get3A_1683 : i32 to index
      %get3A_1685 = arith.constant 0 : index
      %get3A_1686 = tpu.vector_load %arg27[%get3A_1684, %get3A_1685] {strides = array<i32>} : memref<256x16xf32, #tpu.memory_space<vmem>>, vector<16xf32>,
      %mul3A_1687 = arith.mulf %mul3A_1651, %get3A_1686 : vector<16xf32>
      %add3A_1688 = arith.addf %add3A_1625, %mul3A_1687 : vector<16xf32>
      %get3A_1689 = arith.constant 212 : i32
      %get3A_1690 = arith.index_cast %get3A_1689 : i32 to index
      %get3A_1691 = arith.constant 0 : index
      %get3A_1692 = tpu.vector_load %arg27[%get3A_1690, %get3A_1691] {strides = array<i32>} : memref<256x16xf32, #tpu.memory_space<vmem>>, vector<16xf32>,
      %mul3A_1693 = arith.mulf %mul3A_1651, %get3A_1692 : vector<16xf32>
      %add3A_1694 = arith.addf %add3A_1631, %mul3A_1693 : vector<16xf32>
      %get3A_1695 = arith.constant 244 : i32
      %get3A_1696 = arith.index_cast %get3A_1695 : i32 to index
      %get3A_1697 = arith.constant 0 : index
      %get3A_1698 = tpu.vector_load %arg27[%get3A_1696, %get3A_1697] {strides = array<i32>} : memref<256x16xf32, #tpu.memory_space<vmem>>, vector<16xf32>,
      %mul3A_1699 = arith.mulf %mul3A_1651, %get3A_1698 : vector<16xf32>
      %add3A_1700 = arith.addf %add3A_1637, %mul3A_1699 : vector<16xf32>
      %broadcast_in_dim3A_1701 = arith.constant 21 : i32
      %broadcast_in_dim3A_1702 = vector.broadcast %broadcast_in_dim3A_1701 : i32 to vector<16xi32>
      %gather3A_1703 = tpu.vector_load_idx %arg25[%get3A_355, %broadcast_in_dim3A_1702] : memref<4x32xf32, #tpu.memory_space<vmem>>[vector<16xi32>, vector<16xi32>], vector<16xf32>,
      %gather3A_1704 = tpu.vector_load_idx %arg26[%get3A_359, %broadcast_in_dim3A_1702] : memref<4x32xf32, #tpu.memory_space<vmem>>[vector<16xi32>, vector<16xi32>], vector<16xf32>,
      %mul3A_1705 = arith.mulf %gather3A_1703, %gather3A_1704 : vector<16xf32>
      %gather3A_1706 = tpu.vector_load_idx %arg21[%add3A_352, %broadcast_in_dim3A_1702] : memref<512x32xf32, #tpu.memory_space<vmem>>[vector<16xi32>, vector<16xi32>], vector<16xf32>,
      %gather3A_1707 = tpu.vector_load_idx %arg22[%add3A_352, %broadcast_in_dim3A_1702] : memref<512x32xf32, #tpu.memory_space<vmem>>[vector<16xi32>, vector<16xi32>], vector<16xf32>,
      %gather3A_1708 = tpu.vector_load_idx %arg23[%add3A_352, %broadcast_in_dim3A_1702] : memref<512x32xf32, #tpu.memory_space<vmem>>[vector<16xi32>, vector<16xi32>], vector<16xf32>,
      %gather3A_1709 = tpu.vector_load_idx %arg24[%add3A_352, %broadcast_in_dim3A_1702] : memref<512x32xf32, #tpu.memory_space<vmem>>[vector<16xi32>, vector<16xi32>], vector<16xf32>,
      %mul3A_1710 = arith.mulf %gather3A_1706, %gather3A_1707 : vector<16xf32>
      %mul3A_1711 = arith.mulf %mul3A_1710, %mul3A_1705 : vector<16xf32>
      %add3A_1712 = arith.addf %add3A_1649, %mul3A_1711 : vector<16xf32>
      %mul3A_1713 = arith.mulf %gather3A_1708, %gather3A_1709 : vector<16xf32>
      %mul3A_1714 = arith.mulf %mul3A_1713, %mul3A_1705 : vector<16xf32>
      %add3A_1715 = arith.addf %add3A_1652, %mul3A_1714 : vector<16xf32>
      %get3A_1716 = arith.constant 21 : i32
      %get3A_1717 = arith.index_cast %get3A_1716 : i32 to index
      %get3A_1718 = arith.constant 0 : index
      %get3A_1719 = tpu.vector_load %arg27[%get3A_1717, %get3A_1718] {strides = array<i32>} : memref<256x16xf32, #tpu.memory_space<vmem>>, vector<16xf32>,
      %mul3A_1720 = arith.mulf %mul3A_1714, %get3A_1719 : vector<16xf32>
      %add3A_1721 = arith.addf %add3A_1658, %mul3A_1720 : vector<16xf32>
      %get3A_1722 = arith.constant 53 : i32
      %get3A_1723 = arith.index_cast %get3A_1722 : i32 to index
      %get3A_1724 = arith.constant 0 : index
      %get3A_1725 = tpu.vector_load %arg27[%get3A_1723, %get3A_1724] {strides = array<i32>} : memref<256x16xf32, #tpu.memory_space<vmem>>, vector<16xf32>,
      %mul3A_1726 = arith.mulf %mul3A_1714, %get3A_1725 : vector<16xf32>
      %add3A_1727 = arith.addf %add3A_1664, %mul3A_1726 : vector<16xf32>
      %get3A_1728 = arith.constant 85 : i32
      %get3A_1729 = arith.index_cast %get3A_1728 : i32 to index
      %get3A_1730 = arith.constant 0 : index
      %get3A_1731 = tpu.vector_load %arg27[%get3A_1729, %get3A_1730] {strides = array<i32>} : memref<256x16xf32, #tpu.memory_space<vmem>>, vector<16xf32>,
      %mul3A_1732 = arith.mulf %mul3A_1714, %get3A_1731 : vector<16xf32>
      %add3A_1733 = arith.addf %add3A_1670, %mul3A_1732 : vector<16xf32>
      %get3A_1734 = arith.constant 117 : i32
      %get3A_1735 = arith.index_cast %get3A_1734 : i32 to index
      %get3A_1736 = arith.constant 0 : index
      %get3A_1737 = tpu.vector_load %arg27[%get3A_1735, %get3A_1736] {strides = array<i32>} : memref<256x16xf32, #tpu.memory_space<vmem>>, vector<16xf32>,
      %mul3A_1738 = arith.mulf %mul3A_1714, %get3A_1737 : vector<16xf32>
      %add3A_1739 = arith.addf %add3A_1676, %mul3A_1738 : vector<16xf32>
      %get3A_1740 = arith.constant 149 : i32
      %get3A_1741 = arith.index_cast %get3A_1740 : i32 to index
      %get3A_1742 = arith.constant 0 : index
      %get3A_1743 = tpu.vector_load %arg27[%get3A_1741, %get3A_1742] {strides = array<i32>} : memref<256x16xf32, #tpu.memory_space<vmem>>, vector<16xf32>,
      %mul3A_1744 = arith.mulf %mul3A_1714, %get3A_1743 : vector<16xf32>
      %add3A_1745 = arith.addf %add3A_1682, %mul3A_1744 : vector<16xf32>
      %get3A_1746 = arith.constant 181 : i32
      %get3A_1747 = arith.index_cast %get3A_1746 : i32 to index
      %get3A_1748 = arith.constant 0 : index
      %get3A_1749 = tpu.vector_load %arg27[%get3A_1747, %get3A_1748] {strides = array<i32>} : memref<256x16xf32, #tpu.memory_space<vmem>>, vector<16xf32>,
      %mul3A_1750 = arith.mulf %mul3A_1714, %get3A_1749 : vector<16xf32>
      %add3A_1751 = arith.addf %add3A_1688, %mul3A_1750 : vector<16xf32>
      %get3A_1752 = arith.constant 213 : i32
      %get3A_1753 = arith.index_cast %get3A_1752 : i32 to index
      %get3A_1754 = arith.constant 0 : index
      %get3A_1755 = tpu.vector_load %arg27[%get3A_1753, %get3A_1754] {strides = array<i32>} : memref<256x16xf32, #tpu.memory_space<vmem>>, vector<16xf32>,
      %mul3A_1756 = arith.mulf %mul3A_1714, %get3A_1755 : vector<16xf32>
      %add3A_1757 = arith.addf %add3A_1694, %mul3A_1756 : vector<16xf32>
      %get3A_1758 = arith.constant 245 : i32
      %get3A_1759 = arith.index_cast %get3A_1758 : i32 to index
      %get3A_1760 = arith.constant 0 : index
      %get3A_1761 = tpu.vector_load %arg27[%get3A_1759, %get3A_1760] {strides = array<i32>} : memref<256x16xf32, #tpu.memory_space<vmem>>, vector<16xf32>,
      %mul3A_1762 = arith.mulf %mul3A_1714, %get3A_1761 : vector<16xf32>
      %add3A_1763 = arith.addf %add3A_1700, %mul3A_1762 : vector<16xf32>
      %broadcast_in_dim3A_1764 = arith.constant 22 : i32
      %broadcast_in_dim3A_1765 = vector.broadcast %broadcast_in_dim3A_1764 : i32 to vector<16xi32>
      %gather3A_1766 = tpu.vector_load_idx %arg25[%get3A_355, %broadcast_in_dim3A_1765] : memref<4x32xf32, #tpu.memory_space<vmem>>[vector<16xi32>, vector<16xi32>], vector<16xf32>,
      %gather3A_1767 = tpu.vector_load_idx %arg26[%get3A_359, %broadcast_in_dim3A_1765] : memref<4x32xf32, #tpu.memory_space<vmem>>[vector<16xi32>, vector<16xi32>], vector<16xf32>,
      %mul3A_1768 = arith.mulf %gather3A_1766, %gather3A_1767 : vector<16xf32>
      %gather3A_1769 = tpu.vector_load_idx %arg21[%add3A_352, %broadcast_in_dim3A_1765] : memref<512x32xf32, #tpu.memory_space<vmem>>[vector<16xi32>, vector<16xi32>], vector<16xf32>,
      %gather3A_1770 = tpu.vector_load_idx %arg22[%add3A_352, %broadcast_in_dim3A_1765] : memref<512x32xf32, #tpu.memory_space<vmem>>[vector<16xi32>, vector<16xi32>], vector<16xf32>,
      %gather3A_1771 = tpu.vector_load_idx %arg23[%add3A_352, %broadcast_in_dim3A_1765] : memref<512x32xf32, #tpu.memory_space<vmem>>[vector<16xi32>, vector<16xi32>], vector<16xf32>,
      %gather3A_1772 = tpu.vector_load_idx %arg24[%add3A_352, %broadcast_in_dim3A_1765] : memref<512x32xf32, #tpu.memory_space<vmem>>[vector<16xi32>, vector<16xi32>], vector<16xf32>,
      %mul3A_1773 = arith.mulf %gather3A_1769, %gather3A_1770 : vector<16xf32>
      %mul3A_1774 = arith.mulf %mul3A_1773, %mul3A_1768 : vector<16xf32>
      %add3A_1775 = arith.addf %add3A_1712, %mul3A_1774 : vector<16xf32>
      %mul3A_1776 = arith.mulf %gather3A_1771, %gather3A_1772 : vector<16xf32>
      %mul3A_1777 = arith.mulf %mul3A_1776, %mul3A_1768 : vector<16xf32>
      %add3A_1778 = arith.addf %add3A_1715, %mul3A_1777 : vector<16xf32>
      %get3A_1779 = arith.constant 22 : i32
      %get3A_1780 = arith.index_cast %get3A_1779 : i32 to index
      %get3A_1781 = arith.constant 0 : index
      %get3A_1782 = tpu.vector_load %arg27[%get3A_1780, %get3A_1781] {strides = array<i32>} : memref<256x16xf32, #tpu.memory_space<vmem>>, vector<16xf32>,
      %mul3A_1783 = arith.mulf %mul3A_1777, %get3A_1782 : vector<16xf32>
      %add3A_1784 = arith.addf %add3A_1721, %mul3A_1783 : vector<16xf32>
      %get3A_1785 = arith.constant 54 : i32
      %get3A_1786 = arith.index_cast %get3A_1785 : i32 to index
      %get3A_1787 = arith.constant 0 : index
      %get3A_1788 = tpu.vector_load %arg27[%get3A_1786, %get3A_1787] {strides = array<i32>} : memref<256x16xf32, #tpu.memory_space<vmem>>, vector<16xf32>,
      %mul3A_1789 = arith.mulf %mul3A_1777, %get3A_1788 : vector<16xf32>
      %add3A_1790 = arith.addf %add3A_1727, %mul3A_1789 : vector<16xf32>
      %get3A_1791 = arith.constant 86 : i32
      %get3A_1792 = arith.index_cast %get3A_1791 : i32 to index
      %get3A_1793 = arith.constant 0 : index
      %get3A_1794 = tpu.vector_load %arg27[%get3A_1792, %get3A_1793] {strides = array<i32>} : memref<256x16xf32, #tpu.memory_space<vmem>>, vector<16xf32>,
      %mul3A_1795 = arith.mulf %mul3A_1777, %get3A_1794 : vector<16xf32>
      %add3A_1796 = arith.addf %add3A_1733, %mul3A_1795 : vector<16xf32>
      %get3A_1797 = arith.constant 118 : i32
      %get3A_1798 = arith.index_cast %get3A_1797 : i32 to index
      %get3A_1799 = arith.constant 0 : index
      %get3A_1800 = tpu.vector_load %arg27[%get3A_1798, %get3A_1799] {strides = array<i32>} : memref<256x16xf32, #tpu.memory_space<vmem>>, vector<16xf32>,
      %mul3A_1801 = arith.mulf %mul3A_1777, %get3A_1800 : vector<16xf32>
      %add3A_1802 = arith.addf %add3A_1739, %mul3A_1801 : vector<16xf32>
      %get3A_1803 = arith.constant 150 : i32
      %get3A_1804 = arith.index_cast %get3A_1803 : i32 to index
      %get3A_1805 = arith.constant 0 : index
      %get3A_1806 = tpu.vector_load %arg27[%get3A_1804, %get3A_1805] {strides = array<i32>} : memref<256x16xf32, #tpu.memory_space<vmem>>, vector<16xf32>,
      %mul3A_1807 = arith.mulf %mul3A_1777, %get3A_1806 : vector<16xf32>
      %add3A_1808 = arith.addf %add3A_1745, %mul3A_1807 : vector<16xf32>
      %get3A_1809 = arith.constant 182 : i32
      %get3A_1810 = arith.index_cast %get3A_1809 : i32 to index
      %get3A_1811 = arith.constant 0 : index
      %get3A_1812 = tpu.vector_load %arg27[%get3A_1810, %get3A_1811] {strides = array<i32>} : memref<256x16xf32, #tpu.memory_space<vmem>>, vector<16xf32>,
      %mul3A_1813 = arith.mulf %mul3A_1777, %get3A_1812 : vector<16xf32>
      %add3A_1814 = arith.addf %add3A_1751, %mul3A_1813 : vector<16xf32>
      %get3A_1815 = arith.constant 214 : i32
      %get3A_1816 = arith.index_cast %get3A_1815 : i32 to index
      %get3A_1817 = arith.constant 0 : index
      %get3A_1818 = tpu.vector_load %arg27[%get3A_1816, %get3A_1817] {strides = array<i32>} : memref<256x16xf32, #tpu.memory_space<vmem>>, vector<16xf32>,
      %mul3A_1819 = arith.mulf %mul3A_1777, %get3A_1818 : vector<16xf32>
      %add3A_1820 = arith.addf %add3A_1757, %mul3A_1819 : vector<16xf32>
      %get3A_1821 = arith.constant 246 : i32
      %get3A_1822 = arith.index_cast %get3A_1821 : i32 to index
      %get3A_1823 = arith.constant 0 : index
      %get3A_1824 = tpu.vector_load %arg27[%get3A_1822, %get3A_1823] {strides = array<i32>} : memref<256x16xf32, #tpu.memory_space<vmem>>, vector<16xf32>,
      %mul3A_1825 = arith.mulf %mul3A_1777, %get3A_1824 : vector<16xf32>
      %add3A_1826 = arith.addf %add3A_1763, %mul3A_1825 : vector<16xf32>
      %broadcast_in_dim3A_1827 = arith.constant 23 : i32
      %broadcast_in_dim3A_1828 = vector.broadcast %broadcast_in_dim3A_1827 : i32 to vector<16xi32>
      %gather3A_1829 = tpu.vector_load_idx %arg25[%get3A_355, %broadcast_in_dim3A_1828] : memref<4x32xf32, #tpu.memory_space<vmem>>[vector<16xi32>, vector<16xi32>], vector<16xf32>,
      %gather3A_1830 = tpu.vector_load_idx %arg26[%get3A_359, %broadcast_in_dim3A_1828] : memref<4x32xf32, #tpu.memory_space<vmem>>[vector<16xi32>, vector<16xi32>], vector<16xf32>,
      %mul3A_1831 = arith.mulf %gather3A_1829, %gather3A_1830 : vector<16xf32>
      %gather3A_1832 = tpu.vector_load_idx %arg21[%add3A_352, %broadcast_in_dim3A_1828] : memref<512x32xf32, #tpu.memory_space<vmem>>[vector<16xi32>, vector<16xi32>], vector<16xf32>,
      %gather3A_1833 = tpu.vector_load_idx %arg22[%add3A_352, %broadcast_in_dim3A_1828] : memref<512x32xf32, #tpu.memory_space<vmem>>[vector<16xi32>, vector<16xi32>], vector<16xf32>,
      %gather3A_1834 = tpu.vector_load_idx %arg23[%add3A_352, %broadcast_in_dim3A_1828] : memref<512x32xf32, #tpu.memory_space<vmem>>[vector<16xi32>, vector<16xi32>], vector<16xf32>,
      %gather3A_1835 = tpu.vector_load_idx %arg24[%add3A_352, %broadcast_in_dim3A_1828] : memref<512x32xf32, #tpu.memory_space<vmem>>[vector<16xi32>, vector<16xi32>], vector<16xf32>,
      %mul3A_1836 = arith.mulf %gather3A_1832, %gather3A_1833 : vector<16xf32>
      %mul3A_1837 = arith.mulf %mul3A_1836, %mul3A_1831 : vector<16xf32>
      %add3A_1838 = arith.addf %add3A_1775, %mul3A_1837 : vector<16xf32>
      %mul3A_1839 = arith.mulf %gather3A_1834, %gather3A_1835 : vector<16xf32>
      %mul3A_1840 = arith.mulf %mul3A_1839, %mul3A_1831 : vector<16xf32>
      %add3A_1841 = arith.addf %add3A_1778, %mul3A_1840 : vector<16xf32>
      %get3A_1842 = arith.constant 23 : i32
      %get3A_1843 = arith.index_cast %get3A_1842 : i32 to index
      %get3A_1844 = arith.constant 0 : index
      %get3A_1845 = tpu.vector_load %arg27[%get3A_1843, %get3A_1844] {strides = array<i32>} : memref<256x16xf32, #tpu.memory_space<vmem>>, vector<16xf32>,
      %mul3A_1846 = arith.mulf %mul3A_1840, %get3A_1845 : vector<16xf32>
      %add3A_1847 = arith.addf %add3A_1784, %mul3A_1846 : vector<16xf32>
      %get3A_1848 = arith.constant 55 : i32
      %get3A_1849 = arith.index_cast %get3A_1848 : i32 to index
      %get3A_1850 = arith.constant 0 : index
      %get3A_1851 = tpu.vector_load %arg27[%get3A_1849, %get3A_1850] {strides = array<i32>} : memref<256x16xf32, #tpu.memory_space<vmem>>, vector<16xf32>,
      %mul3A_1852 = arith.mulf %mul3A_1840, %get3A_1851 : vector<16xf32>
      %add3A_1853 = arith.addf %add3A_1790, %mul3A_1852 : vector<16xf32>
      %get3A_1854 = arith.constant 87 : i32
      %get3A_1855 = arith.index_cast %get3A_1854 : i32 to index
      %get3A_1856 = arith.constant 0 : index
      %get3A_1857 = tpu.vector_load %arg27[%get3A_1855, %get3A_1856] {strides = array<i32>} : memref<256x16xf32, #tpu.memory_space<vmem>>, vector<16xf32>,
      %mul3A_1858 = arith.mulf %mul3A_1840, %get3A_1857 : vector<16xf32>
      %add3A_1859 = arith.addf %add3A_1796, %mul3A_1858 : vector<16xf32>
      %get3A_1860 = arith.constant 119 : i32
      %get3A_1861 = arith.index_cast %get3A_1860 : i32 to index
      %get3A_1862 = arith.constant 0 : index
      %get3A_1863 = tpu.vector_load %arg27[%get3A_1861, %get3A_1862] {strides = array<i32>} : memref<256x16xf32, #tpu.memory_space<vmem>>, vector<16xf32>,
      %mul3A_1864 = arith.mulf %mul3A_1840, %get3A_1863 : vector<16xf32>
      %add3A_1865 = arith.addf %add3A_1802, %mul3A_1864 : vector<16xf32>
      %get3A_1866 = arith.constant 151 : i32
      %get3A_1867 = arith.index_cast %get3A_1866 : i32 to index
      %get3A_1868 = arith.constant 0 : index
      %get3A_1869 = tpu.vector_load %arg27[%get3A_1867, %get3A_1868] {strides = array<i32>} : memref<256x16xf32, #tpu.memory_space<vmem>>, vector<16xf32>,
      %mul3A_1870 = arith.mulf %mul3A_1840, %get3A_1869 : vector<16xf32>
      %add3A_1871 = arith.addf %add3A_1808, %mul3A_1870 : vector<16xf32>
      %get3A_1872 = arith.constant 183 : i32
      %get3A_1873 = arith.index_cast %get3A_1872 : i32 to index
      %get3A_1874 = arith.constant 0 : index
      %get3A_1875 = tpu.vector_load %arg27[%get3A_1873, %get3A_1874] {strides = array<i32>} : memref<256x16xf32, #tpu.memory_space<vmem>>, vector<16xf32>,
      %mul3A_1876 = arith.mulf %mul3A_1840, %get3A_1875 : vector<16xf32>
      %add3A_1877 = arith.addf %add3A_1814, %mul3A_1876 : vector<16xf32>
      %get3A_1878 = arith.constant 215 : i32
      %get3A_1879 = arith.index_cast %get3A_1878 : i32 to index
      %get3A_1880 = arith.constant 0 : index
      %get3A_1881 = tpu.vector_load %arg27[%get3A_1879, %get3A_1880] {strides = array<i32>} : memref<256x16xf32, #tpu.memory_space<vmem>>, vector<16xf32>,
      %mul3A_1882 = arith.mulf %mul3A_1840, %get3A_1881 : vector<16xf32>
      %add3A_1883 = arith.addf %add3A_1820, %mul3A_1882 : vector<16xf32>
      %get3A_1884 = arith.constant 247 : i32
      %get3A_1885 = arith.index_cast %get3A_1884 : i32 to index
      %get3A_1886 = arith.constant 0 : index
      %get3A_1887 = tpu.vector_load %arg27[%get3A_1885, %get3A_1886] {strides = array<i32>} : memref<256x16xf32, #tpu.memory_space<vmem>>, vector<16xf32>,
      %mul3A_1888 = arith.mulf %mul3A_1840, %get3A_1887 : vector<16xf32>
      %add3A_1889 = arith.addf %add3A_1826, %mul3A_1888 : vector<16xf32>
      %broadcast_in_dim3A_1890 = arith.constant 24 : i32
      %broadcast_in_dim3A_1891 = vector.broadcast %broadcast_in_dim3A_1890 : i32 to vector<16xi32>
      %gather3A_1892 = tpu.vector_load_idx %arg25[%get3A_355, %broadcast_in_dim3A_1891] : memref<4x32xf32, #tpu.memory_space<vmem>>[vector<16xi32>, vector<16xi32>], vector<16xf32>,
      %gather3A_1893 = tpu.vector_load_idx %arg26[%get3A_359, %broadcast_in_dim3A_1891] : memref<4x32xf32, #tpu.memory_space<vmem>>[vector<16xi32>, vector<16xi32>], vector<16xf32>,
      %mul3A_1894 = arith.mulf %gather3A_1892, %gather3A_1893 : vector<16xf32>
      %gather3A_1895 = tpu.vector_load_idx %arg21[%add3A_352, %broadcast_in_dim3A_1891] : memref<512x32xf32, #tpu.memory_space<vmem>>[vector<16xi32>, vector<16xi32>], vector<16xf32>,
      %gather3A_1896 = tpu.vector_load_idx %arg22[%add3A_352, %broadcast_in_dim3A_1891] : memref<512x32xf32, #tpu.memory_space<vmem>>[vector<16xi32>, vector<16xi32>], vector<16xf32>,
      %gather3A_1897 = tpu.vector_load_idx %arg23[%add3A_352, %broadcast_in_dim3A_1891] : memref<512x32xf32, #tpu.memory_space<vmem>>[vector<16xi32>, vector<16xi32>], vector<16xf32>,
      %gather3A_1898 = tpu.vector_load_idx %arg24[%add3A_352, %broadcast_in_dim3A_1891] : memref<512x32xf32, #tpu.memory_space<vmem>>[vector<16xi32>, vector<16xi32>], vector<16xf32>,
      %mul3A_1899 = arith.mulf %gather3A_1895, %gather3A_1896 : vector<16xf32>
      %mul3A_1900 = arith.mulf %mul3A_1899, %mul3A_1894 : vector<16xf32>
      %add3A_1901 = arith.addf %add3A_1838, %mul3A_1900 : vector<16xf32>
      %mul3A_1902 = arith.mulf %gather3A_1897, %gather3A_1898 : vector<16xf32>
      %mul3A_1903 = arith.mulf %mul3A_1902, %mul3A_1894 : vector<16xf32>
      %add3A_1904 = arith.addf %add3A_1841, %mul3A_1903 : vector<16xf32>
      %get3A_1905 = arith.constant 24 : i32
      %get3A_1906 = arith.index_cast %get3A_1905 : i32 to index
      %get3A_1907 = arith.constant 0 : index
      %get3A_1908 = tpu.vector_load %arg27[%get3A_1906, %get3A_1907] {strides = array<i32>} : memref<256x16xf32, #tpu.memory_space<vmem>>, vector<16xf32>,
      %mul3A_1909 = arith.mulf %mul3A_1903, %get3A_1908 : vector<16xf32>
      %add3A_1910 = arith.addf %add3A_1847, %mul3A_1909 : vector<16xf32>
      %get3A_1911 = arith.constant 56 : i32
      %get3A_1912 = arith.index_cast %get3A_1911 : i32 to index
      %get3A_1913 = arith.constant 0 : index
      %get3A_1914 = tpu.vector_load %arg27[%get3A_1912, %get3A_1913] {strides = array<i32>} : memref<256x16xf32, #tpu.memory_space<vmem>>, vector<16xf32>,
      %mul3A_1915 = arith.mulf %mul3A_1903, %get3A_1914 : vector<16xf32>
      %add3A_1916 = arith.addf %add3A_1853, %mul3A_1915 : vector<16xf32>
      %get3A_1917 = arith.constant 88 : i32
      %get3A_1918 = arith.index_cast %get3A_1917 : i32 to index
      %get3A_1919 = arith.constant 0 : index
      %get3A_1920 = tpu.vector_load %arg27[%get3A_1918, %get3A_1919] {strides = array<i32>} : memref<256x16xf32, #tpu.memory_space<vmem>>, vector<16xf32>,
      %mul3A_1921 = arith.mulf %mul3A_1903, %get3A_1920 : vector<16xf32>
      %add3A_1922 = arith.addf %add3A_1859, %mul3A_1921 : vector<16xf32>
      %get3A_1923 = arith.constant 120 : i32
      %get3A_1924 = arith.index_cast %get3A_1923 : i32 to index
      %get3A_1925 = arith.constant 0 : index
      %get3A_1926 = tpu.vector_load %arg27[%get3A_1924, %get3A_1925] {strides = array<i32>} : memref<256x16xf32, #tpu.memory_space<vmem>>, vector<16xf32>,
      %mul3A_1927 = arith.mulf %mul3A_1903, %get3A_1926 : vector<16xf32>
      %add3A_1928 = arith.addf %add3A_1865, %mul3A_1927 : vector<16xf32>
      %get3A_1929 = arith.constant 152 : i32
      %get3A_1930 = arith.index_cast %get3A_1929 : i32 to index
      %get3A_1931 = arith.constant 0 : index
      %get3A_1932 = tpu.vector_load %arg27[%get3A_1930, %get3A_1931] {strides = array<i32>} : memref<256x16xf32, #tpu.memory_space<vmem>>, vector<16xf32>,
      %mul3A_1933 = arith.mulf %mul3A_1903, %get3A_1932 : vector<16xf32>
      %add3A_1934 = arith.addf %add3A_1871, %mul3A_1933 : vector<16xf32>
      %get3A_1935 = arith.constant 184 : i32
      %get3A_1936 = arith.index_cast %get3A_1935 : i32 to index
      %get3A_1937 = arith.constant 0 : index
      %get3A_1938 = tpu.vector_load %arg27[%get3A_1936, %get3A_1937] {strides = array<i32>} : memref<256x16xf32, #tpu.memory_space<vmem>>, vector<16xf32>,
      %mul3A_1939 = arith.mulf %mul3A_1903, %get3A_1938 : vector<16xf32>
      %add3A_1940 = arith.addf %add3A_1877, %mul3A_1939 : vector<16xf32>
      %get3A_1941 = arith.constant 216 : i32
      %get3A_1942 = arith.index_cast %get3A_1941 : i32 to index
      %get3A_1943 = arith.constant 0 : index
      %get3A_1944 = tpu.vector_load %arg27[%get3A_1942, %get3A_1943] {strides = array<i32>} : memref<256x16xf32, #tpu.memory_space<vmem>>, vector<16xf32>,
      %mul3A_1945 = arith.mulf %mul3A_1903, %get3A_1944 : vector<16xf32>
      %add3A_1946 = arith.addf %add3A_1883, %mul3A_1945 : vector<16xf32>
      %get3A_1947 = arith.constant 248 : i32
      %get3A_1948 = arith.index_cast %get3A_1947 : i32 to index
      %get3A_1949 = arith.constant 0 : index
      %get3A_1950 = tpu.vector_load %arg27[%get3A_1948, %get3A_1949] {strides = array<i32>} : memref<256x16xf32, #tpu.memory_space<vmem>>, vector<16xf32>,
      %mul3A_1951 = arith.mulf %mul3A_1903, %get3A_1950 : vector<16xf32>
      %add3A_1952 = arith.addf %add3A_1889, %mul3A_1951 : vector<16xf32>
      %broadcast_in_dim3A_1953 = arith.constant 25 : i32
      %broadcast_in_dim3A_1954 = vector.broadcast %broadcast_in_dim3A_1953 : i32 to vector<16xi32>
      %gather3A_1955 = tpu.vector_load_idx %arg25[%get3A_355, %broadcast_in_dim3A_1954] : memref<4x32xf32, #tpu.memory_space<vmem>>[vector<16xi32>, vector<16xi32>], vector<16xf32>,
      %gather3A_1956 = tpu.vector_load_idx %arg26[%get3A_359, %broadcast_in_dim3A_1954] : memref<4x32xf32, #tpu.memory_space<vmem>>[vector<16xi32>, vector<16xi32>], vector<16xf32>,
      %mul3A_1957 = arith.mulf %gather3A_1955, %gather3A_1956 : vector<16xf32>
      %gather3A_1958 = tpu.vector_load_idx %arg21[%add3A_352, %broadcast_in_dim3A_1954] : memref<512x32xf32, #tpu.memory_space<vmem>>[vector<16xi32>, vector<16xi32>], vector<16xf32>,
      %gather3A_1959 = tpu.vector_load_idx %arg22[%add3A_352, %broadcast_in_dim3A_1954] : memref<512x32xf32, #tpu.memory_space<vmem>>[vector<16xi32>, vector<16xi32>], vector<16xf32>,
      %gather3A_1960 = tpu.vector_load_idx %arg23[%add3A_352, %broadcast_in_dim3A_1954] : memref<512x32xf32, #tpu.memory_space<vmem>>[vector<16xi32>, vector<16xi32>], vector<16xf32>,
      %gather3A_1961 = tpu.vector_load_idx %arg24[%add3A_352, %broadcast_in_dim3A_1954] : memref<512x32xf32, #tpu.memory_space<vmem>>[vector<16xi32>, vector<16xi32>], vector<16xf32>,
      %mul3A_1962 = arith.mulf %gather3A_1958, %gather3A_1959 : vector<16xf32>
      %mul3A_1963 = arith.mulf %mul3A_1962, %mul3A_1957 : vector<16xf32>
      %add3A_1964 = arith.addf %add3A_1901, %mul3A_1963 : vector<16xf32>
      %mul3A_1965 = arith.mulf %gather3A_1960, %gather3A_1961 : vector<16xf32>
      %mul3A_1966 = arith.mulf %mul3A_1965, %mul3A_1957 : vector<16xf32>
      %add3A_1967 = arith.addf %add3A_1904, %mul3A_1966 : vector<16xf32>
      %get3A_1968 = arith.constant 25 : i32
      %get3A_1969 = arith.index_cast %get3A_1968 : i32 to index
      %get3A_1970 = arith.constant 0 : index
      %get3A_1971 = tpu.vector_load %arg27[%get3A_1969, %get3A_1970] {strides = array<i32>} : memref<256x16xf32, #tpu.memory_space<vmem>>, vector<16xf32>,
      %mul3A_1972 = arith.mulf %mul3A_1966, %get3A_1971 : vector<16xf32>
      %add3A_1973 = arith.addf %add3A_1910, %mul3A_1972 : vector<16xf32>
      %get3A_1974 = arith.constant 57 : i32
      %get3A_1975 = arith.index_cast %get3A_1974 : i32 to index
      %get3A_1976 = arith.constant 0 : index
      %get3A_1977 = tpu.vector_load %arg27[%get3A_1975, %get3A_1976] {strides = array<i32>} : memref<256x16xf32, #tpu.memory_space<vmem>>, vector<16xf32>,
      %mul3A_1978 = arith.mulf %mul3A_1966, %get3A_1977 : vector<16xf32>
      %add3A_1979 = arith.addf %add3A_1916, %mul3A_1978 : vector<16xf32>
      %get3A_1980 = arith.constant 89 : i32
      %get3A_1981 = arith.index_cast %get3A_1980 : i32 to index
      %get3A_1982 = arith.constant 0 : index
      %get3A_1983 = tpu.vector_load %arg27[%get3A_1981, %get3A_1982] {strides = array<i32>} : memref<256x16xf32, #tpu.memory_space<vmem>>, vector<16xf32>,
      %mul3A_1984 = arith.mulf %mul3A_1966, %get3A_1983 : vector<16xf32>
      %add3A_1985 = arith.addf %add3A_1922, %mul3A_1984 : vector<16xf32>
      %get3A_1986 = arith.constant 121 : i32
      %get3A_1987 = arith.index_cast %get3A_1986 : i32 to index
      %get3A_1988 = arith.constant 0 : index
      %get3A_1989 = tpu.vector_load %arg27[%get3A_1987, %get3A_1988] {strides = array<i32>} : memref<256x16xf32, #tpu.memory_space<vmem>>, vector<16xf32>,
      %mul3A_1990 = arith.mulf %mul3A_1966, %get3A_1989 : vector<16xf32>
      %add3A_1991 = arith.addf %add3A_1928, %mul3A_1990 : vector<16xf32>
      %get3A_1992 = arith.constant 153 : i32
      %get3A_1993 = arith.index_cast %get3A_1992 : i32 to index
      %get3A_1994 = arith.constant 0 : index
      %get3A_1995 = tpu.vector_load %arg27[%get3A_1993, %get3A_1994] {strides = array<i32>} : memref<256x16xf32, #tpu.memory_space<vmem>>, vector<16xf32>,
      %mul3A_1996 = arith.mulf %mul3A_1966, %get3A_1995 : vector<16xf32>
      %add3A_1997 = arith.addf %add3A_1934, %mul3A_1996 : vector<16xf32>
      %get3A_1998 = arith.constant 185 : i32
      %get3A_1999 = arith.index_cast %get3A_1998 : i32 to index
      %get3A_2000 = arith.constant 0 : index
      %get3A_2001 = tpu.vector_load %arg27[%get3A_1999, %get3A_2000] {strides = array<i32>} : memref<256x16xf32, #tpu.memory_space<vmem>>, vector<16xf32>,
      %mul3A_2002 = arith.mulf %mul3A_1966, %get3A_2001 : vector<16xf32>
      %add3A_2003 = arith.addf %add3A_1940, %mul3A_2002 : vector<16xf32>
      %get3A_2004 = arith.constant 217 : i32
      %get3A_2005 = arith.index_cast %get3A_2004 : i32 to index
      %get3A_2006 = arith.constant 0 : index
      %get3A_2007 = tpu.vector_load %arg27[%get3A_2005, %get3A_2006] {strides = array<i32>} : memref<256x16xf32, #tpu.memory_space<vmem>>, vector<16xf32>,
      %mul3A_2008 = arith.mulf %mul3A_1966, %get3A_2007 : vector<16xf32>
      %add3A_2009 = arith.addf %add3A_1946, %mul3A_2008 : vector<16xf32>
      %get3A_2010 = arith.constant 249 : i32
      %get3A_2011 = arith.index_cast %get3A_2010 : i32 to index
      %get3A_2012 = arith.constant 0 : index
      %get3A_2013 = tpu.vector_load %arg27[%get3A_2011, %get3A_2012] {strides = array<i32>} : memref<256x16xf32, #tpu.memory_space<vmem>>, vector<16xf32>,
      %mul3A_2014 = arith.mulf %mul3A_1966, %get3A_2013 : vector<16xf32>
      %add3A_2015 = arith.addf %add3A_1952, %mul3A_2014 : vector<16xf32>
      %broadcast_in_dim3A_2016 = arith.constant 26 : i32
      %broadcast_in_dim3A_2017 = vector.broadcast %broadcast_in_dim3A_2016 : i32 to vector<16xi32>
      %gather3A_2018 = tpu.vector_load_idx %arg25[%get3A_355, %broadcast_in_dim3A_2017] : memref<4x32xf32, #tpu.memory_space<vmem>>[vector<16xi32>, vector<16xi32>], vector<16xf32>,
      %gather3A_2019 = tpu.vector_load_idx %arg26[%get3A_359, %broadcast_in_dim3A_2017] : memref<4x32xf32, #tpu.memory_space<vmem>>[vector<16xi32>, vector<16xi32>], vector<16xf32>,
      %mul3A_2020 = arith.mulf %gather3A_2018, %gather3A_2019 : vector<16xf32>
      %gather3A_2021 = tpu.vector_load_idx %arg21[%add3A_352, %broadcast_in_dim3A_2017] : memref<512x32xf32, #tpu.memory_space<vmem>>[vector<16xi32>, vector<16xi32>], vector<16xf32>,
      %gather3A_2022 = tpu.vector_load_idx %arg22[%add3A_352, %broadcast_in_dim3A_2017] : memref<512x32xf32, #tpu.memory_space<vmem>>[vector<16xi32>, vector<16xi32>], vector<16xf32>,
      %gather3A_2023 = tpu.vector_load_idx %arg23[%add3A_352, %broadcast_in_dim3A_2017] : memref<512x32xf32, #tpu.memory_space<vmem>>[vector<16xi32>, vector<16xi32>], vector<16xf32>,
      %gather3A_2024 = tpu.vector_load_idx %arg24[%add3A_352, %broadcast_in_dim3A_2017] : memref<512x32xf32, #tpu.memory_space<vmem>>[vector<16xi32>, vector<16xi32>], vector<16xf32>,
      %mul3A_2025 = arith.mulf %gather3A_2021, %gather3A_2022 : vector<16xf32>
      %mul3A_2026 = arith.mulf %mul3A_2025, %mul3A_2020 : vector<16xf32>
      %add3A_2027 = arith.addf %add3A_1964, %mul3A_2026 : vector<16xf32>
      %mul3A_2028 = arith.mulf %gather3A_2023, %gather3A_2024 : vector<16xf32>
      %mul3A_2029 = arith.mulf %mul3A_2028, %mul3A_2020 : vector<16xf32>
      %add3A_2030 = arith.addf %add3A_1967, %mul3A_2029 : vector<16xf32>
      %get3A_2031 = arith.constant 26 : i32
      %get3A_2032 = arith.index_cast %get3A_2031 : i32 to index
      %get3A_2033 = arith.constant 0 : index
      %get3A_2034 = tpu.vector_load %arg27[%get3A_2032, %get3A_2033] {strides = array<i32>} : memref<256x16xf32, #tpu.memory_space<vmem>>, vector<16xf32>,
      %mul3A_2035 = arith.mulf %mul3A_2029, %get3A_2034 : vector<16xf32>
      %add3A_2036 = arith.addf %add3A_1973, %mul3A_2035 : vector<16xf32>
      %get3A_2037 = arith.constant 58 : i32
      %get3A_2038 = arith.index_cast %get3A_2037 : i32 to index
      %get3A_2039 = arith.constant 0 : index
      %get3A_2040 = tpu.vector_load %arg27[%get3A_2038, %get3A_2039] {strides = array<i32>} : memref<256x16xf32, #tpu.memory_space<vmem>>, vector<16xf32>,
      %mul3A_2041 = arith.mulf %mul3A_2029, %get3A_2040 : vector<16xf32>
      %add3A_2042 = arith.addf %add3A_1979, %mul3A_2041 : vector<16xf32>
      %get3A_2043 = arith.constant 90 : i32
      %get3A_2044 = arith.index_cast %get3A_2043 : i32 to index
      %get3A_2045 = arith.constant 0 : index
      %get3A_2046 = tpu.vector_load %arg27[%get3A_2044, %get3A_2045] {strides = array<i32>} : memref<256x16xf32, #tpu.memory_space<vmem>>, vector<16xf32>,
      %mul3A_2047 = arith.mulf %mul3A_2029, %get3A_2046 : vector<16xf32>
      %add3A_2048 = arith.addf %add3A_1985, %mul3A_2047 : vector<16xf32>
      %get3A_2049 = arith.constant 122 : i32
      %get3A_2050 = arith.index_cast %get3A_2049 : i32 to index
      %get3A_2051 = arith.constant 0 : index
      %get3A_2052 = tpu.vector_load %arg27[%get3A_2050, %get3A_2051] {strides = array<i32>} : memref<256x16xf32, #tpu.memory_space<vmem>>, vector<16xf32>,
      %mul3A_2053 = arith.mulf %mul3A_2029, %get3A_2052 : vector<16xf32>
      %add3A_2054 = arith.addf %add3A_1991, %mul3A_2053 : vector<16xf32>
      %get3A_2055 = arith.constant 154 : i32
      %get3A_2056 = arith.index_cast %get3A_2055 : i32 to index
      %get3A_2057 = arith.constant 0 : index
      %get3A_2058 = tpu.vector_load %arg27[%get3A_2056, %get3A_2057] {strides = array<i32>} : memref<256x16xf32, #tpu.memory_space<vmem>>, vector<16xf32>,
      %mul3A_2059 = arith.mulf %mul3A_2029, %get3A_2058 : vector<16xf32>
      %add3A_2060 = arith.addf %add3A_1997, %mul3A_2059 : vector<16xf32>
      %get3A_2061 = arith.constant 186 : i32
      %get3A_2062 = arith.index_cast %get3A_2061 : i32 to index
      %get3A_2063 = arith.constant 0 : index
      %get3A_2064 = tpu.vector_load %arg27[%get3A_2062, %get3A_2063] {strides = array<i32>} : memref<256x16xf32, #tpu.memory_space<vmem>>, vector<16xf32>,
      %mul3A_2065 = arith.mulf %mul3A_2029, %get3A_2064 : vector<16xf32>
      %add3A_2066 = arith.addf %add3A_2003, %mul3A_2065 : vector<16xf32>
      %get3A_2067 = arith.constant 218 : i32
      %get3A_2068 = arith.index_cast %get3A_2067 : i32 to index
      %get3A_2069 = arith.constant 0 : index
      %get3A_2070 = tpu.vector_load %arg27[%get3A_2068, %get3A_2069] {strides = array<i32>} : memref<256x16xf32, #tpu.memory_space<vmem>>, vector<16xf32>,
      %mul3A_2071 = arith.mulf %mul3A_2029, %get3A_2070 : vector<16xf32>
      %add3A_2072 = arith.addf %add3A_2009, %mul3A_2071 : vector<16xf32>
      %get3A_2073 = arith.constant 250 : i32
      %get3A_2074 = arith.index_cast %get3A_2073 : i32 to index
      %get3A_2075 = arith.constant 0 : index
      %get3A_2076 = tpu.vector_load %arg27[%get3A_2074, %get3A_2075] {strides = array<i32>} : memref<256x16xf32, #tpu.memory_space<vmem>>, vector<16xf32>,
      %mul3A_2077 = arith.mulf %mul3A_2029, %get3A_2076 : vector<16xf32>
      %add3A_2078 = arith.addf %add3A_2015, %mul3A_2077 : vector<16xf32>
      %broadcast_in_dim3A_2079 = arith.constant 27 : i32
      %broadcast_in_dim3A_2080 = vector.broadcast %broadcast_in_dim3A_2079 : i32 to vector<16xi32>
      %gather3A_2081 = tpu.vector_load_idx %arg25[%get3A_355, %broadcast_in_dim3A_2080] : memref<4x32xf32, #tpu.memory_space<vmem>>[vector<16xi32>, vector<16xi32>], vector<16xf32>,
      %gather3A_2082 = tpu.vector_load_idx %arg26[%get3A_359, %broadcast_in_dim3A_2080] : memref<4x32xf32, #tpu.memory_space<vmem>>[vector<16xi32>, vector<16xi32>], vector<16xf32>,
      %mul3A_2083 = arith.mulf %gather3A_2081, %gather3A_2082 : vector<16xf32>
      %gather3A_2084 = tpu.vector_load_idx %arg21[%add3A_352, %broadcast_in_dim3A_2080] : memref<512x32xf32, #tpu.memory_space<vmem>>[vector<16xi32>, vector<16xi32>], vector<16xf32>,
      %gather3A_2085 = tpu.vector_load_idx %arg22[%add3A_352, %broadcast_in_dim3A_2080] : memref<512x32xf32, #tpu.memory_space<vmem>>[vector<16xi32>, vector<16xi32>], vector<16xf32>,
      %gather3A_2086 = tpu.vector_load_idx %arg23[%add3A_352, %broadcast_in_dim3A_2080] : memref<512x32xf32, #tpu.memory_space<vmem>>[vector<16xi32>, vector<16xi32>], vector<16xf32>,
      %gather3A_2087 = tpu.vector_load_idx %arg24[%add3A_352, %broadcast_in_dim3A_2080] : memref<512x32xf32, #tpu.memory_space<vmem>>[vector<16xi32>, vector<16xi32>], vector<16xf32>,
      %mul3A_2088 = arith.mulf %gather3A_2084, %gather3A_2085 : vector<16xf32>
      %mul3A_2089 = arith.mulf %mul3A_2088, %mul3A_2083 : vector<16xf32>
      %add3A_2090 = arith.addf %add3A_2027, %mul3A_2089 : vector<16xf32>
      %mul3A_2091 = arith.mulf %gather3A_2086, %gather3A_2087 : vector<16xf32>
      %mul3A_2092 = arith.mulf %mul3A_2091, %mul3A_2083 : vector<16xf32>
      %add3A_2093 = arith.addf %add3A_2030, %mul3A_2092 : vector<16xf32>
      %get3A_2094 = arith.constant 27 : i32
      %get3A_2095 = arith.index_cast %get3A_2094 : i32 to index
      %get3A_2096 = arith.constant 0 : index
      %get3A_2097 = tpu.vector_load %arg27[%get3A_2095, %get3A_2096] {strides = array<i32>} : memref<256x16xf32, #tpu.memory_space<vmem>>, vector<16xf32>,
      %mul3A_2098 = arith.mulf %mul3A_2092, %get3A_2097 : vector<16xf32>
      %add3A_2099 = arith.addf %add3A_2036, %mul3A_2098 : vector<16xf32>
      %get3A_2100 = arith.constant 59 : i32
      %get3A_2101 = arith.index_cast %get3A_2100 : i32 to index
      %get3A_2102 = arith.constant 0 : index
      %get3A_2103 = tpu.vector_load %arg27[%get3A_2101, %get3A_2102] {strides = array<i32>} : memref<256x16xf32, #tpu.memory_space<vmem>>, vector<16xf32>,
      %mul3A_2104 = arith.mulf %mul3A_2092, %get3A_2103 : vector<16xf32>
      %add3A_2105 = arith.addf %add3A_2042, %mul3A_2104 : vector<16xf32>
      %get3A_2106 = arith.constant 91 : i32
      %get3A_2107 = arith.index_cast %get3A_2106 : i32 to index
      %get3A_2108 = arith.constant 0 : index
      %get3A_2109 = tpu.vector_load %arg27[%get3A_2107, %get3A_2108] {strides = array<i32>} : memref<256x16xf32, #tpu.memory_space<vmem>>, vector<16xf32>,
      %mul3A_2110 = arith.mulf %mul3A_2092, %get3A_2109 : vector<16xf32>
      %add3A_2111 = arith.addf %add3A_2048, %mul3A_2110 : vector<16xf32>
      %get3A_2112 = arith.constant 123 : i32
      %get3A_2113 = arith.index_cast %get3A_2112 : i32 to index
      %get3A_2114 = arith.constant 0 : index
      %get3A_2115 = tpu.vector_load %arg27[%get3A_2113, %get3A_2114] {strides = array<i32>} : memref<256x16xf32, #tpu.memory_space<vmem>>, vector<16xf32>,
      %mul3A_2116 = arith.mulf %mul3A_2092, %get3A_2115 : vector<16xf32>
      %add3A_2117 = arith.addf %add3A_2054, %mul3A_2116 : vector<16xf32>
      %get3A_2118 = arith.constant 155 : i32
      %get3A_2119 = arith.index_cast %get3A_2118 : i32 to index
      %get3A_2120 = arith.constant 0 : index
      %get3A_2121 = tpu.vector_load %arg27[%get3A_2119, %get3A_2120] {strides = array<i32>} : memref<256x16xf32, #tpu.memory_space<vmem>>, vector<16xf32>,
      %mul3A_2122 = arith.mulf %mul3A_2092, %get3A_2121 : vector<16xf32>
      %add3A_2123 = arith.addf %add3A_2060, %mul3A_2122 : vector<16xf32>
      %get3A_2124 = arith.constant 187 : i32
      %get3A_2125 = arith.index_cast %get3A_2124 : i32 to index
      %get3A_2126 = arith.constant 0 : index
      %get3A_2127 = tpu.vector_load %arg27[%get3A_2125, %get3A_2126] {strides = array<i32>} : memref<256x16xf32, #tpu.memory_space<vmem>>, vector<16xf32>,
      %mul3A_2128 = arith.mulf %mul3A_2092, %get3A_2127 : vector<16xf32>
      %add3A_2129 = arith.addf %add3A_2066, %mul3A_2128 : vector<16xf32>
      %get3A_2130 = arith.constant 219 : i32
      %get3A_2131 = arith.index_cast %get3A_2130 : i32 to index
      %get3A_2132 = arith.constant 0 : index
      %get3A_2133 = tpu.vector_load %arg27[%get3A_2131, %get3A_2132] {strides = array<i32>} : memref<256x16xf32, #tpu.memory_space<vmem>>, vector<16xf32>,
      %mul3A_2134 = arith.mulf %mul3A_2092, %get3A_2133 : vector<16xf32>
      %add3A_2135 = arith.addf %add3A_2072, %mul3A_2134 : vector<16xf32>
      %get3A_2136 = arith.constant 251 : i32
      %get3A_2137 = arith.index_cast %get3A_2136 : i32 to index
      %get3A_2138 = arith.constant 0 : index
      %get3A_2139 = tpu.vector_load %arg27[%get3A_2137, %get3A_2138] {strides = array<i32>} : memref<256x16xf32, #tpu.memory_space<vmem>>, vector<16xf32>,
      %mul3A_2140 = arith.mulf %mul3A_2092, %get3A_2139 : vector<16xf32>
      %add3A_2141 = arith.addf %add3A_2078, %mul3A_2140 : vector<16xf32>
      %broadcast_in_dim3A_2142 = arith.constant 28 : i32
      %broadcast_in_dim3A_2143 = vector.broadcast %broadcast_in_dim3A_2142 : i32 to vector<16xi32>
      %gather3A_2144 = tpu.vector_load_idx %arg25[%get3A_355, %broadcast_in_dim3A_2143] : memref<4x32xf32, #tpu.memory_space<vmem>>[vector<16xi32>, vector<16xi32>], vector<16xf32>,
      %gather3A_2145 = tpu.vector_load_idx %arg26[%get3A_359, %broadcast_in_dim3A_2143] : memref<4x32xf32, #tpu.memory_space<vmem>>[vector<16xi32>, vector<16xi32>], vector<16xf32>,
      %mul3A_2146 = arith.mulf %gather3A_2144, %gather3A_2145 : vector<16xf32>
      %gather3A_2147 = tpu.vector_load_idx %arg21[%add3A_352, %broadcast_in_dim3A_2143] : memref<512x32xf32, #tpu.memory_space<vmem>>[vector<16xi32>, vector<16xi32>], vector<16xf32>,
      %gather3A_2148 = tpu.vector_load_idx %arg22[%add3A_352, %broadcast_in_dim3A_2143] : memref<512x32xf32, #tpu.memory_space<vmem>>[vector<16xi32>, vector<16xi32>], vector<16xf32>,
      %gather3A_2149 = tpu.vector_load_idx %arg23[%add3A_352, %broadcast_in_dim3A_2143] : memref<512x32xf32, #tpu.memory_space<vmem>>[vector<16xi32>, vector<16xi32>], vector<16xf32>,
      %gather3A_2150 = tpu.vector_load_idx %arg24[%add3A_352, %broadcast_in_dim3A_2143] : memref<512x32xf32, #tpu.memory_space<vmem>>[vector<16xi32>, vector<16xi32>], vector<16xf32>,
      %mul3A_2151 = arith.mulf %gather3A_2147, %gather3A_2148 : vector<16xf32>
      %mul3A_2152 = arith.mulf %mul3A_2151, %mul3A_2146 : vector<16xf32>
      %add3A_2153 = arith.addf %add3A_2090, %mul3A_2152 : vector<16xf32>
      %mul3A_2154 = arith.mulf %gather3A_2149, %gather3A_2150 : vector<16xf32>
      %mul3A_2155 = arith.mulf %mul3A_2154, %mul3A_2146 : vector<16xf32>
      %add3A_2156 = arith.addf %add3A_2093, %mul3A_2155 : vector<16xf32>
      %get3A_2157 = arith.constant 28 : i32
      %get3A_2158 = arith.index_cast %get3A_2157 : i32 to index
      %get3A_2159 = arith.constant 0 : index
      %get3A_2160 = tpu.vector_load %arg27[%get3A_2158, %get3A_2159] {strides = array<i32>} : memref<256x16xf32, #tpu.memory_space<vmem>>, vector<16xf32>,
      %mul3A_2161 = arith.mulf %mul3A_2155, %get3A_2160 : vector<16xf32>
      %add3A_2162 = arith.addf %add3A_2099, %mul3A_2161 : vector<16xf32>
      %get3A_2163 = arith.constant 60 : i32
      %get3A_2164 = arith.index_cast %get3A_2163 : i32 to index
      %get3A_2165 = arith.constant 0 : index
      %get3A_2166 = tpu.vector_load %arg27[%get3A_2164, %get3A_2165] {strides = array<i32>} : memref<256x16xf32, #tpu.memory_space<vmem>>, vector<16xf32>,
      %mul3A_2167 = arith.mulf %mul3A_2155, %get3A_2166 : vector<16xf32>
      %add3A_2168 = arith.addf %add3A_2105, %mul3A_2167 : vector<16xf32>
      %get3A_2169 = arith.constant 92 : i32
      %get3A_2170 = arith.index_cast %get3A_2169 : i32 to index
      %get3A_2171 = arith.constant 0 : index
      %get3A_2172 = tpu.vector_load %arg27[%get3A_2170, %get3A_2171] {strides = array<i32>} : memref<256x16xf32, #tpu.memory_space<vmem>>, vector<16xf32>,
      %mul3A_2173 = arith.mulf %mul3A_2155, %get3A_2172 : vector<16xf32>
      %add3A_2174 = arith.addf %add3A_2111, %mul3A_2173 : vector<16xf32>
      %get3A_2175 = arith.constant 124 : i32
      %get3A_2176 = arith.index_cast %get3A_2175 : i32 to index
      %get3A_2177 = arith.constant 0 : index
      %get3A_2178 = tpu.vector_load %arg27[%get3A_2176, %get3A_2177] {strides = array<i32>} : memref<256x16xf32, #tpu.memory_space<vmem>>, vector<16xf32>,
      %mul3A_2179 = arith.mulf %mul3A_2155, %get3A_2178 : vector<16xf32>
      %add3A_2180 = arith.addf %add3A_2117, %mul3A_2179 : vector<16xf32>
      %get3A_2181 = arith.constant 156 : i32
      %get3A_2182 = arith.index_cast %get3A_2181 : i32 to index
      %get3A_2183 = arith.constant 0 : index
      %get3A_2184 = tpu.vector_load %arg27[%get3A_2182, %get3A_2183] {strides = array<i32>} : memref<256x16xf32, #tpu.memory_space<vmem>>, vector<16xf32>,
      %mul3A_2185 = arith.mulf %mul3A_2155, %get3A_2184 : vector<16xf32>
      %add3A_2186 = arith.addf %add3A_2123, %mul3A_2185 : vector<16xf32>
      %get3A_2187 = arith.constant 188 : i32
      %get3A_2188 = arith.index_cast %get3A_2187 : i32 to index
      %get3A_2189 = arith.constant 0 : index
      %get3A_2190 = tpu.vector_load %arg27[%get3A_2188, %get3A_2189] {strides = array<i32>} : memref<256x16xf32, #tpu.memory_space<vmem>>, vector<16xf32>,
      %mul3A_2191 = arith.mulf %mul3A_2155, %get3A_2190 : vector<16xf32>
      %add3A_2192 = arith.addf %add3A_2129, %mul3A_2191 : vector<16xf32>
      %get3A_2193 = arith.constant 220 : i32
      %get3A_2194 = arith.index_cast %get3A_2193 : i32 to index
      %get3A_2195 = arith.constant 0 : index
      %get3A_2196 = tpu.vector_load %arg27[%get3A_2194, %get3A_2195] {strides = array<i32>} : memref<256x16xf32, #tpu.memory_space<vmem>>, vector<16xf32>,
      %mul3A_2197 = arith.mulf %mul3A_2155, %get3A_2196 : vector<16xf32>
      %add3A_2198 = arith.addf %add3A_2135, %mul3A_2197 : vector<16xf32>
      %get3A_2199 = arith.constant 252 : i32
      %get3A_2200 = arith.index_cast %get3A_2199 : i32 to index
      %get3A_2201 = arith.constant 0 : index
      %get3A_2202 = tpu.vector_load %arg27[%get3A_2200, %get3A_2201] {strides = array<i32>} : memref<256x16xf32, #tpu.memory_space<vmem>>, vector<16xf32>,
      %mul3A_2203 = arith.mulf %mul3A_2155, %get3A_2202 : vector<16xf32>
      %add3A_2204 = arith.addf %add3A_2141, %mul3A_2203 : vector<16xf32>
      %broadcast_in_dim3A_2205 = arith.constant 29 : i32
      %broadcast_in_dim3A_2206 = vector.broadcast %broadcast_in_dim3A_2205 : i32 to vector<16xi32>
      %gather3A_2207 = tpu.vector_load_idx %arg25[%get3A_355, %broadcast_in_dim3A_2206] : memref<4x32xf32, #tpu.memory_space<vmem>>[vector<16xi32>, vector<16xi32>], vector<16xf32>,
      %gather3A_2208 = tpu.vector_load_idx %arg26[%get3A_359, %broadcast_in_dim3A_2206] : memref<4x32xf32, #tpu.memory_space<vmem>>[vector<16xi32>, vector<16xi32>], vector<16xf32>,
      %mul3A_2209 = arith.mulf %gather3A_2207, %gather3A_2208 : vector<16xf32>
      %gather3A_2210 = tpu.vector_load_idx %arg21[%add3A_352, %broadcast_in_dim3A_2206] : memref<512x32xf32, #tpu.memory_space<vmem>>[vector<16xi32>, vector<16xi32>], vector<16xf32>,
      %gather3A_2211 = tpu.vector_load_idx %arg22[%add3A_352, %broadcast_in_dim3A_2206] : memref<512x32xf32, #tpu.memory_space<vmem>>[vector<16xi32>, vector<16xi32>], vector<16xf32>,
      %gather3A_2212 = tpu.vector_load_idx %arg23[%add3A_352, %broadcast_in_dim3A_2206] : memref<512x32xf32, #tpu.memory_space<vmem>>[vector<16xi32>, vector<16xi32>], vector<16xf32>,
      %gather3A_2213 = tpu.vector_load_idx %arg24[%add3A_352, %broadcast_in_dim3A_2206] : memref<512x32xf32, #tpu.memory_space<vmem>>[vector<16xi32>, vector<16xi32>], vector<16xf32>,
      %mul3A_2214 = arith.mulf %gather3A_2210, %gather3A_2211 : vector<16xf32>
      %mul3A_2215 = arith.mulf %mul3A_2214, %mul3A_2209 : vector<16xf32>
      %add3A_2216 = arith.addf %add3A_2153, %mul3A_2215 : vector<16xf32>
      %mul3A_2217 = arith.mulf %gather3A_2212, %gather3A_2213 : vector<16xf32>
      %mul3A_2218 = arith.mulf %mul3A_2217, %mul3A_2209 : vector<16xf32>
      %add3A_2219 = arith.addf %add3A_2156, %mul3A_2218 : vector<16xf32>
      %get3A_2220 = arith.constant 29 : i32
      %get3A_2221 = arith.index_cast %get3A_2220 : i32 to index
      %get3A_2222 = arith.constant 0 : index
      %get3A_2223 = tpu.vector_load %arg27[%get3A_2221, %get3A_2222] {strides = array<i32>} : memref<256x16xf32, #tpu.memory_space<vmem>>, vector<16xf32>,
      %mul3A_2224 = arith.mulf %mul3A_2218, %get3A_2223 : vector<16xf32>
      %add3A_2225 = arith.addf %add3A_2162, %mul3A_2224 : vector<16xf32>
      %get3A_2226 = arith.constant 61 : i32
      %get3A_2227 = arith.index_cast %get3A_2226 : i32 to index
      %get3A_2228 = arith.constant 0 : index
      %get3A_2229 = tpu.vector_load %arg27[%get3A_2227, %get3A_2228] {strides = array<i32>} : memref<256x16xf32, #tpu.memory_space<vmem>>, vector<16xf32>,
      %mul3A_2230 = arith.mulf %mul3A_2218, %get3A_2229 : vector<16xf32>
      %add3A_2231 = arith.addf %add3A_2168, %mul3A_2230 : vector<16xf32>
      %get3A_2232 = arith.constant 93 : i32
      %get3A_2233 = arith.index_cast %get3A_2232 : i32 to index
      %get3A_2234 = arith.constant 0 : index
      %get3A_2235 = tpu.vector_load %arg27[%get3A_2233, %get3A_2234] {strides = array<i32>} : memref<256x16xf32, #tpu.memory_space<vmem>>, vector<16xf32>,
      %mul3A_2236 = arith.mulf %mul3A_2218, %get3A_2235 : vector<16xf32>
      %add3A_2237 = arith.addf %add3A_2174, %mul3A_2236 : vector<16xf32>
      %get3A_2238 = arith.constant 125 : i32
      %get3A_2239 = arith.index_cast %get3A_2238 : i32 to index
      %get3A_2240 = arith.constant 0 : index
      %get3A_2241 = tpu.vector_load %arg27[%get3A_2239, %get3A_2240] {strides = array<i32>} : memref<256x16xf32, #tpu.memory_space<vmem>>, vector<16xf32>,
      %mul3A_2242 = arith.mulf %mul3A_2218, %get3A_2241 : vector<16xf32>
      %add3A_2243 = arith.addf %add3A_2180, %mul3A_2242 : vector<16xf32>
      %get3A_2244 = arith.constant 157 : i32
      %get3A_2245 = arith.index_cast %get3A_2244 : i32 to index
      %get3A_2246 = arith.constant 0 : index
      %get3A_2247 = tpu.vector_load %arg27[%get3A_2245, %get3A_2246] {strides = array<i32>} : memref<256x16xf32, #tpu.memory_space<vmem>>, vector<16xf32>,
      %mul3A_2248 = arith.mulf %mul3A_2218, %get3A_2247 : vector<16xf32>
      %add3A_2249 = arith.addf %add3A_2186, %mul3A_2248 : vector<16xf32>
      %get3A_2250 = arith.constant 189 : i32
      %get3A_2251 = arith.index_cast %get3A_2250 : i32 to index
      %get3A_2252 = arith.constant 0 : index
      %get3A_2253 = tpu.vector_load %arg27[%get3A_2251, %get3A_2252] {strides = array<i32>} : memref<256x16xf32, #tpu.memory_space<vmem>>, vector<16xf32>,
      %mul3A_2254 = arith.mulf %mul3A_2218, %get3A_2253 : vector<16xf32>
      %add3A_2255 = arith.addf %add3A_2192, %mul3A_2254 : vector<16xf32>
      %get3A_2256 = arith.constant 221 : i32
      %get3A_2257 = arith.index_cast %get3A_2256 : i32 to index
      %get3A_2258 = arith.constant 0 : index
      %get3A_2259 = tpu.vector_load %arg27[%get3A_2257, %get3A_2258] {strides = array<i32>} : memref<256x16xf32, #tpu.memory_space<vmem>>, vector<16xf32>,
      %mul3A_2260 = arith.mulf %mul3A_2218, %get3A_2259 : vector<16xf32>
      %add3A_2261 = arith.addf %add3A_2198, %mul3A_2260 : vector<16xf32>
      %get3A_2262 = arith.constant 253 : i32
      %get3A_2263 = arith.index_cast %get3A_2262 : i32 to index
      %get3A_2264 = arith.constant 0 : index
      %get3A_2265 = tpu.vector_load %arg27[%get3A_2263, %get3A_2264] {strides = array<i32>} : memref<256x16xf32, #tpu.memory_space<vmem>>, vector<16xf32>,
      %mul3A_2266 = arith.mulf %mul3A_2218, %get3A_2265 : vector<16xf32>
      %add3A_2267 = arith.addf %add3A_2204, %mul3A_2266 : vector<16xf32>
      %broadcast_in_dim3A_2268 = arith.constant 30 : i32
      %broadcast_in_dim3A_2269 = vector.broadcast %broadcast_in_dim3A_2268 : i32 to vector<16xi32>
      %gather3A_2270 = tpu.vector_load_idx %arg25[%get3A_355, %broadcast_in_dim3A_2269] : memref<4x32xf32, #tpu.memory_space<vmem>>[vector<16xi32>, vector<16xi32>], vector<16xf32>,
      %gather3A_2271 = tpu.vector_load_idx %arg26[%get3A_359, %broadcast_in_dim3A_2269] : memref<4x32xf32, #tpu.memory_space<vmem>>[vector<16xi32>, vector<16xi32>], vector<16xf32>,
      %mul3A_2272 = arith.mulf %gather3A_2270, %gather3A_2271 : vector<16xf32>
      %gather3A_2273 = tpu.vector_load_idx %arg21[%add3A_352, %broadcast_in_dim3A_2269] : memref<512x32xf32, #tpu.memory_space<vmem>>[vector<16xi32>, vector<16xi32>], vector<16xf32>,
      %gather3A_2274 = tpu.vector_load_idx %arg22[%add3A_352, %broadcast_in_dim3A_2269] : memref<512x32xf32, #tpu.memory_space<vmem>>[vector<16xi32>, vector<16xi32>], vector<16xf32>,
      %gather3A_2275 = tpu.vector_load_idx %arg23[%add3A_352, %broadcast_in_dim3A_2269] : memref<512x32xf32, #tpu.memory_space<vmem>>[vector<16xi32>, vector<16xi32>], vector<16xf32>,
      %gather3A_2276 = tpu.vector_load_idx %arg24[%add3A_352, %broadcast_in_dim3A_2269] : memref<512x32xf32, #tpu.memory_space<vmem>>[vector<16xi32>, vector<16xi32>], vector<16xf32>,
      %mul3A_2277 = arith.mulf %gather3A_2273, %gather3A_2274 : vector<16xf32>
      %mul3A_2278 = arith.mulf %mul3A_2277, %mul3A_2272 : vector<16xf32>
      %add3A_2279 = arith.addf %add3A_2216, %mul3A_2278 : vector<16xf32>
      %mul3A_2280 = arith.mulf %gather3A_2275, %gather3A_2276 : vector<16xf32>
      %mul3A_2281 = arith.mulf %mul3A_2280, %mul3A_2272 : vector<16xf32>
      %add3A_2282 = arith.addf %add3A_2219, %mul3A_2281 : vector<16xf32>
      %get3A_2283 = arith.constant 30 : i32
      %get3A_2284 = arith.index_cast %get3A_2283 : i32 to index
      %get3A_2285 = arith.constant 0 : index
      %get3A_2286 = tpu.vector_load %arg27[%get3A_2284, %get3A_2285] {strides = array<i32>} : memref<256x16xf32, #tpu.memory_space<vmem>>, vector<16xf32>,
      %mul3A_2287 = arith.mulf %mul3A_2281, %get3A_2286 : vector<16xf32>
      %add3A_2288 = arith.addf %add3A_2225, %mul3A_2287 : vector<16xf32>
      %get3A_2289 = arith.constant 62 : i32
      %get3A_2290 = arith.index_cast %get3A_2289 : i32 to index
      %get3A_2291 = arith.constant 0 : index
      %get3A_2292 = tpu.vector_load %arg27[%get3A_2290, %get3A_2291] {strides = array<i32>} : memref<256x16xf32, #tpu.memory_space<vmem>>, vector<16xf32>,
      %mul3A_2293 = arith.mulf %mul3A_2281, %get3A_2292 : vector<16xf32>
      %add3A_2294 = arith.addf %add3A_2231, %mul3A_2293 : vector<16xf32>
      %get3A_2295 = arith.constant 94 : i32
      %get3A_2296 = arith.index_cast %get3A_2295 : i32 to index
      %get3A_2297 = arith.constant 0 : index
      %get3A_2298 = tpu.vector_load %arg27[%get3A_2296, %get3A_2297] {strides = array<i32>} : memref<256x16xf32, #tpu.memory_space<vmem>>, vector<16xf32>,
      %mul3A_2299 = arith.mulf %mul3A_2281, %get3A_2298 : vector<16xf32>
      %add3A_2300 = arith.addf %add3A_2237, %mul3A_2299 : vector<16xf32>
      %get3A_2301 = arith.constant 126 : i32
      %get3A_2302 = arith.index_cast %get3A_2301 : i32 to index
      %get3A_2303 = arith.constant 0 : index
      %get3A_2304 = tpu.vector_load %arg27[%get3A_2302, %get3A_2303] {strides = array<i32>} : memref<256x16xf32, #tpu.memory_space<vmem>>, vector<16xf32>,
      %mul3A_2305 = arith.mulf %mul3A_2281, %get3A_2304 : vector<16xf32>
      %add3A_2306 = arith.addf %add3A_2243, %mul3A_2305 : vector<16xf32>
      %get3A_2307 = arith.constant 158 : i32
      %get3A_2308 = arith.index_cast %get3A_2307 : i32 to index
      %get3A_2309 = arith.constant 0 : index
      %get3A_2310 = tpu.vector_load %arg27[%get3A_2308, %get3A_2309] {strides = array<i32>} : memref<256x16xf32, #tpu.memory_space<vmem>>, vector<16xf32>,
      %mul3A_2311 = arith.mulf %mul3A_2281, %get3A_2310 : vector<16xf32>
      %add3A_2312 = arith.addf %add3A_2249, %mul3A_2311 : vector<16xf32>
      %get3A_2313 = arith.constant 190 : i32
      %get3A_2314 = arith.index_cast %get3A_2313 : i32 to index
      %get3A_2315 = arith.constant 0 : index
      %get3A_2316 = tpu.vector_load %arg27[%get3A_2314, %get3A_2315] {strides = array<i32>} : memref<256x16xf32, #tpu.memory_space<vmem>>, vector<16xf32>,
      %mul3A_2317 = arith.mulf %mul3A_2281, %get3A_2316 : vector<16xf32>
      %add3A_2318 = arith.addf %add3A_2255, %mul3A_2317 : vector<16xf32>
      %get3A_2319 = arith.constant 222 : i32
      %get3A_2320 = arith.index_cast %get3A_2319 : i32 to index
      %get3A_2321 = arith.constant 0 : index
      %get3A_2322 = tpu.vector_load %arg27[%get3A_2320, %get3A_2321] {strides = array<i32>} : memref<256x16xf32, #tpu.memory_space<vmem>>, vector<16xf32>,
      %mul3A_2323 = arith.mulf %mul3A_2281, %get3A_2322 : vector<16xf32>
      %add3A_2324 = arith.addf %add3A_2261, %mul3A_2323 : vector<16xf32>
      %get3A_2325 = arith.constant 254 : i32
      %get3A_2326 = arith.index_cast %get3A_2325 : i32 to index
      %get3A_2327 = arith.constant 0 : index
      %get3A_2328 = tpu.vector_load %arg27[%get3A_2326, %get3A_2327] {strides = array<i32>} : memref<256x16xf32, #tpu.memory_space<vmem>>, vector<16xf32>,
      %mul3A_2329 = arith.mulf %mul3A_2281, %get3A_2328 : vector<16xf32>
      %add3A_2330 = arith.addf %add3A_2267, %mul3A_2329 : vector<16xf32>
      %broadcast_in_dim3A_2331 = arith.constant 31 : i32
      %broadcast_in_dim3A_2332 = vector.broadcast %broadcast_in_dim3A_2331 : i32 to vector<16xi32>
      %gather3A_2333 = tpu.vector_load_idx %arg25[%get3A_355, %broadcast_in_dim3A_2332] : memref<4x32xf32, #tpu.memory_space<vmem>>[vector<16xi32>, vector<16xi32>], vector<16xf32>,
      %gather3A_2334 = tpu.vector_load_idx %arg26[%get3A_359, %broadcast_in_dim3A_2332] : memref<4x32xf32, #tpu.memory_space<vmem>>[vector<16xi32>, vector<16xi32>], vector<16xf32>,
      %mul3A_2335 = arith.mulf %gather3A_2333, %gather3A_2334 : vector<16xf32>
      %gather3A_2336 = tpu.vector_load_idx %arg21[%add3A_352, %broadcast_in_dim3A_2332] : memref<512x32xf32, #tpu.memory_space<vmem>>[vector<16xi32>, vector<16xi32>], vector<16xf32>,
      %gather3A_2337 = tpu.vector_load_idx %arg22[%add3A_352, %broadcast_in_dim3A_2332] : memref<512x32xf32, #tpu.memory_space<vmem>>[vector<16xi32>, vector<16xi32>], vector<16xf32>,
      %gather3A_2338 = tpu.vector_load_idx %arg23[%add3A_352, %broadcast_in_dim3A_2332] : memref<512x32xf32, #tpu.memory_space<vmem>>[vector<16xi32>, vector<16xi32>], vector<16xf32>,
      %gather3A_2339 = tpu.vector_load_idx %arg24[%add3A_352, %broadcast_in_dim3A_2332] : memref<512x32xf32, #tpu.memory_space<vmem>>[vector<16xi32>, vector<16xi32>], vector<16xf32>,
      %mul3A_2340 = arith.mulf %gather3A_2336, %gather3A_2337 : vector<16xf32>
      %mul3A_2341 = arith.mulf %mul3A_2340, %mul3A_2335 : vector<16xf32>
      %add3A_2342 = arith.addf %add3A_2279, %mul3A_2341 : vector<16xf32>
      %mul3A_2343 = arith.mulf %gather3A_2338, %gather3A_2339 : vector<16xf32>
      %mul3A_2344 = arith.mulf %mul3A_2343, %mul3A_2335 : vector<16xf32>
      %add3A_2345 = arith.addf %add3A_2282, %mul3A_2344 : vector<16xf32>
      %get3A_2346 = arith.constant 31 : i32
      %get3A_2347 = arith.index_cast %get3A_2346 : i32 to index
      %get3A_2348 = arith.constant 0 : index
      %get3A_2349 = tpu.vector_load %arg27[%get3A_2347, %get3A_2348] {strides = array<i32>} : memref<256x16xf32, #tpu.memory_space<vmem>>, vector<16xf32>,
      %mul3A_2350 = arith.mulf %mul3A_2344, %get3A_2349 : vector<16xf32>
      %add3A_2351 = arith.addf %add3A_2288, %mul3A_2350 : vector<16xf32>
      %get3A_2352 = arith.constant 63 : i32
      %get3A_2353 = arith.index_cast %get3A_2352 : i32 to index
      %get3A_2354 = arith.constant 0 : index
      %get3A_2355 = tpu.vector_load %arg27[%get3A_2353, %get3A_2354] {strides = array<i32>} : memref<256x16xf32, #tpu.memory_space<vmem>>, vector<16xf32>,
      %mul3A_2356 = arith.mulf %mul3A_2344, %get3A_2355 : vector<16xf32>
      %add3A_2357 = arith.addf %add3A_2294, %mul3A_2356 : vector<16xf32>
      %get3A_2358 = arith.constant 95 : i32
      %get3A_2359 = arith.index_cast %get3A_2358 : i32 to index
      %get3A_2360 = arith.constant 0 : index
      %get3A_2361 = tpu.vector_load %arg27[%get3A_2359, %get3A_2360] {strides = array<i32>} : memref<256x16xf32, #tpu.memory_space<vmem>>, vector<16xf32>,
      %mul3A_2362 = arith.mulf %mul3A_2344, %get3A_2361 : vector<16xf32>
      %add3A_2363 = arith.addf %add3A_2300, %mul3A_2362 : vector<16xf32>
      %get3A_2364 = arith.constant 127 : i32
      %get3A_2365 = arith.index_cast %get3A_2364 : i32 to index
      %get3A_2366 = arith.constant 0 : index
      %get3A_2367 = tpu.vector_load %arg27[%get3A_2365, %get3A_2366] {strides = array<i32>} : memref<256x16xf32, #tpu.memory_space<vmem>>, vector<16xf32>,
      %mul3A_2368 = arith.mulf %mul3A_2344, %get3A_2367 : vector<16xf32>
      %add3A_2369 = arith.addf %add3A_2306, %mul3A_2368 : vector<16xf32>
      %get3A_2370 = arith.constant 159 : i32
      %get3A_2371 = arith.index_cast %get3A_2370 : i32 to index
      %get3A_2372 = arith.constant 0 : index
      %get3A_2373 = tpu.vector_load %arg27[%get3A_2371, %get3A_2372] {strides = array<i32>} : memref<256x16xf32, #tpu.memory_space<vmem>>, vector<16xf32>,
      %mul3A_2374 = arith.mulf %mul3A_2344, %get3A_2373 : vector<16xf32>
      %add3A_2375 = arith.addf %add3A_2312, %mul3A_2374 : vector<16xf32>
      %get3A_2376 = arith.constant 191 : i32
      %get3A_2377 = arith.index_cast %get3A_2376 : i32 to index
      %get3A_2378 = arith.constant 0 : index
      %get3A_2379 = tpu.vector_load %arg27[%get3A_2377, %get3A_2378] {strides = array<i32>} : memref<256x16xf32, #tpu.memory_space<vmem>>, vector<16xf32>,
      %mul3A_2380 = arith.mulf %mul3A_2344, %get3A_2379 : vector<16xf32>
      %add3A_2381 = arith.addf %add3A_2318, %mul3A_2380 : vector<16xf32>
      %get3A_2382 = arith.constant 223 : i32
      %get3A_2383 = arith.index_cast %get3A_2382 : i32 to index
      %get3A_2384 = arith.constant 0 : index
      %get3A_2385 = tpu.vector_load %arg27[%get3A_2383, %get3A_2384] {strides = array<i32>} : memref<256x16xf32, #tpu.memory_space<vmem>>, vector<16xf32>,
      %mul3A_2386 = arith.mulf %mul3A_2344, %get3A_2385 : vector<16xf32>
      %add3A_2387 = arith.addf %add3A_2324, %mul3A_2386 : vector<16xf32>
      %get3A_2388 = arith.constant 255 : i32
      %get3A_2389 = arith.index_cast %get3A_2388 : i32 to index
      %get3A_2390 = arith.constant 0 : index
      %get3A_2391 = tpu.vector_load %arg27[%get3A_2389, %get3A_2390] {strides = array<i32>} : memref<256x16xf32, #tpu.memory_space<vmem>>, vector<16xf32>,
      %mul3A_2392 = arith.mulf %mul3A_2344, %get3A_2391 : vector<16xf32>
      %add3A_2393 = arith.addf %add3A_2330, %mul3A_2392 : vector<16xf32>
      %broadcast_in_dim3A_2394 = arith.constant 0.000000e+00 : f32
      %broadcast_in_dim3A_2395 = vector.broadcast %broadcast_in_dim3A_2394 : f32 to vector<16xf32>
      %max3A = arith.maximumf %add3A_2342, %broadcast_in_dim3A_2395 : vector<16xf32>
      tpu.vector_store_idx %arg29[%add3A_352], %max3A : memref<512xf32, #tpu.memory_space<vmem>>[vector<16xi32>], vector<16xf32>,
      %max3A_2396 = arith.maximumf %add3A_2345, %broadcast_in_dim3A_2395 : vector<16xf32>
      tpu.vector_store_idx %arg30[%add3A_352], %max3A_2396 : memref<512xf32, #tpu.memory_space<vmem>>[vector<16xi32>], vector<16xf32>,
      %broadcast_in_dim3A_2397 = arith.constant 0 : i32
      %broadcast_in_dim3A_2398 = vector.broadcast %broadcast_in_dim3A_2397 : i32 to vector<16xi32>
      %get3A_2399 = arith.constant 0 : i32
      %get3A_2400 = arith.index_cast %get3A_2399 : i32 to index
      %get3A_2401 = arith.constant 0 : index
      %get3A_2402 = tpu.vector_load %arg28[%get3A_2400, %get3A_2401] {strides = array<i32>} : memref<8x16xf32, #tpu.memory_space<vmem>>, vector<16xf32>,
      %add3A_2403 = arith.addf %add3A_2351, %get3A_2402 : vector<16xf32>
      tpu.vector_store_idx %arg31[%add3A_352, %broadcast_in_dim3A_2398], %add3A_2403 : memref<512x8xf32, #tpu.memory_space<vmem>>[vector<16xi32>, vector<16xi32>], vector<16xf32>,
      %broadcast_in_dim3A_2404 = arith.constant 1 : i32
      %broadcast_in_dim3A_2405 = vector.broadcast %broadcast_in_dim3A_2404 : i32 to vector<16xi32>
      %get3A_2406 = arith.constant 1 : i32
      %get3A_2407 = arith.index_cast %get3A_2406 : i32 to index
      %get3A_2408 = arith.constant 0 : index
      %get3A_2409 = tpu.vector_load %arg28[%get3A_2407, %get3A_2408] {strides = array<i32>} : memref<8x16xf32, #tpu.memory_space<vmem>>, vector<16xf32>,
      %add3A_2410 = arith.addf %add3A_2357, %get3A_2409 : vector<16xf32>
      tpu.vector_store_idx %arg31[%add3A_352, %broadcast_in_dim3A_2405], %add3A_2410 : memref<512x8xf32, #tpu.memory_space<vmem>>[vector<16xi32>, vector<16xi32>], vector<16xf32>,
      %broadcast_in_dim3A_2411 = arith.constant 2 : i32
      %broadcast_in_dim3A_2412 = vector.broadcast %broadcast_in_dim3A_2411 : i32 to vector<16xi32>
      %get3A_2413 = arith.constant 2 : i32
      %get3A_2414 = arith.index_cast %get3A_2413 : i32 to index
      %get3A_2415 = arith.constant 0 : index
      %get3A_2416 = tpu.vector_load %arg28[%get3A_2414, %get3A_2415] {strides = array<i32>} : memref<8x16xf32, #tpu.memory_space<vmem>>, vector<16xf32>,
      %add3A_2417 = arith.addf %add3A_2363, %get3A_2416 : vector<16xf32>
      tpu.vector_store_idx %arg31[%add3A_352, %broadcast_in_dim3A_2412], %add3A_2417 : memref<512x8xf32, #tpu.memory_space<vmem>>[vector<16xi32>, vector<16xi32>], vector<16xf32>,
      %broadcast_in_dim3A_2418 = arith.constant 3 : i32
      %broadcast_in_dim3A_2419 = vector.broadcast %broadcast_in_dim3A_2418 : i32 to vector<16xi32>
      %get3A_2420 = arith.constant 3 : i32
      %get3A_2421 = arith.index_cast %get3A_2420 : i32 to index
      %get3A_2422 = arith.constant 0 : index
      %get3A_2423 = tpu.vector_load %arg28[%get3A_2421, %get3A_2422] {strides = array<i32>} : memref<8x16xf32, #tpu.memory_space<vmem>>, vector<16xf32>,
      %add3A_2424 = arith.addf %add3A_2369, %get3A_2423 : vector<16xf32>
      tpu.vector_store_idx %arg31[%add3A_352, %broadcast_in_dim3A_2419], %add3A_2424 : memref<512x8xf32, #tpu.memory_space<vmem>>[vector<16xi32>, vector<16xi32>], vector<16xf32>,
      %broadcast_in_dim3A_2425 = arith.constant 4 : i32
      %broadcast_in_dim3A_2426 = vector.broadcast %broadcast_in_dim3A_2425 : i32 to vector<16xi32>
      %get3A_2427 = arith.constant 4 : i32
      %get3A_2428 = arith.index_cast %get3A_2427 : i32 to index
      %get3A_2429 = arith.constant 0 : index
      %get3A_2430 = tpu.vector_load %arg28[%get3A_2428, %get3A_2429] {strides = array<i32>} : memref<8x16xf32, #tpu.memory_space<vmem>>, vector<16xf32>,
      %add3A_2431 = arith.addf %add3A_2375, %get3A_2430 : vector<16xf32>
      tpu.vector_store_idx %arg31[%add3A_352, %broadcast_in_dim3A_2426], %add3A_2431 : memref<512x8xf32, #tpu.memory_space<vmem>>[vector<16xi32>, vector<16xi32>], vector<16xf32>,
      %broadcast_in_dim3A_2432 = arith.constant 5 : i32
      %broadcast_in_dim3A_2433 = vector.broadcast %broadcast_in_dim3A_2432 : i32 to vector<16xi32>
      %get3A_2434 = arith.constant 5 : i32
      %get3A_2435 = arith.index_cast %get3A_2434 : i32 to index
      %get3A_2436 = arith.constant 0 : index
      %get3A_2437 = tpu.vector_load %arg28[%get3A_2435, %get3A_2436] {strides = array<i32>} : memref<8x16xf32, #tpu.memory_space<vmem>>, vector<16xf32>,
      %add3A_2438 = arith.addf %add3A_2381, %get3A_2437 : vector<16xf32>
      tpu.vector_store_idx %arg31[%add3A_352, %broadcast_in_dim3A_2433], %add3A_2438 : memref<512x8xf32, #tpu.memory_space<vmem>>[vector<16xi32>, vector<16xi32>], vector<16xf32>,
      %broadcast_in_dim3A_2439 = arith.constant 6 : i32
      %broadcast_in_dim3A_2440 = vector.broadcast %broadcast_in_dim3A_2439 : i32 to vector<16xi32>
      %get3A_2441 = arith.constant 6 : i32
      %get3A_2442 = arith.index_cast %get3A_2441 : i32 to index
      %get3A_2443 = arith.constant 0 : index
      %get3A_2444 = tpu.vector_load %arg28[%get3A_2442, %get3A_2443] {strides = array<i32>} : memref<8x16xf32, #tpu.memory_space<vmem>>, vector<16xf32>,
      %add3A_2445 = arith.addf %add3A_2387, %get3A_2444 : vector<16xf32>
      tpu.vector_store_idx %arg31[%add3A_352, %broadcast_in_dim3A_2440], %add3A_2445 : memref<512x8xf32, #tpu.memory_space<vmem>>[vector<16xi32>, vector<16xi32>], vector<16xf32>,
      %broadcast_in_dim3A_2446 = arith.constant 7 : i32
      %broadcast_in_dim3A_2447 = vector.broadcast %broadcast_in_dim3A_2446 : i32 to vector<16xi32>
      %get3A_2448 = arith.constant 7 : i32
      %get3A_2449 = arith.index_cast %get3A_2448 : i32 to index
      %get3A_2450 = arith.constant 0 : index
      %get3A_2451 = tpu.vector_load %arg28[%get3A_2449, %get3A_2450] {strides = array<i32>} : memref<8x16xf32, #tpu.memory_space<vmem>>, vector<16xf32>,
      %add3A_2452 = arith.addf %add3A_2393, %get3A_2451 : vector<16xf32>
      tpu.vector_store_idx %arg31[%add3A_352, %broadcast_in_dim3A_2447], %add3A_2452 : memref<512x8xf32, #tpu.memory_space<vmem>>[vector<16xi32>, vector<16xi32>], vector<16xf32>,
    }
    %scan3A_347 = arith.constant 32 : i32
    "tpu.region"() ({
      %run_scoped3A_348 = tpu.sem_alloc : memref<!tpu.dma_semaphore, #tpu.memory_space<semaphore_mem>>
      %dma_start3A_349 = tpu.memref_slice %arg14[%mul3A_2] : memref<16384xf32, #tpu.memory_space<hbm>> -> memref<512xf32, #tpu.memory_space<hbm>>
      %dma_start3A_350 = tpu.memref_slice %arg14[%mul3A_2] : memref<16384xf32, #tpu.memory_space<hbm>> -> memref<512xf32, #tpu.memory_space<hbm>>
      tpu.enqueue_dma source(%arg29 : memref<512xf32, #tpu.memory_space<vmem>>) target(%dma_start3A_350 : memref<512xf32, #tpu.memory_space<hbm>>) target_semaphore(%run_scoped3A_348 : memref<!tpu.dma_semaphore, #tpu.memory_space<semaphore_mem>>)
      %dma_wait3A_351 = tpu.memref_slice %arg14[%mul3A_2] : memref<16384xf32, #tpu.memory_space<hbm>> -> memref<512xf32, #tpu.memory_space<hbm>>
      %dma_wait3A_352 = tpu.memref_slice %arg14[%mul3A_2] : memref<16384xf32, #tpu.memory_space<hbm>> -> memref<512xf32, #tpu.memory_space<hbm>>
      tpu.wait_dma2 semaphore(%run_scoped3A_348 : memref<!tpu.dma_semaphore, #tpu.memory_space<semaphore_mem>>) src(%arg29 : memref<512xf32, #tpu.memory_space<vmem>>) dst(%dma_wait3A_352 : memref<512xf32, #tpu.memory_space<hbm>>)
      tpu.yield
    }) : () -> ()
    "tpu.region"() ({
      %run_scoped3A_348 = tpu.sem_alloc : memref<!tpu.dma_semaphore, #tpu.memory_space<semaphore_mem>>
      %dma_start3A_349 = tpu.memref_slice %arg15[%mul3A_2] : memref<16384xf32, #tpu.memory_space<hbm>> -> memref<512xf32, #tpu.memory_space<hbm>>
      %dma_start3A_350 = tpu.memref_slice %arg15[%mul3A_2] : memref<16384xf32, #tpu.memory_space<hbm>> -> memref<512xf32, #tpu.memory_space<hbm>>
      tpu.enqueue_dma source(%arg30 : memref<512xf32, #tpu.memory_space<vmem>>) target(%dma_start3A_350 : memref<512xf32, #tpu.memory_space<hbm>>) target_semaphore(%run_scoped3A_348 : memref<!tpu.dma_semaphore, #tpu.memory_space<semaphore_mem>>)
      %dma_wait3A_351 = tpu.memref_slice %arg15[%mul3A_2] : memref<16384xf32, #tpu.memory_space<hbm>> -> memref<512xf32, #tpu.memory_space<hbm>>
      %dma_wait3A_352 = tpu.memref_slice %arg15[%mul3A_2] : memref<16384xf32, #tpu.memory_space<hbm>> -> memref<512xf32, #tpu.memory_space<hbm>>
      tpu.wait_dma2 semaphore(%run_scoped3A_348 : memref<!tpu.dma_semaphore, #tpu.memory_space<semaphore_mem>>) src(%arg30 : memref<512xf32, #tpu.memory_space<vmem>>) dst(%dma_wait3A_352 : memref<512xf32, #tpu.memory_space<hbm>>)
      tpu.yield
    }) : () -> ()
    "tpu.region"() ({
      %run_scoped3A_348 = tpu.sem_alloc : memref<!tpu.dma_semaphore, #tpu.memory_space<semaphore_mem>>
      %dma_start3A_349 = arith.constant 0 : i32
      %dma_start3A_350 = tpu.memref_slice %arg16[%mul3A_2, %dma_start3A_349] : memref<16384x8xf32, #tpu.memory_space<hbm>> -> memref<512x8xf32, #tpu.memory_space<hbm>>
      %dma_start3A_351 = arith.constant 0 : i32
      %dma_start3A_352 = tpu.memref_slice %arg16[%mul3A_2, %dma_start3A_351] : memref<16384x8xf32, #tpu.memory_space<hbm>> -> memref<512x8xf32, #tpu.memory_space<hbm>>
      tpu.enqueue_dma source(%arg31 : memref<512x8xf32, #tpu.memory_space<vmem>>) target(%dma_start3A_352 : memref<512x8xf32, #tpu.memory_space<hbm>>) target_semaphore(%run_scoped3A_348 : memref<!tpu.dma_semaphore, #tpu.memory_space<semaphore_mem>>)
      %dma_wait3A_353 = arith.constant 0 : i32
      %dma_wait3A_354 = tpu.memref_slice %arg16[%mul3A_2, %dma_wait3A_353] : memref<16384x8xf32, #tpu.memory_space<hbm>> -> memref<512x8xf32, #tpu.memory_space<hbm>>
      %dma_wait3A_355 = arith.constant 0 : i32
      %dma_wait3A_356 = tpu.memref_slice %arg16[%mul3A_2, %dma_wait3A_355] : memref<16384x8xf32, #tpu.memory_space<hbm>> -> memref<512x8xf32, #tpu.memory_space<hbm>>
      tpu.wait_dma2 semaphore(%run_scoped3A_348 : memref<!tpu.dma_semaphore, #tpu.memory_space<semaphore_mem>>) src(%arg31 : memref<512x8xf32, #tpu.memory_space<vmem>>) dst(%dma_wait3A_356 : memref<512x8xf32, #tpu.memory_space<hbm>>)
      tpu.yield
    }) : () -> ()
    return
  }
}

</mosaic_0001>

<sc_bundles>
// kernel: _run.3.cloned.1.call-start
scs
__scs_entry_jumppad:
0x0: {  	(pc) =	sbr.rel $0x88, $3  }
0x1: {  	(tag) =	ssettag $0x0;
	lr =	simm.s32 $0x1  }
0x2: {  	[smem:$0x3F95] =	sst lr;
	_ =	strace $0xD0000000  }
0x3: {  	_ = 	snop  }
0x4: {  	_ = 	snop  }
0x5: {  	_ = 	snop  }
0x6: {  	_ = 	snop  }
0x7: {  	_ = 	snop  }
__scs_overlays_trampoline_lowered:
0x8: {  	[smem:$0x3FA4] =	sst s0  }
0x9: {  	[smem:$0x3FA5] =	sst s1  }
0xa: {  	[smem:$0x3FA6] =	sst s2  }
0xb: {  	[smem:$0x3FA7] =	sst s3  }
0xc: {  	[smem:$0x3FA8] =	sst s4  }
0xd: {  	[smem:$0x3FA9] =	sst s5  }
0xe: {  	[smem:$0x3FAA] =	sst s6  }
0xf: {  	[smem:$0x3FAB] =	sst s7  }
0x10: {  	[smem:$0x3FAC] =	sst s8  }
0x11: {  	[smem:$0x3FAD] =	sst s9;
	s0 =	simm.s32 @!p0 $0x0  }
0x12: {  	s1 =	sld [smem:$0x3F93];
	s0 =	simm.s32 @p0 $0x1  }
0x13: {  	[smem:$0x3FAE] =	sst s0;
	s0 =	simm.s32 @!p1 $0x0  }
0x14: {  	s2 =	sld [smem:$0x3F92];
	s0 =	simm.s32 @p1 $0x1  }
0x15: {  	[smem:$0x3FAF] =	sst s0;
	s0 =	simm.s32 @!p2 $0x0  }
0x16: {  	s3 =	sld [smem:$0x3FDB];
	s0 =	simm.s32 @p2 $0x1  }
0x17: {  	s4 =	simm.s32 $0x1BF5;
	[smem:$0x3FB1] =	sst s0  }
0x18: {  	s0 =	sld [smem:$0x3F94];
	_ =	swait.ge [sflag:s4], $0x0  }
0x19: {  	s7 =	sld [smem:$0x3F95]  }
0x1a: {  	s8 =	sadd.s32 $0xFFFFE003, lr  }
0x1b: {  	s9 =	sadd.s32 $0xFFFFFEF7, lr;
	s5 =	simm.s32 $0xFFFFFFFF;
	p2 =	slt.u32 s8, $0xFFFFF086  }
0x1c: {  	p1 =	slt.u32 s9, $0xF7A;
	s5 =	simm.s32 @!p2 $0x0  }
0x1d: {  	s5 =	simm.s32 @p1 $0x1;
	p0 =	seq.s32 s7, s2  }
0x1e: {  	s7 =	smul.u32 @!p0 $0xF7A, s2;
	p2 =	seq.s32 @!p0 s5, $0x0  }
0x1f: {  	s9 =	smul.u32 $0xF7A, s1;
	s8 =	simm.s32 @!p0 $0x1BF5;
	p2 =	por !p2, p0  }
0x20: {  	[sflag:s8] =	ssyncset.s32 @!p0 $0xFFFFF086;
	s6 =	sadd.s32 @!p0 s3, s7;
	s7 =	simm.s32 @!p0 $0x108  }
0x21: {  	s3 =	sadd.s32 s3, s9;
	s6 =	sadd.s32 @!p0 $0x88, s6;
	s7 =	simm.s32 @p2 $0x1082  }
0x22: {  	[simem:s7], [sflag:s8] =	dma.local @!p0 [hbm:s6], $0xF7A  }
0x23: {  	s9 =	sor.u32 $0xD0000000, s2;
	s6 =	simm.s32 $0x108;
	_ =	swait.ge @!p0 [sflag:s8], $0x0  }
0x24: {  	s3 =	sadd.s32 $0x88, s3;
	s6 =	simm.s32 @!p1 $0x1082;
	[sflag:s4] =	ssyncset.s32 $0xFFFFF086  }
0x25: {  	[simem:s6], [sflag:s4] =	dma.local [hbm:s3], $0xF7A  }
0x26: {  	[smem:$0x3F95] =	sst s1;
	(tag) =	ssettag s2;
	_ =	strace s9  }
0x27: {  	s1 =	sld [smem:$0x3FA5]  }
0x28: {  	s2 =	sld [smem:$0x3FA6]  }
0x29: {  	s4 =	sld [smem:$0x3FA8]  }
0x2a: {  	p0 =	seq.s32 s5, $0x0;
	s5 =	sld [smem:$0x3FA9]  }
0x2b: {  	s6 =	sld [smem:$0x3FAA]  }
0x2c: {  	s7 =	sld [smem:$0x3FAB]  }
0x2d: {  	s3 =	simm.s32 $0x108;
	s8 =	sld [smem:$0x3FAC]  }
0x2e: {  	s3 =	simm.s32 @!p0 $0x1082;
	s9 =	sld [smem:$0x3FAD]  }
0x2f: {  	lr =	sadd.s32 s0, s3;
	s0 =	sld [smem:$0x3FA4]  }
0x30: {  	s3 =	sld [smem:$0x3FA7]  }
0x31: {  	[smem:$0x3FB0] =	sst s10  }
0x32: {  	s10 =	sld [smem:$0x3FAE];
	_ =	sdelay $0x3  }
0x33: {  	p0 =	seq.s32 s10, $0x1;
	s10 =	sld [smem:$0x3FB0];
	_ =	sdelay $0x3  }
0x34: {  	[smem:$0x3FB0] =	sst s10  }
0x35: {  	s10 =	sld [smem:$0x3FAF];
	_ =	sdelay $0x3  }
0x36: {  	p1 =	seq.s32 s10, $0x1;
	s10 =	sld [smem:$0x3FB0];
	_ =	sdelay $0x3  }
0x37: {  	[smem:$0x3FB0] =	sst s10  }
0x38: {  	s10 =	sld [smem:$0x3FB1]  }
0x39: {  	_ = 	snop;
	(pc) =	sbr.ind lr, $3  }
0x3a: {  	_ = 	snop  }
0x3b: {  	_ = 	snop  }
0x3c: {  	p2 =	seq.s32 s10, $0x1;
	s10 =	sld [smem:$0x3FB0]  }
0x3d: {  	_ =	shalt  }
0x3e: {  	_ =	shalt  }
0x3f: {  	_ =	shalt  }
0x40: {  	_ =	shalt  }
0x41: {  	_ =	shalt  }
0x42: {  	_ =	shalt  }
0x43: {  	_ =	shalt  }
0x44: {  	_ =	shalt  }
0x45: {  	_ =	shalt  }
0x46: {  	_ =	shalt  }
0x47: {  	_ =	shalt  }
0x48: {  	_ =	shalt  }
0x49: {  	_ =	shalt  }
0x4a: {  	_ =	shalt  }
0x4b: {  	_ =	shalt  }
0x4c: {  	_ =	shalt  }
0x4d: {  	_ =	shalt  }
0x4e: {  	_ =	shalt  }
0x4f: {  	_ =	shalt  }
0x50: {  	_ =	shalt  }
0x51: {  	_ =	shalt  }
0x52: {  	_ =	shalt  }
0x53: {  	_ =	shalt  }
0x54: {  	_ =	shalt  }
0x55: {  	_ =	shalt  }
0x56: {  	_ =	shalt  }
0x57: {  	_ =	shalt  }
0x58: {  	_ =	shalt  }
0x59: {  	_ =	shalt  }
0x5a: {  	_ =	shalt  }
0x5b: {  	_ =	shalt  }
0x5c: {  	_ =	shalt  }
0x5d: {  	_ =	shalt  }
0x5e: {  	_ =	shalt  }
0x5f: {  	_ =	shalt  }
0x60: {  	_ =	shalt  }
0x61: {  	_ =	shalt  }
0x62: {  	_ =	shalt  }
0x63: {  	_ =	shalt  }
0x64: {  	_ =	shalt  }
0x65: {  	_ =	shalt  }
0x66: {  	_ =	shalt  }
0x67: {  	_ =	shalt  }
0x68: {  	_ =	shalt  }
0x69: {  	_ =	shalt  }
0x6a: {  	_ =	shalt  }
0x6b: {  	_ =	shalt  }
0x6c: {  	_ =	shalt  }
0x6d: {  	_ =	shalt  }
0x6e: {  	_ =	shalt  }
0x6f: {  	_ =	shalt  }
0x70: {  	_ =	shalt  }
0x71: {  	_ =	shalt  }
0x72: {  	_ =	shalt  }
0x73: {  	_ =	shalt  }
0x74: {  	_ =	shalt  }
0x75: {  	_ =	shalt  }
0x76: {  	_ =	shalt  }
0x77: {  	_ =	shalt  }
0x78: {  	_ =	shalt  }
0x79: {  	_ =	shalt  }
0x7a: {  	_ =	shalt  }
0x7b: {  	_ =	shalt  }
0x7c: {  	_ =	shalt  }
0x7d: {  	_ =	shalt  }
0x7e: {  	_ =	shalt  }
0x7f: {  	_ =	shalt  }
0x80: {  	_ =	shalt  }
0x81: {  	_ =	shalt  }
0x82: {  	_ =	shalt  }
0x83: {  	_ =	shalt  }
0x84: {  	_ =	shalt  }
0x85: {  	_ =	shalt  }
0x86: {  	_ =	shalt  }
0x87: {  	_ =	shalt  }
.Lfunc_end0:
.L_simem_size_0:
called_computation_lowered:
.L_overlay_start_0:
0x88: {  	s2 =	sld [smem:$0x3FD9]  }
0x89: {  	s3 =	sld [smem:$0x3FFE];
	_ =	sdelay $0x1  }
0x8a: {  	s1 =	srdreg.scid  }
0x8b: {  	s0 =	sand.u32 $0x1, s1  }
0x8c: {  	s14 =	sshll.u32 s0, $0xA;
	s2 =	sadd.s32 s3, s2  }
0x8d: {  	s2 =	sadd.s32 s2, s14  }
0x8e: {  	[smem:$0x3FBC] =	sst s2  }
0x8f: {  	_ = 	snop  }
0x90: {  	s2 =	sld [smem:$0x3FC1]  }
0x91: {  	s15 =	sld [smem:$0x3FD0]  }
0x92: {  	s4 =	sld [smem:$0x3FC0]  }
0x93: {  	s5 =	sld [smem:$0x3FBF]  }
0x94: {  	s7 =	simm.s32 $0xA;
	s8 =	simm.s32 $0x10;
	s6 =	sld [smem:$0x3FBE]  }
0x95: {  	[smem:s8], [sflag:s7] =	dma.local [hbm:s15], $0x1  }
0x96: {  	_ =	swait.eq [sflag:s7], $0x1  }
0x97: {  	s16 =	sld [smem:$0x10];
	[sflag:s7] =	ssyncset.done $0x0  }
0x98: {  	s17 =	sld [smem:$0x11];
	[sflag:s7] =	ssyncadd.s32 $0xFFFFFFFF  }
0x99: {  	s18 =	sld [smem:$0x12];
	(tm) =	ssettm $0x1  }
0x9a: {  	s9 =	sld [smem:$0x3FFB];
	_ =	sdelay $0x3  }
0x9b: {  	_ =	strace s9  }
0x9c: {  	s9 =	sld [smem:$0x3FFC];
	_ =	sdelay $0x3  }
0x9d: {  	_ =	strace s9  }
0x9e: {  	s9 =	sld [smem:$0x3FFD];
	_ =	sdelay $0x3  }
0x9f: {  	_ =	strace s9  }
0xa0: {  	_ =	strace $0x8FFFFFFF  }
0xa1: {  	s19 =	sld [smem:$0x3FDB];
	_ =	sdelay $0x1  }
0xa2: {  	s10 =	simm.s32 $_scs_section_size  }
0xa3: {  	s11 =	simm.s32 $_size__tile_overlayer_lowered;
	s12 =	simm.s32 $_tile_overlayer_lowered  }
0xa4: {  	s22 =	simm.s32 $0x1BFF;
	s21 =	sshll.u32 s12, $0x1;
	s9 =	sadd.s32 s10, s19  }
0xa5: {  	s13 =	simm.s32 $0x0;
	s20 =	sshll.u32 s11, $0x1;
	s11 =	sadd.s32 s21, s9  }
0xa6: {  	[timem:s13], [sflag:s22] =	dma.local [hbm:s11], s20  }
0xa7: {  	_ =	swait.ge [sflag:s22], s20  }
0xa8: {  	s10 =	ssub.s32 $0x0, s20;
	[sflag:s22] =	ssyncset.done $0x0  }
0xa9: {  	[sflag:s22] =	ssyncadd.s32 s10;
	_ =	sdelay $0x1  }
0xaa: {  	s23 =	simm.s32 $0x1B8B  }
0xab: {  	_ =	swait.ge [sflag:s23], $0x1  }
0xac: {  	[sflag:s23] =	ssyncset.done $0x0  }
0xad: {  	s25 =	simm.s32 $0x1B8E;
	s24 =	sld [smem:$0x3FFE];
	[sflag:s23] =	ssyncadd.s32 $0xFFFFFFFF  }
0xae: {  	s26 =	simm.s32 $execute0_lowered;
	[smem:$0x3FD2] =	sst s25  }
0xaf: {  	s11 =	sshll.u32 s26, $0x1;
	_ =	strace $0x80000046;
	[dreg:$0x1] =	wrdreg $0xFFFFFFFF  }
0xb0: {  	s28 =	simm.s32 $_size_execute0_lowered;
	s9 =	sadd.s32 s9, s11;
	[dreg:$0x0] =	wrdreg $0x0  }
0xb1: {  	s11 =	sshll.u32 s28, $0x1;
	[dreg:$0x2] =	wrdreg s9  }
0xb2: {  	[dreg:$0x3] =	wrdreg s11  }
0xb3: {  	[dreg:$0x4] =	wrdreg $0xC0  }
0xb4: {  	_ =	task [dreg:s13], $0x5FFFF  }
0xb5: {  	[dreg:$0x1] =	wrdreg $0xFFFFFFFF  }
0xb6: {  	[dreg:$0x0] =	wrdreg $0x60  }
0xb7: {  	[dreg:$0x2] =	wrdreg s24  }
0xb8: {  	[dreg:$0x3] =	wrdreg s2  }
0xb9: {  	[dreg:$0x4] =	wrdreg s4  }
0xba: {  	[dreg:$0x5] =	wrdreg s5  }
0xbb: {  	[dreg:$0x6] =	wrdreg s6  }
0xbc: {  	[dreg:$0x7] =	wrdreg s16  }
0xbd: {  	[dreg:$0x8] =	wrdreg s17  }
0xbe: {  	[dreg:$0x9] =	wrdreg s18  }
0xbf: {  	[dreg:$0xa] =	wrdreg $0x9  }
0xc0: {  	_ =	task.clear_ibuf [dreg:s13], $0xBFFFF;
	_ =	strace $0x90000046  }
0xc1: {  	s29 =	simm.s32 $0x9;
	_ =	strace $0x80000048  }
0xc2: {  	_ =	swait.ge [sflag:s29], $0x1  }
0xc3: {  	[sflag:s29] =	ssyncadd.s32 $0xFFFFFFFF  }
0xc4: {  	_ =	strace $0x90000048  }
0xc5: {  	_ =	sfence  }
0xc6: {  	s30 =	sld [smem:$0x0];
	_ =	sdelay $0x2  }
0xc7: {  	s31 =	sshll.u32 s1, $0xD;
	s1 =	sshrl.u32 s1, $0x2  }
0xc8: {  	s3 =	sand.u32 $0x4000, s31;
	s1 =	sadd.s32 s1, s30  }
0xc9: {  	s0 =	sor.u32 s3, s0;
	s1 =	sshll.u32 s1, $0x11  }
0xca: {  	s0 =	sor.u32 s1, s0  }
0xcb: {  	s0 =	sadd.s32 $0x8F2B, s0  }
0xcc: {  	[sflag:s0] =	ssyncadd.remote.s32 $0x1  }
0xcd: {  	_ =	sfence.sel $0xFFFF  }
0xce: {  	[dreg:$0x0] =	wrdreg $0xFFFFFFFF;
	(pc) =	sbr.abs _section_cstart, $3  }
0xcf: {  	[dreg:$0x1] =	wrdreg $0xFFFFFFFF  }
0xd0: {  	_ =	task.clear_ibuf [dreg:s13], $0x2FFFF;
	_ =	strace $0x9FFFFFFF  }
0xd1: {  	(tm) =	ssettm $0x7FFFFFFF  }
tec
execute0_lowered:
.L_overlay_start_1:
0x0: {  	(tag) =	ssettag $0x1  }
0x1: {  	s0 =	rddreg [dreg:$0x0]  }
0x2: {  	s2 =	rddreg [dreg:$0x1]  }
0x3: {  	s7 =	rddreg [dreg:$0x2]  }
0x4: {  	s8 =	rddreg [dreg:$0x3]  }
0x5: {  	s9 =	rddreg [dreg:$0x4]  }
0x6: {  	s10 =	rddreg [dreg:$0x5]  }
0x7: {  	s11 =	rddreg [dreg:$0x6]  }
0x8: {  	s12 =	rddreg [dreg:$0x7];
	s1 =	simm.s32 $0x0;
	s5 =	srdreg.scid  }
0x9: {  	s6 =	stileid.u32;
	s28 =	simm.s32 $0x80;
	s29 =	simm.s32 $0x280  }
0xa: {  	s30 =	simm.s32 $0x100;
	s31 =	simm.s32 $0x300;
	s3 =	sadd.s32 $0x1AB5200, s0  }
0xb: {  	s4 =	sadd.s32 $0x16E4800, s0;
	s13 =	sand.u32 $0x1, s5;
	s5 =	sadd.s32 $0x1313E00, s0  }
0xc: {  	[smem:$0x7FF] =	sst s1;
	s14 =	sshll.u32 s6, $0xA;
	s6 =	sadd.s32 $0xF43400, s0  }
0xd: {  	s22 =	sadd.s32 $0x1200, s0;
	s17 =	sadd.s32 $0x1600, s0;
	s15 =	sshll.u32 s13, $0x9  }
0xe: {  	_ =	strace $0x80000047;
	s13 =	ssub.s32 $0x2, s13;
	s14 =	sor.u32 s15, s14  }
0xf: {  	[dreg:$0x9] =	wrdreg s22;
	s23 =	sshrl.u32 s13, $0x1;
	s16 =	sshrl.u32 s14, $0x3  }
0x10: {  	[dreg:$0xa] =	wrdreg s17;
	s13 =	ssub.s32 s13, s23;
	s25 =	sadd.s32 s2, s16  }
0x11: {  	s24 =	sor.u32 $0x10, s16;
	s22 =	sadd.s32 s7, s16;
	[dreg:$0xb] =	wrdreg s25  }
0x12: {  	s18 =	sor.u32 $0x20, s16;
	s23 =	sadd.s32 s8, s16;
	[dreg:$0x12] =	wrdreg s22  }
0x13: {  	s20 =	sor.u32 $0x30, s16;
	s26 =	sadd.s32 s2, s24;
	[dreg:$0x13] =	wrdreg s23  }
0x14: {  	s8 =	simm.s32 $0x10880;
	s15 =	sadd.s32 s7, s24;
	[dreg:$0xc] =	wrdreg s26  }
0x15: {  	s19 =	sadd.s32 s2, s18;
	s17 =	sadd.s32 s7, s18;
	[dreg:$0xd] =	wrdreg s15  }
0x16: {  	s2 =	sadd.s32 s2, s20;
	s21 =	sadd.s32 s7, s20;
	[dreg:$0xe] =	wrdreg s19  }
0x17: {  	s24 =	sadd.s32 s9, s16;
	s25 =	sadd.s32 s10, s16;
	[dreg:$0xf] =	wrdreg s17  }
0x18: {  	s22 =	sadd.s32 $0x1400, s0;
	s23 =	sadd.s32 s12, s14;
	[dreg:$0x10] =	wrdreg s2  }
0x19: {  	s7 =	simm.s32 $0x10800;
	s9 =	simm.s32 $0x800;
	[dreg:$0x11] =	wrdreg s21  }
0x1a: {  	s10 =	simm.s32 $0x4800;
	s12 =	simm.s32 $0xC800;
	[dreg:$0x14] =	wrdreg s24  }
0x1b: {  	s14 =	simm.s32 $0x11980;
	[dreg:$0x15] =	wrdreg s25;
	s26 =	sadd.s32 s11, s16  }
0x1c: {  	s21 =	sadd.s32 $0x1000, s0;
	s24 =	smax.u32 s13, $0x1;
	s25 =	simm.s32 $0x2  }
0x1d: {  	v2 =	vlaneseq.u32;
	s0 =	simm.s32 $0x180;
	s2 =	simm.s32 $0x380;
	s11 =	simm.s32 $0x8800  }
0x1e: {  	v0 =	vor.u32 $0xFFFFFFF8, v2;
	s13 =	simm.s32 $0x1;
	s15 =	simm.s32 $0x11B80;
	s16 =	simm.s32 $0x11D80  }
0x1f: {  	[tilespmem:$0x1FFF0] =	vst v0;
	s17 =	simm.s32 $0x0;
	[dreg:$0x16] =	wrdreg s26;
	s26 =	simm.s32 $0x200  }
.LBB2_1:
0x20: {  	s18 =	rddreg [dreg:$0xb]  }
0x21: {  	[tilespmem:s1], [sflag:$0x2] =	stream.linear.gather [hbm4b:s18+s1], $0x80, $0x38;
	[tilespmem:$0x12D80] =	vst v63  }
0x22: {  	_ =	swait.ge [sflag:s25], $0x80  }
0x23: {  	[sflag:s25] =	ssyncset.done $0x0  }
0x24: {  	s20 =	rddreg [dreg:$0x12];
	[sflag:s25] =	ssyncadd.s32 $0xFFFFFF80  }
0x25: {  	[tilespmem:s26], [sflag:$0x2] =	stream.linear.gather [hbm4b:s20+s1], $0x80, $0x38;
	[tilespmem:$0x12D80] =	vst v63  }
0x26: {  	_ =	swait.ge [sflag:s25], $0x80  }
0x27: {  	[sflag:s25] =	ssyncset.done $0x0  }
0x28: {  	s19 =	rddreg [dreg:$0xc];
	[sflag:s25] =	ssyncadd.s32 $0xFFFFFF80  }
0x29: {  	[tilespmem:s28], [sflag:$0x2] =	stream.linear.gather [hbm4b:s19+s1], $0x80, $0x38;
	[tilespmem:$0x12D80] =	vst v63  }
0x2a: {  	_ =	swait.ge [sflag:s25], $0x80  }
0x2b: {  	[sflag:s25] =	ssyncset.done $0x0  }
0x2c: {  	s20 =	rddreg [dreg:$0xd];
	[sflag:s25] =	ssyncadd.s32 $0xFFFFFF80  }
0x2d: {  	[tilespmem:s29], [sflag:$0x2] =	stream.linear.gather [hbm4b:s20+s1], $0x80, $0x38;
	[tilespmem:$0x12D80] =	vst v63  }
0x2e: {  	_ =	swait.ge [sflag:s25], $0x80  }
0x2f: {  	[sflag:s25] =	ssyncset.done $0x0  }
0x30: {  	s19 =	rddreg [dreg:$0xe];
	[sflag:s25] =	ssyncadd.s32 $0xFFFFFF80  }
0x31: {  	[tilespmem:s30], [sflag:$0x2] =	stream.linear.gather [hbm4b:s19+s1], $0x80, $0x38;
	[tilespmem:$0x12D80] =	vst v63  }
0x32: {  	_ =	swait.ge [sflag:s25], $0x80  }
0x33: {  	[sflag:s25] =	ssyncset.done $0x0  }
0x34: {  	s20 =	rddreg [dreg:$0xf];
	[sflag:s25] =	ssyncadd.s32 $0xFFFFFF80  }
0x35: {  	[tilespmem:s31], [sflag:$0x2] =	stream.linear.gather [hbm4b:s20+s1], $0x80, $0x38;
	[tilespmem:$0x12D80] =	vst v63  }
0x36: {  	_ =	swait.ge [sflag:s25], $0x80  }
0x37: {  	[sflag:s25] =	ssyncset.done $0x0  }
0x38: {  	s19 =	rddreg [dreg:$0x10];
	[sflag:s25] =	ssyncadd.s32 $0xFFFFFF80  }
0x39: {  	[tilespmem:s0], [sflag:$0x2] =	stream.linear.gather [hbm4b:s19+s1], $0x80, $0x38;
	[tilespmem:$0x12D80] =	vst v63  }
0x3a: {  	_ =	swait.ge [sflag:s25], $0x80  }
0x3b: {  	[sflag:s25] =	ssyncset.done $0x0  }
0x3c: {  	s20 =	rddreg [dreg:$0x11];
	[sflag:s25] =	ssyncadd.s32 $0xFFFFFF80  }
0x3d: {  	[tilespmem:s2], [sflag:$0x2] =	stream.linear.gather [hbm4b:s20+s1], $0x80, $0x38;
	[tilespmem:$0x12D80] =	vst v63  }
0x3e: {  	_ =	swait.ge [sflag:s25], $0x80  }
0x3f: {  	[sflag:s25] =	ssyncset.done $0x0  }
0x40: {  	s18 =	simm.s32 $0x400;
	s19 =	rddreg [dreg:$0x13];
	[sflag:s25] =	ssyncadd.s32 $0xFFFFFF80  }
0x41: {  	[tilespmem:s18], [sflag:$0x2] =	stream.linear.gather [hbm4b:s19+s1], $0x200, $0x38;
	[tilespmem:$0x12D80] =	vst v63  }
0x42: {  	_ =	swait.ge [sflag:s25], $0x200  }
0x43: {  	[sflag:s25] =	ssyncset.done $0x0  }
0x44: {  	s19 =	simm.s32 $0x600;
	s20 =	rddreg [dreg:$0x14];
	[sflag:s25] =	ssyncadd.s32 $0xFFFFFE00  }
0x45: {  	[tilespmem:s19], [sflag:$0x2] =	stream.linear.gather [hbm4b:s20+s1], $0x200, $0x38;
	[tilespmem:$0x12D80] =	vst v63  }
0x46: {  	_ =	swait.ge [sflag:s25], $0x200  }
0x47: {  	[sflag:s25] =	ssyncset.done $0x0  }
0x48: {  	s20 =	rddreg [dreg:$0x9];
	[sflag:s25] =	ssyncadd.s32 $0xFFFFFE00  }
0x49: {  	[tilespmem:s7], [sflag:$0x2] =	stream.linear.gather [hbm4b:s20+s1], $0x80, $0x38;
	[tilespmem:$0x12D80] =	vst v63  }
0x4a: {  	_ =	swait.ge [sflag:s25], $0x80  }
0x4b: {  	[sflag:s25] =	ssyncset.done $0x0  }
0x4c: {  	s20 =	rddreg [dreg:$0xa];
	[sflag:s25] =	ssyncadd.s32 $0xFFFFFF80  }
0x4d: {  	[tilespmem:s8], [sflag:$0x2] =	stream.linear.gather [hbm4b:s20+s1], $0x80, $0x38;
	[tilespmem:$0x12D80] =	vst v63  }
0x4e: {  	_ =	swait.ge [sflag:s25], $0x80  }
0x4f: {  	[sflag:s25] =	ssyncset.done $0x0  }
0x50: {  	s20 =	simm.s32 $0x10900;
	[sflag:s25] =	ssyncadd.s32 $0xFFFFFF80  }
0x51: {  	[tilespmem:s20], [sflag:$0x2] =	stream.linear.gather [hbm4b:s21+s1], $0x1000, $0x38;
	[tilespmem:$0x12D80] =	vst v63  }
0x52: {  	_ =	swait.ge [sflag:s25], $0x1000  }
0x53: {  	[sflag:s25] =	ssyncset.done $0x0  }
0x54: {  	s20 =	simm.s32 $0x11900;
	[sflag:s25] =	ssyncadd.s32 $0xFFFFF000  }
0x55: {  	[tilespmem:s20], [sflag:$0x2] =	stream.linear.gather [hbm4b:s22+s1], $0x80, $0x38;
	[tilespmem:$0x12D80] =	vst v63  }
0x56: {  	_ =	swait.ge [sflag:s25], $0x80  }
0x57: {  	[sflag:s25] =	ssyncset.done $0x0  }
0x58: {  	[sflag:s25] =	ssyncadd.s32 $0xFFFFFF80  }
0x59: {  	[tilespmem:s9], [sflag:$0x1] =	stream.indirect.gather [hbm4b:s3+s28], $0x20, s1, s28, $0xb8;
	[tilespmem:$0x12D80] =	vst v63  }
0x5a: {  	_ = 	snop  }
0x5b: {  	[tilespmem:s10], [sflag:$0x1] =	stream.indirect.gather [hbm4b:s4+s28], $0x20, s26, s28, $0xb8;
	[tilespmem:$0x12D80] =	vst v63  }
0x5c: {  	_ = 	snop  }
0x5d: {  	[tilespmem:s11], [sflag:$0x1] =	stream.indirect.gather [hbm4b:s5+s28], $0x20, s1, s28, $0xb8;
	[tilespmem:$0x12D80] =	vst v63  }
0x5e: {  	_ = 	snop  }
0x5f: {  	[tilespmem:s12], [sflag:$0x1] =	stream.indirect.gather [hbm4b:s6+s28], $0x20, s26, s28, $0xb8;
	[tilespmem:$0x12D80] =	vst v63  }
0x60: {  	s20 =	simm.s32 $0x1800  }
0x61: {  	[tilespmem:s20], [sflag:$0x1] =	stream.indirect.gather [hbm4b:s3+s28], $0x20, s28, s28, $0xb8;
	[tilespmem:$0x12D80] =	vst v63  }
0x62: {  	s20 =	simm.s32 $0x5800  }
0x63: {  	[tilespmem:s20], [sflag:$0x1] =	stream.indirect.gather [hbm4b:s4+s28], $0x20, s29, s28, $0xb8;
	[tilespmem:$0x12D80] =	vst v63  }
0x64: {  	s20 =	simm.s32 $0x9800  }
0x65: {  	[tilespmem:s20], [sflag:$0x1] =	stream.indirect.gather [hbm4b:s5+s28], $0x20, s28, s28, $0xb8;
	[tilespmem:$0x12D80] =	vst v63  }
0x66: {  	s20 =	simm.s32 $0xD800  }
0x67: {  	[tilespmem:s20], [sflag:$0x1] =	stream.indirect.gather [hbm4b:s6+s28], $0x20, s29, s28, $0xb8;
	[tilespmem:$0x12D80] =	vst v63  }
0x68: {  	s20 =	simm.s32 $0x2800  }
0x69: {  	[tilespmem:s20], [sflag:$0x1] =	stream.indirect.gather [hbm4b:s3+s28], $0x20, s30, s28, $0xb8;
	[tilespmem:$0x12D80] =	vst v63  }
0x6a: {  	s20 =	simm.s32 $0x6800  }
0x6b: {  	[tilespmem:s20], [sflag:$0x1] =	stream.indirect.gather [hbm4b:s4+s28], $0x20, s31, s28, $0xb8;
	[tilespmem:$0x12D80] =	vst v63  }
0x6c: {  	s20 =	simm.s32 $0xA800  }
0x6d: {  	[tilespmem:s20], [sflag:$0x1] =	stream.indirect.gather [hbm4b:s5+s28], $0x20, s30, s28, $0xb8;
	[tilespmem:$0x12D80] =	vst v63  }
0x6e: {  	s20 =	simm.s32 $0xE800  }
0x6f: {  	[tilespmem:s20], [sflag:$0x1] =	stream.indirect.gather [hbm4b:s6+s28], $0x20, s31, s28, $0xb8;
	[tilespmem:$0x12D80] =	vst v63  }
0x70: {  	s20 =	simm.s32 $0x3800  }
0x71: {  	[tilespmem:s20], [sflag:$0x1] =	stream.indirect.gather [hbm4b:s3+s28], $0x20, s0, s28, $0xb8;
	[tilespmem:$0x12D80] =	vst v63  }
0x72: {  	s20 =	simm.s32 $0x7800  }
0x73: {  	[tilespmem:s20], [sflag:$0x1] =	stream.indirect.gather [hbm4b:s4+s28], $0x20, s2, s28, $0xb8;
	[tilespmem:$0x12D80] =	vst v63  }
0x74: {  	s20 =	simm.s32 $0xB800  }
0x75: {  	[tilespmem:s20], [sflag:$0x1] =	stream.indirect.gather [hbm4b:s5+s28], $0x20, s0, s28, $0xb8;
	[tilespmem:$0x12D80] =	vst v63  }
0x76: {  	s20 =	simm.s32 $0xF800  }
0x77: {  	[tilespmem:s20], [sflag:$0x1] =	stream.indirect.gather [hbm4b:s6+s28], $0x20, s2, s28, $0xb8;
	[tilespmem:$0x12D80] =	vst v63  }
0x78: {  	_ =	swait.ge [sflag:s13], $0x1000  }
0x79: {  	[sflag:s13] =	ssyncset.done $0x0  }
0x7a: {  	[sflag:s13] =	ssyncadd.s32 $0xFFFFF000  }
0x7b: {  	_ =	swait.ge [sflag:s13], $0x1000  }
0x7c: {  	[sflag:s13] =	ssyncset.done $0x0  }
0x7d: {  	[sflag:s13] =	ssyncadd.s32 $0xFFFFF000  }
0x7e: {  	_ =	swait.ge [sflag:s13], $0x1000  }
0x7f: {  	[sflag:s13] =	ssyncset.done $0x0  }
0x80: {  	[sflag:s13] =	ssyncadd.s32 $0xFFFFF000  }
0x81: {  	_ =	swait.ge [sflag:s13], $0x1000  }
0x82: {  	[sflag:s13] =	ssyncset.done $0x0  }
0x83: {  	[sflag:s13] =	ssyncadd.s32 $0xFFFFF000  }
0x84: {  	_ =	swait.ge [sflag:s13], $0x1000  }
0x85: {  	[sflag:s13] =	ssyncset.done $0x0  }
0x86: {  	[sflag:s13] =	ssyncadd.s32 $0xFFFFF000  }
0x87: {  	_ =	swait.ge [sflag:s13], $0x1000  }
0x88: {  	[sflag:s13] =	ssyncset.done $0x0  }
0x89: {  	[sflag:s13] =	ssyncadd.s32 $0xFFFFF000  }
0x8a: {  	_ =	swait.ge [sflag:s13], $0x1000  }
0x8b: {  	[sflag:s13] =	ssyncset.done $0x0  }
0x8c: {  	[sflag:s13] =	ssyncadd.s32 $0xFFFFF000  }
0x8d: {  	_ =	swait.ge [sflag:s13], $0x1000  }
0x8e: {  	[sflag:s13] =	ssyncset.done $0x0  }
0x8f: {  	[sflag:s13] =	ssyncadd.s32 $0xFFFFF000  }
0x90: {  	_ =	swait.ge [sflag:s13], $0x1000  }
0x91: {  	[sflag:s13] =	ssyncset.done $0x0  }
0x92: {  	[sflag:s13] =	ssyncadd.s32 $0xFFFFF000  }
0x93: {  	_ =	swait.ge [sflag:s13], $0x1000  }
0x94: {  	[sflag:s13] =	ssyncset.done $0x0  }
0x95: {  	[sflag:s13] =	ssyncadd.s32 $0xFFFFF000  }
0x96: {  	_ =	swait.ge [sflag:s13], $0x1000  }
0x97: {  	[sflag:s13] =	ssyncset.done $0x0  }
0x98: {  	[sflag:s13] =	ssyncadd.s32 $0xFFFFF000  }
0x99: {  	_ =	swait.ge [sflag:s13], $0x1000  }
0x9a: {  	[sflag:s13] =	ssyncset.done $0x0  }
0x9b: {  	[sflag:s13] =	ssyncadd.s32 $0xFFFFF000  }
0x9c: {  	_ =	swait.ge [sflag:s13], $0x1000  }
0x9d: {  	[sflag:s13] =	ssyncset.done $0x0  }
0x9e: {  	[sflag:s13] =	ssyncadd.s32 $0xFFFFF000  }
0x9f: {  	_ =	swait.ge [sflag:s13], $0x1000  }
0xa0: {  	[sflag:s13] =	ssyncset.done $0x0  }
0xa1: {  	[sflag:s13] =	ssyncadd.s32 $0xFFFFF000  }
0xa2: {  	_ =	swait.ge [sflag:s13], $0x1000  }
0xa3: {  	[sflag:s13] =	ssyncset.done $0x0  }
0xa4: {  	[sflag:s13] =	ssyncadd.s32 $0xFFFFF000  }
0xa5: {  	_ =	swait.ge [sflag:s13], $0x1000  }
0xa6: {  	[sflag:s13] =	ssyncset.done $0x0  }
0xa7: {  	s20 =	simm.s32 $0x0;
	[sflag:s13] =	ssyncadd.s32 $0xFFFFF000  }
.LBB2_2:
0xa8: {  	v0 =	vld [tilespmem:s18+$0x0];
	_ =	sdelay $0x4  }
0xa9: {  	v1 =	vld [tilespmem:s19+$0x0];
	v34 =	vshll.u32 v0, $0x5  }
0xaa: {  	v0 =	vor.u32 $0x1, v34;
	_ =	sdelay $0x3  }
0xab: {  	v2 =	vor.u32 s20, v2;
	v35 =	vshll.u32 v1, $0x5  }
0xac: {  	v37 =	vshll.u32 v2, $0x5;
	v1 =	vor.u32 $0x1, v35;
	v0 =	vld.idx.msk [tilespmem:v0+s7+$0x0], $0xffff  }
0xad: {  	[tilespmem:$0x1F160] =	vst v2;
	v2 =	vor.u32 $0x1, v37;
	_ =	sdelay $0x3  }
0xae: {  	[tilespmem:$0x1E8F0] =	vst v0;
	v0 =	vld.idx.msk [tilespmem:v1+s8+$0x0], $0xffff  }
0xaf: {  	v1 =	vld.idx.msk [tilespmem:v2+s9+$0x0], $0xffff;
	_ =	sdelay $0x3  }
0xb0: {  	[tilespmem:$0x1E900] =	vst v0;
	v0 =	vor.u32 $0x2, v34  }
0xb1: {  	v3 =	vld.idx.msk [tilespmem:v2+s10+$0x0], $0xffff;
	[tilespmem:$0x1E910] =	vst v1;
	v1 =	vor.u32 $0x2, v35;
	_ =	sdelay $0x3  }
0xb2: {  	v39 =	vld.idx.msk [tilespmem:v0+s7+$0x0], $0xffff  }
0xb3: {  	[tilespmem:$0x1E920] =	vst v3;
	v3 =	vor.u32 $0x2, v37;
	v0 =	vld.idx.msk [tilespmem:v1+s8+$0x0], $0xffff;
	_ =	sdelay $0x4  }
0xb4: {  	v1 =	vld.idx.msk [tilespmem:v3+s9+$0x0], $0xffff;
	[tilespmem:$0x1E930] =	vst v0;
	v0 =	vor.u32 $0x3, v34;
	_ =	sdelay $0x1  }
0xb5: {  	v20 =	vld.idx.msk [tilespmem:v2+s11+$0x0], $0xffff  }
0xb6: {  	v30 =	vld.idx.msk [tilespmem:v2+s12+$0x0], $0xffff  }
0xb7: {  	v2 =	vld.idx.msk [tilespmem:v3+s10+$0x0], $0xffff  }
0xb8: {  	[tilespmem:$0x1E940] =	vst v1;
	v1 =	vor.u32 $0x3, v35;
	v0 =	vld.idx.msk [tilespmem:v0+s7+$0x0], $0xffff;
	_ =	sdelay $0x3  }
0xb9: {  	[tilespmem:$0x1E950] =	vst v2  }
0xba: {  	v2 =	vor.u32 $0x3, v37;
	[tilespmem:$0x1E980] =	vst v0;
	v0 =	vld.idx.msk [tilespmem:v1+s8+$0x0], $0xffff;
	_ =	sdelay $0x4  }
0xbb: {  	v1 =	vld.idx.msk [tilespmem:v2+s9+$0x0], $0xffff;
	[tilespmem:$0x1E990] =	vst v0;
	v0 =	vor.u32 $0x4, v34;
	_ =	sdelay $0x2  }
0xbc: {  	v4 =	vld.idx.msk [tilespmem:v3+s11+$0x0], $0xffff  }
0xbd: {  	v3 =	vld.idx.msk [tilespmem:v3+s12+$0x0], $0xffff  }
0xbe: {  	[tilespmem:$0x1E9A0] =	vst v1;
	v1 =	vor.u32 $0x4, v35;
	v0 =	vld.idx.msk [tilespmem:v0+s7+$0x0], $0xffff;
	_ =	sdelay $0x3  }
0xbf: {  	[tilespmem:$0x1E970] =	vst v3;
	v3 =	vor.u32 $0x4, v37  }
0xc0: {  	[tilespmem:$0x1E9B0] =	vst v0;
	v0 =	vld.idx.msk [tilespmem:v1+s8+$0x0], $0xffff;
	_ =	sdelay $0x3  }
0xc1: {  	v1 =	vld.idx.msk [tilespmem:v3+s9+$0x0], $0xffff  }
0xc2: {  	[tilespmem:$0x1E9C0] =	vst v0;
	v0 =	vor.u32 $0x5, v34;
	_ =	sdelay $0x3  }
0xc3: {  	[tilespmem:$0x1E9D0] =	vst v1;
	v1 =	vor.u32 $0x5, v35  }
0xc4: {  	v40 =	vld.idx.msk [tilespmem:v0+s7+$0x0], $0xffff;
	v0 =	vor.u32 $0x6, v34;
	_ =	sdelay $0x3  }
0xc5: {  	v49 =	vld.idx.msk [tilespmem:v1+s8+$0x0], $0xffff  }
0xc6: {  	v1 =	vor.u32 $0x6, v35;
	v0 =	vld.idx.msk [tilespmem:v0+s7+$0x0], $0xffff;
	_ =	sdelay $0x2  }
0xc7: {  	v38 =	vld.idx.msk [tilespmem:v2+s10+$0x0], $0xffff  }
0xc8: {  	v28 =	vld.idx.msk [tilespmem:v2+s11+$0x0], $0xffff  }
0xc9: {  	[tilespmem:$0x1EA00] =	vst v0;
	v0 =	vld.idx.msk [tilespmem:v1+s8+$0x0], $0xffff  }
0xca: {  	v25 =	vld.idx.msk [tilespmem:v2+s12+$0x0], $0xffff  }
0xcb: {  	v2 =	vld.idx.msk [tilespmem:v3+s10+$0x0], $0xffff;
	_ =	sdelay $0x2  }
0xcc: {  	[tilespmem:$0x1EA10] =	vst v0;
	v0 =	vor.u32 $0x7, v34;
	_ =	sdelay $0x1  }
0xcd: {  	[tilespmem:$0x1E9E0] =	vst v2;
	v2 =	vor.u32 $0x5, v37;
	_ =	sdelay $0x2  }
0xce: {  	v33 =	vld.idx.msk [tilespmem:v0+s7+$0x0], $0xffff;
	v0 =	vor.u32 $0x8, v34;
	_ =	sdelay $0x1  }
0xcf: {  	v63 =	vld.idx.msk [tilespmem:v2+s9+$0x0], $0xffff  }
0xd0: {  	v17 =	vld.idx.msk [tilespmem:v2+s10+$0x0], $0xffff  }
0xd1: {  	v15 =	vld.idx.msk [tilespmem:v2+s11+$0x0], $0xffff;
	v1 =	vor.u32 $0x7, v35  }
0xd2: {  	v0 =	vld.idx.msk [tilespmem:v0+s7+$0x0], $0xffff  }
0xd3: {  	v13 =	vld.idx.msk [tilespmem:v2+s12+$0x0], $0xffff;
	v2 =	vor.u32 $0x7, v37;
	_ =	sdelay $0x1  }
0xd4: {  	v44 =	vld.idx.msk [tilespmem:v3+s11+$0x0], $0xffff  }
0xd5: {  	v26 =	vld.idx.msk [tilespmem:v1+s8+$0x0], $0xffff;
	v1 =	vor.u32 $0x8, v35  }
0xd6: {  	v53 =	vld.idx.msk [tilespmem:v3+s12+$0x0], $0xffff;
	[tilespmem:$0x1EA20] =	vst v0;
	v0 =	vor.u32 $0x9, v34  }
0xd7: {  	v23 =	vld.idx.msk [tilespmem:v2+s9+$0x0], $0xffff  }
0xd8: {  	v3 =	vor.u32 $0x6, v37;
	v10 =	vld.idx.msk [tilespmem:v2+s10+$0x0], $0xffff  }
0xd9: {  	v8 =	vld.idx.msk [tilespmem:v2+s11+$0x0], $0xffff  }
0xda: {  	v52 =	vld.idx.msk [tilespmem:v1+s8+$0x0], $0xffff;
	v1 =	vor.u32 $0x9, v35  }
0xdb: {  	v18 =	vld.idx.msk [tilespmem:v0+s7+$0x0], $0xffff;
	v0 =	vor.u32 $0xA, v34  }
0xdc: {  	v6 =	vld.idx.msk [tilespmem:v2+s12+$0x0], $0xffff  }
0xdd: {  	v56 =	vld.idx.msk [tilespmem:v3+s9+$0x0], $0xffff  }
0xde: {  	v2 =	vor.u32 $0x9, v37;
	v42 =	vld.idx.msk [tilespmem:v3+s10+$0x0], $0xffff  }
0xdf: {  	v14 =	vld.idx.msk [tilespmem:v1+s8+$0x0], $0xffff  }
0xe0: {  	v1 =	vor.u32 $0xA, v35;
	v0 =	vld.idx.msk [tilespmem:v0+s7+$0x0], $0xffff  }
0xe1: {  	v19 =	vld.idx.msk [tilespmem:v3+s11+$0x0], $0xffff  }
0xe2: {  	v32 =	vld.idx.msk [tilespmem:v3+s12+$0x0], $0xffff  }
0xe3: {  	v3 =	vor.u32 $0x8, v37;
	v43 =	vld.idx.msk [tilespmem:v2+s9+$0x0], $0xffff  }
0xe4: {  	v21 =	vld.idx.msk [tilespmem:v2+s10+$0x0], $0xffff  }
0xe5: {  	[tilespmem:$0x1EA30] =	vst v0;
	v0 =	vld.idx.msk [tilespmem:v1+s8+$0x0], $0xffff  }
0xe6: {  	v9 =	vld.idx.msk [tilespmem:v2+s11+$0x0], $0xffff  }
0xe7: {  	v7 =	vld.idx.msk [tilespmem:v2+s12+$0x0], $0xffff  }
0xe8: {  	v46 =	vld.idx.msk [tilespmem:v3+s9+$0x0], $0xffff  }
0xe9: {  	v2 =	vor.u32 $0xB, v37;
	v29 =	vld.idx.msk [tilespmem:v3+s10+$0x0], $0xffff  }
0xea: {  	v16 =	vld.idx.msk [tilespmem:v3+s11+$0x0], $0xffff;
	[tilespmem:$0x1EA40] =	vst v0;
	v0 =	vor.u32 $0xB, v34  }
0xeb: {  	v12 =	vld.idx.msk [tilespmem:v3+s12+$0x0], $0xffff;
	v3 =	vor.u32 $0xA, v37;
	_ =	sdelay $0x2  }
0xec: {  	v41 =	vld.idx.msk [tilespmem:v2+s9+$0x0], $0xffff;
	v1 =	vor.u32 $0xB, v35  }
0xed: {  	v50 =	vld.idx.msk [tilespmem:v0+s7+$0x0], $0xffff;
	v0 =	vor.u32 $0xC, v34  }
0xee: {  	v61 =	vld.idx.msk [tilespmem:v3+s9+$0x0], $0xffff  }
0xef: {  	v22 =	vld.idx.msk [tilespmem:v3+s10+$0x0], $0xffff  }
0xf0: {  	v60 =	vld.idx.msk [tilespmem:v3+s11+$0x0], $0xffff  }
0xf1: {  	[tilespmem:$0x1E9F0] =	vst v44;
	v44 =	vld.idx.msk [tilespmem:v1+s8+$0x0], $0xffff  }
0xf2: {  	v1 =	vor.u32 $0xC, v35;
	v0 =	vld.idx.msk [tilespmem:v0+s7+$0x0], $0xffff  }
0xf3: {  	v48 =	vld.idx.msk [tilespmem:v3+s12+$0x0], $0xffff;
	v3 =	vor.u32 $0xC, v37  }
0xf4: {  	v24 =	vld.idx.msk [tilespmem:v2+s10+$0x0], $0xffff  }
0xf5: {  	v51 =	vld.idx.msk [tilespmem:v2+s11+$0x0], $0xffff  }
0xf6: {  	v11 =	vld.idx.msk [tilespmem:v2+s12+$0x0], $0xffff  }
0xf7: {  	[tilespmem:$0x1EA50] =	vst v0;
	v0 =	vld.idx.msk [tilespmem:v1+s8+$0x0], $0xffff  }
0xf8: {  	v1 =	vld.idx.msk [tilespmem:v3+s9+$0x0], $0xffff  }
0xf9: {  	v2 =	vld.idx.msk [tilespmem:v3+s10+$0x0], $0xffff;
	_ =	sdelay $0x2  }
0xfa: {  	[tilespmem:$0x1EA60] =	vst v0;
	v0 =	vor.u32 $0xD, v34  }
0xfb: {  	v45 =	vld.idx.msk [tilespmem:v3+s11+$0x0], $0xffff;
	[tilespmem:$0x1EA70] =	vst v1;
	v1 =	vor.u32 $0xD, v35  }
0xfc: {  	[tilespmem:$0x1EA80] =	vst v2;
	v2 =	vor.u32 $0xD, v37;
	_ =	sdelay $0x2  }
0xfd: {  	v54 =	vld.idx.msk [tilespmem:v0+s7+$0x0], $0xffff  }
0xfe: {  	[tilespmem:$0x1EA90] =	vst v45;
	v45 =	vld.idx.msk [tilespmem:v1+s8+$0x0], $0xffff  }
0xff: {  	v0 =	vor.u32 $0xE, v34;
	v1 =	vld.idx.msk [tilespmem:v2+s9+$0x0], $0xffff;
	_ =	sdelay $0x4  }
0x100: {  	[tilespmem:$0x1EAA0] =	vst v1;
	v1 =	vor.u32 $0xE, v35;
	v0 =	vld.idx.msk [tilespmem:v0+s7+$0x0], $0xffff;
	_ =	sdelay $0x3  }
0x101: {  	v62 =	vld.idx.msk [tilespmem:v3+s12+$0x0], $0xffff  }
0x102: {  	v3 =	vor.u32 $0xE, v37;
	[tilespmem:$0x1EAB0] =	vst v0;
	v0 =	vld.idx.msk [tilespmem:v1+s8+$0x0], $0xffff;
	_ =	sdelay $0x4  }
0x103: {  	v1 =	vld.idx.msk [tilespmem:v3+s9+$0x0], $0xffff;
	[tilespmem:$0x1EAC0] =	vst v0;
	v0 =	vor.u32 $0xF, v34  }
0x104: {  	v55 =	vld.idx.msk [tilespmem:v2+s10+$0x0], $0xffff  }
0x105: {  	v31 =	vld.idx.msk [tilespmem:v2+s11+$0x0], $0xffff  }
0x106: {  	v27 =	vld.idx.msk [tilespmem:v2+s12+$0x0], $0xffff  }
0x107: {  	v2 =	vld.idx.msk [tilespmem:v3+s10+$0x0], $0xffff  }
0x108: {  	[tilespmem:$0x1EAD0] =	vst v1;
	v1 =	vor.u32 $0xF, v35;
	v0 =	vld.idx.msk [tilespmem:v0+s7+$0x0], $0xffff;
	_ =	sdelay $0x3  }
0x109: {  	[tilespmem:$0x1EAE0] =	vst v2  }
0x10a: {  	v2 =	vor.u32 $0xF, v37;
	[tilespmem:$0x1EB10] =	vst v0;
	v0 =	vld.idx.msk [tilespmem:v1+s8+$0x0], $0xffff;
	_ =	sdelay $0x4  }
0x10b: {  	v1 =	vld.idx.msk [tilespmem:v2+s9+$0x0], $0xffff;
	[tilespmem:$0x1EB20] =	vst v0;
	v0 =	vor.u32 $0x10, v34;
	_ =	sdelay $0x2  }
0x10c: {  	v47 =	vld.idx.msk [tilespmem:v3+s11+$0x0], $0xffff  }
0x10d: {  	v3 =	vld.idx.msk [tilespmem:v3+s12+$0x0], $0xffff  }
0x10e: {  	[tilespmem:$0x1EB30] =	vst v1;
	v1 =	vor.u32 $0x10, v35;
	v0 =	vld.idx.msk [tilespmem:v0+s7+$0x0], $0xffff;
	_ =	sdelay $0x3  }
0x10f: {  	[tilespmem:$0x1EB00] =	vst v3  }
0x110: {  	v3 =	vor.u32 $0x10, v37;
	[tilespmem:$0x1EB40] =	vst v0;
	v0 =	vld.idx.msk [tilespmem:v1+s8+$0x0], $0xffff;
	_ =	sdelay $0x4  }
0x111: {  	v1 =	vld.idx.msk [tilespmem:v3+s9+$0x0], $0xffff;
	[tilespmem:$0x1EB50] =	vst v0;
	v0 =	vor.u32 $0x11, v34  }
0x112: {  	v59 =	vld.idx.msk [tilespmem:v2+s10+$0x0], $0xffff  }
0x113: {  	[tilespmem:$0x1EAF0] =	vst v47;
	v47 =	vld.idx.msk [tilespmem:v2+s11+$0x0], $0xffff  }
0x114: {  	v58 =	vld.idx.msk [tilespmem:v2+s12+$0x0], $0xffff  }
0x115: {  	v2 =	vld.idx.msk [tilespmem:v3+s10+$0x0], $0xffff  }
0x116: {  	[tilespmem:$0x1EB60] =	vst v1;
	v1 =	vor.u32 $0x11, v35;
	v0 =	vld.idx.msk [tilespmem:v0+s7+$0x0], $0xffff;
	_ =	sdelay $0x3  }
0x117: {  	[tilespmem:$0x1EB70] =	vst v2  }
0x118: {  	v2 =	vor.u32 $0x11, v37;
	[tilespmem:$0x1EBA0] =	vst v0;
	v0 =	vld.idx.msk [tilespmem:v1+s8+$0x0], $0xffff;
	_ =	sdelay $0x2  }
0x119: {  	v57 =	vld.idx.msk [tilespmem:v3+s11+$0x0], $0xffff  }
0x11a: {  	v3 =	vld.idx.msk [tilespmem:v3+s12+$0x0], $0xffff  }
0x11b: {  	v1 =	vld.idx.msk [tilespmem:v2+s9+$0x0], $0xffff;
	[tilespmem:$0x1EBB0] =	vst v0;
	v0 =	vor.u32 $0x12, v34;
	_ =	sdelay $0x3  }
0x11c: {  	[tilespmem:$0x1EB90] =	vst v3;
	v3 =	vld.idx.msk [tilespmem:v2+s10+$0x0], $0xffff  }
0x11d: {  	[tilespmem:$0x1EBE0] =	vst v1;
	v1 =	vor.u32 $0x12, v35;
	v0 =	vld.idx.msk [tilespmem:v0+s7+$0x0], $0xffff;
	_ =	sdelay $0x3  }
0x11e: {  	[tilespmem:$0x1EBF0] =	vst v3  }
0x11f: {  	v3 =	vor.u32 $0x12, v37;
	[tilespmem:$0x1EC00] =	vst v0;
	v0 =	vld.idx.msk [tilespmem:v1+s8+$0x0], $0xffff;
	_ =	sdelay $0x2  }
0x120: {  	v36 =	vld.idx.msk [tilespmem:v2+s11+$0x0], $0xffff  }
0x121: {  	v2 =	vld.idx.msk [tilespmem:v2+s12+$0x0], $0xffff  }
0x122: {  	v1 =	vld.idx.msk [tilespmem:v3+s9+$0x0], $0xffff;
	[tilespmem:$0x1EC10] =	vst v0;
	v0 =	vor.u32 $0x13, v34;
	_ =	sdelay $0x3  }
0x123: {  	[tilespmem:$0x1EBD0] =	vst v2;
	v2 =	vld.idx.msk [tilespmem:v3+s10+$0x0], $0xffff  }
0x124: {  	[tilespmem:$0x1EC20] =	vst v1;
	v1 =	vor.u32 $0x13, v35;
	v0 =	vld.idx.msk [tilespmem:v0+s7+$0x0], $0xffff;
	_ =	sdelay $0x3  }
0x125: {  	[tilespmem:$0x1EC30] =	vst v2  }
0x126: {  	v2 =	vor.u32 $0x13, v37;
	[tilespmem:$0x1EC60] =	vst v0;
	v0 =	vld.idx.msk [tilespmem:v1+s8+$0x0], $0xffff;
	_ =	sdelay $0x2  }
0x127: {  	[tilespmem:$0x1EB80] =	vst v57;
	v57 =	vld.idx.msk [tilespmem:v3+s11+$0x0], $0xffff  }
0x128: {  	v3 =	vld.idx.msk [tilespmem:v3+s12+$0x0], $0xffff  }
0x129: {  	v1 =	vld.idx.msk [tilespmem:v2+s9+$0x0], $0xffff;
	[tilespmem:$0x1EC70] =	vst v0;
	v0 =	vor.u32 $0x14, v34;
	_ =	sdelay $0x3  }
0x12a: {  	[tilespmem:$0x1EC50] =	vst v3;
	v3 =	vld.idx.msk [tilespmem:v2+s10+$0x0], $0xffff  }
0x12b: {  	[tilespmem:$0x1EC80] =	vst v1;
	v1 =	vor.u32 $0x14, v35;
	v0 =	vld.idx.msk [tilespmem:v0+s7+$0x0], $0xffff;
	_ =	sdelay $0x3  }
0x12c: {  	[tilespmem:$0x1EC90] =	vst v3  }
0x12d: {  	v3 =	vor.u32 $0x14, v37;
	[tilespmem:$0x1ECC0] =	vst v0;
	v0 =	vld.idx.msk [tilespmem:v1+s8+$0x0], $0xffff;
	_ =	sdelay $0x2  }
0x12e: {  	[tilespmem:$0x1EBC0] =	vst v36;
	v36 =	vld.idx.msk [tilespmem:v2+s11+$0x0], $0xffff  }
0x12f: {  	v2 =	vld.idx.msk [tilespmem:v2+s12+$0x0], $0xffff  }
0x130: {  	v1 =	vld.idx.msk [tilespmem:v3+s9+$0x0], $0xffff;
	[tilespmem:$0x1ECD0] =	vst v0;
	v0 =	vor.u32 $0x15, v34;
	_ =	sdelay $0x3  }
0x131: {  	[tilespmem:$0x1ECB0] =	vst v2;
	v2 =	vld.idx.msk [tilespmem:v3+s10+$0x0], $0xffff  }
0x132: {  	[tilespmem:$0x1ECE0] =	vst v1;
	v1 =	vor.u32 $0x15, v35;
	v0 =	vld.idx.msk [tilespmem:v0+s7+$0x0], $0xffff;
	_ =	sdelay $0x3  }
0x133: {  	[tilespmem:$0x1ECF0] =	vst v2  }
0x134: {  	v2 =	vor.u32 $0x15, v37;
	[tilespmem:$0x1ED20] =	vst v0;
	v0 =	vld.idx.msk [tilespmem:v1+s8+$0x0], $0xffff;
	_ =	sdelay $0x3  }
0x135: {  	[tilespmem:$0x1EC40] =	vst v57;
	v57 =	vld.idx.msk [tilespmem:v3+s11+$0x0], $0xffff  }
0x136: {  	v1 =	vld.idx.msk [tilespmem:v2+s9+$0x0], $0xffff;
	[tilespmem:$0x1ED30] =	vst v0;
	v0 =	vor.u32 $0x16, v34  }
0x137: {  	v3 =	vld.idx.msk [tilespmem:v3+s12+$0x0], $0xffff;
	_ =	sdelay $0x3  }
0x138: {  	[tilespmem:$0x1ED60] =	vst v1;
	v1 =	vor.u32 $0x16, v35;
	v0 =	vld.idx.msk [tilespmem:v0+s7+$0x0], $0xffff  }
0x139: {  	[tilespmem:$0x1ED10] =	vst v3;
	v3 =	vld.idx.msk [tilespmem:v2+s10+$0x0], $0xffff;
	_ =	sdelay $0x1  }
0x13a: {  	[tilespmem:$0x1ECA0] =	vst v36;
	v36 =	vld.idx.msk [tilespmem:v2+s11+$0x0], $0xffff  }
0x13b: {  	[tilespmem:$0x1E960] =	vst v4;
	v2 =	vld.idx.msk [tilespmem:v2+s12+$0x0], $0xffff  }
0x13c: {  	[tilespmem:$0x1ED80] =	vst v0;
	v0 =	vld.idx.msk [tilespmem:v1+s8+$0x0], $0xffff  }
0x13d: {  	[tilespmem:$0x1ED70] =	vst v3;
	v3 =	vor.u32 $0x16, v37  }
0x13e: {  	[tilespmem:$0x1ED00] =	vst v57  }
0x13f: {  	[tilespmem:$0x1ED40] =	vst v36  }
0x140: {  	[tilespmem:$0x1ED50] =	vst v2  }
0x141: {  	[tilespmem:$0x1ED90] =	vst v0  }
0x142: {  	v0 =	vor.u32 $0x17, v34;
	v1 =	vld.idx.msk [tilespmem:v3+s9+$0x0], $0xffff;
	_ =	sdelay $0x3  }
0x143: {  	v2 =	vld.idx.msk [tilespmem:v3+s10+$0x0], $0xffff  }
0x144: {  	v0 =	vld.idx.msk [tilespmem:v0+s7+$0x0], $0xffff;
	[tilespmem:$0x1EDA0] =	vst v1;
	v1 =	vor.u32 $0x17, v35;
	_ =	sdelay $0x3  }
0x145: {  	[tilespmem:$0x1EDB0] =	vst v2  }
0x146: {  	v2 =	vor.u32 $0x17, v37;
	[tilespmem:$0x1EDE0] =	vst v0;
	v0 =	vld.idx.msk [tilespmem:v1+s8+$0x0], $0xffff;
	_ =	sdelay $0x2  }
0x147: {  	v57 =	vld.idx.msk [tilespmem:v3+s11+$0x0], $0xffff  }
0x148: {  	v3 =	vld.idx.msk [tilespmem:v3+s12+$0x0], $0xffff  }
0x149: {  	v1 =	vld.idx.msk [tilespmem:v2+s9+$0x0], $0xffff;
	[tilespmem:$0x1EDF0] =	vst v0;
	v0 =	vor.u32 $0x18, v34;
	_ =	sdelay $0x3  }
0x14a: {  	[tilespmem:$0x1EDD0] =	vst v3;
	v3 =	vld.idx.msk [tilespmem:v2+s10+$0x0], $0xffff  }
0x14b: {  	[tilespmem:$0x1EE00] =	vst v1;
	v1 =	vor.u32 $0x18, v35;
	v0 =	vld.idx.msk [tilespmem:v0+s7+$0x0], $0xffff;
	_ =	sdelay $0x3  }
0x14c: {  	[tilespmem:$0x1EE10] =	vst v3  }
0x14d: {  	v3 =	vor.u32 $0x18, v37;
	[tilespmem:$0x1EE40] =	vst v0;
	v0 =	vld.idx.msk [tilespmem:v1+s8+$0x0], $0xffff;
	_ =	sdelay $0x2  }
0x14e: {  	v36 =	vld.idx.msk [tilespmem:v2+s11+$0x0], $0xffff  }
0x14f: {  	v2 =	vld.idx.msk [tilespmem:v2+s12+$0x0], $0xffff  }
0x150: {  	v1 =	vld.idx.msk [tilespmem:v3+s9+$0x0], $0xffff;
	[tilespmem:$0x1EE50] =	vst v0;
	v0 =	vor.u32 $0x19, v34;
	_ =	sdelay $0x3  }
0x151: {  	[tilespmem:$0x1EE30] =	vst v2;
	v2 =	vld.idx.msk [tilespmem:v3+s10+$0x0], $0xffff  }
0x152: {  	[tilespmem:$0x1EE60] =	vst v1;
	v1 =	vor.u32 $0x19, v35;
	v0 =	vld.idx.msk [tilespmem:v0+s7+$0x0], $0xffff;
	_ =	sdelay $0x3  }
0x153: {  	[tilespmem:$0x1EE70] =	vst v2  }
0x154: {  	v2 =	vor.u32 $0x19, v37;
	[tilespmem:$0x1EEA0] =	vst v0;
	v0 =	vld.idx.msk [tilespmem:v1+s8+$0x0], $0xffff;
	_ =	sdelay $0x2  }
0x155: {  	[tilespmem:$0x1EDC0] =	vst v57;
	v57 =	vld.idx.msk [tilespmem:v3+s11+$0x0], $0xffff  }
0x156: {  	v3 =	vld.idx.msk [tilespmem:v3+s12+$0x0], $0xffff  }
0x157: {  	v1 =	vld.idx.msk [tilespmem:v2+s9+$0x0], $0xffff;
	[tilespmem:$0x1EEB0] =	vst v0;
	v0 =	vor.u32 $0x1A, v34;
	_ =	sdelay $0x3  }
0x158: {  	[tilespmem:$0x1EE90] =	vst v3;
	v3 =	vld.idx.msk [tilespmem:v2+s10+$0x0], $0xffff  }
0x159: {  	[tilespmem:$0x1EEE0] =	vst v1;
	v1 =	vor.u32 $0x1A, v35;
	v0 =	vld.idx.msk [tilespmem:v0+s7+$0x0], $0xffff;
	_ =	sdelay $0x3  }
0x15a: {  	[tilespmem:$0x1EEF0] =	vst v3  }
0x15b: {  	v3 =	vor.u32 $0x1A, v37;
	[tilespmem:$0x1EF00] =	vst v0;
	v0 =	vld.idx.msk [tilespmem:v1+s8+$0x0], $0xffff;
	_ =	sdelay $0x2  }
0x15c: {  	[tilespmem:$0x1EE20] =	vst v36;
	v36 =	vld.idx.msk [tilespmem:v2+s11+$0x0], $0xffff  }
0x15d: {  	v2 =	vld.idx.msk [tilespmem:v2+s12+$0x0], $0xffff  }
0x15e: {  	v1 =	vld.idx.msk [tilespmem:v3+s9+$0x0], $0xffff;
	[tilespmem:$0x1EF10] =	vst v0;
	v0 =	vor.u32 $0x1B, v34;
	_ =	sdelay $0x3  }
0x15f: {  	[tilespmem:$0x1EED0] =	vst v2;
	v2 =	vld.idx.msk [tilespmem:v3+s10+$0x0], $0xffff  }
0x160: {  	[tilespmem:$0x1EF20] =	vst v1;
	v1 =	vor.u32 $0x1B, v35;
	v0 =	vld.idx.msk [tilespmem:v0+s7+$0x0], $0xffff;
	_ =	sdelay $0x3  }
0x161: {  	[tilespmem:$0x1EF30] =	vst v2  }
0x162: {  	v2 =	vor.u32 $0x1B, v37;
	[tilespmem:$0x1EF60] =	vst v0;
	v0 =	vld.idx.msk [tilespmem:v1+s8+$0x0], $0xffff;
	_ =	sdelay $0x2  }
0x163: {  	[tilespmem:$0x1EE80] =	vst v57;
	v57 =	vld.idx.msk [tilespmem:v3+s11+$0x0], $0xffff  }
0x164: {  	v3 =	vld.idx.msk [tilespmem:v3+s12+$0x0], $0xffff  }
0x165: {  	v1 =	vld.idx.msk [tilespmem:v2+s9+$0x0], $0xffff;
	[tilespmem:$0x1EF70] =	vst v0;
	v0 =	vor.u32 $0x1C, v34;
	_ =	sdelay $0x3  }
0x166: {  	[tilespmem:$0x1EF50] =	vst v3;
	v3 =	vld.idx.msk [tilespmem:v2+s10+$0x0], $0xffff  }
0x167: {  	[tilespmem:$0x1EF80] =	vst v1;
	v1 =	vor.u32 $0x1C, v35;
	v0 =	vld.idx.msk [tilespmem:v0+s7+$0x0], $0xffff;
	_ =	sdelay $0x3  }
0x168: {  	[tilespmem:$0x1EF90] =	vst v3  }
0x169: {  	v3 =	vor.u32 $0x1C, v37;
	[tilespmem:$0x1EFC0] =	vst v0;
	v0 =	vld.idx.msk [tilespmem:v1+s8+$0x0], $0xffff;
	_ =	sdelay $0x2  }
0x16a: {  	[tilespmem:$0x1EEC0] =	vst v36;
	v36 =	vld.idx.msk [tilespmem:v2+s11+$0x0], $0xffff  }
0x16b: {  	v2 =	vld.idx.msk [tilespmem:v2+s12+$0x0], $0xffff  }
0x16c: {  	v1 =	vld.idx.msk [tilespmem:v3+s9+$0x0], $0xffff;
	[tilespmem:$0x1EFD0] =	vst v0;
	v0 =	vor.u32 $0x1D, v34;
	_ =	sdelay $0x3  }
0x16d: {  	[tilespmem:$0x1EFB0] =	vst v2;
	v2 =	vld.idx.msk [tilespmem:v3+s10+$0x0], $0xffff  }
0x16e: {  	[tilespmem:$0x1EFE0] =	vst v1;
	v1 =	vor.u32 $0x1D, v35;
	v0 =	vld.idx.msk [tilespmem:v0+s7+$0x0], $0xffff;
	_ =	sdelay $0x3  }
0x16f: {  	[tilespmem:$0x1EFF0] =	vst v2  }
0x170: {  	v2 =	vor.u32 $0x1D, v37;
	[tilespmem:$0x1F020] =	vst v0;
	v0 =	vld.idx.msk [tilespmem:v1+s8+$0x0], $0xffff;
	_ =	sdelay $0x4  }
0x171: {  	v1 =	vld.idx.msk [tilespmem:v2+s9+$0x0], $0xffff;
	[tilespmem:$0x1F030] =	vst v0;
	v0 =	vor.u32 $0x1E, v34;
	_ =	sdelay $0x4  }
0x172: {  	[tilespmem:$0x1F040] =	vst v1;
	v1 =	vor.u32 $0x1E, v35;
	v0 =	vld.idx.msk [tilespmem:v0+s7+$0x0], $0xffff;
	_ =	sdelay $0x4  }
0x173: {  	[tilespmem:$0x1F080] =	vst v0;
	v0 =	vld.idx.msk [tilespmem:v1+s8+$0x0], $0xffff;
	_ =	sdelay $0x4  }
0x174: {  	[tilespmem:$0x1F090] =	vst v0;
	v0 =	vor.u32 $0x1E, v37;
	_ =	sdelay $0x4  }
0x175: {  	[tilespmem:$0x1EFA0] =	vst v36;
	v36 =	vld.idx.msk [tilespmem:v0+s9+$0x0], $0xffff;
	_ =	sdelay $0x1  }
0x176: {  	[tilespmem:$0x1EF40] =	vst v57;
	v57 =	vld.idx.msk [tilespmem:v3+s11+$0x0], $0xffff  }
0x177: {  	v3 =	vld.idx.msk [tilespmem:v3+s12+$0x0], $0xffff;
	_ =	sdelay $0x1  }
0x178: {  	[tilespmem:$0x1F0A0] =	vst v36;
	v36 =	vld.idx.msk [tilespmem:v0+s10+$0x0], $0xffff;
	_ =	sdelay $0x2  }
0x179: {  	[tilespmem:$0x1F010] =	vst v3;
	v3 =	vld.idx.msk [tilespmem:v2+s10+$0x0], $0xffff;
	_ =	sdelay $0x1  }
0x17a: {  	[tilespmem:$0x1F0B0] =	vst v36;
	v36 =	vld.idx.msk [tilespmem:v0+s11+$0x0], $0xffff  }
0x17b: {  	v1 =	vor.u32 $0x1F, v34;
	v0 =	vld.idx.msk [tilespmem:v0+s12+$0x0], $0xffff  }
0x17c: {  	v5 =	vld.idx.msk [tilespmem:v35+s8+$0x0], $0xffff  }
0x17d: {  	[tilespmem:$0x1F050] =	vst v3;
	v3 =	vld.idx.msk [tilespmem:v2+s11+$0x0], $0xffff  }
0x17e: {  	v2 =	vld.idx.msk [tilespmem:v2+s12+$0x0], $0xffff  }
0x17f: {  	v4 =	vld.idx.msk [tilespmem:v37+s9+$0x0], $0xffff  }
0x180: {  	v35 =	vor.u32 $0x1F, v35;
	[tilespmem:$0x1F0D0] =	vst v0;
	v0 =	vld.idx.msk [tilespmem:v1+s7+$0x0], $0xffff  }
0x181: {  	[tilespmem:$0x1F000] =	vst v57;
	v57 =	vld.idx.msk [tilespmem:v34+s7+$0x0], $0xffff  }
0x182: {  	[tilespmem:$0x1F060] =	vst v3;
	v3 =	vld.idx.msk [tilespmem:v37+s11+$0x0], $0xffff  }
0x183: {  	[tilespmem:$0x1F070] =	vst v2;
	v2 =	vld.idx.msk [tilespmem:v37+s10+$0x0], $0xffff  }
0x184: {  	v34 =	vld.idx.msk [tilespmem:v37+s12+$0x0], $0xffff  }
0x185: {  	v37 =	vor.u32 $0x1F, v37;
	[tilespmem:$0x1F0F0] =	vst v0;
	v0 =	vld.idx.msk [tilespmem:v35+s8+$0x0], $0xffff;
	_ =	sdelay $0x4  }
0x186: {  	[tilespmem:$0x1F100] =	vst v0;
	v0 =	vld.idx.msk [tilespmem:v37+s9+$0x0], $0xffff;
	_ =	sdelay $0x4  }
0x187: {  	[tilespmem:$0x1F110] =	vst v0;
	v0 =	vld.idx.msk [tilespmem:v37+s10+$0x0], $0xffff;
	_ =	sdelay $0x4  }
0x188: {  	[tilespmem:$0x1F120] =	vst v0;
	v0 =	vld.idx.msk [tilespmem:v37+s11+$0x0], $0xffff;
	_ =	sdelay $0x4  }
0x189: {  	[tilespmem:$0x1F130] =	vst v0;
	v0 =	vld.idx.msk [tilespmem:v37+s12+$0x0], $0xffff;
	_ =	sdelay $0x4  }
0x18a: {  	[tilespmem:$0x1F140] =	vst v0;
	v0 =	vld [tilespmem:$0x10900];
	_ =	sdelay $0x4  }
0x18b: {  	[tilespmem:$0x1F0E0] =	vst v0;
	v0 =	vld [tilespmem:$0x10B00];
	_ =	sdelay $0x4  }
0x18c: {  	[tilespmem:$0x1F170] =	vst v0;
	v0 =	vld [tilespmem:$0x10D00];
	_ =	sdelay $0x4  }
0x18d: {  	[tilespmem:$0x1F180] =	vst v0;
	v0 =	vld [tilespmem:$0x10F00];
	_ =	sdelay $0x4  }
0x18e: {  	[tilespmem:$0x1F190] =	vst v0;
	v0 =	vld [tilespmem:$0x11100];
	_ =	sdelay $0x4  }
0x18f: {  	[tilespmem:$0x1F7F0] =	vst v0;
	v0 =	vld [tilespmem:$0x11300];
	_ =	sdelay $0x4  }
0x190: {  	[tilespmem:$0x1F800] =	vst v0;
	v0 =	vld [tilespmem:$0x11500];
	_ =	sdelay $0x4  }
0x191: {  	[tilespmem:$0x1F810] =	vst v0;
	v0 =	vld [tilespmem:$0x11700];
	_ =	sdelay $0x4  }
0x192: {  	[tilespmem:$0x1F820] =	vst v0;
	v0 =	vld [tilespmem:$0x10910];
	_ =	sdelay $0x4  }
0x193: {  	[tilespmem:$0x1F150] =	vst v0;
	v0 =	vld [tilespmem:$0x10B10];
	_ =	sdelay $0x4  }
0x194: {  	[tilespmem:$0x1F1A0] =	vst v0;
	v0 =	vld [tilespmem:$0x10D10];
	_ =	sdelay $0x4  }
0x195: {  	[tilespmem:$0x1F1B0] =	vst v0;
	v0 =	vld [tilespmem:$0x10F10];
	_ =	sdelay $0x4  }
0x196: {  	[tilespmem:$0x1F1C0] =	vst v0;
	v0 =	vld [tilespmem:$0x11110];
	_ =	sdelay $0x4  }
0x197: {  	[tilespmem:$0x1F830] =	vst v0;
	v0 =	vld [tilespmem:$0x11310];
	_ =	sdelay $0x4  }
0x198: {  	[tilespmem:$0x1F840] =	vst v0;
	v0 =	vld [tilespmem:$0x11510];
	_ =	sdelay $0x4  }
0x199: {  	[tilespmem:$0x1F850] =	vst v0;
	v0 =	vld [tilespmem:$0x11710];
	_ =	sdelay $0x4  }
0x19a: {  	[tilespmem:$0x1F860] =	vst v0;
	v0 =	vld [tilespmem:$0x10920];
	_ =	sdelay $0x4  }
0x19b: {  	[tilespmem:$0x1F1D0] =	vst v0;
	v0 =	vld [tilespmem:$0x10B20];
	_ =	sdelay $0x4  }
0x19c: {  	[tilespmem:$0x1F1E0] =	vst v0;
	v0 =	vld [tilespmem:$0x10D20];
	_ =	sdelay $0x4  }
0x19d: {  	[tilespmem:$0x1F1F0] =	vst v0;
	v0 =	vld [tilespmem:$0x10F20];
	_ =	sdelay $0x4  }
0x19e: {  	[tilespmem:$0x1F200] =	vst v0;
	v0 =	vld [tilespmem:$0x11120];
	_ =	sdelay $0x4  }
0x19f: {  	[tilespmem:$0x1F870] =	vst v0;
	v0 =	vld [tilespmem:$0x11320];
	_ =	sdelay $0x4  }
0x1a0: {  	[tilespmem:$0x1F880] =	vst v0;
	v0 =	vld [tilespmem:$0x11520];
	_ =	sdelay $0x4  }
0x1a1: {  	[tilespmem:$0x1F890] =	vst v0;
	v0 =	vld [tilespmem:$0x11720];
	_ =	sdelay $0x4  }
0x1a2: {  	[tilespmem:$0x1F8A0] =	vst v0;
	v0 =	vld [tilespmem:$0x10930];
	_ =	sdelay $0x4  }
0x1a3: {  	[tilespmem:$0x1F210] =	vst v0;
	v0 =	vld [tilespmem:$0x10B30];
	_ =	sdelay $0x4  }
0x1a4: {  	[tilespmem:$0x1F220] =	vst v0;
	v0 =	vld [tilespmem:$0x10D30];
	_ =	sdelay $0x4  }
0x1a5: {  	[tilespmem:$0x1F230] =	vst v0;
	v0 =	vld [tilespmem:$0x10F30];
	_ =	sdelay $0x4  }
0x1a6: {  	[tilespmem:$0x1F240] =	vst v0;
	v0 =	vld [tilespmem:$0x11130];
	_ =	sdelay $0x4  }
0x1a7: {  	[tilespmem:$0x1F8B0] =	vst v0;
	v0 =	vld [tilespmem:$0x11330];
	_ =	sdelay $0x4  }
0x1a8: {  	[tilespmem:$0x1F8C0] =	vst v0;
	v0 =	vld [tilespmem:$0x11530];
	_ =	sdelay $0x4  }
0x1a9: {  	[tilespmem:$0x1F8D0] =	vst v0;
	v0 =	vld [tilespmem:$0x11730];
	_ =	sdelay $0x4  }
0x1aa: {  	[tilespmem:$0x1F8E0] =	vst v0;
	v0 =	vld [tilespmem:$0x10940];
	_ =	sdelay $0x4  }
0x1ab: {  	[tilespmem:$0x1F250] =	vst v0;
	v0 =	vld [tilespmem:$0x10B40];
	_ =	sdelay $0x4  }
0x1ac: {  	[tilespmem:$0x1F260] =	vst v0;
	v0 =	vld [tilespmem:$0x10D40];
	_ =	sdelay $0x4  }
0x1ad: {  	[tilespmem:$0x1F270] =	vst v0;
	v0 =	vld [tilespmem:$0x10F40];
	_ =	sdelay $0x4  }
0x1ae: {  	[tilespmem:$0x1F280] =	vst v0;
	v0 =	vld [tilespmem:$0x11140];
	_ =	sdelay $0x4  }
0x1af: {  	[tilespmem:$0x1F8F0] =	vst v0;
	v0 =	vld [tilespmem:$0x11340];
	_ =	sdelay $0x4  }
0x1b0: {  	[tilespmem:$0x1F900] =	vst v0;
	v0 =	vld [tilespmem:$0x11540];
	_ =	sdelay $0x4  }
0x1b1: {  	[tilespmem:$0x1F910] =	vst v0;
	v0 =	vld [tilespmem:$0x11740];
	_ =	sdelay $0x4  }
0x1b2: {  	[tilespmem:$0x1F920] =	vst v0;
	v0 =	vld [tilespmem:$0x10950];
	_ =	sdelay $0x4  }
0x1b3: {  	[tilespmem:$0x1F290] =	vst v0;
	v0 =	vld [tilespmem:$0x10B50];
	_ =	sdelay $0x4  }
0x1b4: {  	[tilespmem:$0x1F2A0] =	vst v0;
	v0 =	vld [tilespmem:$0x10D50];
	_ =	sdelay $0x4  }
0x1b5: {  	[tilespmem:$0x1F2B0] =	vst v0;
	v0 =	vld [tilespmem:$0x10F50];
	_ =	sdelay $0x4  }
0x1b6: {  	[tilespmem:$0x1F2C0] =	vst v0;
	v0 =	vld [tilespmem:$0x11150];
	_ =	sdelay $0x4  }
0x1b7: {  	[tilespmem:$0x1F930] =	vst v0;
	v0 =	vld [tilespmem:$0x11350];
	_ =	sdelay $0x4  }
0x1b8: {  	[tilespmem:$0x1F940] =	vst v0;
	v0 =	vld [tilespmem:$0x11550];
	_ =	sdelay $0x4  }
0x1b9: {  	[tilespmem:$0x1F950] =	vst v0;
	v0 =	vld [tilespmem:$0x11750];
	_ =	sdelay $0x4  }
0x1ba: {  	[tilespmem:$0x1F960] =	vst v0;
	v0 =	vld [tilespmem:$0x10960];
	_ =	sdelay $0x4  }
0x1bb: {  	[tilespmem:$0x1F2D0] =	vst v0;
	v0 =	vld [tilespmem:$0x10B60];
	_ =	sdelay $0x4  }
0x1bc: {  	[tilespmem:$0x1F2E0] =	vst v0;
	v0 =	vld [tilespmem:$0x10D60];
	_ =	sdelay $0x4  }
0x1bd: {  	[tilespmem:$0x1F2F0] =	vst v0;
	v0 =	vld [tilespmem:$0x10F60];
	_ =	sdelay $0x4  }
0x1be: {  	[tilespmem:$0x1F300] =	vst v0;
	v0 =	vld [tilespmem:$0x11160];
	_ =	sdelay $0x4  }
0x1bf: {  	[tilespmem:$0x1F970] =	vst v0;
	v0 =	vld [tilespmem:$0x11360];
	_ =	sdelay $0x4  }
0x1c0: {  	[tilespmem:$0x1F980] =	vst v0;
	v0 =	vld [tilespmem:$0x11560];
	_ =	sdelay $0x4  }
0x1c1: {  	[tilespmem:$0x1F990] =	vst v0;
	v0 =	vld [tilespmem:$0x11760];
	_ =	sdelay $0x4  }
0x1c2: {  	[tilespmem:$0x1F9A0] =	vst v0;
	v0 =	vld [tilespmem:$0x10970];
	_ =	sdelay $0x4  }
0x1c3: {  	[tilespmem:$0x1F310] =	vst v0;
	v0 =	vld [tilespmem:$0x10B70];
	_ =	sdelay $0x4  }
0x1c4: {  	[tilespmem:$0x1F320] =	vst v0;
	v0 =	vld [tilespmem:$0x10D70];
	_ =	sdelay $0x4  }
0x1c5: {  	[tilespmem:$0x1F330] =	vst v0;
	v0 =	vld [tilespmem:$0x10F70];
	_ =	sdelay $0x4  }
0x1c6: {  	[tilespmem:$0x1F340] =	vst v0;
	v0 =	vld [tilespmem:$0x11170];
	_ =	sdelay $0x4  }
0x1c7: {  	[tilespmem:$0x1F9B0] =	vst v0;
	v0 =	vld [tilespmem:$0x11370];
	_ =	sdelay $0x4  }
0x1c8: {  	[tilespmem:$0x1F9C0] =	vst v0;
	v0 =	vld [tilespmem:$0x11570];
	_ =	sdelay $0x4  }
0x1c9: {  	[tilespmem:$0x1F9D0] =	vst v0;
	v0 =	vld [tilespmem:$0x11770];
	_ =	sdelay $0x4  }
0x1ca: {  	[tilespmem:$0x1F9E0] =	vst v0;
	v0 =	vld [tilespmem:$0x10980];
	_ =	sdelay $0x4  }
0x1cb: {  	[tilespmem:$0x1F350] =	vst v0;
	v0 =	vld [tilespmem:$0x10B80];
	_ =	sdelay $0x4  }
0x1cc: {  	[tilespmem:$0x1F360] =	vst v0;
	v0 =	vld [tilespmem:$0x10D80];
	_ =	sdelay $0x4  }
0x1cd: {  	[tilespmem:$0x1F370] =	vst v0;
	v0 =	vld [tilespmem:$0x10F80];
	_ =	sdelay $0x4  }
0x1ce: {  	[tilespmem:$0x1F380] =	vst v0;
	v0 =	vld [tilespmem:$0x11180];
	_ =	sdelay $0x4  }
0x1cf: {  	[tilespmem:$0x1F9F0] =	vst v0;
	v0 =	vld [tilespmem:$0x11380];
	_ =	sdelay $0x4  }
0x1d0: {  	[tilespmem:$0x1FA00] =	vst v0;
	v0 =	vld [tilespmem:$0x11580];
	_ =	sdelay $0x4  }
0x1d1: {  	[tilespmem:$0x1FA10] =	vst v0;
	v0 =	vld [tilespmem:$0x11780];
	_ =	sdelay $0x4  }
0x1d2: {  	[tilespmem:$0x1FA20] =	vst v0;
	v0 =	vld [tilespmem:$0x10D90];
	_ =	sdelay $0x4  }
0x1d3: {  	[tilespmem:$0x1F3B0] =	vst v0;
	v0 =	vld [tilespmem:$0x10990];
	_ =	sdelay $0x4  }
0x1d4: {  	[tilespmem:$0x1F390] =	vst v0;
	v0 =	vld [tilespmem:$0x10DA0];
	_ =	sdelay $0x4  }
0x1d5: {  	[tilespmem:$0x1F3F0] =	vst v0;
	v0 =	vld [tilespmem:$0x10B90];
	_ =	sdelay $0x4  }
0x1d6: {  	[tilespmem:$0x1F3A0] =	vst v0;
	v0 =	vld [tilespmem:$0x10F90];
	_ =	sdelay $0x4  }
0x1d7: {  	[tilespmem:$0x1F3C0] =	vst v0;
	v0 =	vld [tilespmem:$0x109A0];
	_ =	sdelay $0x4  }
0x1d8: {  	[tilespmem:$0x1F3D0] =	vst v0;
	v0 =	vld [tilespmem:$0x11190];
	_ =	sdelay $0x4  }
0x1d9: {  	[tilespmem:$0x1FA30] =	vst v0;
	v0 =	vld [tilespmem:$0x109E0];
	_ =	sdelay $0x4  }
0x1da: {  	[tilespmem:$0x1F4B0] =	vst v0;
	v0 =	vld [tilespmem:$0x114C0];
	_ =	sdelay $0x4  }
0x1db: {  	[tilespmem:$0x1FEA0] =	vst v0;
	v0 =	vld [tilespmem:$0x10CC0];
	_ =	sdelay $0x4  }
0x1dc: {  	[tilespmem:$0x1F770] =	vst v0;
	v0 =	vld [tilespmem:$0x11390];
	_ =	sdelay $0x4  }
0x1dd: {  	[tilespmem:$0x1FA40] =	vst v0;
	v0 =	vld [tilespmem:$0x116B0];
	_ =	sdelay $0x4  }
0x1de: {  	[tilespmem:$0x1FF10] =	vst v0;
	v0 =	vld [tilespmem:$0x10AC0];
	_ =	sdelay $0x4  }
0x1df: {  	[tilespmem:$0x1F710] =	vst v0;
	v0 =	vld [tilespmem:$0x110B0];
	_ =	sdelay $0x4  }
0x1e0: {  	[tilespmem:$0x1F7E0] =	vst v0;
	v0 =	vld [tilespmem:$0x114B0];
	_ =	sdelay $0x4  }
0x1e1: {  	[tilespmem:$0x1FE70] =	vst v0;
	v0 =	vld [tilespmem:$0x11590];
	_ =	sdelay $0x4  }
0x1e2: {  	[tilespmem:$0x1FA50] =	vst v0;
	v0 =	vld [tilespmem:$0x11790];
	_ =	sdelay $0x4  }
0x1e3: {  	[tilespmem:$0x1FA60] =	vst v0;
	v0 =	vld [tilespmem:$0x10BA0];
	_ =	sdelay $0x4  }
0x1e4: {  	[tilespmem:$0x1F3E0] =	vst v0;
	v0 =	vld [tilespmem:$0x10FA0];
	_ =	sdelay $0x4  }
0x1e5: {  	[tilespmem:$0x1F400] =	vst v0;
	v0 =	vld [tilespmem:$0x10CA0];
	_ =	sdelay $0x4  }
0x1e6: {  	[tilespmem:$0x1F740] =	vst v0;
	v0 =	vld [tilespmem:$0x111A0];
	_ =	sdelay $0x4  }
0x1e7: {  	[tilespmem:$0x1FA70] =	vst v0;
	v0 =	vld [tilespmem:$0x11690];
	_ =	sdelay $0x4  }
0x1e8: {  	[tilespmem:$0x1FEB0] =	vst v0;
	v0 =	vld [tilespmem:$0x10AA0];
	_ =	sdelay $0x4  }
0x1e9: {  	[tilespmem:$0x1F6C0] =	vst v0;
	v0 =	vld [tilespmem:$0x113A0];
	_ =	sdelay $0x4  }
0x1ea: {  	[tilespmem:$0x1FA80] =	vst v0;
	v0 =	vld [tilespmem:$0x115A0];
	_ =	sdelay $0x4  }
0x1eb: {  	[tilespmem:$0x1FA90] =	vst v0;
	v0 =	vld [tilespmem:$0x117A0];
	_ =	sdelay $0x4  }
0x1ec: {  	[tilespmem:$0x1FAA0] =	vst v0;
	v0 =	vld [tilespmem:$0x109B0];
	_ =	sdelay $0x4  }
0x1ed: {  	[tilespmem:$0x1F410] =	vst v0;
	v0 =	vld [tilespmem:$0x11280];
	_ =	sdelay $0x4  }
0x1ee: {  	[tilespmem:$0x1FD30] =	vst v0;
	v0 =	vld [tilespmem:$0x11680];
	_ =	sdelay $0x4  }
0x1ef: {  	[tilespmem:$0x1FE90] =	vst v0;
	v0 =	vld [tilespmem:$0x10C80];
	_ =	sdelay $0x4  }
0x1f0: {  	[tilespmem:$0x1F700] =	vst v0;
	v0 =	vld [tilespmem:$0x11080];
	_ =	sdelay $0x4  }
0x1f1: {  	[tilespmem:$0x1F7B0] =	vst v0;
	v0 =	vld [tilespmem:$0x10BB0];
	_ =	sdelay $0x4  }
0x1f2: {  	[tilespmem:$0x1F420] =	vst v0;
	v0 =	vld [tilespmem:$0x10DB0];
	_ =	sdelay $0x4  }
0x1f3: {  	[tilespmem:$0x1F430] =	vst v0;
	v0 =	vld [tilespmem:$0x10FB0];
	_ =	sdelay $0x4  }
0x1f4: {  	[tilespmem:$0x1F440] =	vst v0;
	v0 =	vld [tilespmem:$0x111B0];
	_ =	sdelay $0x4  }
0x1f5: {  	[tilespmem:$0x1FAB0] =	vst v0;
	v0 =	vld [tilespmem:$0x11860];
	_ =	sdelay $0x4  }
0x1f6: {  	[tilespmem:$0x1FED0] =	vst v0;
	v0 =	vld [tilespmem:$0x113B0];
	_ =	sdelay $0x4  }
0x1f7: {  	[tilespmem:$0x1FAC0] =	vst v0;
	v0 =	vld [tilespmem:$0x11260];
	_ =	sdelay $0x4  }
0x1f8: {  	[tilespmem:$0x1FCD0] =	vst v0;
	v0 =	vld [tilespmem:$0x11660];
	_ =	sdelay $0x4  }
0x1f9: {  	[tilespmem:$0x1FE20] =	vst v0;
	v0 =	vld [tilespmem:$0x115B0];
	_ =	sdelay $0x4  }
0x1fa: {  	[tilespmem:$0x1FAD0] =	vst v0;
	v0 =	vld [tilespmem:$0x117B0];
	_ =	sdelay $0x4  }
0x1fb: {  	[tilespmem:$0x1FAE0] =	vst v0;
	v0 =	vld [tilespmem:$0x109C0];
	_ =	sdelay $0x4  }
0x1fc: {  	[tilespmem:$0x1F450] =	vst v0;
	v0 =	vld [tilespmem:$0x10BC0];
	_ =	sdelay $0x4  }
0x1fd: {  	[tilespmem:$0x1F460] =	vst v0;
	v0 =	vld [tilespmem:$0x10E50];
	_ =	sdelay $0x4  }
0x1fe: {  	[tilespmem:$0x1F6A0] =	vst v0;
	v0 =	vld [tilespmem:$0x11250];
	_ =	sdelay $0x4  }
0x1ff: {  	[tilespmem:$0x1FC90] =	vst v0;
	v0 =	vld [tilespmem:$0x11840];
	_ =	sdelay $0x4  }
0x200: {  	[tilespmem:$0x1FDC0] =	vst v0;
	v0 =	vld [tilespmem:$0x10C50];
	_ =	sdelay $0x4  }
0x201: {  	[tilespmem:$0x1F680] =	vst v0;
	v0 =	vld [tilespmem:$0x10DC0];
	_ =	sdelay $0x4  }
0x202: {  	[tilespmem:$0x1F470] =	vst v0;
	v0 =	vld [tilespmem:$0x10FC0];
	_ =	sdelay $0x4  }
0x203: {  	[tilespmem:$0x1F490] =	vst v0;
	v0 =	vld [tilespmem:$0x111C0];
	_ =	sdelay $0x4  }
0x204: {  	[tilespmem:$0x1FAF0] =	vst v0;
	v0 =	vld [tilespmem:$0x113C0];
	_ =	sdelay $0x4  }
0x205: {  	[tilespmem:$0x1FB00] =	vst v0;
	v0 =	vld [tilespmem:$0x11430];
	_ =	sdelay $0x4  }
0x206: {  	[tilespmem:$0x1FCE0] =	vst v0;
	v0 =	vld [tilespmem:$0x115C0];
	_ =	sdelay $0x4  }
0x207: {  	[tilespmem:$0x1FB20] =	vst v0;
	v0 =	vld [tilespmem:$0x10E30];
	_ =	sdelay $0x4  }
0x208: {  	[tilespmem:$0x1F640] =	vst v0;
	v0 =	vld [tilespmem:$0x11230];
	_ =	sdelay $0x4  }
0x209: {  	[tilespmem:$0x1FC30] =	vst v0;
	v0 =	vld [tilespmem:$0x117C0];
	_ =	sdelay $0x4  }
0x20a: {  	[tilespmem:$0x1FB30] =	vst v0;
	v0 =	vld [tilespmem:$0x109D0];
	_ =	sdelay $0x4  }
0x20b: {  	[tilespmem:$0x1F480] =	vst v0;
	v0 =	vld [tilespmem:$0x10BD0];
	_ =	sdelay $0x4  }
0x20c: {  	[tilespmem:$0x1F4A0] =	vst v0;
	v0 =	vld [tilespmem:$0x10DD0];
	_ =	sdelay $0x4  }
0x20d: {  	[tilespmem:$0x1F4C0] =	vst v0;
	v0 =	vld [tilespmem:$0x10A20];
	_ =	sdelay $0x4  }
0x20e: {  	[tilespmem:$0x1F570] =	vst v0;
	v0 =	vld [tilespmem:$0x10E20];
	_ =	sdelay $0x4  }
0x20f: {  	[tilespmem:$0x1F610] =	vst v0;
	v0 =	vld [tilespmem:$0x11410];
	_ =	sdelay $0x4  }
0x210: {  	[tilespmem:$0x1FC60] =	vst v0;
	v0 =	vld [tilespmem:$0x11810];
	_ =	sdelay $0x4  }
0x211: {  	[tilespmem:$0x1FCA0] =	vst v0;
	v0 =	vld [tilespmem:$0x10FD0];
	_ =	sdelay $0x4  }
0x212: {  	[tilespmem:$0x1F4D0] =	vst v0;
	v0 =	vld [tilespmem:$0x111D0];
	_ =	sdelay $0x4  }
0x213: {  	[tilespmem:$0x1FB10] =	vst v0;
	v0 =	vld [tilespmem:$0x113D0];
	_ =	sdelay $0x4  }
0x214: {  	[tilespmem:$0x1FB40] =	vst v0;
	v0 =	vld [tilespmem:$0x115D0];
	_ =	sdelay $0x4  }
0x215: {  	[tilespmem:$0x1FB60] =	vst v0;
	v0 =	vld [tilespmem:$0x11000];
	_ =	sdelay $0x4  }
0x216: {  	[tilespmem:$0x1F5F0] =	vst v0;
	v0 =	vld [tilespmem:$0x117D0];
	_ =	sdelay $0x4  }
0x217: {  	[tilespmem:$0x1FB80] =	vst v0;
	v0 =	vld [tilespmem:$0x10A00];
	_ =	sdelay $0x4  }
0x218: {  	[tilespmem:$0x1F510] =	vst v0;
	v0 =	vld [tilespmem:$0x10E00];
	_ =	sdelay $0x4  }
0x219: {  	[tilespmem:$0x1F580] =	vst v0;
	v0 =	vld [tilespmem:$0x10BE0];
	_ =	sdelay $0x4  }
0x21a: {  	[tilespmem:$0x1F4F0] =	vst v0;
	v0 =	vld [tilespmem:$0x10DE0];
	_ =	sdelay $0x4  }
0x21b: {  	[tilespmem:$0x1F500] =	vst v0;
	v0 =	vld [tilespmem:$0x10FE0];
	_ =	sdelay $0x4  }
0x21c: {  	[tilespmem:$0x1F530] =	vst v0;
	v0 =	vld [tilespmem:$0x111E0];
	_ =	sdelay $0x4  }
0x21d: {  	[tilespmem:$0x1FB50] =	vst v0;
	v0 =	vld [tilespmem:$0x115E0];
	_ =	sdelay $0x4  }
0x21e: {  	[tilespmem:$0x1FBA0] =	vst v0;
	v0 =	vld [tilespmem:$0x109F0];
	_ =	sdelay $0x4  }
0x21f: {  	[tilespmem:$0x1F4E0] =	vst v0;
	v0 =	vld [tilespmem:$0x113E0];
	_ =	sdelay $0x4  }
0x220: {  	[tilespmem:$0x1FB90] =	vst v0;
	v0 =	vld [tilespmem:$0x117E0];
	_ =	sdelay $0x4  }
0x221: {  	[tilespmem:$0x1FBC0] =	vst v0;
	v0 =	vld [tilespmem:$0x10BF0];
	_ =	sdelay $0x4  }
0x222: {  	[tilespmem:$0x1F520] =	vst v0;
	v0 =	vld [tilespmem:$0x10DF0];
	_ =	sdelay $0x4  }
0x223: {  	[tilespmem:$0x1F550] =	vst v0;
	v0 =	vld [tilespmem:$0x10FF0];
	_ =	sdelay $0x4  }
0x224: {  	[tilespmem:$0x1F590] =	vst v0;
	v0 =	vld [tilespmem:$0x111F0];
	_ =	sdelay $0x4  }
0x225: {  	[tilespmem:$0x1FB70] =	vst v0;
	v0 =	vld [tilespmem:$0x113F0];
	_ =	sdelay $0x4  }
0x226: {  	[tilespmem:$0x1FBE0] =	vst v0;
	v0 =	vld [tilespmem:$0x115F0];
	_ =	sdelay $0x4  }
0x227: {  	[tilespmem:$0x1FBF0] =	vst v0;
	v0 =	vld [tilespmem:$0x117F0];
	_ =	sdelay $0x4  }
0x228: {  	[tilespmem:$0x1FC00] =	vst v0;
	v0 =	vld [tilespmem:$0x10C00];
	_ =	sdelay $0x4  }
0x229: {  	[tilespmem:$0x1F560] =	vst v0;
	v0 =	vld [tilespmem:$0x11200];
	_ =	sdelay $0x4  }
0x22a: {  	[tilespmem:$0x1FBB0] =	vst v0;
	v0 =	vld [tilespmem:$0x11400];
	_ =	sdelay $0x4  }
0x22b: {  	[tilespmem:$0x1FC20] =	vst v0;
	v0 =	vld [tilespmem:$0x11600];
	_ =	sdelay $0x4  }
0x22c: {  	[tilespmem:$0x1FC40] =	vst v0;
	v0 =	vld [tilespmem:$0x11800];
	_ =	sdelay $0x4  }
0x22d: {  	[tilespmem:$0x1FC50] =	vst v0;
	v0 =	vld [tilespmem:$0x10A10];
	_ =	sdelay $0x4  }
0x22e: {  	[tilespmem:$0x1F540] =	vst v0;
	v0 =	vld [tilespmem:$0x10C10];
	_ =	sdelay $0x4  }
0x22f: {  	[tilespmem:$0x1F5B0] =	vst v0;
	v0 =	vld [tilespmem:$0x10E10];
	_ =	sdelay $0x4  }
0x230: {  	[tilespmem:$0x1F5C0] =	vst v0;
	v0 =	vld [tilespmem:$0x11010];
	_ =	sdelay $0x4  }
0x231: {  	[tilespmem:$0x1F650] =	vst v0;
	v0 =	vld [tilespmem:$0x11210];
	_ =	sdelay $0x4  }
0x232: {  	[tilespmem:$0x1FBD0] =	vst v0;
	v0 =	vld [tilespmem:$0x11610];
	_ =	sdelay $0x4  }
0x233: {  	[tilespmem:$0x1FC80] =	vst v0;
	v0 =	vld [tilespmem:$0x10C20];
	_ =	sdelay $0x2  }
0x234: {  	v1 =	vmul.f32 v2, v4;
	v2 =	vld [tilespmem:$0x11220];
	_ =	sdelay $0x1  }
0x235: {  	[tilespmem:$0x1F5E0] =	vst v0;
	v0 =	vld [tilespmem:$0x11020];
	_ =	sdelay $0x2  }
0x236: {  	[tilespmem:$0x1FC10] =	vst v2;
	v2 =	vmul.f32 v34, v3;
	v3 =	vld [tilespmem:$0x1E8F0]  }
0x237: {  	v34 =	vld [tilespmem:$0x1E900]  }
0x238: {  	v37 =	vld [tilespmem:$0x1E910];
	[tilespmem:$0x1F690] =	vst v0;
	v0 =	vmul.f32 v5, v57  }
0x239: {  	v57 =	vld [tilespmem:$0x1E920]  }
0x23a: {  	[tilespmem:$0x1F0C0] =	vst v36;
	v36 =	vmul.f32 v30, v20;
	v20 =	vmul.f32 v2, v0;
	v2 =	vld [tilespmem:$0x10A30]  }
0x23b: {  	v1 =	vmul.f32 v1, v0;
	v0 =	vld [tilespmem:$0x11820]  }
0x23c: {  	v35 =	vld [tilespmem:$0x11420];
	_ =	sdelay $0x1  }
0x23d: {  	v3 =	vmul.f32 v34, v3;
	v34 =	vld [tilespmem:$0x1E950];
	v5 =	vmul.f32 v57, v37  }
0x23e: {  	[tilespmem:$0x1F5A0] =	vst v2;
	v2 =	vld [tilespmem:$0x1E930]  }
0x23f: {  	v36 =	vmul.f32 v36, v3;
	[tilespmem:$0x1FD00] =	vst v0;
	v0 =	vmul.f32 v5, v3;
	v3 =	vld [tilespmem:$0x1E940]  }
0x240: {  	[tilespmem:$0x1FCB0] =	vst v35;
	v35 =	vld [tilespmem:$0x10C30]  }
0x241: {  	v37 =	vld [tilespmem:$0x1E960]  }
0x242: {  	v57 =	vld [tilespmem:$0x1E980]  }
0x243: {  	v2 =	vmul.f32 v2, v39;
	v39 =	vld [tilespmem:$0x1E970]  }
0x244: {  	v3 =	vmul.f32 v34, v3;
	v34 =	vld [tilespmem:$0x1E990]  }
0x245: {  	v30 =	vld [tilespmem:$0x11620]  }
0x246: {  	v28 =	vmul.f32 v25, v28;
	v25 =	vld [tilespmem:$0x10A40]  }
0x247: {  	[tilespmem:$0x1F620] =	vst v35;
	v35 =	vld [tilespmem:$0x11030]  }
0x248: {  	v4 =	vmul.f32 v39, v37;
	v37 =	vld [tilespmem:$0x1E9A0]  }
0x249: {  	v5 =	vmul.f32 v34, v57;
	v57 =	vld [tilespmem:$0x11630]  }
0x24a: {  	[tilespmem:$0x1FCC0] =	vst v30;
	v3 =	vmul.f32 v3, v2;
	v30 =	vmul.f32 v4, v2;
	v2 =	vld [tilespmem:$0x11830];
	_ =	sdelay $0x1  }
0x24b: {  	[tilespmem:$0x1F5D0] =	vst v25  }
0x24c: {  	[tilespmem:$0x1F6E0] =	vst v35;
	v35 =	vld [tilespmem:$0x1E9D0];
	v39 =	vmul.f32 v38, v37  }
0x24d: {  	v34 =	vld [tilespmem:$0x1E9C0];
	[tilespmem:$0x1FD20] =	vst v57  }
0x24e: {  	[tilespmem:$0x1FD60] =	vst v2;
	v2 =	vmul.f32 v39, v5;
	v39 =	vmul.f32 v28, v5;
	v28 =	vld [tilespmem:$0x1E9B0]  }
0x24f: {  	v25 =	vld [tilespmem:$0x1E9E0]  }
0x250: {  	v37 =	vld [tilespmem:$0x10C40]  }
0x251: {  	v38 =	vld [tilespmem:$0x1E9F0]  }
0x252: {  	v1 =	vadd.f32 $0.0e+00, v1;
	v57 =	vmul.f32 v49, v40;
	v40 =	vld [tilespmem:$0x11240]  }
0x253: {  	v49 =	vld [tilespmem:$0x11440]  }
0x254: {  	v0 =	vadd.f32 v0, v1;
	v1 =	vld [tilespmem:$0x1EA20]  }
0x255: {  	v13 =	vmul.f32 v13, v15;
	v15 =	vld [tilespmem:$0x11850]  }
0x256: {  	v10 =	vmul.f32 v10, v23;
	v23 =	vld [tilespmem:$0x10A60]  }
0x257: {  	v11 =	vmul.f32 v11, v51;
	v51 =	vld [tilespmem:$0x1EA70]  }
0x258: {  	v26 =	vmul.f32 v26, v33;
	v33 =	vld [tilespmem:$0x10E80]  }
0x259: {  	v6 =	vmul.f32 v6, v8;
	v8 =	vld [tilespmem:$0x1ED50]  }
0x25a: {  	v4 =	vmul.f32 v34, v28;
	v34 =	vld [tilespmem:$0x1EA40]  }
0x25b: {  	v5 =	vmul.f32 v25, v35;
	v35 =	vld [tilespmem:$0x10E40]  }
0x25c: {  	v53 =	vmul.f32 v53, v38;
	v38 =	vld [tilespmem:$0x11040]  }
0x25d: {  	[tilespmem:$0x1F660] =	vst v37;
	v37 =	vmul.f32 v17, v63;
	v63 =	vmul.f32 v42, v56;
	v42 =	vld [tilespmem:$0x11050]  }
0x25e: {  	v56 =	vld [tilespmem:$0x11450]  }
0x25f: {  	v1 =	vmul.f32 v52, v1;
	v52 =	vld [tilespmem:$0x1EA80]  }
0x260: {  	v17 =	vmul.f32 v12, v16;
	v16 =	vld [tilespmem:$0x1EAA0]  }
0x261: {  	[tilespmem:$0x1FC70] =	vst v40;
	v40 =	vmul.f32 v13, v57;
	v28 =	vmul.f32 v53, v4;
	v53 =	vld [tilespmem:$0x1EA00]  }
0x262: {  	v5 =	vmul.f32 v5, v4;
	v4 =	vmul.f32 v37, v57;
	v57 =	vld [tilespmem:$0x1EA10]  }
0x263: {  	v37 =	vld [tilespmem:$0x11640]  }
0x264: {  	[tilespmem:$0x1F720] =	vst v38;
	v38 =	vld [tilespmem:$0x10A50]  }
0x265: {  	[tilespmem:$0x1F750] =	vst v42;
	v42 =	vmul.f32 v48, v60;
	v48 =	vld [tilespmem:$0x11070]  }
0x266: {  	v0 =	vadd.f32 v3, v0;
	v3 =	vmul.f32 v7, v9;
	[tilespmem:$0x1FD40] =	vst v56;
	v56 =	vld [tilespmem:$0x11270]  }
0x267: {  	[tilespmem:$0x1F670] =	vst v35;
	v35 =	vmul.f32 v22, v61;
	v7 =	vmul.f32 v52, v51;
	v52 =	vld [tilespmem:$0x1EB60]  }
0x268: {  	v61 =	vmul.f32 v45, v54;
	v45 =	vmul.f32 v58, v47;
	v58 =	vld [tilespmem:$0x1EB80]  }
0x269: {  	v13 =	vmul.f32 v57, v53;
	v57 =	vld [tilespmem:$0x11650]  }
0x26a: {  	v32 =	vmul.f32 v32, v19;
	[tilespmem:$0x1FD80] =	vst v37;
	v37 =	vld [tilespmem:$0x11460]  }
0x26b: {  	[tilespmem:$0x1FD10] =	vst v49;
	v49 =	vmul.f32 v63, v13;
	v63 =	vmul.f32 v29, v46;
	v29 =	vld [tilespmem:$0x10C60]  }
0x26c: {  	v0 =	vadd.f32 v2, v0;
	v25 =	vmul.f32 v32, v13;
	v32 =	vld [tilespmem:$0x10E60]  }
0x26d: {  	v10 =	vmul.f32 v10, v26;
	v46 =	vld [tilespmem:$0x10C70];
	[tilespmem:$0x1F600] =	vst v38;
	v38 =	vmul.f32 v6, v26  }
0x26e: {  	v0 =	vadd.f32 v5, v0;
	v26 =	vmul.f32 v21, v43;
	v43 =	vmul.f32 v44, v50;
	v50 =	vld [tilespmem:$0x1EA60]  }
0x26f: {  	v21 =	vld [tilespmem:$0x11870]  }
0x270: {  	v0 =	vadd.f32 v4, v0;
	v44 =	vmul.f32 v24, v41;
	v24 =	vld [tilespmem:$0x1EAB0]  }
0x271: {  	v19 =	vadd.f32 $0.0e+00, v20;
	[tilespmem:$0x1FCF0] =	vst v56;
	v56 =	vld [tilespmem:$0x1EB70]  }
0x272: {  	v0 =	vadd.f32 v49, v0;
	v49 =	vld [tilespmem:$0x1EA50]  }
0x273: {  	[tilespmem:$0x1F630] =	vst v23;
	v23 =	vmul.f32 v17, v1;
	v6 =	vmul.f32 v63, v1;
	v1 =	vadd.f32 v36, v19;
	v19 =	vld [tilespmem:$0x11670]  }
0x274: {  	v18 =	vmul.f32 v14, v18;
	v63 =	vmul.f32 v27, v31;
	v27 =	vld [tilespmem:$0x1EAC0]  }
0x275: {  	v31 =	vld [tilespmem:$0x1EAE0]  }
0x276: {  	v2 =	vmul.f32 v26, v18;
	v26 =	vmul.f32 v3, v18;
	v3 =	vld [tilespmem:$0x11060]  }
0x277: {  	[tilespmem:$0x1FDE0] =	vst v57;
	v57 =	vld [tilespmem:$0x1EA90]  }
0x278: {  	[tilespmem:$0x1FD70] =	vst v37;
	v37 =	vld [tilespmem:$0x1EB20]  }
0x279: {  	[tilespmem:$0x1F6B0] =	vst v29;
	v29 =	vld [tilespmem:$0x1EAD0]  }
0x27a: {  	[tilespmem:$0x1F6D0] =	vst v46;
	v46 =	vld [tilespmem:$0x11880]  }
0x27b: {  	v0 =	vadd.f32 v10, v0;
	v5 =	vmul.f32 v50, v49;
	v50 =	vld [tilespmem:$0x1EB50]  }
0x27c: {  	[tilespmem:$0x1FE60] =	vst v19;
	v19 =	vld [tilespmem:$0x11090]  }
0x27d: {  	v0 =	vadd.f32 v6, v0;
	v6 =	vmul.f32 v27, v24;
	v24 =	vld [tilespmem:$0x1EBC0]  }
0x27e: {  	v27 =	vld [tilespmem:$0x1EBD0]  }
0x27f: {  	v49 =	vld [tilespmem:$0x1EC60]  }
0x280: {  	[tilespmem:$0x1F790] =	vst v3;
	v3 =	vld [tilespmem:$0x1EA30]  }
0x281: {  	v60 =	vmul.f32 v62, v57;
	v62 =	vld [tilespmem:$0x11470]  }
0x282: {  	v18 =	vmul.f32 v55, v16;
	v0 =	vadd.f32 v2, v0;
	v2 =	vld [tilespmem:$0x1EAF0]  }
0x283: {  	[tilespmem:$0x1FF00] =	vst v21;
	v21 =	vmul.f32 v63, v61;
	v57 =	vld [tilespmem:$0x10E90];
	v14 =	vmul.f32 v7, v5  }
0x284: {  	[tilespmem:$0x1FE40] =	vst v15;
	v15 =	vmul.f32 v60, v5;
	v5 =	vmul.f32 v18, v61;
	v61 =	vld [tilespmem:$0x1EBA0]  }
0x285: {  	[tilespmem:$0x1F6F0] =	vst v32;
	v32 =	vmul.f32 v31, v29;
	v31 =	vld [tilespmem:$0x1EBE0]  }
0x286: {  	[tilespmem:$0x1FF30] =	vst v46;
	v46 =	vld [tilespmem:$0x1EC40]  }
0x287: {  	v47 =	vmul.f32 v32, v6;
	v32 =	vld [tilespmem:$0x1EBF0]  }
0x288: {  	v29 =	vmul.f32 v27, v24;
	v27 =	vld [tilespmem:$0x1EE50]  }
0x289: {  	v3 =	vmul.f32 v34, v3;
	v34 =	vld [tilespmem:$0x1EB00]  }
0x28a: {  	[tilespmem:$0x1FDA0] =	vst v62;
	v62 =	vld [tilespmem:$0x1EBB0]  }
0x28b: {  	[tilespmem:$0x1F780] =	vst v57;
	v57 =	vld [tilespmem:$0x110A0]  }
0x28c: {  	v4 =	vmul.f32 v35, v3;
	v17 =	vmul.f32 v42, v3;
	v3 =	vld [tilespmem:$0x10E70]  }
0x28d: {  	v35 =	vld [tilespmem:$0x1EB10]  }
0x28e: {  	v42 =	vld [tilespmem:$0x11480]  }
0x28f: {  	[tilespmem:$0x1F760] =	vst v33;
	v33 =	vmul.f32 v32, v31;
	v31 =	vld [tilespmem:$0x112A0]  }
0x290: {  	v32 =	vld [tilespmem:$0x114A0]  }
0x291: {  	v2 =	vmul.f32 v34, v2;
	v34 =	vld [tilespmem:$0x11290]  }
0x292: {  	v63 =	vmul.f32 v62, v61;
	v61 =	vld [tilespmem:$0x1ECA0]  }
0x293: {  	v62 =	vld [tilespmem:$0x1ECB0]  }
0x294: {  	[tilespmem:$0x1F7D0] =	vst v57;
	v57 =	vld [tilespmem:$0x1EE10]  }
0x295: {  	v22 =	vmul.f32 v11, v43;
	[tilespmem:$0x1F730] =	vst v3;
	v3 =	vmul.f32 v44, v43;
	v43 =	vld [tilespmem:$0x1EB30]  }
0x296: {  	v41 =	vmul.f32 v37, v35;
	v37 =	vld [tilespmem:$0x11890]  }
0x297: {  	v0 =	vadd.f32 v4, v0;
	[tilespmem:$0x1FDD0] =	vst v42;
	v42 =	vld [tilespmem:$0x1EC10]  }
0x298: {  	[tilespmem:$0x1F7C0] =	vst v19;
	v19 =	vmul.f32 v29, v63;
	v29 =	vld [tilespmem:$0x1ED60]  }
0x299: {  	v0 =	vadd.f32 v3, v0;
	v3 =	vld [tilespmem:$0x1EB40]  }
0x29a: {  	[tilespmem:$0x1FD90] =	vst v31;
	v31 =	vld [tilespmem:$0x1ED70]  }
0x29b: {  	[tilespmem:$0x1FD50] =	vst v34;
	v34 =	vld [tilespmem:$0x1ECC0]  }
0x29c: {  	v44 =	vmul.f32 v59, v43;
	v59 =	vld [tilespmem:$0x1EB90]  }
0x29d: {  	v12 =	vmul.f32 v2, v6;
	v43 =	vld [tilespmem:$0x1EC20]  }
0x29e: {  	v16 =	vmul.f32 v45, v41;
	v0 =	vadd.f32 v14, v0;
	v2 =	vmul.f32 v44, v41;
	v41 =	vld [tilespmem:$0x1EC00]  }
0x29f: {  	v44 =	vld [tilespmem:$0x1EC30]  }
0x2a0: {  	v0 =	vadd.f32 v5, v0;
	v3 =	vmul.f32 v50, v3;
	v50 =	vld [tilespmem:$0x1EC70]  }
0x2a1: {  	[tilespmem:$0x1FE30] =	vst v32;
	v32 =	vmul.f32 v31, v29;
	v29 =	vld [tilespmem:$0x1EE60]  }
0x2a2: {  	v4 =	vmul.f32 v56, v52;
	v0 =	vadd.f32 v47, v0;
	v47 =	vld [tilespmem:$0x1EC50]  }
0x2a3: {  	v60 =	vmul.f32 v59, v58;
	v58 =	vld [tilespmem:$0x1EC80]  }
0x2a4: {  	v35 =	vmul.f32 v4, v3;
	v59 =	vld [tilespmem:$0x1EC90];
	v0 =	vadd.f32 v2, v0  }
0x2a5: {  	v9 =	vmul.f32 v60, v3;
	v3 =	vld [tilespmem:$0x11490]  }
0x2a6: {  	v0 =	vadd.f32 v35, v0;
	v35 =	vld [tilespmem:$0x1ECD0]  }
0x2a7: {  	v5 =	vmul.f32 v42, v41;
	v41 =	vld [tilespmem:$0x1ECE0]  }
0x2a8: {  	v42 =	vld [tilespmem:$0x1ECF0]  }
0x2a9: {  	v45 =	vmul.f32 v44, v43;
	v44 =	vld [tilespmem:$0x118A0]  }
0x2aa: {  	v56 =	vmul.f32 v50, v49;
	v49 =	vld [tilespmem:$0x1ED30]  }
0x2ab: {  	[tilespmem:$0x1F7A0] =	vst v48;
	v48 =	vmul.f32 v47, v46;
	v46 =	vld [tilespmem:$0x1ED10]  }
0x2ac: {  	v2 =	vmul.f32 v45, v5;
	v45 =	vld [tilespmem:$0x1ED00]  }
0x2ad: {  	v10 =	vmul.f32 v48, v5;
	v48 =	vld [tilespmem:$0x1ED20]  }
0x2ae: {  	[tilespmem:$0x1FE00] =	vst v3;
	v3 =	vmul.f32 v33, v63;
	v33 =	vld [tilespmem:$0x116A0]  }
0x2af: {  	[tilespmem:$0x1FF50] =	vst v37;
	v37 =	vmul.f32 v35, v34;
	v34 =	vld [tilespmem:$0x1EDA0]  }
0x2b0: {  	v35 =	vld [tilespmem:$0x1EDB0]  }
0x2b1: {  	v43 =	vmul.f32 v42, v41;
	v41 =	vld [tilespmem:$0x118B0]  }
0x2b2: {  	v1 =	vadd.f32 v30, v1;
	v42 =	vld [tilespmem:$0x1EDC0]  }
0x2b3: {  	v63 =	vmul.f32 v62, v61;
	v61 =	vld [tilespmem:$0x1EE20]  }
0x2b4: {  	v1 =	vadd.f32 v39, v1;
	v0 =	vadd.f32 v3, v0;
	v3 =	vld [tilespmem:$0x1ED40]  }
0x2b5: {  	v14 =	vmul.f32 v43, v37;
	v43 =	vld [tilespmem:$0x1EDD0]  }
0x2b6: {  	v1 =	vadd.f32 v28, v1;
	v47 =	vmul.f32 v46, v45;
	v45 =	vld [tilespmem:$0x1EDE0]  }
0x2b7: {  	v46 =	vld [tilespmem:$0x1EDF0]  }
0x2b8: {  	v1 =	vadd.f32 v40, v1;
	v18 =	vmul.f32 v63, v56;
	v63 =	vld [tilespmem:$0x1EE30]  }
0x2b9: {  	v50 =	vmul.f32 v49, v48;
	v49 =	vld [tilespmem:$0x1EEC0]  }
0x2ba: {  	v1 =	vadd.f32 v25, v1;
	v60 =	vmul.f32 v59, v58;
	[tilespmem:$0x1FEE0] =	vst v33;
	v33 =	vld [tilespmem:$0x1ED90]  }
0x2bb: {  	v0 =	vadd.f32 v2, v0;
	v2 =	vmul.f32 v32, v50;
	v32 =	vld [tilespmem:$0x1EE70];
	v3 =	vmul.f32 v8, v3  }
0x2bc: {  	v11 =	vmul.f32 v47, v37;
	v37 =	vmul.f32 v35, v34;
	v34 =	vld [tilespmem:$0x1EE80]  }
0x2bd: {  	v1 =	vadd.f32 v38, v1;
	v13 =	vmul.f32 v60, v56;
	v24 =	vmul.f32 v3, v50;
	v3 =	vld [tilespmem:$0x112B0]  }
0x2be: {  	v35 =	vld [tilespmem:$0x1EE90]  }
0x2bf: {  	v1 =	vadd.f32 v23, v1;
	v0 =	vadd.f32 v13, v0;
	v13 =	vld [tilespmem:$0x116C0]  }
0x2c0: {  	[tilespmem:$0x1FF70] =	vst v44;
	v44 =	vmul.f32 v43, v42;
	v42 =	vld [tilespmem:$0x1EEB0]  }
0x2c1: {  	v1 =	vadd.f32 v26, v1;
	v7 =	vmul.f32 v63, v61;
	v61 =	vld [tilespmem:$0x1EEE0]  }
0x2c2: {  	[tilespmem:$0x1FDB0] =	vst v3;
	v3 =	vld [tilespmem:$0x1ED80]  }
0x2c3: {  	v1 =	vadd.f32 v17, v1;
	v50 =	vld [tilespmem:$0x1EE00]  }
0x2c4: {  	v63 =	vld [tilespmem:$0x1EEF0];
	v0 =	vadd.f32 v14, v0  }
0x2c5: {  	v1 =	vadd.f32 v22, v1;
	v47 =	vmul.f32 v46, v45;
	v45 =	vld [tilespmem:$0x1EF40]  }
0x2c6: {  	v0 =	vadd.f32 v2, v0;
	v2 =	vld [tilespmem:$0x1EE40]  }
0x2c7: {  	v1 =	vadd.f32 v15, v1;
	v46 =	vld [tilespmem:$0x1EF50];
	v3 =	vmul.f32 v33, v3  }
0x2c8: {  	v59 =	vmul.f32 v57, v50;
	v57 =	vld [tilespmem:$0x1EED0]  }
0x2c9: {  	v1 =	vadd.f32 v21, v1;
	[tilespmem:$0x1FF90] =	vst v41;
	v8 =	vmul.f32 v37, v3;
	v41 =	vmul.f32 v44, v3;
	v3 =	vld [tilespmem:$0x112C0]  }
0x2ca: {  	v37 =	vld [tilespmem:$0x1EEA0]  }
0x2cb: {  	v1 =	vadd.f32 v12, v1;
	v2 =	vmul.f32 v27, v2;
	v27 =	vmul.f32 v35, v34;
	v34 =	vld [tilespmem:$0x1EF80]  }
0x2cc: {  	v35 =	vld [tilespmem:$0x1EF90]  }
0x2cd: {  	v1 =	vadd.f32 v16, v1;
	[tilespmem:$0x1FF40] =	vst v13;
	v13 =	vmul.f32 v32, v29;
	v33 =	vld [tilespmem:$0x118C0]  }
0x2ce: {  	v44 =	vld [tilespmem:$0x112D0];
	v0 =	vadd.f32 v8, v0;
	v8 =	vmul.f32 v63, v61;
	[tilespmem:$0x1FDF0] =	vst v3;
	v3 =	vmul.f32 v59, v47  }
0x2cf: {  	v43 =	vmul.f32 v42, v37;
	v59 =	vmul.f32 v57, v49;
	v37 =	vld [tilespmem:$0x1EF10]  }
0x2d0: {  	v1 =	vadd.f32 v9, v1;
	v13 =	vmul.f32 v13, v2;
	v27 =	vmul.f32 v27, v2;
	v42 =	vld [tilespmem:$0x1EF20]  }
0x2d1: {  	v2 =	vmul.f32 v8, v43;
	v29 =	vmul.f32 v59, v43;
	v43 =	vld [tilespmem:$0x1EF30]  }
0x2d2: {  	v1 =	vadd.f32 v19, v1;
	v0 =	vadd.f32 v3, v0;
	v3 =	vld [tilespmem:$0x1EF00]  }
0x2d3: {  	v63 =	vld [tilespmem:$0x1EF70]  }
0x2d4: {  	v1 =	vadd.f32 v10, v1;
	[tilespmem:$0x1FFB0] =	vst v33;
	v33 =	vld [tilespmem:$0x114D0]  }
0x2d5: {  	v57 =	vld [tilespmem:$0x1EF60]  }
0x2d6: {  	v1 =	vadd.f32 v18, v1;
	v14 =	vmul.f32 v43, v42;
	v42 =	vld [tilespmem:$0x1EFA0]  }
0x2d7: {  	v48 =	vmul.f32 v46, v45;
	v0 =	vadd.f32 v13, v0;
	v3 =	vmul.f32 v37, v3;
	v43 =	vld [tilespmem:$0x1EFB0]  }
0x2d8: {  	v1 =	vadd.f32 v11, v1;
	v46 =	vld [tilespmem:$0x1EFD0]  }
0x2d9: {  	v0 =	vadd.f32 v2, v0;
	v2 =	vmul.f32 v14, v3;
	v13 =	vmul.f32 v48, v3;
	v3 =	vld [tilespmem:$0x118D0]  }
0x2da: {  	v1 =	vadd.f32 v24, v1;
	[tilespmem:$0x1FEC0] =	vst v33;
	v33 =	vld [tilespmem:$0x1F010]  }
0x2db: {  	v31 =	vmul.f32 v7, v47;
	v8 =	vmul.f32 v63, v57;
	v57 =	vld [tilespmem:$0x1EFF0]  }
0x2dc: {  	v1 =	vadd.f32 v41, v1;
	[tilespmem:$0x1FE10] =	vst v44;
	v37 =	vmul.f32 v35, v34;
	v48 =	vld [tilespmem:$0x1EFE0];
	v44 =	vmul.f32 v43, v42  }
0x2dd: {  	v0 =	vadd.f32 v2, v0;
	v2 =	vld [tilespmem:$0x1EFC0]  }
0x2de: {  	v1 =	vadd.f32 v31, v1;
	[tilespmem:$0x1FFC0] =	vst v3;
	v3 =	vmul.f32 v37, v8;
	v14 =	vmul.f32 v44, v8;
	v8 =	vld [tilespmem:$0x1F000]  }
0x2df: {  	v37 =	vld [tilespmem:$0x1F050]  }
0x2e0: {  	v1 =	vadd.f32 v27, v1;
	v3 =	vadd.f32 v3, v0;
	v0 =	vld [tilespmem:$0x1F040]  }
0x2e1: {  	v34 =	vld [tilespmem:$0x1F020]  }
0x2e2: {  	v1 =	vadd.f32 v29, v1;
	v35 =	vld [tilespmem:$0x1F030]  }
0x2e3: {  	v63 =	vmul.f32 v57, v48;
	v44 =	vld [tilespmem:$0x1F070];
	v2 =	vmul.f32 v46, v2  }
0x2e4: {  	v33 =	vmul.f32 v33, v8;
	v8 =	vadd.f32 v13, v1;
	v1 =	vld [tilespmem:$0x112E0]  }
0x2e5: {  	v32 =	vmul.f32 v63, v2;
	v42 =	vmul.f32 v37, v0;
	v0 =	vld [tilespmem:$0x1F060]  }
0x2e6: {  	v57 =	vld [tilespmem:$0x1F090]  }
0x2e7: {  	v32 =	vadd.f32 v32, v3;
	v3 =	vld [tilespmem:$0x1F0B0]  }
0x2e8: {  	v33 =	vmul.f32 v33, v2;
	v2 =	vld [tilespmem:$0x1F0C0]  }
0x2e9: {  	[tilespmem:$0x1FE50] =	vst v1;
	v1 =	vld [tilespmem:$0x1F0A0]  }
0x2ea: {  	v46 =	vmul.f32 v44, v0;
	v0 =	vld [tilespmem:$0x1F080]  }
0x2eb: {  	v44 =	vld [tilespmem:$0x1F0D0];
	_ =	sdelay $0x1  }
0x2ec: {  	v35 =	vmul.f32 v35, v34;
	_ =	sdelay $0x1  }
0x2ed: {  	v3 =	vmul.f32 v3, v1;
	v1 =	vmul.f32 v42, v35  }
0x2ee: {  	v0 =	vmul.f32 v57, v0;
	v5 =	vmul.f32 v44, v2  }
0x2ef: {  	v32 =	vadd.f32 v1, v32;
	v1 =	vld [tilespmem:$0x118E0]  }
0x2f0: {  	v4 =	vadd.f32 v14, v8;
	v3 =	vmul.f32 v3, v0;
	v8 =	vmul.f32 v5, v0;
	v0 =	vld [tilespmem:$0x1F0E0];
	_ =	sdelay $0x3  }
0x2f1: {  	[tilespmem:$0x1FFD0] =	vst v1;
	v1 =	vld [tilespmem:$0x1F100]  }
0x2f2: {  	v7 =	vmul.f32 v46, v35;
	v35 =	vmul.f32 v20, v0;
	v0 =	vld [tilespmem:$0x1F0F0];
	_ =	sdelay $0x3  }
0x2f3: {  	v2 =	vld [tilespmem:$0x116E0]  }
0x2f4: {  	v57 =	vmul.f32 v1, v0;
	v0 =	vld [tilespmem:$0x1F110]  }
0x2f5: {  	v1 =	vld [tilespmem:$0x1F120];
	_ =	sdelay $0x3  }
0x2f6: {  	[tilespmem:$0x1FF80] =	vst v2;
	v2 =	vld [tilespmem:$0x1F140]  }
0x2f7: {  	v0 =	vmul.f32 v1, v0;
	v1 =	vld [tilespmem:$0x1F130];
	_ =	sdelay $0x4  }
0x2f8: {  	v54 =	vld [tilespmem:$0x10A80];
	v1 =	vmul.f32 v2, v1  }
0x2f9: {  	v51 =	vld [tilespmem:$0x10C90]  }
0x2fa: {  	v5 =	vmul.f32 v1, v57;
	v1 =	vld [tilespmem:$0x1F170]  }
0x2fb: {  	v53 =	vld [tilespmem:$0x10A70]  }
0x2fc: {  	v55 =	vld [tilespmem:$0x10A90]  }
0x2fd: {  	v52 =	vld [tilespmem:$0x10EA0]  }
0x2fe: {  	v58 =	vld [tilespmem:$0x10EC0]  }
0x2ff: {  	v46 =	vadd.f32 v33, v4;
	v4 =	vmul.f32 v0, v57;
	v57 =	vmul.f32 v1, v20;
	v1 =	vld [tilespmem:$0x112F0]  }
0x300: {  	v62 =	vld [tilespmem:$0x10AB0]  }
0x301: {  	v45 =	vld [tilespmem:$0x116D0]  }
0x302: {  	v60 =	vld [tilespmem:$0x10CB0]  }
0x303: {  	v56 =	vld [tilespmem:$0x10EB0]  }
0x304: {  	[tilespmem:$0x1FE80] =	vst v1;
	v1 =	vld [tilespmem:$0x114F0]  }
0x305: {  	v50 =	vld [tilespmem:$0x110C0]  }
0x306: {  	[tilespmem:$0x1FF60] =	vst v45;
	v45 =	vld [tilespmem:$0x10CE0]  }
0x307: {  	v61 =	vld [tilespmem:$0x10ED0]  }
0x308: {  	v47 =	vld [tilespmem:$0x10AD0]  }
0x309: {  	[tilespmem:$0x1FF20] =	vst v1;
	v1 =	vld [tilespmem:$0x1F180]  }
0x30a: {  	v49 =	vld [tilespmem:$0x10CD0]  }
0x30b: {  	v32 =	vadd.f32 v3, v32;
	v3 =	vld [tilespmem:$0x1F150]  }
0x30c: {  	v59 =	vld [tilespmem:$0x110D0]  }
0x30d: {  	v43 =	vld [tilespmem:$0x10AE0]  }
0x30e: {  	v4 =	vadd.f32 v4, v32;
	v32 =	vmul.f32 v1, v20;
	v1 =	vld [tilespmem:$0x116F0]  }
0x30f: {  	v34 =	vld [tilespmem:$0x10AF0]  }
0x310: {  	v6 =	vadd.f32 $0.0e+00, v35;
	v3 =	vmul.f32 v36, v3;
	v35 =	vld [tilespmem:$0x1F160]  }
0x311: {  	v0 =	vld [tilespmem:$0x1FFF0]  }
0x312: {  	v3 =	vadd.f32 v3, v6;
	v6 =	vadd.f32 $0.0e+00, v57;
	v57 =	vld [tilespmem:$0x118F0]  }
0x313: {  	[tilespmem:$0x1FFA0] =	vst v1;
	v1 =	vld [tilespmem:$0x1F190]  }
0x314: {  	v48 =	vld [tilespmem:$0x10EE0]  }
0x315: {  	v42 =	vld [tilespmem:$0x114E0];
	v2 =	vadd.f32 v7, v46  }
0x316: {  	v63 =	vld [tilespmem:$0x110E0];
	v0 =	vand.u32 v0, v35  }
0x317: {  	v2 =	vadd.f32 v8, v2;
	[tilespmem:$0x1FFE0] =	vst v57;
	v57 =	vld [tilespmem:$0x1F1B0]  }
0x318: {  	v37 =	vmul.f32 v1, v20;
	v1 =	vld [tilespmem:$0x1F1A0]  }
0x319: {  	v44 =	vld [tilespmem:$0x10EF0];
	v2 =	vadd.f32 v5, v2  }
0x31a: {  	[tilespmem:$0x1FEF0] =	vst v42;
	v42 =	vld [tilespmem:$0x10CF0];
	v4 =	vmax.f32 v4, $0.0e+00  }
0x31b: {  	v46 =	vld [tilespmem:$0x110F0];
	v2 =	vmax.f32 v2, $0.0e+00;
	[tilespmem:v0+s14+$0x0] =	vst.idx.msk $0xffff, v4  }
0x31c: {  	[tilespmem:v0+s15+$0x0] =	vst.idx.msk $0xffff, v2;
	v2 =	vld [tilespmem:$0x1F1C0];
	v4 =	vadd.f32 $0.0e+00, v32;
	v32 =	vmul.f32 v57, v36  }
0x31d: {  	v57 =	vld [tilespmem:$0x1F200];
	v1 =	vmul.f32 v1, v36  }
0x31e: {  	v4 =	vadd.f32 v32, v4;
	v32 =	vld [tilespmem:$0x1F1D0]  }
0x31f: {  	v0 =	vadd.f32 v1, v6;
	v1 =	vadd.f32 $0.0e+00, v37;
	v37 =	vld [tilespmem:$0x1F1E0];
	_ =	sdelay $0x3  }
0x320: {  	v2 =	vmul.f32 v2, v36;
	v6 =	vmul.f32 v30, v32  }
0x321: {  	v32 =	vmul.f32 v37, v30;
	v37 =	vmul.f32 v57, v30;
	v57 =	vld [tilespmem:$0x1F210];
	_ =	sdelay $0x1  }
0x322: {  	v1 =	vadd.f32 v2, v1;
	v2 =	vld [tilespmem:$0x1F1F0]  }
0x323: {  	v0 =	vadd.f32 v32, v0;
	v32 =	vld [tilespmem:$0x1F220]  }
0x324: {  	v1 =	vadd.f32 v37, v1;
	v37 =	vld [tilespmem:$0x1F230]  }
0x325: {  	v3 =	vadd.f32 v6, v3;
	v6 =	vmul.f32 v39, v57;
	v57 =	vld [tilespmem:$0x1F240];
	_ =	sdelay $0x2  }
0x326: {  	v2 =	vmul.f32 v2, v30  }
0x327: {  	v3 =	vadd.f32 v6, v3;
	v6 =	vmul.f32 v37, v39;
	v37 =	vld [tilespmem:$0x1F250]  }
0x328: {  	v2 =	vadd.f32 v2, v4;
	v4 =	vmul.f32 v32, v39;
	v32 =	vmul.f32 v57, v39;
	v57 =	vld [tilespmem:$0x1F260];
	_ =	sdelay $0x4  }
0x329: {  	v0 =	vadd.f32 v4, v0;
	v4 =	vmul.f32 v28, v37;
	v37 =	vmul.f32 v57, v28;
	v57 =	vld [tilespmem:$0x1F270];
	_ =	sdelay $0x2  }
0x32a: {  	v1 =	vadd.f32 v32, v1;
	v32 =	vld [tilespmem:$0x1F280]  }
0x32b: {  	v0 =	vadd.f32 v37, v0;
	v37 =	vld [tilespmem:$0x1F290]  }
0x32c: {  	v2 =	vadd.f32 v6, v2;
	v6 =	vmul.f32 v57, v28;
	v57 =	vld [tilespmem:$0x1F2A0];
	_ =	sdelay $0x3  }
0x32d: {  	v2 =	vadd.f32 v6, v2;
	v6 =	vmul.f32 v40, v37;
	v37 =	vld [tilespmem:$0x1F2B0]  }
0x32e: {  	v3 =	vadd.f32 v4, v3;
	v4 =	vmul.f32 v32, v28;
	v32 =	vmul.f32 v57, v40;
	v57 =	vld [tilespmem:$0x1F2C0];
	_ =	sdelay $0x4  }
0x32f: {  	v1 =	vadd.f32 v4, v1;
	v4 =	vmul.f32 v37, v40;
	v37 =	vmul.f32 v57, v40;
	v57 =	vld [tilespmem:$0x1F2D0];
	_ =	sdelay $0x2  }
0x330: {  	v0 =	vadd.f32 v32, v0;
	v32 =	vld [tilespmem:$0x1F2E0]  }
0x331: {  	v1 =	vadd.f32 v37, v1;
	v37 =	vld [tilespmem:$0x1F2F0]  }
0x332: {  	v3 =	vadd.f32 v6, v3;
	v6 =	vmul.f32 v25, v57;
	v57 =	vld [tilespmem:$0x1F300];
	_ =	sdelay $0x3  }
0x333: {  	v3 =	vadd.f32 v6, v3;
	v6 =	vmul.f32 v37, v25;
	v37 =	vld [tilespmem:$0x1F310]  }
0x334: {  	v2 =	vadd.f32 v4, v2;
	v4 =	vmul.f32 v32, v25;
	v32 =	vmul.f32 v57, v25;
	v57 =	vld [tilespmem:$0x1F320];
	_ =	sdelay $0x4  }
0x335: {  	v0 =	vadd.f32 v4, v0;
	v4 =	vmul.f32 v38, v37;
	v37 =	vmul.f32 v57, v38;
	v57 =	vld [tilespmem:$0x1F330];
	_ =	sdelay $0x2  }
0x336: {  	v1 =	vadd.f32 v32, v1;
	v32 =	vld [tilespmem:$0x1F340]  }
0x337: {  	v0 =	vadd.f32 v37, v0;
	v37 =	vld [tilespmem:$0x1F350]  }
0x338: {  	v2 =	vadd.f32 v6, v2;
	v6 =	vmul.f32 v57, v38;
	v57 =	vld [tilespmem:$0x1F360];
	_ =	sdelay $0x3  }
0x339: {  	v2 =	vadd.f32 v6, v2;
	v6 =	vmul.f32 v23, v37;
	v37 =	vld [tilespmem:$0x1F370]  }
0x33a: {  	v3 =	vadd.f32 v4, v3;
	v4 =	vmul.f32 v32, v38;
	v32 =	vmul.f32 v57, v23;
	v57 =	vld [tilespmem:$0x1F380];
	_ =	sdelay $0x4  }
0x33b: {  	v1 =	vadd.f32 v4, v1;
	v4 =	vmul.f32 v37, v23;
	v37 =	vmul.f32 v57, v23;
	v57 =	vld [tilespmem:$0x1F390];
	_ =	sdelay $0x2  }
0x33c: {  	v0 =	vadd.f32 v32, v0;
	v32 =	vld [tilespmem:$0x1F3A0]  }
0x33d: {  	v1 =	vadd.f32 v37, v1;
	v37 =	vld [tilespmem:$0x1F3B0]  }
0x33e: {  	v3 =	vadd.f32 v6, v3;
	v6 =	vmul.f32 v26, v57;
	v57 =	vld [tilespmem:$0x1F3C0];
	_ =	sdelay $0x3  }
0x33f: {  	v3 =	vadd.f32 v6, v3;
	v6 =	vmul.f32 v37, v26;
	v37 =	vld [tilespmem:$0x1F3D0]  }
0x340: {  	v2 =	vadd.f32 v4, v2;
	v4 =	vmul.f32 v32, v26;
	v32 =	vmul.f32 v57, v26;
	v57 =	vld [tilespmem:$0x1F3E0];
	_ =	sdelay $0x4  }
0x341: {  	v0 =	vadd.f32 v4, v0;
	v4 =	vmul.f32 v17, v37;
	v37 =	vmul.f32 v57, v17;
	v57 =	vld [tilespmem:$0x1F3F0];
	_ =	sdelay $0x2  }
0x342: {  	v1 =	vadd.f32 v32, v1;
	v32 =	vld [tilespmem:$0x1F400]  }
0x343: {  	v0 =	vadd.f32 v37, v0;
	v37 =	vld [tilespmem:$0x1F410]  }
0x344: {  	v2 =	vadd.f32 v6, v2;
	v6 =	vmul.f32 v57, v17;
	v57 =	vld [tilespmem:$0x1F420];
	_ =	sdelay $0x3  }
0x345: {  	v2 =	vadd.f32 v6, v2;
	v6 =	vmul.f32 v22, v37;
	v37 =	vld [tilespmem:$0x1F430]  }
0x346: {  	v3 =	vadd.f32 v4, v3;
	v4 =	vmul.f32 v32, v17;
	v32 =	vmul.f32 v57, v22;
	v57 =	vld [tilespmem:$0x1F440];
	_ =	sdelay $0x4  }
0x347: {  	v1 =	vadd.f32 v4, v1;
	v4 =	vmul.f32 v37, v22;
	v37 =	vmul.f32 v57, v22;
	v57 =	vld [tilespmem:$0x1F450];
	_ =	sdelay $0x2  }
0x348: {  	v0 =	vadd.f32 v32, v0;
	v32 =	vld [tilespmem:$0x1F460]  }
0x349: {  	v1 =	vadd.f32 v37, v1;
	v37 =	vld [tilespmem:$0x1F470]  }
0x34a: {  	v3 =	vadd.f32 v6, v3;
	v6 =	vmul.f32 v15, v57;
	v57 =	vld [tilespmem:$0x1F480];
	_ =	sdelay $0x3  }
0x34b: {  	v3 =	vadd.f32 v6, v3;
	v6 =	vmul.f32 v37, v15;
	v37 =	vld [tilespmem:$0x1F490]  }
0x34c: {  	v2 =	vadd.f32 v4, v2;
	v4 =	vmul.f32 v32, v15;
	v32 =	vmul.f32 v21, v57;
	v57 =	vld [tilespmem:$0x1F4A0];
	_ =	sdelay $0x4  }
0x34d: {  	v0 =	vadd.f32 v4, v0;
	v4 =	vmul.f32 v37, v15;
	v37 =	vmul.f32 v57, v21;
	v57 =	vld [tilespmem:$0x1F4B0];
	_ =	sdelay $0x2  }
0x34e: {  	v3 =	vadd.f32 v32, v3;
	v32 =	vld [tilespmem:$0x1F4C0]  }
0x34f: {  	v0 =	vadd.f32 v37, v0;
	v37 =	vld [tilespmem:$0x1F4D0]  }
0x350: {  	v2 =	vadd.f32 v6, v2;
	v6 =	vmul.f32 v12, v57;
	v57 =	vld [tilespmem:$0x1F4E0];
	_ =	sdelay $0x3  }
0x351: {  	v3 =	vadd.f32 v6, v3;
	v6 =	vmul.f32 v37, v21;
	v37 =	vld [tilespmem:$0x1F4F0]  }
0x352: {  	v1 =	vadd.f32 v4, v1;
	v4 =	vmul.f32 v32, v21;
	v32 =	vmul.f32 v16, v57;
	v57 =	vld [tilespmem:$0x1F500];
	_ =	sdelay $0x4  }
0x353: {  	v2 =	vadd.f32 v4, v2;
	v4 =	vmul.f32 v37, v12;
	v37 =	vmul.f32 v57, v12;
	v57 =	vld [tilespmem:$0x1F510];
	_ =	sdelay $0x2  }
0x354: {  	v3 =	vadd.f32 v32, v3;
	v32 =	vld [tilespmem:$0x1F520]  }
0x355: {  	v2 =	vadd.f32 v37, v2;
	v37 =	vld [tilespmem:$0x1F530]  }
0x356: {  	v1 =	vadd.f32 v6, v1;
	v6 =	vmul.f32 v9, v57;
	v57 =	vld [tilespmem:$0x1F540];
	_ =	sdelay $0x3  }
0x357: {  	v3 =	vadd.f32 v6, v3;
	v6 =	vmul.f32 v37, v12;
	v37 =	vld [tilespmem:$0x1F550]  }
0x358: {  	v0 =	vadd.f32 v4, v0;
	v4 =	vmul.f32 v32, v16;
	v32 =	vmul.f32 v19, v57;
	v57 =	vld [tilespmem:$0x1F560];
	_ =	sdelay $0x4  }
0x359: {  	v0 =	vadd.f32 v4, v0;
	v4 =	vmul.f32 v37, v16;
	v37 =	vmul.f32 v57, v9;
	v57 =	vld [tilespmem:$0x1F570];
	_ =	sdelay $0x2  }
0x35a: {  	v3 =	vadd.f32 v32, v3;
	v32 =	vld [tilespmem:$0x1F580]  }
0x35b: {  	v0 =	vadd.f32 v37, v0;
	v37 =	vld [tilespmem:$0x1F590]  }
0x35c: {  	v1 =	vadd.f32 v6, v1;
	v6 =	vmul.f32 v10, v57;
	v57 =	vld [tilespmem:$0x1F5A0];
	_ =	sdelay $0x3  }
0x35d: {  	v3 =	vadd.f32 v6, v3;
	v6 =	vmul.f32 v37, v16;
	v37 =	vld [tilespmem:$0x1F5B0]  }
0x35e: {  	v2 =	vadd.f32 v4, v2;
	v4 =	vmul.f32 v32, v9;
	v32 =	vmul.f32 v18, v57;
	v57 =	vld [tilespmem:$0x1F5C0];
	_ =	sdelay $0x4  }
0x35f: {  	v2 =	vadd.f32 v4, v2;
	v4 =	vmul.f32 v37, v19;
	v37 =	vmul.f32 v57, v19;
	v57 =	vld [tilespmem:$0x1F5D0];
	_ =	sdelay $0x2  }
0x360: {  	v3 =	vadd.f32 v32, v3;
	v32 =	vld [tilespmem:$0x1F5E0]  }
0x361: {  	v2 =	vadd.f32 v37, v2;
	v37 =	vld [tilespmem:$0x1F5F0]  }
0x362: {  	v1 =	vadd.f32 v6, v1;
	v6 =	vmul.f32 v11, v57;
	v57 =	vld [tilespmem:$0x1F600];
	_ =	sdelay $0x3  }
0x363: {  	v3 =	vadd.f32 v6, v3;
	v6 =	vmul.f32 v37, v9;
	v37 =	vld [tilespmem:$0x1F610]  }
0x364: {  	v0 =	vadd.f32 v4, v0;
	v4 =	vmul.f32 v32, v10;
	v32 =	vmul.f32 v24, v57;
	v57 =	vld [tilespmem:$0x1F620];
	_ =	sdelay $0x2  }
0x365: {  	v3 =	vadd.f32 v32, v3;
	v32 =	vld [tilespmem:$0x1F640];
	_ =	sdelay $0x1  }
0x366: {  	v0 =	vadd.f32 v4, v0;
	v4 =	vmul.f32 v37, v10;
	v37 =	vmul.f32 v57, v18;
	v57 =	vld [tilespmem:$0x1F630];
	_ =	sdelay $0x2  }
0x367: {  	v2 =	vadd.f32 v4, v2;
	v4 =	vmul.f32 v32, v18;
	v32 =	vmul.f32 v31, v53;
	v53 =	vld [tilespmem:$0x1F660]  }
0x368: {  	v0 =	vadd.f32 v37, v0;
	v37 =	vld [tilespmem:$0x1F650]  }
0x369: {  	v1 =	vadd.f32 v6, v1;
	v6 =	vmul.f32 v41, v57;
	v57 =	vld [tilespmem:$0x1F670];
	_ =	sdelay $0x2  }
0x36a: {  	v2 =	vadd.f32 v4, v2;
	v4 =	vmul.f32 v53, v11;
	v53 =	vld [tilespmem:$0x1F680]  }
0x36b: {  	v3 =	vadd.f32 v6, v3  }
0x36c: {  	v6 =	vmul.f32 v37, v19;
	v37 =	vmul.f32 v57, v11  }
0x36d: {  	v3 =	vadd.f32 v32, v3;
	v32 =	vmul.f32 v27, v54;
	v54 =	vld [tilespmem:$0x1F690]  }
0x36e: {  	v2 =	vadd.f32 v37, v2;
	v37 =	vld [tilespmem:$0x1F6A0]  }
0x36f: {  	v0 =	vadd.f32 v4, v0;
	v4 =	vmul.f32 v53, v24;
	v53 =	vld [tilespmem:$0x1F6B0];
	_ =	sdelay $0x1  }
0x370: {  	v57 =	vmul.f32 v29, v55;
	v3 =	vadd.f32 v32, v3  }
0x371: {  	v55 =	vld [tilespmem:$0x1F6D0]  }
0x372: {  	v1 =	vadd.f32 v6, v1;
	v3 =	vadd.f32 v57, v3;
	v6 =	vmul.f32 v54, v10;
	v54 =	vld [tilespmem:$0x1F6C0]  }
0x373: {  	v57 =	vld [tilespmem:$0x1F6E0];
	v0 =	vadd.f32 v4, v0;
	v4 =	vmul.f32 v37, v24;
	v37 =	vmul.f32 v53, v41  }
0x374: {  	v53 =	vld [tilespmem:$0x1F700]  }
0x375: {  	v0 =	vadd.f32 v37, v0;
	v37 =	vld [tilespmem:$0x1F6F0];
	_ =	sdelay $0x1  }
0x376: {  	v1 =	vadd.f32 v6, v1;
	v6 =	vmul.f32 v13, v54;
	v54 =	vld [tilespmem:$0x1F710]  }
0x377: {  	v2 =	vadd.f32 v4, v2;
	v4 =	vmul.f32 v55, v31  }
0x378: {  	v62 =	vmul.f32 v14, v62;
	v3 =	vadd.f32 v6, v3;
	v6 =	vmul.f32 v57, v18  }
0x379: {  	v0 =	vadd.f32 v4, v0;
	v4 =	vmul.f32 v37, v41;
	v37 =	vmul.f32 v53, v27  }
0x37a: {  	v3 =	vadd.f32 v62, v3;
	v62 =	vmul.f32 v7, v47;
	v47 =	vld [tilespmem:$0x1F740]  }
0x37b: {  	v1 =	vadd.f32 v6, v1;
	v6 =	vmul.f32 v33, v54;
	v0 =	vadd.f32 v37, v0;
	v37 =	vld [tilespmem:$0x1F730]  }
0x37c: {  	v57 =	vld [tilespmem:$0x1F720]  }
0x37d: {  	v3 =	vadd.f32 v6, v3  }
0x37e: {  	v32 =	vshll.u32 v35, $0x3;
	v35 =	vld [tilespmem:$0x1F770];
	v55 =	vmul.f32 v51, v29;
	v51 =	vmul.f32 v8, v43  }
0x37f: {  	v54 =	vmul.f32 v60, v14;
	v60 =	vld [tilespmem:$0x1F760];
	v2 =	vadd.f32 v4, v2;
	v3 =	vadd.f32 v62, v3  }
0x380: {  	v53 =	vld [tilespmem:$0x11900];
	v0 =	vadd.f32 v55, v0;
	v4 =	vmul.f32 v37, v31;
	v37 =	vmul.f32 v47, v13  }
0x381: {  	v34 =	vmul.f32 v5, v34;
	v6 =	vmul.f32 v57, v11;
	v3 =	vadd.f32 v51, v3;
	v47 =	vld [tilespmem:$0x1F780]  }
0x382: {  	v55 =	vld [tilespmem:$0x1F750];
	v0 =	vadd.f32 v37, v0  }
0x383: {  	v1 =	vadd.f32 v6, v1;
	v6 =	vmul.f32 v35, v33;
	v3 =	vadd.f32 v34, v3  }
0x384: {  	v62 =	vmul.f32 v60, v27;
	v2 =	vadd.f32 v4, v2;
	v0 =	vadd.f32 v54, v0  }
0x385: {  	v51 =	vmul.f32 v49, v7;
	v3 =	vadd.f32 v53, v3  }
0x386: {  	v2 =	vadd.f32 v62, v2;
	v34 =	vmul.f32 v47, v29;
	v0 =	vadd.f32 v6, v0  }
0x387: {  	v43 =	vld [tilespmem:$0x1F7D0];
	v57 =	vmul.f32 v55, v24;
	v54 =	vmul.f32 v52, v13;
	[tilespmem:v32+s16+$0x0] =	vst.idx.msk $0xffff, v3  }
0x388: {  	v53 =	vld [tilespmem:$0x1F790];
	v3 =	vmul.f32 v45, v8;
	v2 =	vadd.f32 v34, v2;
	v0 =	vadd.f32 v51, v0  }
0x389: {  	v60 =	vmul.f32 v42, v5;
	v1 =	vadd.f32 v57, v1;
	v57 =	vld [tilespmem:$0x11910]  }
0x38a: {  	v55 =	vld [tilespmem:$0x1F7A0];
	v2 =	vadd.f32 v54, v2;
	v0 =	vadd.f32 v3, v0;
	v3 =	vmul.f32 v56, v14  }
0x38b: {  	v35 =	vor.u32 $0x1, v32;
	v42 =	vld [tilespmem:$0x1F7C0]  }
0x38c: {  	v62 =	vld [tilespmem:$0x1F7B0];
	v2 =	vadd.f32 v3, v2;
	v0 =	vadd.f32 v60, v0;
	v3 =	vmul.f32 v58, v33  }
0x38d: {  	v49 =	vld [tilespmem:$0x1F820];
	v6 =	vmul.f32 v53, v41  }
0x38e: {  	v37 =	vld [tilespmem:$0x1F970];
	v2 =	vadd.f32 v3, v2;
	v0 =	vadd.f32 v57, v0;
	v3 =	vmul.f32 v61, v7  }
0x38f: {  	v52 =	vld [tilespmem:$0x1F850];
	v4 =	vmul.f32 v55, v31;
	v1 =	vadd.f32 v6, v1  }
0x390: {  	v47 =	vld [tilespmem:$0x1F800];
	[tilespmem:v35+s16+$0x0] =	vst.idx.msk $0xffff, v0;
	v0 =	vadd.f32 v3, v2;
	v2 =	vmul.f32 v48, v8  }
0x391: {  	v55 =	vld [tilespmem:$0x1F890];
	v1 =	vadd.f32 v4, v1;
	v4 =	vmul.f32 v62, v27  }
0x392: {  	v0 =	vadd.f32 v2, v0;
	v2 =	vld [tilespmem:$0x1F7E0]  }
0x393: {  	v51 =	vld [tilespmem:$0x1F840];
	v1 =	vadd.f32 v4, v1;
	v4 =	vmul.f32 v42, v29  }
0x394: {  	v54 =	vld [tilespmem:$0x1F870]  }
0x395: {  	v56 =	vld [tilespmem:$0x1F8A0];
	v1 =	vadd.f32 v4, v1;
	v4 =	vmul.f32 v43, v13  }
0x396: {  	v3 =	vld [tilespmem:$0x11920]  }
0x397: {  	v44 =	vmul.f32 v44, v5;
	v58 =	vld [tilespmem:$0x1F8C0];
	v1 =	vadd.f32 v4, v1;
	v2 =	vmul.f32 v2, v14  }
0x398: {  	v45 =	vor.u32 $0x2, v32;
	v60 =	vld [tilespmem:$0x1F8E0]  }
0x399: {  	v62 =	vld [tilespmem:$0x1F900];
	v0 =	vadd.f32 v44, v0;
	v1 =	vadd.f32 v2, v1;
	v2 =	vmul.f32 v50, v33  }
0x39a: {  	v34 =	vmul.f32 v51, v36;
	v51 =	vld [tilespmem:$0x1FA30]  }
0x39b: {  	v57 =	vld [tilespmem:$0x1F8B0];
	v0 =	vadd.f32 v3, v0;
	v1 =	vadd.f32 v2, v1;
	v2 =	vmul.f32 v59, v7  }
0x39c: {  	v61 =	vld [tilespmem:$0x1F8F0]  }
0x39d: {  	v42 =	vld [tilespmem:$0x1F9A0];
	[tilespmem:v45+s16+$0x0] =	vst.idx.msk $0xffff, v0;
	v0 =	vadd.f32 v2, v1;
	v1 =	vmul.f32 v63, v8  }
0x39e: {  	v48 =	vld [tilespmem:$0x1F810]  }
0x39f: {  	v2 =	vld [tilespmem:$0x11930];
	v0 =	vadd.f32 v1, v0;
	v1 =	vmul.f32 v46, v5  }
0x3a0: {  	v43 =	vld [tilespmem:$0x1F9B0]  }
0x3a1: {  	v35 =	vmul.f32 v52, v36;
	v52 =	vld [tilespmem:$0x1FA40];
	v0 =	vadd.f32 v1, v0;
	v1 =	vor.u32 $0x3, v32  }
0x3a2: {  	v3 =	vld [tilespmem:$0x1F7F0]  }
0x3a3: {  	v4 =	vmul.f32 v47, v20;
	v47 =	vld [tilespmem:$0x1F9F0]  }
0x3a4: {  	v6 =	vmul.f32 v48, v20;
	v50 =	vld [tilespmem:$0x1F830];
	v0 =	vadd.f32 v2, v0  }
0x3a5: {  	v44 =	vld [tilespmem:$0x1F9C0]  }
0x3a6: {  	v6 =	vadd.f32 $0.0e+00, v6;
	[tilespmem:v1+s16+$0x0] =	vst.idx.msk $0xffff, v0;
	v1 =	vld [tilespmem:$0x1F860]  }
0x3a7: {  	v48 =	vld [tilespmem:$0x1FA00];
	v3 =	vmul.f32 v3, v20  }
0x3a8: {  	v45 =	vld [tilespmem:$0x1F9D0];
	v53 =	vadd.f32 v35, v6;
	v20 =	vmul.f32 v49, v20  }
0x3a9: {  	v35 =	vld [tilespmem:$0x1F950];
	v2 =	vadd.f32 $0.0e+00, v3;
	v3 =	vadd.f32 $0.0e+00, v4;
	v4 =	vmul.f32 v50, v36  }
0x3aa: {  	v6 =	vmul.f32 v54, v30;
	v54 =	vld [tilespmem:$0x1FA60]  }
0x3ab: {  	v59 =	vld [tilespmem:$0x1F8D0];
	v0 =	vadd.f32 v4, v2;
	v2 =	vadd.f32 $0.0e+00, v20;
	v1 =	vmul.f32 v1, v36  }
0x3ac: {  	v49 =	vld [tilespmem:$0x1FA10]  }
0x3ad: {  	v1 =	vadd.f32 v1, v2;
	v2 =	vld [tilespmem:$0x1F880]  }
0x3ae: {  	v63 =	vld [tilespmem:$0x1F910]  }
0x3af: {  	v46 =	vld [tilespmem:$0x1F9E0]  }
0x3b0: {  	v50 =	vld [tilespmem:$0x1FA20]  }
0x3b1: {  	v3 =	vadd.f32 v34, v3;
	v34 =	vld [tilespmem:$0x1F940];
	v0 =	vadd.f32 v6, v0;
	v6 =	vmul.f32 v56, v30  }
0x3b2: {  	v20 =	vmul.f32 v55, v30;
	v55 =	vld [tilespmem:$0x1FA70];
	v2 =	vmul.f32 v2, v30  }
0x3b3: {  	v4 =	vmul.f32 v58, v39;
	v58 =	vld [tilespmem:$0x1FAA0];
	v1 =	vadd.f32 v6, v1;
	v30 =	vmul.f32 v57, v39  }
0x3b4: {  	v56 =	vld [tilespmem:$0x1FA80];
	v6 =	vmul.f32 v59, v39;
	v2 =	vadd.f32 v2, v3;
	v3 =	vadd.f32 v20, v53  }
0x3b5: {  	v36 =	vld [tilespmem:$0x1F960];
	v0 =	vadd.f32 v30, v0;
	v20 =	vmul.f32 v61, v28  }
0x3b6: {  	v59 =	vld [tilespmem:$0x1FAB0];
	v30 =	vmul.f32 v63, v28;
	v3 =	vadd.f32 v6, v3  }
0x3b7: {  	v0 =	vadd.f32 v20, v0;
	v20 =	vld [tilespmem:$0x1F920]  }
0x3b8: {  	v3 =	vadd.f32 v30, v3;
	v30 =	vld [tilespmem:$0x1F930]  }
0x3b9: {  	v57 =	vld [tilespmem:$0x1FA90]  }
0x3ba: {  	v53 =	vld [tilespmem:$0x1FA50];
	v2 =	vadd.f32 v4, v2;
	v4 =	vmul.f32 v60, v39  }
0x3bb: {  	v61 =	vld [tilespmem:$0x1FAD0];
	v6 =	vmul.f32 v62, v28  }
0x3bc: {  	v63 =	vld [tilespmem:$0x1FAF0];
	v1 =	vadd.f32 v4, v1;
	v4 =	vmul.f32 v20, v28  }
0x3bd: {  	v39 =	vld [tilespmem:$0x1F980];
	v2 =	vadd.f32 v6, v2;
	v6 =	vmul.f32 v30, v40  }
0x3be: {  	v60 =	vld [tilespmem:$0x1FAC0];
	v20 =	vmul.f32 v35, v40;
	v1 =	vadd.f32 v4, v1  }
0x3bf: {  	v4 =	vmul.f32 v34, v40;
	v0 =	vadd.f32 v6, v0;
	v6 =	vmul.f32 v36, v40;
	v40 =	vld [tilespmem:$0x1F990]  }
0x3c0: {  	v62 =	vld [tilespmem:$0x1FAE0]  }
0x3c1: {  	v35 =	vld [tilespmem:$0x1FB50]  }
0x3c2: {  	v28 =	vmul.f32 v37, v25;
	v37 =	vld [tilespmem:$0x1FB70]  }
0x3c3: {  	v3 =	vadd.f32 v20, v3;
	v30 =	vld [tilespmem:$0x1FB30];
	v2 =	vadd.f32 v4, v2;
	v4 =	vmul.f32 v39, v25  }
0x3c4: {  	v20 =	vmul.f32 v43, v38;
	v34 =	vld [tilespmem:$0x1FB40];
	v1 =	vadd.f32 v6, v1;
	v6 =	vmul.f32 v40, v25  }
0x3c5: {  	v43 =	vld [tilespmem:$0x1FBC0];
	v0 =	vadd.f32 v28, v0;
	v2 =	vadd.f32 v4, v2;
	v4 =	vmul.f32 v42, v25  }
0x3c6: {  	v36 =	vld [tilespmem:$0x1FB60];
	v3 =	vadd.f32 v6, v3;
	v6 =	vmul.f32 v44, v38  }
0x3c7: {  	v39 =	vld [tilespmem:$0x1FB90];
	v1 =	vadd.f32 v4, v1;
	v0 =	vadd.f32 v20, v0;
	v4 =	vmul.f32 v46, v38  }
0x3c8: {  	v28 =	vld [tilespmem:$0x1FB20];
	v25 =	vmul.f32 v45, v38;
	v2 =	vadd.f32 v6, v2;
	v6 =	vmul.f32 v47, v23  }
0x3c9: {  	v42 =	vld [tilespmem:$0x1FBB0];
	v20 =	vmul.f32 v49, v23;
	v1 =	vadd.f32 v4, v1;
	v4 =	vmul.f32 v48, v23  }
0x3ca: {  	v46 =	vld [tilespmem:$0x1FBF0];
	v3 =	vadd.f32 v25, v3;
	v0 =	vadd.f32 v6, v0;
	v6 =	vmul.f32 v50, v23  }
0x3cb: {  	v49 =	vld [tilespmem:$0x1FC20];
	v23 =	vmul.f32 v51, v26;
	v2 =	vadd.f32 v4, v2;
	v4 =	vmul.f32 v52, v26  }
0x3cc: {  	v40 =	vld [tilespmem:$0x1FBA0];
	v3 =	vadd.f32 v20, v3;
	v1 =	vadd.f32 v6, v1;
	v6 =	vmul.f32 v53, v26  }
0x3cd: {  	v45 =	vld [tilespmem:$0x1FBE0];
	v20 =	vmul.f32 v55, v17;
	v2 =	vadd.f32 v4, v2;
	v4 =	vmul.f32 v54, v26  }
0x3ce: {  	v25 =	vld [tilespmem:$0x1FB00];
	v0 =	vadd.f32 v23, v0;
	v3 =	vadd.f32 v6, v3;
	v6 =	vmul.f32 v56, v17  }
0x3cf: {  	v23 =	vmul.f32 v57, v17;
	v26 =	vld [tilespmem:$0x1FB10];
	v1 =	vadd.f32 v4, v1;
	v4 =	vmul.f32 v58, v17  }
0x3d0: {  	v48 =	vld [tilespmem:$0x1FC10];
	v0 =	vadd.f32 v20, v0;
	v2 =	vadd.f32 v6, v2;
	v6 =	vmul.f32 v59, v22  }
0x3d1: {  	v38 =	vld [tilespmem:$0x1FB80];
	v17 =	vmul.f32 v61, v22;
	v1 =	vadd.f32 v4, v1;
	v4 =	vmul.f32 v60, v22  }
0x3d2: {  	v44 =	vld [tilespmem:$0x1FBD0];
	v20 =	vmul.f32 v63, v15;
	v0 =	vadd.f32 v6, v0;
	v6 =	vmul.f32 v62, v22  }
0x3d3: {  	v47 =	vld [tilespmem:$0x1FC00];
	v3 =	vadd.f32 v23, v3;
	v2 =	vadd.f32 v4, v2;
	v4 =	vmul.f32 v25, v15  }
0x3d4: {  	v50 =	vld [tilespmem:$0x1FC30];
	v1 =	vadd.f32 v6, v1;
	v0 =	vadd.f32 v20, v0;
	v6 =	vmul.f32 v26, v21  }
0x3d5: {  	v51 =	vld [tilespmem:$0x1FC40];
	v3 =	vadd.f32 v17, v3;
	v2 =	vadd.f32 v4, v2;
	v4 =	vmul.f32 v28, v15  }
0x3d6: {  	v52 =	vld [tilespmem:$0x1FC50];
	v17 =	vmul.f32 v35, v12;
	v0 =	vadd.f32 v6, v0;
	v6 =	vmul.f32 v34, v21  }
0x3d7: {  	v55 =	vld [tilespmem:$0x1FC80];
	v15 =	vmul.f32 v30, v15;
	v3 =	vadd.f32 v4, v3;
	v4 =	vmul.f32 v36, v21  }
0x3d8: {  	v53 =	vld [tilespmem:$0x1FC60];
	v2 =	vadd.f32 v6, v2;
	v0 =	vadd.f32 v17, v0;
	v6 =	vmul.f32 v37, v16  }
0x3d9: {  	v54 =	vld [tilespmem:$0x1FC70];
	v1 =	vadd.f32 v15, v1;
	v3 =	vadd.f32 v4, v3;
	v4 =	vmul.f32 v38, v21  }
0x3da: {  	v57 =	vld [tilespmem:$0x1FCA0];
	v17 =	vmul.f32 v42, v9;
	v0 =	vadd.f32 v6, v0;
	v6 =	vmul.f32 v40, v12  }
0x3db: {  	v56 =	vld [tilespmem:$0x1FC90];
	v15 =	vmul.f32 v39, v12;
	v1 =	vadd.f32 v4, v1;
	v4 =	vmul.f32 v43, v12  }
0x3dc: {  	v58 =	vld [tilespmem:$0x1FCB0];
	v3 =	vadd.f32 v6, v3;
	v0 =	vadd.f32 v17, v0;
	v6 =	vmul.f32 v44, v19  }
0x3dd: {  	v61 =	vld [tilespmem:$0x1FCE0];
	v2 =	vadd.f32 v15, v2;
	v1 =	vadd.f32 v4, v1;
	v4 =	vmul.f32 v45, v16  }
0x3de: {  	v63 =	vld [tilespmem:$0x1FD00];
	v0 =	vadd.f32 v6, v0;
	v6 =	vmul.f32 v48, v10  }
0x3df: {  	v59 =	vld [tilespmem:$0x1FCC0];
	v12 =	vmul.f32 v46, v16;
	v2 =	vadd.f32 v4, v2  }
0x3e0: {  	v60 =	vld [tilespmem:$0x1FCD0];
	v4 =	vmul.f32 v49, v9;
	v0 =	vadd.f32 v6, v0;
	v6 =	vmul.f32 v50, v18  }
0x3e1: {  	v23 =	vld [tilespmem:$0x1FD90];
	v15 =	vmul.f32 v47, v16;
	v3 =	vadd.f32 v12, v3;
	v12 =	vmul.f32 v54, v11  }
0x3e2: {  	v62 =	vld [tilespmem:$0x1FCF0];
	v2 =	vadd.f32 v4, v2;
	v0 =	vadd.f32 v6, v0;
	v6 =	vmul.f32 v53, v19  }
0x3e3: {  	v22 =	vld [tilespmem:$0x1FD80];
	v1 =	vadd.f32 v15, v1;
	v4 =	vmul.f32 v51, v9  }
0x3e4: {  	v25 =	vld [tilespmem:$0x1FDA0];
	v2 =	vadd.f32 v6, v2;
	v0 =	vadd.f32 v12, v0;
	v6 =	vmul.f32 v56, v24  }
0x3e5: {  	v35 =	vld [tilespmem:$0x1FDF0];
	v9 =	vmul.f32 v52, v9;
	v3 =	vadd.f32 v4, v3;
	v4 =	vmul.f32 v55, v19  }
0x3e6: {  	v16 =	vld [tilespmem:$0x1FD30];
	v12 =	vmul.f32 v60, v41;
	v0 =	vadd.f32 v6, v0  }
0x3e7: {  	v15 =	vld [tilespmem:$0x1FD20];
	v1 =	vadd.f32 v9, v1;
	v3 =	vadd.f32 v4, v3  }
0x3e8: {  	v4 =	vmul.f32 v57, v19;
	v6 =	vmul.f32 v59, v10;
	v0 =	vadd.f32 v12, v0;
	v12 =	vld [tilespmem:$0x1FD10]  }
0x3e9: {  	v9 =	vmul.f32 v58, v10;
	v19 =	vld [tilespmem:$0x1FD50]  }
0x3ea: {  	v17 =	vld [tilespmem:$0x1FD40];
	v1 =	vadd.f32 v4, v1;
	v3 =	vadd.f32 v6, v3;
	v6 =	vmul.f32 v62, v31  }
0x3eb: {  	v20 =	vld [tilespmem:$0x1FD60];
	v2 =	vadd.f32 v9, v2;
	v4 =	vmul.f32 v61, v18;
	v9 =	vmul.f32 v63, v10  }
0x3ec: {  	v21 =	vld [tilespmem:$0x1FD70];
	v10 =	vmul.f32 v16, v27;
	v0 =	vadd.f32 v6, v0;
	v6 =	vmul.f32 v15, v18  }
0x3ed: {  	v26 =	vld [tilespmem:$0x1FDB0];
	v2 =	vadd.f32 v4, v2;
	v4 =	vmul.f32 v12, v11  }
0x3ee: {  	v28 =	vld [tilespmem:$0x1FDC0];
	v3 =	vadd.f32 v6, v3;
	v0 =	vadd.f32 v10, v0;
	v6 =	vmul.f32 v19, v29  }
0x3ef: {  	v34 =	vld [tilespmem:$0x1FDE0];
	v2 =	vadd.f32 v4, v2;
	v4 =	vmul.f32 v17, v24  }
0x3f0: {  	v30 =	vld [tilespmem:$0x1FDD0];
	v10 =	vmul.f32 v23, v13;
	v0 =	vadd.f32 v6, v0;
	v6 =	vmul.f32 v22, v11  }
0x3f1: {  	v36 =	vld [tilespmem:$0x1FE00];
	v1 =	vadd.f32 v9, v1;
	v2 =	vadd.f32 v4, v2;
	v4 =	vmul.f32 v21, v41  }
0x3f2: {  	v37 =	vld [tilespmem:$0x1FE10];
	v3 =	vadd.f32 v6, v3;
	v0 =	vadd.f32 v10, v0;
	v6 =	vmul.f32 v26, v14  }
0x3f3: {  	v39 =	vld [tilespmem:$0x1FE30];
	v9 =	vmul.f32 v20, v18;
	v2 =	vadd.f32 v4, v2;
	v4 =	vmul.f32 v25, v31  }
0x3f4: {  	v42 =	vld [tilespmem:$0x1FE50];
	v10 =	vmul.f32 v35, v33;
	v0 =	vadd.f32 v6, v0;
	v6 =	vmul.f32 v34, v24  }
0x3f5: {  	v46 =	vld [tilespmem:$0x1FE80];
	v1 =	vadd.f32 v9, v1;
	v2 =	vadd.f32 v4, v2;
	v4 =	vmul.f32 v30, v27  }
0x3f6: {  	v45 =	vld [tilespmem:$0x1FE70];
	v9 =	vmul.f32 v28, v11;
	v3 =	vadd.f32 v6, v3;
	v0 =	vadd.f32 v10, v0  }
0x3f7: {  	v6 =	vmul.f32 v37, v7;
	v2 =	vadd.f32 v4, v2;
	v4 =	vmul.f32 v36, v29  }
0x3f8: {  	v49 =	vld [tilespmem:$0x1FEA0];
	v1 =	vadd.f32 v9, v1;
	v9 =	vmul.f32 v39, v13  }
0x3f9: {  	v44 =	vld [tilespmem:$0x11940];
	v0 =	vadd.f32 v6, v0;
	v6 =	vmul.f32 v42, v8;
	v2 =	vadd.f32 v4, v2  }
0x3fa: {  	v51 =	vld [tilespmem:$0x1FEC0];
	v11 =	vmul.f32 v46, v5  }
0x3fb: {  	v0 =	vadd.f32 v6, v0;
	v6 =	vmul.f32 v45, v14;
	v2 =	vadd.f32 v9, v2  }
0x3fc: {  	v48 =	vor.u32 $0x4, v32  }
0x3fd: {  	v0 =	vadd.f32 v11, v0;
	v2 =	vadd.f32 v6, v2;
	v6 =	vmul.f32 v49, v33  }
0x3fe: {  	v38 =	vld [tilespmem:$0x1FE20]  }
0x3ff: {  	v0 =	vadd.f32 v44, v0;
	v2 =	vadd.f32 v6, v2;
	v6 =	vmul.f32 v51, v7  }
0x400: {  	v43 =	vld [tilespmem:$0x1FE60]  }
0x401: {  	[tilespmem:v48+s16+$0x0] =	vst.idx.msk $0xffff, v0;
	v0 =	vadd.f32 v6, v2;
	v2 =	vld [tilespmem:$0x1FEF0]  }
0x402: {  	v47 =	vld [tilespmem:$0x1FE90]  }
0x403: {  	v4 =	vmul.f32 v38, v41  }
0x404: {  	v50 =	vld [tilespmem:$0x1FEB0]  }
0x405: {  	v3 =	vadd.f32 v4, v3;
	v4 =	vmul.f32 v43, v31  }
0x406: {  	v53 =	vld [tilespmem:$0x1FEE0];
	v2 =	vmul.f32 v2, v8  }
0x407: {  	v3 =	vadd.f32 v4, v3;
	v4 =	vmul.f32 v47, v27  }
0x408: {  	v0 =	vadd.f32 v2, v0;
	v2 =	vld [tilespmem:$0x1FF10]  }
0x409: {  	v3 =	vadd.f32 v4, v3;
	v4 =	vmul.f32 v50, v29;
	_ =	sdelay $0x1  }
0x40a: {  	v3 =	vadd.f32 v4, v3;
	v4 =	vmul.f32 v53, v13;
	_ =	sdelay $0x1  }
0x40b: {  	v3 =	vadd.f32 v4, v3;
	v2 =	vmul.f32 v2, v14;
	_ =	sdelay $0x1  }
0x40c: {  	v2 =	vadd.f32 v2, v3;
	v3 =	vld [tilespmem:$0x1FF40];
	_ =	sdelay $0x4  }
0x40d: {  	v3 =	vmul.f32 v3, v33;
	_ =	sdelay $0x1  }
0x40e: {  	v2 =	vadd.f32 v3, v2;
	v3 =	vld [tilespmem:$0x1FF60]  }
0x40f: {  	v40 =	vld [tilespmem:$0x1FE40];
	_ =	sdelay $0x1  }
0x410: {  	v52 =	vld [tilespmem:$0x1FED0]  }
0x411: {  	v54 =	vld [tilespmem:$0x1FF00]  }
0x412: {  	v56 =	vld [tilespmem:$0x1FF20];
	v3 =	vmul.f32 v3, v7  }
0x413: {  	v57 =	vld [tilespmem:$0x1FF30];
	v10 =	vmul.f32 v40, v24  }
0x414: {  	v2 =	vadd.f32 v3, v2;
	v3 =	vld [tilespmem:$0x1FF80]  }
0x415: {  	v1 =	vadd.f32 v10, v1;
	v9 =	vmul.f32 v52, v41  }
0x416: {  	v59 =	vld [tilespmem:$0x1FF50]  }
0x417: {  	v1 =	vadd.f32 v9, v1;
	v55 =	vld [tilespmem:$0x11950];
	v6 =	vmul.f32 v54, v31  }
0x418: {  	v58 =	vor.u32 $0x5, v32;
	v60 =	vld [tilespmem:$0x1FF70];
	v9 =	vmul.f32 v56, v5  }
0x419: {  	v1 =	vadd.f32 v6, v1;
	v6 =	vmul.f32 v57, v27;
	v3 =	vmul.f32 v3, v8  }
0x41a: {  	v0 =	vadd.f32 v9, v0  }
0x41b: {  	v1 =	vadd.f32 v6, v1;
	v6 =	vmul.f32 v59, v29;
	v2 =	vadd.f32 v3, v2;
	v3 =	vld [tilespmem:$0x1FFA0]  }
0x41c: {  	v0 =	vadd.f32 v55, v0  }
0x41d: {  	v4 =	vmul.f32 v60, v13;
	v1 =	vadd.f32 v6, v1  }
0x41e: {  	v61 =	vld [tilespmem:$0x1FF90];
	[tilespmem:v58+s16+$0x0] =	vst.idx.msk $0xffff, v0  }
0x41f: {  	v0 =	vadd.f32 v4, v1;
	v1 =	vld [tilespmem:$0x11960]  }
0x420: {  	v63 =	vld [tilespmem:$0x1FFB0];
	v3 =	vmul.f32 v3, v5;
	_ =	sdelay $0x1  }
0x421: {  	v2 =	vadd.f32 v3, v2;
	v3 =	vld [tilespmem:$0x1FFC0]  }
0x422: {  	v4 =	vmul.f32 v61, v14  }
0x423: {  	v1 =	vadd.f32 v1, v2;
	v2 =	vld [tilespmem:$0x1FFD0]  }
0x424: {  	v0 =	vadd.f32 v4, v0;
	v4 =	vmul.f32 v63, v33;
	_ =	sdelay $0x1  }
0x425: {  	v0 =	vadd.f32 v4, v0;
	v3 =	vmul.f32 v3, v7;
	_ =	sdelay $0x1  }
0x426: {  	v62 =	vor.u32 $0x6, v32;
	v0 =	vadd.f32 v3, v0;
	v2 =	vmul.f32 v2, v8;
	_ =	sdelay $0x1  }
0x427: {  	v0 =	vadd.f32 v2, v0;
	v2 =	vld [tilespmem:$0x1FFE0];
	_ =	sdelay $0x2  }
0x428: {  	[tilespmem:v62+s16+$0x0] =	vst.idx.msk $0xffff, v1  }
0x429: {  	v1 =	vld [tilespmem:$0x11970]  }
0x42a: {  	v2 =	vmul.f32 v2, v5  }
0x42b: {  	p0 =	sne.s32 s20, $0x1F0;
	v3 =	vor.u32 $0x7, v32  }
.Ltmp0:
0x42c: {  	v0 =	vadd.f32 v2, v0;
	(pc) =	sbr.rel @p0 .LBB2_2-.Ltmp0, $3  }
0x42d: {  	_ = 	snop  }
0x42e: {  	v0 =	vadd.f32 v1, v0;
	_ =	sdelay $0x1  }
0x42f: {  	s18 =	sadd.s32 $0x10, s18;
	s19 =	sadd.s32 $0x10, s19;
	s20 =	sadd.s32 $0x10, s20;
	v2 =	vlaneseq.u32;
	[tilespmem:v3+s16+$0x0] =	vst.idx.msk $0xffff, v0  }
0x430: {  	s18 =	rddreg [dreg:$0x15]  }
0x431: {  	[hbm4b:s18+s1] =	stream.linear.scatter [tilespmem:s14], [sflag:$0x2], $0x200, $0x38;
	[tilespmem:$0x12D80] =	vst v63  }
0x432: {  	_ =	swait.ge [sflag:s25], $0x200  }
0x433: {  	[sflag:s25] =	ssyncset.done $0x0  }
0x434: {  	s20 =	rddreg [dreg:$0x16];
	[sflag:s25] =	ssyncadd.s32 $0xFFFFFE00  }
0x435: {  	[hbm4b:s20+s1] =	stream.linear.scatter [tilespmem:s15], [sflag:$0x2], $0x200, $0x38;
	[tilespmem:$0x12D80] =	vst v63  }
0x436: {  	s17 =	sadd.s32 $0x1, s17;
	_ =	swait.ge [sflag:s25], $0x200  }
0x437: {  	p0 =	sne.s32 s17, s24;
	[sflag:s25] =	ssyncset.done $0x0  }
.Ltmp1:
0x438: {  	[sflag:s25] =	ssyncadd.s32 $0xFFFFFE00;
	(pc) =	sbr.rel @p0 .LBB2_1-.Ltmp1, $4  }
0x439: {  	[hbm4b:s23+s1] =	stream.linear.scatter [tilespmem:s16], [sflag:$0x2], $0x1000, $0x38;
	[tilespmem:$0x12D80] =	vst v63  }
0x43a: {  	_ =	swait.ge [sflag:s25], $0x1000  }
0x43b: {  	[sflag:s25] =	ssyncset.done $0x0  }
0x43c: {  	[sflag:s25] =	ssyncadd.s32 $0xFFFFF000  }
0x43d: {  	_ =	sfence.sel $0x180000  }
0x43e: {  	[bflag:$0x0] =	sbarrier.arrive $0xFFFF  }
0x43f: {  	_ =	strace $0x90000047  }
0x440: {  	s0 =	stileid.u32;
	[bflag:$0x2] =	sbarrier.arrive $0xFFFF  }
0x441: {  	p0 =	sne.s32 s0, $0x0;
	s0 =	rddreg [dreg:$0x8]  }
0x442: {  	s0 =	sadd.s32 @!p0 $0x100000, s0  }
0x443: {  	[sflag:s0] =	ssyncadd.tile.s32 @!p0 $0x1;
	_ =	shalt  }
.Lfunc_end2:
_tile_overlayer_lowered:
.L_overlay_start_2:
0x444: {  	(tag) =	ssettag $0x2  }
0x445: {  	s0 =	rddreg [dreg:$0x0];
	s2 =	stileid.u32  }
0x446: {  	s1 =	rddreg [dreg:$0x1];
	p0 =	sne.s32 s2, $0x0  }
0x447: {  	s3 =	rddreg [dreg:$0x2];
	[bflag:$0x3] =	sbarrier.arrive $0xFFFF;
	s2 =	simm.s32 @!p0 $0x1C02  }
0x448: {  	[timem:s3], [sflag:s2] =	dma.local @!p0 [hbm:s0], s1  }
0x449: {  	s0 =	simm.s32 @!p0 $0x2  }
0x44a: {  	_ =	swait.ge @!p0 [sflag:s0], s1  }
0x44b: {  	s1 =	ssub.s32 @!p0 $0x0, s1;
	[sflag:s0] =	ssyncset.done @!p0 $0x0  }
0x44c: {  	[sflag:s0] =	ssyncadd.s32 @!p0 s1  }
0x44d: {  	[bflag:$0x3] =	sbarrier.arrive $0xFFFF  }
0x44e: {  	_ =	shalt  }

</sc_bundles>
